<compile_context>
chip_gen: v7x
topology: tpu7x:2x2x1
jax: 0.10.2.dev20260603
libtpu: 0.0.44.dev20260713+nightly
codegen_flags: <defaults>
</compile_context>

<pallas_src>
import functools

import jax
import jax.numpy as jnp
from jax import lax
from jax.experimental import pallas as pl
from jax.experimental.pallas import tpu as pltpu
from jax.experimental.pallas import tpu_sc as plsc

_NC = 2
_NS = 16
_NW = _NC * _NS


def _zero_vmem_rows(ref, nrows, ncols):
  zv = jnp.zeros((16,), jnp.float32)

  def row(i, c):
    for j in range(ncols // 16):
      ref[i, pl.ds(j * 16, 16)] = zv
    return c

  lax.fori_loop(0, nrows, row, 0)


def _fill_vmem_rows(ref, nrows, ncols, val):
  vv = jnp.full((16,), val, jnp.float32)

  def row(i, c):
    for j in range(ncols // 16):
      ref[i, pl.ds(j * 16, 16)] = vv
    return c

  lax.fori_loop(0, nrows, row, 0)


def _copy_rows_chunked(stage, src_sh, dst_hbm, r0, nrows, chunk):
  done = 0
  while done < nrows:
    sz = min(chunk, nrows - done)
    pltpu.sync_copy(src_sh.at[pl.ds(r0 + done, sz)], stage.at[pl.ds(0, sz)])
    pltpu.sync_copy(stage.at[pl.ds(0, sz)], dst_hbm.at[pl.ds(r0 + done, sz)])
    done += sz


def _make_sc_agg(n, e, d, with_deg):
  ch = 128
  assert e % ch == 0
  nch = e // ch
  cpw = nch // _NW
  xtra = nch - cpw * _NW
  rpt = (n // _NS) & ~7
  rem_rows = n - _NS * rpt

  mesh = plsc.VectorSubcoreMesh(core_axis_name="c", subcore_axis_name="s")

  out_type = [jax.ShapeDtypeStruct((_NC, n, d), jnp.float32)]
  scratch = [
      pltpu.VMEM((2, ch), jnp.int32),
      pltpu.VMEM((2, ch), jnp.int32),
      pltpu.VMEM((ch, d), jnp.float32),
      pltpu.VMEM((ch, d), jnp.float32),
      pltpu.VMEM_SHARED((n, d), jnp.float32),
      pltpu.SemaphoreType.DMA,
      pltpu.SemaphoreType.DMA,
  ]
  if with_deg:
    out_type.append(jax.ShapeDtypeStruct((_NC * n,), jnp.float32))
    scratch.append(pltpu.VMEM((rpt,), jnp.float32))

  def zero_acc(rows, acc_sh, sid, r0):
    done = 0
    while done < rpt:
      sz = min(ch, rpt - done)
      pltpu.sync_copy(rows.at[pl.ds(0, sz)], acc_sh.at[pl.ds(r0 + done, sz)])
      done += sz
    if rem_rows:
      @pl.when(sid == 0)
      def _():
        pltpu.sync_copy(rows.at[pl.ds(0, rem_rows)],
                        acc_sh.at[pl.ds(_NS * rpt, rem_rows)])

  def body(*refs):
    if with_deg:
      (adj_h, x_h, acc_o, deg_o, idx_a, idx_b, rows_a, rows_b, acc_sh,
       sem_a, sem_b, outst) = refs
    else:
      (adj_h, x_h, acc_o, idx_a, idx_b, rows_a, rows_b, acc_sh,
       sem_a, sem_b) = refs

    cid = lax.axis_index("c")
    sid = lax.axis_index("s")
    wid = sid * _NC + cid
    r0 = pl.multiple_of(sid * rpt, 8)
    c0 = wid * cpw

    def load_idx(buf, c):
      pltpu.sync_copy(adj_h.at[:, pl.ds(pl.multiple_of(c * ch, ch), ch)], buf)

    def start_gather(buf, rows, sem):
      return pltpu.async_copy(x_h.at[buf.at[0]], rows, sem)

    def scatter(rows, buf):
      pltpu.sync_copy(rows, acc_sh.at[buf.at[1]], add=True)

    _zero_vmem_rows(rows_a, ch, d)
    zero_acc(rows_a, acc_sh, sid, r0)
    plsc.subcore_barrier()

    load_idx(idx_a, c0)
    start_gather(idx_a, rows_a, sem_a)

    def chunk_pair(k, c):
      i = c0 + 2 * k
      load_idx(idx_b, i + 1)
      start_gather(idx_b, rows_b, sem_b)
      pltpu.make_async_copy(x_h.at[idx_a.at[0]], rows_a, sem_a).wait()
      scatter(rows_a, idx_a)
      load_idx(idx_a, i + 2)
      start_gather(idx_a, rows_a, sem_a)
      pltpu.make_async_copy(x_h.at[idx_b.at[0]], rows_b, sem_b).wait()
      scatter(rows_b, idx_b)
      return c

    K = (cpw - 2) // 2
    lax.fori_loop(0, K, chunk_pair, 0)
    done = 2 * K
    cur_a = True
    for i in range(done, cpw):
      buf, rows, sem = (idx_a, rows_a, sem_a) if cur_a else (idx_b, rows_b, sem_b)
      obuf, orows, osem = (idx_b, rows_b, sem_b) if cur_a else (idx_a, rows_a, sem_a)
      if i + 1 < cpw:
        load_idx(obuf, c0 + i + 1)
        start_gather(obuf, orows, osem)
      pltpu.make_async_copy(x_h.at[buf.at[0]], rows, sem).wait()
      scatter(rows, buf)
      cur_a = not cur_a
    if xtra:
      @pl.when(wid < xtra)
      def _():
        cx = _NW * cpw + wid
        load_idx(idx_a, cx)
        start_gather(idx_a, rows_a, sem_a).wait()
        scatter(rows_a, idx_a)

    plsc.subcore_barrier()

    _copy_rows_chunked(rows_a, acc_sh, acc_o.at[cid], r0, rpt, ch)
    if rem_rows:
      @pl.when(sid == 0)
      def _():
        _copy_rows_chunked(rows_a, acc_sh, acc_o.at[cid], _NS * rpt,
                           rem_rows, ch)

    if not with_deg:
      return

    plsc.subcore_barrier()
    _zero_vmem_rows(rows_a, ch, d)
    zero_acc(rows_a, acc_sh, sid, r0)
    _fill_vmem_rows(rows_a, ch, d, 1.0)
    plsc.subcore_barrier()

    def deg_pair(k, c):
      i = c0 + 2 * k
      load_idx(idx_a, i)
      da = pltpu.async_copy(rows_a, acc_sh.at[idx_a.at[1]], sem_a, add=True)
      load_idx(idx_b, i + 1)
      db = pltpu.async_copy(rows_a, acc_sh.at[idx_b.at[1]], sem_b, add=True)
      da.wait()
      db.wait()
      return c

    lax.fori_loop(0, cpw // 2, deg_pair, 0)
    for i in range(cpw - cpw % 2, cpw):
      load_idx(idx_a, c0 + i)
      pltpu.async_copy(rows_a, acc_sh.at[idx_a.at[1]], sem_a, add=True).wait()
    if xtra:
      @pl.when(wid < xtra)
      def _():
        load_idx(idx_a, _NW * cpw + wid)
        pltpu.async_copy(rows_a, acc_sh.at[idx_a.at[1]], sem_a,
                         add=True).wait()
    plsc.subcore_barrier()

    lane = lax.iota(jnp.int32, 16)
    done_r = 0
    while done_r < rpt:
      sz = min(ch, rpt - done_r)
      pltpu.sync_copy(acc_sh.at[pl.ds(r0 + done_r, sz)],
                      rows_a.at[pl.ds(0, sz)])
      dbase = done_r

      def ext(k, c):
        acc = jnp.zeros((16,), jnp.float32)
        for j in range(16):
          rv = rows_a[k * 16 + j, pl.ds(0, 16)]
          acc = jnp.where(lane == j, rv, acc)
        outst[pl.ds(dbase + k * 16, 16)] = acc
        return c

      lax.fori_loop(0, sz // 16, ext, 0)
      done_r += sz
    pltpu.sync_copy(outst,
                    deg_o.at[pl.ds(pl.multiple_of(cid * n + r0, 8), rpt)])
    if rem_rows:
      @pl.when(sid == 0)
      def _():
        pltpu.sync_copy(acc_sh.at[pl.ds(_NS * rpt, rem_rows)],
                        rows_a.at[pl.ds(0, rem_rows)])
        acc2 = jnp.zeros((16,), jnp.float32)
        for j in range(16):
          rv2 = rows_a[j, pl.ds(0, 16)]
          acc2 = jnp.where(lane == j, rv2, acc2)
        outst[pl.ds(0, 16)] = acc2
        pltpu.sync_copy(
            outst.at[pl.ds(0, rem_rows)],
            deg_o.at[pl.ds(pl.multiple_of(cid * n + _NS * rpt, 8),
                           rem_rows)])

  return pl.kernel(body, out_type=out_type, mesh=mesh, scratch_types=scratch)


def _c1(a, b):
  return lax.dot_general(a, b, (((1,), (1,)), ((), ())),
                         preferred_element_type=jnp.float32)


def _c0(a, b):
  return lax.dot_general(a, b, (((0,), (0,)), ((), ())),
                         preferred_element_type=jnp.float32)


def _tc_layer1(acc0, acc1, dg0, dg1, x, p2, wl, bl2, wr, n, d, bn):
  nblk = n // bn

  def body(a0, a1, g0, g1, xr, pr, wlr, blr, wrr, o):
    deg = jnp.maximum(g0[...] + g1[...], 1.0)
    agg = (a0[...] + a1[...]) / deg
    h = _c1(agg, wlr[...]) + blr[...] + _c1(xr[...], wrr[...])
    o[...] = jnp.maximum(h, 0.0) * pr[...]

  row = pl.BlockSpec((bn, d), lambda i: (i, 0))
  col1 = pl.BlockSpec((bn, 1), lambda i: (i, 0))
  wspec = pl.BlockSpec((d, d), lambda i: (0, 0))
  bspec = pl.BlockSpec((1, d), lambda i: (0, 0))
  return pl.pallas_call(
      body,
      grid=(nblk,),
      in_specs=[row, row, col1, col1, row, col1, wspec, bspec, wspec],
      out_specs=row,
      out_shape=jax.ShapeDtypeStruct((n, d), jnp.float32),
  )(acc0, acc1, dg0, dg1, x, p2, wl, bl2, wr)


def _tc_final(acc0, acc1, dg0, dg1, xs, p2, bat2, root2, wl, bl2, wr,
              wa, wb, blin2, n, d, g, bn):
  nblk = n // bn

  def body(a0, a1, g0, g1, xr, pr, br, rr, wlr, blr, wrr, war, wbr, bor,
           o, pool, hroot, cnt):
    i = pl.program_id(0)

    @pl.when(i == 0)
    def _():
      pool[...] = jnp.zeros_like(pool)
      hroot[...] = jnp.zeros_like(hroot)
      cnt[...] = jnp.zeros_like(cnt)

    deg = jnp.maximum(g0[...] + g1[...], 1.0)
    agg = (a0[...] + a1[...]) / deg
    h2 = jnp.maximum(_c1(agg, wlr[...]) + blr[...] + _c1(xr[...], wrr[...]),
                     0.0)
    hp = h2 * pr[...]

    gid_row = lax.broadcasted_iota(jnp.int32, (1, g), 1)
    st = (br[...] == gid_row).astype(jnp.float32)
    pool[...] += _c0(st, hp)
    cnt[...] += _c0(st, jnp.ones((bn, 1), jnp.float32))

    pos = i * bn + lax.broadcasted_iota(jnp.int32, (bn, 1), 0)
    rt = (pos == rr[...]).astype(jnp.float32)
    hroot[...] += _c0(rt, h2)

    @pl.when(i == nblk - 1)
    def _():
      pooled = pool[...] / jnp.maximum(cnt[...], 1.0)
      o[...] = _c1(hroot[...], war[...]) + _c1(pooled, wbr[...]) + bor[...]

  row = pl.BlockSpec((bn, d), lambda i: (i, 0))
  col1 = pl.BlockSpec((bn, 1), lambda i: (i, 0))
  wspec = pl.BlockSpec((d, d), lambda i: (0, 0))
  bspec = pl.BlockSpec((1, d), lambda i: (0, 0))
  gspec = pl.BlockSpec((1, g), lambda i: (0, 0))
  ospec = pl.BlockSpec((g, d), lambda i: (0, 0))
  return pl.pallas_call(
      body,
      grid=(nblk,),
      in_specs=[row, row, col1, col1, row, col1, col1, gspec,
                wspec, bspec, wspec, wspec, wspec, bspec],
      out_specs=ospec,
      out_shape=jax.ShapeDtypeStruct((g, d), jnp.float32),
      scratch_shapes=[
          pltpu.VMEM((g, d), jnp.float32),
          pltpu.VMEM((g, d), jnp.float32),
          pltpu.VMEM((g, 1), jnp.float32),
      ],
  )(acc0, acc1, dg0, dg1, xs, p2, bat2, root2, wl, bl2, wr, wa, wb, blin2)


def kernel(x, adj_t, root_ptr, p, batch, group_ptr,
           Wl1, bl1, Wr1, Wl2, bl2, Wr2, Wlin, blin):
  del group_ptr
  n, d = x.shape
  e = adj_t.shape[1]
  g = root_ptr.shape[0]
  bn = 1000

  adj = adj_t.astype(jnp.int32)
  p2 = p.reshape(n, 1)
  bat2 = batch.astype(jnp.int32).reshape(n, 1)
  root2 = root_ptr.astype(jnp.int32).reshape(1, g)
  bl1_2 = bl1.reshape(1, d)
  bl2_2 = bl2.reshape(1, d)
  blin2 = blin.reshape(1, d)
  wa = Wlin[:, :d]
  wb = Wlin[:, d:]

  sc_agg_deg = _make_sc_agg(n, e, d, with_deg=True)
  sc_agg = _make_sc_agg(n, e, d, with_deg=False)

  acc1, degf = sc_agg_deg(adj, x)
  dg0 = degf[:n].reshape(n, 1)
  dg1 = degf[n:].reshape(n, 1)
  xs = _tc_layer1(acc1[0], acc1[1], dg0, dg1, x, p2,
                  Wl1, bl1_2, Wr1, n, d, bn)
  acc2 = sc_agg(adj, xs)
  if isinstance(acc2, (list, tuple)):
    acc2 = acc2[0]
  return _tc_final(acc2[0], acc2[1], dg0, dg1, xs, p2, bat2, root2,
                   Wl2, bl2_2, Wr2, wa, wb, blin2, n, d, g, bn)

# --- scband reference (transcript-rebuilt; emitter-appended) ---
"""Pipeline reference for scband-gnn-24807731101722 (READ-ONLY COPY).

The authoritative reference and input builder live on the scoring server;
editing this copy changes nothing except your own understanding.
"""

import jax, jax.numpy as jnp
import numpy as np

N = 10000
E = 320000
D = 128
H = 128
O = 128
G = 256


def setup_inputs(seed: int = 0) -> dict:
    key = jax.random.key(seed)
    ks = jax.random.split(key, 14)
    x = jax.random.normal(ks[0], (N, D), dtype=jnp.float32)
    adj_t = jax.random.randint(ks[1], (2, E), 0, N)
    root_ptr = jax.random.randint(ks[2], (G,), 0, N)
    batch = jnp.sort(jax.random.randint(ks[3], (N,), 0, G))
    p = jax.random.uniform(ks[4], (N,), dtype=jnp.float32)
    group_ptr = jnp.sort(jax.random.randint(ks[5], (N,), 0, N))
    # SAGEConv 1 params (lin_l has bias, lin_r has no bias)
    Wl1 = jax.random.normal(ks[6], (H, D), dtype=jnp.float32) * 0.05
    bl1 = jnp.zeros((H,), dtype=jnp.float32)
    Wr1 = jax.random.normal(ks[7], (H, D), dtype=jnp.float32) * 0.05
    # SAGEConv 2 params
    Wl2 = jax.random.normal(ks[8], (H, H), dtype=jnp.float32) * 0.05
    bl2 = jnp.zeros((H,), dtype=jnp.float32)
    Wr2 = jax.random.normal(ks[9], (H, H), dtype=jnp.float32) * 0.05
    # final linear: in = 2 * node_groups * hidden = 256, out = 128
    Wlin = jax.random.normal(ks[10], (O, 2 * H), dtype=jnp.float32) * 0.05
    blin = jnp.zeros((O,), dtype=jnp.float32)
    return {
        "x": x, "adj_t": adj_t, "root_ptr": root_ptr, "p": p,
        "batch": batch, "group_ptr": group_ptr,
        "Wl1": Wl1, "bl1": bl1, "Wr1": Wr1,
        "Wl2": Wl2, "bl2": bl2, "Wr2": Wr2,
        "Wlin": Wlin, "blin": blin,
    }


def _sage(x, src, dst, Wl, bl, Wr, num_nodes):
    # SAGEConv with mean aggregation: lin_l(mean_{j->i} x_j) + lin_r(x_i)
    msg = x[src]
    agg = jax.ops.segment_sum(msg, dst, num_segments=num_nodes)
    deg = jax.ops.segment_sum(jnp.ones((src.shape[0],), x.dtype), dst, num_segments=num_nodes)
    agg = agg / jnp.clip(deg, 1.0)[:, None]
    return agg @ Wl.T + bl + x @ Wr.T


def reference(x, adj_t, root_ptr, p, batch, group_ptr,
              Wl1, bl1, Wr1, Wl2, bl2, Wr2, Wlin, blin):
    src = adj_t[0]
    dst = adj_t[1]
    n = x.shape[0]
    # conv 1: num_groups == 1, p is None on first layer
    h = jax.nn.relu(_sage(x, src, dst, Wl1, bl1, Wr1, n))
    # dropout is identity in eval mode
    # conv 2: x scaled by p before SAGE
    h = jax.nn.relu(_sage(h * p[:, None], src, dst, Wl2, bl2, Wr2, n))
    # global mean pool of h * p over graphs
    pooled_sum = jax.ops.segment_sum(h * p[:, None], batch, num_segments=G)
    counts = jax.ops.segment_sum(jnp.ones((n,), h.dtype), batch, num_segments=G)
    pooled = pooled_sum / jnp.clip(counts, 1.0)[:, None]
    feat = jnp.concatenate([h[root_ptr], pooled], axis=-1)
    return feat @ Wlin.T + blin

if __name__ == "__main__":
    import jax
    _d = setup_inputs()
    print(jax.jit(kernel)(*tuple(_d.values())))

</pallas_src>

<mosaic_0001>
#map = affine_map<(d0, d1) -> (0, 0)>
#map1 = affine_map<(d0, d1) -> (0, 0, 0)>
#map2 = affine_map<(d0, d1) -> (0)>
module attributes {stable_mosaic.version = 14 : i64} {
  func.func @body(%arg0: i32, %arg1: i32, %arg2: memref<2x320000xi32, #tpu.memory_space<hbm>>, %arg3: memref<10000x128xf32, #tpu.memory_space<hbm>>, %arg4: memref<2x10000x128xf32, #tpu.memory_space<hbm>>, %arg5: memref<20000xf32, #tpu.memory_space<hbm>>, %arg6: memref<2x128xi32, #tpu.memory_space<vmem>>, %arg7: memref<2x128xi32, #tpu.memory_space<vmem>>, %arg8: memref<128x128xf32, #tpu.memory_space<vmem>>, %arg9: memref<128x128xf32, #tpu.memory_space<vmem>>, %arg10: memref<10000x128xf32, #tpu.memory_space<vmem_shared>>, %arg11: memref<!tpu.dma_semaphore, #tpu.memory_space<semaphore_mem>>, %arg12: memref<!tpu.dma_semaphore, #tpu.memory_space<semaphore_mem>>, %arg13: memref<624xf32, #tpu.memory_space<vmem>>) attributes {dimension_semantics = [#tpu.dimension_semantics<core_parallel>, #tpu.dimension_semantics<subcore_parallel>], iteration_bounds = array<i64: 2, 16>, scalar_prefetch = 0 : i64, scratch_operands = 8 : i64, tpu.core_type = #tpu.core_type<sc_vector_subcore>, window_params = [{transform_indices = #map}, {transform_indices = #map}, {transform_indices = #map1}, {transform_indices = #map2}]} {
    %mul3A = arith.constant 2 : i32
    %mul3A_0 = arith.muli %arg1, %mul3A : i32
    %add3A = arith.addi %mul3A_0, %arg0 : i32
    %mul3A_1 = arith.constant 624 : i32
    %mul3A_2 = arith.muli %arg1, %mul3A_1 : i32
    %multiple_of3A = tpu.assume_multiple %mul3A_2, 8 : i32
    %mul3A_3 = arith.constant 78 : i32
    %mul3A_4 = arith.muli %add3A, %mul3A_3 : i32
    %broadcast_in_dim3A = arith.constant 0.000000e+00 : f32
    %broadcast_in_dim3A_5 = vector.broadcast %broadcast_in_dim3A : f32 to vector<16xf32>
    %scan3A = arith.constant 0 : i32
    %scan3A_6 = arith.constant 0 : i32
    %scan3A_7 = arith.constant 128 : i32
    %scan3A_8 = arith.addi %scan3A_6, %scan3A_7 : i32
    %scan3A_9 = arith.constant 1 : i32
    scf.for %scan3A_190 = %scan3A_6 to %scan3A_8 step %scan3A_9  : i32 {
      %swap3A = arith.index_cast %scan3A_190 : i32 to index
      %swap3A_191 = arith.constant 0 : index
      %swap3A_192 = tpu.vector_load %arg8[%swap3A, %swap3A_191] {strides = array<i32>} : memref<128x128xf32, #tpu.memory_space<vmem>>, vector<1x16xf32>,
      %swap3A_193 = vector.shape_cast %swap3A_192 : vector<1x16xf32> to vector<16xf32>
      %swap3A_194 = vector.shape_cast %broadcast_in_dim3A_5 : vector<16xf32> to vector<1x16xf32>
      tpu.vector_store %arg8[%swap3A, %swap3A_191], %swap3A_194 {strides = array<i32>} : memref<128x128xf32, #tpu.memory_space<vmem>>, vector<1x16xf32>,
      %swap3A_195 = arith.index_cast %scan3A_190 : i32 to index
      %swap3A_196 = arith.constant 16 : index
      %swap3A_197 = tpu.vector_load %arg8[%swap3A_195, %swap3A_196] {strides = array<i32>} : memref<128x128xf32, #tpu.memory_space<vmem>>, vector<1x16xf32>,
      %swap3A_198 = vector.shape_cast %swap3A_197 : vector<1x16xf32> to vector<16xf32>
      %swap3A_199 = vector.shape_cast %broadcast_in_dim3A_5 : vector<16xf32> to vector<1x16xf32>
      tpu.vector_store %arg8[%swap3A_195, %swap3A_196], %swap3A_199 {strides = array<i32>} : memref<128x128xf32, #tpu.memory_space<vmem>>, vector<1x16xf32>,
      %swap3A_200 = arith.index_cast %scan3A_190 : i32 to index
      %swap3A_201 = arith.constant 32 : index
      %swap3A_202 = tpu.vector_load %arg8[%swap3A_200, %swap3A_201] {strides = array<i32>} : memref<128x128xf32, #tpu.memory_space<vmem>>, vector<1x16xf32>,
      %swap3A_203 = vector.shape_cast %swap3A_202 : vector<1x16xf32> to vector<16xf32>
      %swap3A_204 = vector.shape_cast %broadcast_in_dim3A_5 : vector<16xf32> to vector<1x16xf32>
      tpu.vector_store %arg8[%swap3A_200, %swap3A_201], %swap3A_204 {strides = array<i32>} : memref<128x128xf32, #tpu.memory_space<vmem>>, vector<1x16xf32>,
      %swap3A_205 = arith.index_cast %scan3A_190 : i32 to index
      %swap3A_206 = arith.constant 48 : index
      %swap3A_207 = tpu.vector_load %arg8[%swap3A_205, %swap3A_206] {strides = array<i32>} : memref<128x128xf32, #tpu.memory_space<vmem>>, vector<1x16xf32>,
      %swap3A_208 = vector.shape_cast %swap3A_207 : vector<1x16xf32> to vector<16xf32>
      %swap3A_209 = vector.shape_cast %broadcast_in_dim3A_5 : vector<16xf32> to vector<1x16xf32>
      tpu.vector_store %arg8[%swap3A_205, %swap3A_206], %swap3A_209 {strides = array<i32>} : memref<128x128xf32, #tpu.memory_space<vmem>>, vector<1x16xf32>,
      %swap3A_210 = arith.index_cast %scan3A_190 : i32 to index
      %swap3A_211 = arith.constant 64 : index
      %swap3A_212 = tpu.vector_load %arg8[%swap3A_210, %swap3A_211] {strides = array<i32>} : memref<128x128xf32, #tpu.memory_space<vmem>>, vector<1x16xf32>,
      %swap3A_213 = vector.shape_cast %swap3A_212 : vector<1x16xf32> to vector<16xf32>
      %swap3A_214 = vector.shape_cast %broadcast_in_dim3A_5 : vector<16xf32> to vector<1x16xf32>
      tpu.vector_store %arg8[%swap3A_210, %swap3A_211], %swap3A_214 {strides = array<i32>} : memref<128x128xf32, #tpu.memory_space<vmem>>, vector<1x16xf32>,
      %swap3A_215 = arith.index_cast %scan3A_190 : i32 to index
      %swap3A_216 = arith.constant 80 : index
      %swap3A_217 = tpu.vector_load %arg8[%swap3A_215, %swap3A_216] {strides = array<i32>} : memref<128x128xf32, #tpu.memory_space<vmem>>, vector<1x16xf32>,
      %swap3A_218 = vector.shape_cast %swap3A_217 : vector<1x16xf32> to vector<16xf32>
      %swap3A_219 = vector.shape_cast %broadcast_in_dim3A_5 : vector<16xf32> to vector<1x16xf32>
      tpu.vector_store %arg8[%swap3A_215, %swap3A_216], %swap3A_219 {strides = array<i32>} : memref<128x128xf32, #tpu.memory_space<vmem>>, vector<1x16xf32>,
      %swap3A_220 = arith.index_cast %scan3A_190 : i32 to index
      %swap3A_221 = arith.constant 96 : index
      %swap3A_222 = tpu.vector_load %arg8[%swap3A_220, %swap3A_221] {strides = array<i32>} : memref<128x128xf32, #tpu.memory_space<vmem>>, vector<1x16xf32>,
      %swap3A_223 = vector.shape_cast %swap3A_222 : vector<1x16xf32> to vector<16xf32>
      %swap3A_224 = vector.shape_cast %broadcast_in_dim3A_5 : vector<16xf32> to vector<1x16xf32>
      tpu.vector_store %arg8[%swap3A_220, %swap3A_221], %swap3A_224 {strides = array<i32>} : memref<128x128xf32, #tpu.memory_space<vmem>>, vector<1x16xf32>,
      %swap3A_225 = arith.index_cast %scan3A_190 : i32 to index
      %swap3A_226 = arith.constant 112 : index
      %swap3A_227 = tpu.vector_load %arg8[%swap3A_225, %swap3A_226] {strides = array<i32>} : memref<128x128xf32, #tpu.memory_space<vmem>>, vector<1x16xf32>,
      %swap3A_228 = vector.shape_cast %swap3A_227 : vector<1x16xf32> to vector<16xf32>
      %swap3A_229 = vector.shape_cast %broadcast_in_dim3A_5 : vector<16xf32> to vector<1x16xf32>
      tpu.vector_store %arg8[%swap3A_225, %swap3A_226], %swap3A_229 {strides = array<i32>} : memref<128x128xf32, #tpu.memory_space<vmem>>, vector<1x16xf32>,
    }
    %scan3A_10 = arith.constant 128 : i32
    %add3A_11 = arith.constant 0 : i32
    %add3A_12 = arith.addi %multiple_of3A, %add3A_11 : i32
    "tpu.region"() ({
      %run_scoped3A_190 = tpu.sem_alloc : memref<!tpu.dma_semaphore, #tpu.memory_space<semaphore_mem>>
      %dma_start3A_191 = arith.constant 0 : i32
      %dma_start3A_192 = arith.constant 0 : i32
      %dma_start3A_193 = tpu.memref_slice %arg8[%dma_start3A_191, %dma_start3A_192] : memref<128x128xf32, #tpu.memory_space<vmem>> -> memref<128x128xf32, #tpu.memory_space<vmem>>
      %dma_start3A_194 = arith.constant 0 : i32
      %dma_start3A_195 = tpu.memref_slice %arg10[%add3A_12, %dma_start3A_194] : memref<10000x128xf32, #tpu.memory_space<vmem_shared>> -> memref<128x128xf32, #tpu.memory_space<vmem_shared>>
      %dma_start3A_196 = arith.constant 0 : i32
      %dma_start3A_197 = tpu.memref_slice %arg10[%add3A_12, %dma_start3A_196] : memref<10000x128xf32, #tpu.memory_space<vmem_shared>> -> memref<128x128xf32, #tpu.memory_space<vmem_shared>>
      %dma_start3A_198 = arith.constant 0 : i32
      %dma_start3A_199 = arith.constant 0 : i32
      %dma_start3A_200 = tpu.memref_slice %arg8[%dma_start3A_198, %dma_start3A_199] : memref<128x128xf32, #tpu.memory_space<vmem>> -> memref<128x128xf32, #tpu.memory_space<vmem>>
      tpu.enqueue_dma source(%dma_start3A_200 : memref<128x128xf32, #tpu.memory_space<vmem>>) target(%dma_start3A_197 : memref<128x128xf32, #tpu.memory_space<vmem_shared>>) target_semaphore(%run_scoped3A_190 : memref<!tpu.dma_semaphore, #tpu.memory_space<semaphore_mem>>)
      %dma_wait3A_201 = arith.constant 0 : i32
      %dma_wait3A_202 = arith.constant 0 : i32
      %dma_wait3A_203 = tpu.memref_slice %arg8[%dma_wait3A_201, %dma_wait3A_202] : memref<128x128xf32, #tpu.memory_space<vmem>> -> memref<128x128xf32, #tpu.memory_space<vmem>>
      %dma_wait3A_204 = arith.constant 0 : i32
      %dma_wait3A_205 = tpu.memref_slice %arg10[%add3A_12, %dma_wait3A_204] : memref<10000x128xf32, #tpu.memory_space<vmem_shared>> -> memref<128x128xf32, #tpu.memory_space<vmem_shared>>
      %dma_wait3A_206 = arith.constant 0 : i32
      %dma_wait3A_207 = tpu.memref_slice %arg10[%add3A_12, %dma_wait3A_206] : memref<10000x128xf32, #tpu.memory_space<vmem_shared>> -> memref<128x128xf32, #tpu.memory_space<vmem_shared>>
      %dma_wait3A_208 = arith.constant 0 : i32
      %dma_wait3A_209 = arith.constant 0 : i32
      %dma_wait3A_210 = tpu.memref_slice %arg8[%dma_wait3A_208, %dma_wait3A_209] : memref<128x128xf32, #tpu.memory_space<vmem>> -> memref<128x128xf32, #tpu.memory_space<vmem>>
      tpu.wait_dma2 semaphore(%run_scoped3A_190 : memref<!tpu.dma_semaphore, #tpu.memory_space<semaphore_mem>>) src(%dma_wait3A_210 : memref<128x128xf32, #tpu.memory_space<vmem>>) dst(%dma_wait3A_207 : memref<128x128xf32, #tpu.memory_space<vmem_shared>>)
      tpu.yield
    }) : () -> ()
    %add3A_13 = arith.constant 128 : i32
    %add3A_14 = arith.addi %multiple_of3A, %add3A_13 : i32
    "tpu.region"() ({
      %run_scoped3A_190 = tpu.sem_alloc : memref<!tpu.dma_semaphore, #tpu.memory_space<semaphore_mem>>
      %dma_start3A_191 = arith.constant 0 : i32
      %dma_start3A_192 = arith.constant 0 : i32
      %dma_start3A_193 = tpu.memref_slice %arg8[%dma_start3A_191, %dma_start3A_192] : memref<128x128xf32, #tpu.memory_space<vmem>> -> memref<128x128xf32, #tpu.memory_space<vmem>>
      %dma_start3A_194 = arith.constant 0 : i32
      %dma_start3A_195 = tpu.memref_slice %arg10[%add3A_14, %dma_start3A_194] : memref<10000x128xf32, #tpu.memory_space<vmem_shared>> -> memref<128x128xf32, #tpu.memory_space<vmem_shared>>
      %dma_start3A_196 = arith.constant 0 : i32
      %dma_start3A_197 = tpu.memref_slice %arg10[%add3A_14, %dma_start3A_196] : memref<10000x128xf32, #tpu.memory_space<vmem_shared>> -> memref<128x128xf32, #tpu.memory_space<vmem_shared>>
      %dma_start3A_198 = arith.constant 0 : i32
      %dma_start3A_199 = arith.constant 0 : i32
      %dma_start3A_200 = tpu.memref_slice %arg8[%dma_start3A_198, %dma_start3A_199] : memref<128x128xf32, #tpu.memory_space<vmem>> -> memref<128x128xf32, #tpu.memory_space<vmem>>
      tpu.enqueue_dma source(%dma_start3A_200 : memref<128x128xf32, #tpu.memory_space<vmem>>) target(%dma_start3A_197 : memref<128x128xf32, #tpu.memory_space<vmem_shared>>) target_semaphore(%run_scoped3A_190 : memref<!tpu.dma_semaphore, #tpu.memory_space<semaphore_mem>>)
      %dma_wait3A_201 = arith.constant 0 : i32
      %dma_wait3A_202 = arith.constant 0 : i32
      %dma_wait3A_203 = tpu.memref_slice %arg8[%dma_wait3A_201, %dma_wait3A_202] : memref<128x128xf32, #tpu.memory_space<vmem>> -> memref<128x128xf32, #tpu.memory_space<vmem>>
      %dma_wait3A_204 = arith.constant 0 : i32
      %dma_wait3A_205 = tpu.memref_slice %arg10[%add3A_14, %dma_wait3A_204] : memref<10000x128xf32, #tpu.memory_space<vmem_shared>> -> memref<128x128xf32, #tpu.memory_space<vmem_shared>>
      %dma_wait3A_206 = arith.constant 0 : i32
      %dma_wait3A_207 = tpu.memref_slice %arg10[%add3A_14, %dma_wait3A_206] : memref<10000x128xf32, #tpu.memory_space<vmem_shared>> -> memref<128x128xf32, #tpu.memory_space<vmem_shared>>
      %dma_wait3A_208 = arith.constant 0 : i32
      %dma_wait3A_209 = arith.constant 0 : i32
      %dma_wait3A_210 = tpu.memref_slice %arg8[%dma_wait3A_208, %dma_wait3A_209] : memref<128x128xf32, #tpu.memory_space<vmem>> -> memref<128x128xf32, #tpu.memory_space<vmem>>
      tpu.wait_dma2 semaphore(%run_scoped3A_190 : memref<!tpu.dma_semaphore, #tpu.memory_space<semaphore_mem>>) src(%dma_wait3A_210 : memref<128x128xf32, #tpu.memory_space<vmem>>) dst(%dma_wait3A_207 : memref<128x128xf32, #tpu.memory_space<vmem_shared>>)
      tpu.yield
    }) : () -> ()
    %add3A_15 = arith.constant 256 : i32
    %add3A_16 = arith.addi %multiple_of3A, %add3A_15 : i32
    "tpu.region"() ({
      %run_scoped3A_190 = tpu.sem_alloc : memref<!tpu.dma_semaphore, #tpu.memory_space<semaphore_mem>>
      %dma_start3A_191 = arith.constant 0 : i32
      %dma_start3A_192 = arith.constant 0 : i32
      %dma_start3A_193 = tpu.memref_slice %arg8[%dma_start3A_191, %dma_start3A_192] : memref<128x128xf32, #tpu.memory_space<vmem>> -> memref<128x128xf32, #tpu.memory_space<vmem>>
      %dma_start3A_194 = arith.constant 0 : i32
      %dma_start3A_195 = tpu.memref_slice %arg10[%add3A_16, %dma_start3A_194] : memref<10000x128xf32, #tpu.memory_space<vmem_shared>> -> memref<128x128xf32, #tpu.memory_space<vmem_shared>>
      %dma_start3A_196 = arith.constant 0 : i32
      %dma_start3A_197 = tpu.memref_slice %arg10[%add3A_16, %dma_start3A_196] : memref<10000x128xf32, #tpu.memory_space<vmem_shared>> -> memref<128x128xf32, #tpu.memory_space<vmem_shared>>
      %dma_start3A_198 = arith.constant 0 : i32
      %dma_start3A_199 = arith.constant 0 : i32
      %dma_start3A_200 = tpu.memref_slice %arg8[%dma_start3A_198, %dma_start3A_199] : memref<128x128xf32, #tpu.memory_space<vmem>> -> memref<128x128xf32, #tpu.memory_space<vmem>>
      tpu.enqueue_dma source(%dma_start3A_200 : memref<128x128xf32, #tpu.memory_space<vmem>>) target(%dma_start3A_197 : memref<128x128xf32, #tpu.memory_space<vmem_shared>>) target_semaphore(%run_scoped3A_190 : memref<!tpu.dma_semaphore, #tpu.memory_space<semaphore_mem>>)
      %dma_wait3A_201 = arith.constant 0 : i32
      %dma_wait3A_202 = arith.constant 0 : i32
      %dma_wait3A_203 = tpu.memref_slice %arg8[%dma_wait3A_201, %dma_wait3A_202] : memref<128x128xf32, #tpu.memory_space<vmem>> -> memref<128x128xf32, #tpu.memory_space<vmem>>
      %dma_wait3A_204 = arith.constant 0 : i32
      %dma_wait3A_205 = tpu.memref_slice %arg10[%add3A_16, %dma_wait3A_204] : memref<10000x128xf32, #tpu.memory_space<vmem_shared>> -> memref<128x128xf32, #tpu.memory_space<vmem_shared>>
      %dma_wait3A_206 = arith.constant 0 : i32
      %dma_wait3A_207 = tpu.memref_slice %arg10[%add3A_16, %dma_wait3A_206] : memref<10000x128xf32, #tpu.memory_space<vmem_shared>> -> memref<128x128xf32, #tpu.memory_space<vmem_shared>>
      %dma_wait3A_208 = arith.constant 0 : i32
      %dma_wait3A_209 = arith.constant 0 : i32
      %dma_wait3A_210 = tpu.memref_slice %arg8[%dma_wait3A_208, %dma_wait3A_209] : memref<128x128xf32, #tpu.memory_space<vmem>> -> memref<128x128xf32, #tpu.memory_space<vmem>>
      tpu.wait_dma2 semaphore(%run_scoped3A_190 : memref<!tpu.dma_semaphore, #tpu.memory_space<semaphore_mem>>) src(%dma_wait3A_210 : memref<128x128xf32, #tpu.memory_space<vmem>>) dst(%dma_wait3A_207 : memref<128x128xf32, #tpu.memory_space<vmem_shared>>)
      tpu.yield
    }) : () -> ()
    %add3A_17 = arith.constant 384 : i32
    %add3A_18 = arith.addi %multiple_of3A, %add3A_17 : i32
    "tpu.region"() ({
      %run_scoped3A_190 = tpu.sem_alloc : memref<!tpu.dma_semaphore, #tpu.memory_space<semaphore_mem>>
      %dma_start3A_191 = arith.constant 0 : i32
      %dma_start3A_192 = arith.constant 0 : i32
      %dma_start3A_193 = tpu.memref_slice %arg8[%dma_start3A_191, %dma_start3A_192] : memref<128x128xf32, #tpu.memory_space<vmem>> -> memref<128x128xf32, #tpu.memory_space<vmem>>
      %dma_start3A_194 = arith.constant 0 : i32
      %dma_start3A_195 = tpu.memref_slice %arg10[%add3A_18, %dma_start3A_194] : memref<10000x128xf32, #tpu.memory_space<vmem_shared>> -> memref<128x128xf32, #tpu.memory_space<vmem_shared>>
      %dma_start3A_196 = arith.constant 0 : i32
      %dma_start3A_197 = tpu.memref_slice %arg10[%add3A_18, %dma_start3A_196] : memref<10000x128xf32, #tpu.memory_space<vmem_shared>> -> memref<128x128xf32, #tpu.memory_space<vmem_shared>>
      %dma_start3A_198 = arith.constant 0 : i32
      %dma_start3A_199 = arith.constant 0 : i32
      %dma_start3A_200 = tpu.memref_slice %arg8[%dma_start3A_198, %dma_start3A_199] : memref<128x128xf32, #tpu.memory_space<vmem>> -> memref<128x128xf32, #tpu.memory_space<vmem>>
      tpu.enqueue_dma source(%dma_start3A_200 : memref<128x128xf32, #tpu.memory_space<vmem>>) target(%dma_start3A_197 : memref<128x128xf32, #tpu.memory_space<vmem_shared>>) target_semaphore(%run_scoped3A_190 : memref<!tpu.dma_semaphore, #tpu.memory_space<semaphore_mem>>)
      %dma_wait3A_201 = arith.constant 0 : i32
      %dma_wait3A_202 = arith.constant 0 : i32
      %dma_wait3A_203 = tpu.memref_slice %arg8[%dma_wait3A_201, %dma_wait3A_202] : memref<128x128xf32, #tpu.memory_space<vmem>> -> memref<128x128xf32, #tpu.memory_space<vmem>>
      %dma_wait3A_204 = arith.constant 0 : i32
      %dma_wait3A_205 = tpu.memref_slice %arg10[%add3A_18, %dma_wait3A_204] : memref<10000x128xf32, #tpu.memory_space<vmem_shared>> -> memref<128x128xf32, #tpu.memory_space<vmem_shared>>
      %dma_wait3A_206 = arith.constant 0 : i32
      %dma_wait3A_207 = tpu.memref_slice %arg10[%add3A_18, %dma_wait3A_206] : memref<10000x128xf32, #tpu.memory_space<vmem_shared>> -> memref<128x128xf32, #tpu.memory_space<vmem_shared>>
      %dma_wait3A_208 = arith.constant 0 : i32
      %dma_wait3A_209 = arith.constant 0 : i32
      %dma_wait3A_210 = tpu.memref_slice %arg8[%dma_wait3A_208, %dma_wait3A_209] : memref<128x128xf32, #tpu.memory_space<vmem>> -> memref<128x128xf32, #tpu.memory_space<vmem>>
      tpu.wait_dma2 semaphore(%run_scoped3A_190 : memref<!tpu.dma_semaphore, #tpu.memory_space<semaphore_mem>>) src(%dma_wait3A_210 : memref<128x128xf32, #tpu.memory_space<vmem>>) dst(%dma_wait3A_207 : memref<128x128xf32, #tpu.memory_space<vmem_shared>>)
      tpu.yield
    }) : () -> ()
    %add3A_19 = arith.constant 512 : i32
    %add3A_20 = arith.addi %multiple_of3A, %add3A_19 : i32
    "tpu.region"() ({
      %run_scoped3A_190 = tpu.sem_alloc : memref<!tpu.dma_semaphore, #tpu.memory_space<semaphore_mem>>
      %dma_start3A_191 = arith.constant 0 : i32
      %dma_start3A_192 = arith.constant 0 : i32
      %dma_start3A_193 = tpu.memref_slice %arg8[%dma_start3A_191, %dma_start3A_192] : memref<128x128xf32, #tpu.memory_space<vmem>> -> memref<112x128xf32, #tpu.memory_space<vmem>>
      %dma_start3A_194 = arith.constant 0 : i32
      %dma_start3A_195 = tpu.memref_slice %arg10[%add3A_20, %dma_start3A_194] : memref<10000x128xf32, #tpu.memory_space<vmem_shared>> -> memref<112x128xf32, #tpu.memory_space<vmem_shared>>
      %dma_start3A_196 = arith.constant 0 : i32
      %dma_start3A_197 = tpu.memref_slice %arg10[%add3A_20, %dma_start3A_196] : memref<10000x128xf32, #tpu.memory_space<vmem_shared>> -> memref<112x128xf32, #tpu.memory_space<vmem_shared>>
      %dma_start3A_198 = arith.constant 0 : i32
      %dma_start3A_199 = arith.constant 0 : i32
      %dma_start3A_200 = tpu.memref_slice %arg8[%dma_start3A_198, %dma_start3A_199] : memref<128x128xf32, #tpu.memory_space<vmem>> -> memref<112x128xf32, #tpu.memory_space<vmem>>
      tpu.enqueue_dma source(%dma_start3A_200 : memref<112x128xf32, #tpu.memory_space<vmem>>) target(%dma_start3A_197 : memref<112x128xf32, #tpu.memory_space<vmem_shared>>) target_semaphore(%run_scoped3A_190 : memref<!tpu.dma_semaphore, #tpu.memory_space<semaphore_mem>>)
      %dma_wait3A_201 = arith.constant 0 : i32
      %dma_wait3A_202 = arith.constant 0 : i32
      %dma_wait3A_203 = tpu.memref_slice %arg8[%dma_wait3A_201, %dma_wait3A_202] : memref<128x128xf32, #tpu.memory_space<vmem>> -> memref<112x128xf32, #tpu.memory_space<vmem>>
      %dma_wait3A_204 = arith.constant 0 : i32
      %dma_wait3A_205 = tpu.memref_slice %arg10[%add3A_20, %dma_wait3A_204] : memref<10000x128xf32, #tpu.memory_space<vmem_shared>> -> memref<112x128xf32, #tpu.memory_space<vmem_shared>>
      %dma_wait3A_206 = arith.constant 0 : i32
      %dma_wait3A_207 = tpu.memref_slice %arg10[%add3A_20, %dma_wait3A_206] : memref<10000x128xf32, #tpu.memory_space<vmem_shared>> -> memref<112x128xf32, #tpu.memory_space<vmem_shared>>
      %dma_wait3A_208 = arith.constant 0 : i32
      %dma_wait3A_209 = arith.constant 0 : i32
      %dma_wait3A_210 = tpu.memref_slice %arg8[%dma_wait3A_208, %dma_wait3A_209] : memref<128x128xf32, #tpu.memory_space<vmem>> -> memref<112x128xf32, #tpu.memory_space<vmem>>
      tpu.wait_dma2 semaphore(%run_scoped3A_190 : memref<!tpu.dma_semaphore, #tpu.memory_space<semaphore_mem>>) src(%dma_wait3A_210 : memref<112x128xf32, #tpu.memory_space<vmem>>) dst(%dma_wait3A_207 : memref<112x128xf32, #tpu.memory_space<vmem_shared>>)
      tpu.yield
    }) : () -> ()
    %eq3A = arith.constant 0 : i32
    %eq3A_21 = arith.cmpi eq, %arg1, %eq3A : i32
    %convert_element_type3A = arith.extui %eq3A_21 : i1 to i32
    %cond3A = arith.constant 0 : i32
    %cond3A_22 = arith.cmpi ne, %convert_element_type3A, %cond3A : i32
    scf.if %cond3A_22 {
      "tpu.region"() ({
        %run_scoped3A_190 = tpu.sem_alloc : memref<!tpu.dma_semaphore, #tpu.memory_space<semaphore_mem>>
        %dma_start3A_191 = arith.constant 0 : i32
        %dma_start3A_192 = arith.constant 0 : i32
        %dma_start3A_193 = tpu.memref_slice %arg8[%dma_start3A_191, %dma_start3A_192] : memref<128x128xf32, #tpu.memory_space<vmem>> -> memref<16x128xf32, #tpu.memory_space<vmem>>
        %dma_start3A_194 = arith.constant 9984 : i32
        %dma_start3A_195 = arith.constant 0 : i32
        %dma_start3A_196 = tpu.memref_slice %arg10[%dma_start3A_194, %dma_start3A_195] : memref<10000x128xf32, #tpu.memory_space<vmem_shared>> -> memref<16x128xf32, #tpu.memory_space<vmem_shared>>
        %dma_start3A_197 = arith.constant 9984 : i32
        %dma_start3A_198 = arith.constant 0 : i32
        %dma_start3A_199 = tpu.memref_slice %arg10[%dma_start3A_197, %dma_start3A_198] : memref<10000x128xf32, #tpu.memory_space<vmem_shared>> -> memref<16x128xf32, #tpu.memory_space<vmem_shared>>
        %dma_start3A_200 = arith.constant 0 : i32
        %dma_start3A_201 = arith.constant 0 : i32
        %dma_start3A_202 = tpu.memref_slice %arg8[%dma_start3A_200, %dma_start3A_201] : memref<128x128xf32, #tpu.memory_space<vmem>> -> memref<16x128xf32, #tpu.memory_space<vmem>>
        tpu.enqueue_dma source(%dma_start3A_202 : memref<16x128xf32, #tpu.memory_space<vmem>>) target(%dma_start3A_199 : memref<16x128xf32, #tpu.memory_space<vmem_shared>>) target_semaphore(%run_scoped3A_190 : memref<!tpu.dma_semaphore, #tpu.memory_space<semaphore_mem>>)
        %dma_wait3A_203 = arith.constant 0 : i32
        %dma_wait3A_204 = arith.constant 0 : i32
        %dma_wait3A_205 = tpu.memref_slice %arg8[%dma_wait3A_203, %dma_wait3A_204] : memref<128x128xf32, #tpu.memory_space<vmem>> -> memref<16x128xf32, #tpu.memory_space<vmem>>
        %dma_wait3A_206 = arith.constant 9984 : i32
        %dma_wait3A_207 = arith.constant 0 : i32
        %dma_wait3A_208 = tpu.memref_slice %arg10[%dma_wait3A_206, %dma_wait3A_207] : memref<10000x128xf32, #tpu.memory_space<vmem_shared>> -> memref<16x128xf32, #tpu.memory_space<vmem_shared>>
        %dma_wait3A_209 = arith.constant 9984 : i32
        %dma_wait3A_210 = arith.constant 0 : i32
        %dma_wait3A_211 = tpu.memref_slice %arg10[%dma_wait3A_209, %dma_wait3A_210] : memref<10000x128xf32, #tpu.memory_space<vmem_shared>> -> memref<16x128xf32, #tpu.memory_space<vmem_shared>>
        %dma_wait3A_212 = arith.constant 0 : i32
        %dma_wait3A_213 = arith.constant 0 : i32
        %dma_wait3A_214 = tpu.memref_slice %arg8[%dma_wait3A_212, %dma_wait3A_213] : memref<128x128xf32, #tpu.memory_space<vmem>> -> memref<16x128xf32, #tpu.memory_space<vmem>>
        tpu.wait_dma2 semaphore(%run_scoped3A_190 : memref<!tpu.dma_semaphore, #tpu.memory_space<semaphore_mem>>) src(%dma_wait3A_214 : memref<16x128xf32, #tpu.memory_space<vmem>>) dst(%dma_wait3A_211 : memref<16x128xf32, #tpu.memory_space<vmem_shared>>)
        tpu.yield
      }) : () -> ()
    } else {
    }
    %barrier3A = arith.constant 0 : index
    tpu.barrier barrier_id(%barrier3A)
    %mul3A_23 = arith.constant 128 : i32
    %mul3A_24 = arith.muli %mul3A_4, %mul3A_23 : i32
    %multiple_of3A_25 = tpu.assume_multiple %mul3A_24, 128 : i32
    "tpu.region"() ({
      %run_scoped3A_190 = tpu.sem_alloc : memref<!tpu.dma_semaphore, #tpu.memory_space<semaphore_mem>>
      %dma_start3A_191 = arith.constant 0 : i32
      %dma_start3A_192 = tpu.memref_slice %arg2[%dma_start3A_191, %multiple_of3A_25] : memref<2x320000xi32, #tpu.memory_space<hbm>> -> memref<2x128xi32, #tpu.memory_space<hbm>>
      %dma_start3A_193 = arith.constant 0 : i32
      %dma_start3A_194 = tpu.memref_slice %arg2[%dma_start3A_193, %multiple_of3A_25] : memref<2x320000xi32, #tpu.memory_space<hbm>> -> memref<2x128xi32, #tpu.memory_space<hbm>>
      tpu.enqueue_dma source(%dma_start3A_194 : memref<2x128xi32, #tpu.memory_space<hbm>>) target(%arg6 : memref<2x128xi32, #tpu.memory_space<vmem>>) target_semaphore(%run_scoped3A_190 : memref<!tpu.dma_semaphore, #tpu.memory_space<semaphore_mem>>)
      %dma_wait3A_195 = arith.constant 0 : i32
      %dma_wait3A_196 = tpu.memref_slice %arg2[%dma_wait3A_195, %multiple_of3A_25] : memref<2x320000xi32, #tpu.memory_space<hbm>> -> memref<2x128xi32, #tpu.memory_space<hbm>>
      %dma_wait3A_197 = arith.constant 0 : i32
      %dma_wait3A_198 = tpu.memref_slice %arg2[%dma_wait3A_197, %multiple_of3A_25] : memref<2x320000xi32, #tpu.memory_space<hbm>> -> memref<2x128xi32, #tpu.memory_space<hbm>>
      tpu.wait_dma2 semaphore(%run_scoped3A_190 : memref<!tpu.dma_semaphore, #tpu.memory_space<semaphore_mem>>) src(%dma_wait3A_198 : memref<2x128xi32, #tpu.memory_space<hbm>>) dst(%arg6 : memref<2x128xi32, #tpu.memory_space<vmem>>)
      tpu.yield
    }) : () -> ()
    %dma_start3A = arith.constant 0 : i32
    %dma_start3A_26 = arith.constant 0 : i32
    %dma_start3A_27 = tpu.memref_slice %arg6[%dma_start3A, %dma_start3A_26] : memref<2x128xi32, #tpu.memory_space<vmem>> -> memref<1x128xi32, #tpu.memory_space<vmem>>
    %dma_start3A_28 = tpu.memref_squeeze %dma_start3A_27 : memref<1x128xi32, #tpu.memory_space<vmem>> -> memref<128xi32, #tpu.memory_space<vmem>>
    %dma_start3A_29 = arith.constant 0 : i32
    %dma_start3A_30 = arith.constant 0 : i32
    %dma_start3A_31 = tpu.memref_slice %arg3[%dma_start3A_29, %dma_start3A_30] : memref<10000x128xf32, #tpu.memory_space<hbm>> -> memref<10000x128xf32, #tpu.memory_space<hbm>>
    tpu.enqueue_indirect_dma source(%dma_start3A_31 : memref<10000x128xf32, #tpu.memory_space<hbm>>) target(%arg8 : memref<128x128xf32, #tpu.memory_space<vmem>>) offsets(%dma_start3A_28 : memref<128xi32, #tpu.memory_space<vmem>>) semaphore(%arg11 : memref<!tpu.dma_semaphore, #tpu.memory_space<semaphore_mem>>)
    %scan3A_32 = arith.constant 0 : i32
    %scan3A_33 = arith.constant 0 : i32
    %scan3A_34 = arith.constant 38 : i32
    %scan3A_35 = arith.addi %scan3A_33, %scan3A_34 : i32
    %scan3A_36 = arith.constant 1 : i32
    scf.for %scan3A_190 = %scan3A_33 to %scan3A_35 step %scan3A_36  : i32 {
      %mul3A_191 = arith.constant 2 : i32
      %mul3A_192 = arith.muli %mul3A_191, %scan3A_190 : i32
      %add3A_193 = arith.addi %mul3A_4, %mul3A_192 : i32
      %add3A_194 = arith.constant 1 : i32
      %add3A_195 = arith.addi %add3A_193, %add3A_194 : i32
      %mul3A_196 = arith.constant 128 : i32
      %mul3A_197 = arith.muli %add3A_195, %mul3A_196 : i32
      %multiple_of3A_198 = tpu.assume_multiple %mul3A_197, 128 : i32
      "tpu.region"() ({
        %run_scoped3A_234 = tpu.sem_alloc : memref<!tpu.dma_semaphore, #tpu.memory_space<semaphore_mem>>
        %dma_start3A_235 = arith.constant 0 : i32
        %dma_start3A_236 = tpu.memref_slice %arg2[%dma_start3A_235, %multiple_of3A_198] : memref<2x320000xi32, #tpu.memory_space<hbm>> -> memref<2x128xi32, #tpu.memory_space<hbm>>
        %dma_start3A_237 = arith.constant 0 : i32
        %dma_start3A_238 = tpu.memref_slice %arg2[%dma_start3A_237, %multiple_of3A_198] : memref<2x320000xi32, #tpu.memory_space<hbm>> -> memref<2x128xi32, #tpu.memory_space<hbm>>
        tpu.enqueue_dma source(%dma_start3A_238 : memref<2x128xi32, #tpu.memory_space<hbm>>) target(%arg7 : memref<2x128xi32, #tpu.memory_space<vmem>>) target_semaphore(%run_scoped3A_234 : memref<!tpu.dma_semaphore, #tpu.memory_space<semaphore_mem>>)
        %dma_wait3A_239 = arith.constant 0 : i32
        %dma_wait3A_240 = tpu.memref_slice %arg2[%dma_wait3A_239, %multiple_of3A_198] : memref<2x320000xi32, #tpu.memory_space<hbm>> -> memref<2x128xi32, #tpu.memory_space<hbm>>
        %dma_wait3A_241 = arith.constant 0 : i32
        %dma_wait3A_242 = tpu.memref_slice %arg2[%dma_wait3A_241, %multiple_of3A_198] : memref<2x320000xi32, #tpu.memory_space<hbm>> -> memref<2x128xi32, #tpu.memory_space<hbm>>
        tpu.wait_dma2 semaphore(%run_scoped3A_234 : memref<!tpu.dma_semaphore, #tpu.memory_space<semaphore_mem>>) src(%dma_wait3A_242 : memref<2x128xi32, #tpu.memory_space<hbm>>) dst(%arg7 : memref<2x128xi32, #tpu.memory_space<vmem>>)
        tpu.yield
      }) : () -> ()
      %dma_start3A_199 = arith.constant 0 : i32
      %dma_start3A_200 = arith.constant 0 : i32
      %dma_start3A_201 = tpu.memref_slice %arg7[%dma_start3A_199, %dma_start3A_200] : memref<2x128xi32, #tpu.memory_space<vmem>> -> memref<1x128xi32, #tpu.memory_space<vmem>>
      %dma_start3A_202 = tpu.memref_squeeze %dma_start3A_201 : memref<1x128xi32, #tpu.memory_space<vmem>> -> memref<128xi32, #tpu.memory_space<vmem>>
      %dma_start3A_203 = arith.constant 0 : i32
      %dma_start3A_204 = arith.constant 0 : i32
      %dma_start3A_205 = tpu.memref_slice %arg3[%dma_start3A_203, %dma_start3A_204] : memref<10000x128xf32, #tpu.memory_space<hbm>> -> memref<10000x128xf32, #tpu.memory_space<hbm>>
      tpu.enqueue_indirect_dma source(%dma_start3A_205 : memref<10000x128xf32, #tpu.memory_space<hbm>>) target(%arg9 : memref<128x128xf32, #tpu.memory_space<vmem>>) offsets(%dma_start3A_202 : memref<128xi32, #tpu.memory_space<vmem>>) semaphore(%arg12 : memref<!tpu.dma_semaphore, #tpu.memory_space<semaphore_mem>>)
      %dma_wait3A_206 = arith.constant 0 : i32
      %dma_wait3A_207 = arith.constant 0 : i32
      %dma_wait3A_208 = tpu.memref_slice %arg6[%dma_wait3A_206, %dma_wait3A_207] : memref<2x128xi32, #tpu.memory_space<vmem>> -> memref<1x128xi32, #tpu.memory_space<vmem>>
      %dma_wait3A_209 = tpu.memref_squeeze %dma_wait3A_208 : memref<1x128xi32, #tpu.memory_space<vmem>> -> memref<128xi32, #tpu.memory_space<vmem>>
      %dma_wait3A_210 = arith.constant 0 : i32
      %dma_wait3A_211 = arith.constant 0 : i32
      %dma_wait3A_212 = tpu.memref_slice %arg3[%dma_wait3A_210, %dma_wait3A_211] : memref<10000x128xf32, #tpu.memory_space<hbm>> -> memref<10000x128xf32, #tpu.memory_space<hbm>>
      tpu.wait_indirect_dma semaphore(%arg11 : memref<!tpu.dma_semaphore, #tpu.memory_space<semaphore_mem>>) src(%dma_wait3A_212 : memref<10000x128xf32, #tpu.memory_space<hbm>>) dst(%arg8 : memref<128x128xf32, #tpu.memory_space<vmem>>)
      %run_scoped3A_213 = arith.constant 1 : i32
      "tpu.region"() ({
        %run_scoped3A_234 = tpu.sem_alloc : memref<!tpu.dma_semaphore, #tpu.memory_space<semaphore_mem>>
        %dma_start3A_235 = arith.constant 0 : i32
        %dma_start3A_236 = tpu.memref_slice %arg6[%run_scoped3A_213, %dma_start3A_235] : memref<2x128xi32, #tpu.memory_space<vmem>> -> memref<1x128xi32, #tpu.memory_space<vmem>>
        %dma_start3A_237 = tpu.memref_squeeze %dma_start3A_236 : memref<1x128xi32, #tpu.memory_space<vmem>> -> memref<128xi32, #tpu.memory_space<vmem>>
        %dma_start3A_238 = arith.constant 0 : i32
        %dma_start3A_239 = arith.constant 0 : i32
        %dma_start3A_240 = tpu.memref_slice %arg10[%dma_start3A_238, %dma_start3A_239] : memref<10000x128xf32, #tpu.memory_space<vmem_shared>> -> memref<10000x128xf32, #tpu.memory_space<vmem_shared>>
        tpu.enqueue_indirect_dma source(%arg8 : memref<128x128xf32, #tpu.memory_space<vmem>>) target(%dma_start3A_240 : memref<10000x128xf32, #tpu.memory_space<vmem_shared>>) offsets(%dma_start3A_237 : memref<128xi32, #tpu.memory_space<vmem>>) semaphore(%run_scoped3A_234 : memref<!tpu.dma_semaphore, #tpu.memory_space<semaphore_mem>>) {add = true}
        %dma_wait3A_241 = arith.constant 0 : i32
        %dma_wait3A_242 = tpu.memref_slice %arg6[%run_scoped3A_213, %dma_wait3A_241] : memref<2x128xi32, #tpu.memory_space<vmem>> -> memref<1x128xi32, #tpu.memory_space<vmem>>
        %dma_wait3A_243 = tpu.memref_squeeze %dma_wait3A_242 : memref<1x128xi32, #tpu.memory_space<vmem>> -> memref<128xi32, #tpu.memory_space<vmem>>
        %dma_wait3A_244 = arith.constant 0 : i32
        %dma_wait3A_245 = arith.constant 0 : i32
        %dma_wait3A_246 = tpu.memref_slice %arg10[%dma_wait3A_244, %dma_wait3A_245] : memref<10000x128xf32, #tpu.memory_space<vmem_shared>> -> memref<10000x128xf32, #tpu.memory_space<vmem_shared>>
        tpu.wait_indirect_dma semaphore(%run_scoped3A_234 : memref<!tpu.dma_semaphore, #tpu.memory_space<semaphore_mem>>) src(%arg8 : memref<128x128xf32, #tpu.memory_space<vmem>>) dst(%dma_wait3A_246 : memref<10000x128xf32, #tpu.memory_space<vmem_shared>>)
        tpu.yield
      }) : () -> ()
      %add3A_214 = arith.constant 2 : i32
      %add3A_215 = arith.addi %add3A_193, %add3A_214 : i32
      %mul3A_216 = arith.constant 128 : i32
      %mul3A_217 = arith.muli %add3A_215, %mul3A_216 : i32
      %multiple_of3A_218 = tpu.assume_multiple %mul3A_217, 128 : i32
      "tpu.region"() ({
        %run_scoped3A_234 = tpu.sem_alloc : memref<!tpu.dma_semaphore, #tpu.memory_space<semaphore_mem>>
        %dma_start3A_235 = arith.constant 0 : i32
        %dma_start3A_236 = tpu.memref_slice %arg2[%dma_start3A_235, %multiple_of3A_218] : memref<2x320000xi32, #tpu.memory_space<hbm>> -> memref<2x128xi32, #tpu.memory_space<hbm>>
        %dma_start3A_237 = arith.constant 0 : i32
        %dma_start3A_238 = tpu.memref_slice %arg2[%dma_start3A_237, %multiple_of3A_218] : memref<2x320000xi32, #tpu.memory_space<hbm>> -> memref<2x128xi32, #tpu.memory_space<hbm>>
        tpu.enqueue_dma source(%dma_start3A_238 : memref<2x128xi32, #tpu.memory_space<hbm>>) target(%arg6 : memref<2x128xi32, #tpu.memory_space<vmem>>) target_semaphore(%run_scoped3A_234 : memref<!tpu.dma_semaphore, #tpu.memory_space<semaphore_mem>>)
        %dma_wait3A_239 = arith.constant 0 : i32
        %dma_wait3A_240 = tpu.memref_slice %arg2[%dma_wait3A_239, %multiple_of3A_218] : memref<2x320000xi32, #tpu.memory_space<hbm>> -> memref<2x128xi32, #tpu.memory_space<hbm>>
        %dma_wait3A_241 = arith.constant 0 : i32
        %dma_wait3A_242 = tpu.memref_slice %arg2[%dma_wait3A_241, %multiple_of3A_218] : memref<2x320000xi32, #tpu.memory_space<hbm>> -> memref<2x128xi32, #tpu.memory_space<hbm>>
        tpu.wait_dma2 semaphore(%run_scoped3A_234 : memref<!tpu.dma_semaphore, #tpu.memory_space<semaphore_mem>>) src(%dma_wait3A_242 : memref<2x128xi32, #tpu.memory_space<hbm>>) dst(%arg6 : memref<2x128xi32, #tpu.memory_space<vmem>>)
        tpu.yield
      }) : () -> ()
      %dma_start3A_219 = arith.constant 0 : i32
      %dma_start3A_220 = arith.constant 0 : i32
      %dma_start3A_221 = tpu.memref_slice %arg6[%dma_start3A_219, %dma_start3A_220] : memref<2x128xi32, #tpu.memory_space<vmem>> -> memref<1x128xi32, #tpu.memory_space<vmem>>
      %dma_start3A_222 = tpu.memref_squeeze %dma_start3A_221 : memref<1x128xi32, #tpu.memory_space<vmem>> -> memref<128xi32, #tpu.memory_space<vmem>>
      %dma_start3A_223 = arith.constant 0 : i32
      %dma_start3A_224 = arith.constant 0 : i32
      %dma_start3A_225 = tpu.memref_slice %arg3[%dma_start3A_223, %dma_start3A_224] : memref<10000x128xf32, #tpu.memory_space<hbm>> -> memref<10000x128xf32, #tpu.memory_space<hbm>>
      tpu.enqueue_indirect_dma source(%dma_start3A_225 : memref<10000x128xf32, #tpu.memory_space<hbm>>) target(%arg8 : memref<128x128xf32, #tpu.memory_space<vmem>>) offsets(%dma_start3A_222 : memref<128xi32, #tpu.memory_space<vmem>>) semaphore(%arg11 : memref<!tpu.dma_semaphore, #tpu.memory_space<semaphore_mem>>)
      %dma_wait3A_226 = arith.constant 0 : i32
      %dma_wait3A_227 = arith.constant 0 : i32
      %dma_wait3A_228 = tpu.memref_slice %arg7[%dma_wait3A_226, %dma_wait3A_227] : memref<2x128xi32, #tpu.memory_space<vmem>> -> memref<1x128xi32, #tpu.memory_space<vmem>>
      %dma_wait3A_229 = tpu.memref_squeeze %dma_wait3A_228 : memref<1x128xi32, #tpu.memory_space<vmem>> -> memref<128xi32, #tpu.memory_space<vmem>>
      %dma_wait3A_230 = arith.constant 0 : i32
      %dma_wait3A_231 = arith.constant 0 : i32
      %dma_wait3A_232 = tpu.memref_slice %arg3[%dma_wait3A_230, %dma_wait3A_231] : memref<10000x128xf32, #tpu.memory_space<hbm>> -> memref<10000x128xf32, #tpu.memory_space<hbm>>
      tpu.wait_indirect_dma semaphore(%arg12 : memref<!tpu.dma_semaphore, #tpu.memory_space<semaphore_mem>>) src(%dma_wait3A_232 : memref<10000x128xf32, #tpu.memory_space<hbm>>) dst(%arg9 : memref<128x128xf32, #tpu.memory_space<vmem>>)
      %run_scoped3A_233 = arith.constant 1 : i32
      "tpu.region"() ({
        %run_scoped3A_234 = tpu.sem_alloc : memref<!tpu.dma_semaphore, #tpu.memory_space<semaphore_mem>>
        %dma_start3A_235 = arith.constant 0 : i32
        %dma_start3A_236 = tpu.memref_slice %arg7[%run_scoped3A_233, %dma_start3A_235] : memref<2x128xi32, #tpu.memory_space<vmem>> -> memref<1x128xi32, #tpu.memory_space<vmem>>
        %dma_start3A_237 = tpu.memref_squeeze %dma_start3A_236 : memref<1x128xi32, #tpu.memory_space<vmem>> -> memref<128xi32, #tpu.memory_space<vmem>>
        %dma_start3A_238 = arith.constant 0 : i32
        %dma_start3A_239 = arith.constant 0 : i32
        %dma_start3A_240 = tpu.memref_slice %arg10[%dma_start3A_238, %dma_start3A_239] : memref<10000x128xf32, #tpu.memory_space<vmem_shared>> -> memref<10000x128xf32, #tpu.memory_space<vmem_shared>>
        tpu.enqueue_indirect_dma source(%arg9 : memref<128x128xf32, #tpu.memory_space<vmem>>) target(%dma_start3A_240 : memref<10000x128xf32, #tpu.memory_space<vmem_shared>>) offsets(%dma_start3A_237 : memref<128xi32, #tpu.memory_space<vmem>>) semaphore(%run_scoped3A_234 : memref<!tpu.dma_semaphore, #tpu.memory_space<semaphore_mem>>) {add = true}
        %dma_wait3A_241 = arith.constant 0 : i32
        %dma_wait3A_242 = tpu.memref_slice %arg7[%run_scoped3A_233, %dma_wait3A_241] : memref<2x128xi32, #tpu.memory_space<vmem>> -> memref<1x128xi32, #tpu.memory_space<vmem>>
        %dma_wait3A_243 = tpu.memref_squeeze %dma_wait3A_242 : memref<1x128xi32, #tpu.memory_space<vmem>> -> memref<128xi32, #tpu.memory_space<vmem>>
        %dma_wait3A_244 = arith.constant 0 : i32
        %dma_wait3A_245 = arith.constant 0 : i32
        %dma_wait3A_246 = tpu.memref_slice %arg10[%dma_wait3A_244, %dma_wait3A_245] : memref<10000x128xf32, #tpu.memory_space<vmem_shared>> -> memref<10000x128xf32, #tpu.memory_space<vmem_shared>>
        tpu.wait_indirect_dma semaphore(%run_scoped3A_234 : memref<!tpu.dma_semaphore, #tpu.memory_space<semaphore_mem>>) src(%arg9 : memref<128x128xf32, #tpu.memory_space<vmem>>) dst(%dma_wait3A_246 : memref<10000x128xf32, #tpu.memory_space<vmem_shared>>)
        tpu.yield
      }) : () -> ()
    }
    %scan3A_37 = arith.constant 38 : i32
    %add3A_38 = arith.constant 76 : i32
    %add3A_39 = arith.addi %mul3A_4, %add3A_38 : i32
    %add3A_40 = arith.constant 1 : i32
    %add3A_41 = arith.addi %add3A_39, %add3A_40 : i32
    %mul3A_42 = arith.constant 128 : i32
    %mul3A_43 = arith.muli %add3A_41, %mul3A_42 : i32
    %multiple_of3A_44 = tpu.assume_multiple %mul3A_43, 128 : i32
    "tpu.region"() ({
      %run_scoped3A_190 = tpu.sem_alloc : memref<!tpu.dma_semaphore, #tpu.memory_space<semaphore_mem>>
      %dma_start3A_191 = arith.constant 0 : i32
      %dma_start3A_192 = tpu.memref_slice %arg2[%dma_start3A_191, %multiple_of3A_44] : memref<2x320000xi32, #tpu.memory_space<hbm>> -> memref<2x128xi32, #tpu.memory_space<hbm>>
      %dma_start3A_193 = arith.constant 0 : i32
      %dma_start3A_194 = tpu.memref_slice %arg2[%dma_start3A_193, %multiple_of3A_44] : memref<2x320000xi32, #tpu.memory_space<hbm>> -> memref<2x128xi32, #tpu.memory_space<hbm>>
      tpu.enqueue_dma source(%dma_start3A_194 : memref<2x128xi32, #tpu.memory_space<hbm>>) target(%arg7 : memref<2x128xi32, #tpu.memory_space<vmem>>) target_semaphore(%run_scoped3A_190 : memref<!tpu.dma_semaphore, #tpu.memory_space<semaphore_mem>>)
      %dma_wait3A_195 = arith.constant 0 : i32
      %dma_wait3A_196 = tpu.memref_slice %arg2[%dma_wait3A_195, %multiple_of3A_44] : memref<2x320000xi32, #tpu.memory_space<hbm>> -> memref<2x128xi32, #tpu.memory_space<hbm>>
      %dma_wait3A_197 = arith.constant 0 : i32
      %dma_wait3A_198 = tpu.memref_slice %arg2[%dma_wait3A_197, %multiple_of3A_44] : memref<2x320000xi32, #tpu.memory_space<hbm>> -> memref<2x128xi32, #tpu.memory_space<hbm>>
      tpu.wait_dma2 semaphore(%run_scoped3A_190 : memref<!tpu.dma_semaphore, #tpu.memory_space<semaphore_mem>>) src(%dma_wait3A_198 : memref<2x128xi32, #tpu.memory_space<hbm>>) dst(%arg7 : memref<2x128xi32, #tpu.memory_space<vmem>>)
      tpu.yield
    }) : () -> ()
    %dma_start3A_45 = arith.constant 0 : i32
    %dma_start3A_46 = arith.constant 0 : i32
    %dma_start3A_47 = tpu.memref_slice %arg7[%dma_start3A_45, %dma_start3A_46] : memref<2x128xi32, #tpu.memory_space<vmem>> -> memref<1x128xi32, #tpu.memory_space<vmem>>
    %dma_start3A_48 = tpu.memref_squeeze %dma_start3A_47 : memref<1x128xi32, #tpu.memory_space<vmem>> -> memref<128xi32, #tpu.memory_space<vmem>>
    %dma_start3A_49 = arith.constant 0 : i32
    %dma_start3A_50 = arith.constant 0 : i32
    %dma_start3A_51 = tpu.memref_slice %arg3[%dma_start3A_49, %dma_start3A_50] : memref<10000x128xf32, #tpu.memory_space<hbm>> -> memref<10000x128xf32, #tpu.memory_space<hbm>>
    tpu.enqueue_indirect_dma source(%dma_start3A_51 : memref<10000x128xf32, #tpu.memory_space<hbm>>) target(%arg9 : memref<128x128xf32, #tpu.memory_space<vmem>>) offsets(%dma_start3A_48 : memref<128xi32, #tpu.memory_space<vmem>>) semaphore(%arg12 : memref<!tpu.dma_semaphore, #tpu.memory_space<semaphore_mem>>)
    %dma_wait3A = arith.constant 0 : i32
    %dma_wait3A_52 = arith.constant 0 : i32
    %dma_wait3A_53 = tpu.memref_slice %arg6[%dma_wait3A, %dma_wait3A_52] : memref<2x128xi32, #tpu.memory_space<vmem>> -> memref<1x128xi32, #tpu.memory_space<vmem>>
    %dma_wait3A_54 = tpu.memref_squeeze %dma_wait3A_53 : memref<1x128xi32, #tpu.memory_space<vmem>> -> memref<128xi32, #tpu.memory_space<vmem>>
    %dma_wait3A_55 = arith.constant 0 : i32
    %dma_wait3A_56 = arith.constant 0 : i32
    %dma_wait3A_57 = tpu.memref_slice %arg3[%dma_wait3A_55, %dma_wait3A_56] : memref<10000x128xf32, #tpu.memory_space<hbm>> -> memref<10000x128xf32, #tpu.memory_space<hbm>>
    tpu.wait_indirect_dma semaphore(%arg11 : memref<!tpu.dma_semaphore, #tpu.memory_space<semaphore_mem>>) src(%dma_wait3A_57 : memref<10000x128xf32, #tpu.memory_space<hbm>>) dst(%arg8 : memref<128x128xf32, #tpu.memory_space<vmem>>)
    %run_scoped3A = arith.constant 1 : i32
    "tpu.region"() ({
      %run_scoped3A_190 = tpu.sem_alloc : memref<!tpu.dma_semaphore, #tpu.memory_space<semaphore_mem>>
      %dma_start3A_191 = arith.constant 0 : i32
      %dma_start3A_192 = tpu.memref_slice %arg6[%run_scoped3A, %dma_start3A_191] : memref<2x128xi32, #tpu.memory_space<vmem>> -> memref<1x128xi32, #tpu.memory_space<vmem>>
      %dma_start3A_193 = tpu.memref_squeeze %dma_start3A_192 : memref<1x128xi32, #tpu.memory_space<vmem>> -> memref<128xi32, #tpu.memory_space<vmem>>
      %dma_start3A_194 = arith.constant 0 : i32
      %dma_start3A_195 = arith.constant 0 : i32
      %dma_start3A_196 = tpu.memref_slice %arg10[%dma_start3A_194, %dma_start3A_195] : memref<10000x128xf32, #tpu.memory_space<vmem_shared>> -> memref<10000x128xf32, #tpu.memory_space<vmem_shared>>
      tpu.enqueue_indirect_dma source(%arg8 : memref<128x128xf32, #tpu.memory_space<vmem>>) target(%dma_start3A_196 : memref<10000x128xf32, #tpu.memory_space<vmem_shared>>) offsets(%dma_start3A_193 : memref<128xi32, #tpu.memory_space<vmem>>) semaphore(%run_scoped3A_190 : memref<!tpu.dma_semaphore, #tpu.memory_space<semaphore_mem>>) {add = true}
      %dma_wait3A_197 = arith.constant 0 : i32
      %dma_wait3A_198 = tpu.memref_slice %arg6[%run_scoped3A, %dma_wait3A_197] : memref<2x128xi32, #tpu.memory_space<vmem>> -> memref<1x128xi32, #tpu.memory_space<vmem>>
      %dma_wait3A_199 = tpu.memref_squeeze %dma_wait3A_198 : memref<1x128xi32, #tpu.memory_space<vmem>> -> memref<128xi32, #tpu.memory_space<vmem>>
      %dma_wait3A_200 = arith.constant 0 : i32
      %dma_wait3A_201 = arith.constant 0 : i32
      %dma_wait3A_202 = tpu.memref_slice %arg10[%dma_wait3A_200, %dma_wait3A_201] : memref<10000x128xf32, #tpu.memory_space<vmem_shared>> -> memref<10000x128xf32, #tpu.memory_space<vmem_shared>>
      tpu.wait_indirect_dma semaphore(%run_scoped3A_190 : memref<!tpu.dma_semaphore, #tpu.memory_space<semaphore_mem>>) src(%arg8 : memref<128x128xf32, #tpu.memory_space<vmem>>) dst(%dma_wait3A_202 : memref<10000x128xf32, #tpu.memory_space<vmem_shared>>)
      tpu.yield
    }) : () -> ()
    %dma_wait3A_58 = arith.constant 0 : i32
    %dma_wait3A_59 = arith.constant 0 : i32
    %dma_wait3A_60 = tpu.memref_slice %arg7[%dma_wait3A_58, %dma_wait3A_59] : memref<2x128xi32, #tpu.memory_space<vmem>> -> memref<1x128xi32, #tpu.memory_space<vmem>>
    %dma_wait3A_61 = tpu.memref_squeeze %dma_wait3A_60 : memref<1x128xi32, #tpu.memory_space<vmem>> -> memref<128xi32, #tpu.memory_space<vmem>>
    %dma_wait3A_62 = arith.constant 0 : i32
    %dma_wait3A_63 = arith.constant 0 : i32
    %dma_wait3A_64 = tpu.memref_slice %arg3[%dma_wait3A_62, %dma_wait3A_63] : memref<10000x128xf32, #tpu.memory_space<hbm>> -> memref<10000x128xf32, #tpu.memory_space<hbm>>
    tpu.wait_indirect_dma semaphore(%arg12 : memref<!tpu.dma_semaphore, #tpu.memory_space<semaphore_mem>>) src(%dma_wait3A_64 : memref<10000x128xf32, #tpu.memory_space<hbm>>) dst(%arg9 : memref<128x128xf32, #tpu.memory_space<vmem>>)
    %run_scoped3A_65 = arith.constant 1 : i32
    "tpu.region"() ({
      %run_scoped3A_190 = tpu.sem_alloc : memref<!tpu.dma_semaphore, #tpu.memory_space<semaphore_mem>>
      %dma_start3A_191 = arith.constant 0 : i32
      %dma_start3A_192 = tpu.memref_slice %arg7[%run_scoped3A_65, %dma_start3A_191] : memref<2x128xi32, #tpu.memory_space<vmem>> -> memref<1x128xi32, #tpu.memory_space<vmem>>
      %dma_start3A_193 = tpu.memref_squeeze %dma_start3A_192 : memref<1x128xi32, #tpu.memory_space<vmem>> -> memref<128xi32, #tpu.memory_space<vmem>>
      %dma_start3A_194 = arith.constant 0 : i32
      %dma_start3A_195 = arith.constant 0 : i32
      %dma_start3A_196 = tpu.memref_slice %arg10[%dma_start3A_194, %dma_start3A_195] : memref<10000x128xf32, #tpu.memory_space<vmem_shared>> -> memref<10000x128xf32, #tpu.memory_space<vmem_shared>>
      tpu.enqueue_indirect_dma source(%arg9 : memref<128x128xf32, #tpu.memory_space<vmem>>) target(%dma_start3A_196 : memref<10000x128xf32, #tpu.memory_space<vmem_shared>>) offsets(%dma_start3A_193 : memref<128xi32, #tpu.memory_space<vmem>>) semaphore(%run_scoped3A_190 : memref<!tpu.dma_semaphore, #tpu.memory_space<semaphore_mem>>) {add = true}
      %dma_wait3A_197 = arith.constant 0 : i32
      %dma_wait3A_198 = tpu.memref_slice %arg7[%run_scoped3A_65, %dma_wait3A_197] : memref<2x128xi32, #tpu.memory_space<vmem>> -> memref<1x128xi32, #tpu.memory_space<vmem>>
      %dma_wait3A_199 = tpu.memref_squeeze %dma_wait3A_198 : memref<1x128xi32, #tpu.memory_space<vmem>> -> memref<128xi32, #tpu.memory_space<vmem>>
      %dma_wait3A_200 = arith.constant 0 : i32
      %dma_wait3A_201 = arith.constant 0 : i32
      %dma_wait3A_202 = tpu.memref_slice %arg10[%dma_wait3A_200, %dma_wait3A_201] : memref<10000x128xf32, #tpu.memory_space<vmem_shared>> -> memref<10000x128xf32, #tpu.memory_space<vmem_shared>>
      tpu.wait_indirect_dma semaphore(%run_scoped3A_190 : memref<!tpu.dma_semaphore, #tpu.memory_space<semaphore_mem>>) src(%arg9 : memref<128x128xf32, #tpu.memory_space<vmem>>) dst(%dma_wait3A_202 : memref<10000x128xf32, #tpu.memory_space<vmem_shared>>)
      tpu.yield
    }) : () -> ()
    %lt3A = arith.constant 4 : i32
    %lt3A_66 = arith.cmpi slt, %add3A, %lt3A : i32
    %convert_element_type3A_67 = arith.extui %lt3A_66 : i1 to i32
    %cond3A_68 = arith.constant 0 : i32
    %cond3A_69 = arith.cmpi ne, %convert_element_type3A_67, %cond3A_68 : i32
    scf.if %cond3A_69 {
      %add3A_190 = arith.constant 2496 : i32
      %add3A_191 = arith.addi %add3A_190, %add3A : i32
      %mul3A_192 = arith.constant 128 : i32
      %mul3A_193 = arith.muli %add3A_191, %mul3A_192 : i32
      %multiple_of3A_194 = tpu.assume_multiple %mul3A_193, 128 : i32
      "tpu.region"() ({
        %run_scoped3A_210 = tpu.sem_alloc : memref<!tpu.dma_semaphore, #tpu.memory_space<semaphore_mem>>
        %dma_start3A_211 = arith.constant 0 : i32
        %dma_start3A_212 = tpu.memref_slice %arg2[%dma_start3A_211, %multiple_of3A_194] : memref<2x320000xi32, #tpu.memory_space<hbm>> -> memref<2x128xi32, #tpu.memory_space<hbm>>
        %dma_start3A_213 = arith.constant 0 : i32
        %dma_start3A_214 = tpu.memref_slice %arg2[%dma_start3A_213, %multiple_of3A_194] : memref<2x320000xi32, #tpu.memory_space<hbm>> -> memref<2x128xi32, #tpu.memory_space<hbm>>
        tpu.enqueue_dma source(%dma_start3A_214 : memref<2x128xi32, #tpu.memory_space<hbm>>) target(%arg6 : memref<2x128xi32, #tpu.memory_space<vmem>>) target_semaphore(%run_scoped3A_210 : memref<!tpu.dma_semaphore, #tpu.memory_space<semaphore_mem>>)
        %dma_wait3A_215 = arith.constant 0 : i32
        %dma_wait3A_216 = tpu.memref_slice %arg2[%dma_wait3A_215, %multiple_of3A_194] : memref<2x320000xi32, #tpu.memory_space<hbm>> -> memref<2x128xi32, #tpu.memory_space<hbm>>
        %dma_wait3A_217 = arith.constant 0 : i32
        %dma_wait3A_218 = tpu.memref_slice %arg2[%dma_wait3A_217, %multiple_of3A_194] : memref<2x320000xi32, #tpu.memory_space<hbm>> -> memref<2x128xi32, #tpu.memory_space<hbm>>
        tpu.wait_dma2 semaphore(%run_scoped3A_210 : memref<!tpu.dma_semaphore, #tpu.memory_space<semaphore_mem>>) src(%dma_wait3A_218 : memref<2x128xi32, #tpu.memory_space<hbm>>) dst(%arg6 : memref<2x128xi32, #tpu.memory_space<vmem>>)
        tpu.yield
      }) : () -> ()
      %dma_start3A_195 = arith.constant 0 : i32
      %dma_start3A_196 = arith.constant 0 : i32
      %dma_start3A_197 = tpu.memref_slice %arg6[%dma_start3A_195, %dma_start3A_196] : memref<2x128xi32, #tpu.memory_space<vmem>> -> memref<1x128xi32, #tpu.memory_space<vmem>>
      %dma_start3A_198 = tpu.memref_squeeze %dma_start3A_197 : memref<1x128xi32, #tpu.memory_space<vmem>> -> memref<128xi32, #tpu.memory_space<vmem>>
      %dma_start3A_199 = arith.constant 0 : i32
      %dma_start3A_200 = arith.constant 0 : i32
      %dma_start3A_201 = tpu.memref_slice %arg3[%dma_start3A_199, %dma_start3A_200] : memref<10000x128xf32, #tpu.memory_space<hbm>> -> memref<10000x128xf32, #tpu.memory_space<hbm>>
      tpu.enqueue_indirect_dma source(%dma_start3A_201 : memref<10000x128xf32, #tpu.memory_space<hbm>>) target(%arg8 : memref<128x128xf32, #tpu.memory_space<vmem>>) offsets(%dma_start3A_198 : memref<128xi32, #tpu.memory_space<vmem>>) semaphore(%arg11 : memref<!tpu.dma_semaphore, #tpu.memory_space<semaphore_mem>>)
      %dma_wait3A_202 = arith.constant 0 : i32
      %dma_wait3A_203 = arith.constant 0 : i32
      %dma_wait3A_204 = tpu.memref_slice %arg6[%dma_wait3A_202, %dma_wait3A_203] : memref<2x128xi32, #tpu.memory_space<vmem>> -> memref<1x128xi32, #tpu.memory_space<vmem>>
      %dma_wait3A_205 = tpu.memref_squeeze %dma_wait3A_204 : memref<1x128xi32, #tpu.memory_space<vmem>> -> memref<128xi32, #tpu.memory_space<vmem>>
      %dma_wait3A_206 = arith.constant 0 : i32
      %dma_wait3A_207 = arith.constant 0 : i32
      %dma_wait3A_208 = tpu.memref_slice %arg3[%dma_wait3A_206, %dma_wait3A_207] : memref<10000x128xf32, #tpu.memory_space<hbm>> -> memref<10000x128xf32, #tpu.memory_space<hbm>>
      tpu.wait_indirect_dma semaphore(%arg11 : memref<!tpu.dma_semaphore, #tpu.memory_space<semaphore_mem>>) src(%dma_wait3A_208 : memref<10000x128xf32, #tpu.memory_space<hbm>>) dst(%arg8 : memref<128x128xf32, #tpu.memory_space<vmem>>)
      %run_scoped3A_209 = arith.constant 1 : i32
      "tpu.region"() ({
        %run_scoped3A_210 = tpu.sem_alloc : memref<!tpu.dma_semaphore, #tpu.memory_space<semaphore_mem>>
        %dma_start3A_211 = arith.constant 0 : i32
        %dma_start3A_212 = tpu.memref_slice %arg6[%run_scoped3A_209, %dma_start3A_211] : memref<2x128xi32, #tpu.memory_space<vmem>> -> memref<1x128xi32, #tpu.memory_space<vmem>>
        %dma_start3A_213 = tpu.memref_squeeze %dma_start3A_212 : memref<1x128xi32, #tpu.memory_space<vmem>> -> memref<128xi32, #tpu.memory_space<vmem>>
        %dma_start3A_214 = arith.constant 0 : i32
        %dma_start3A_215 = arith.constant 0 : i32
        %dma_start3A_216 = tpu.memref_slice %arg10[%dma_start3A_214, %dma_start3A_215] : memref<10000x128xf32, #tpu.memory_space<vmem_shared>> -> memref<10000x128xf32, #tpu.memory_space<vmem_shared>>
        tpu.enqueue_indirect_dma source(%arg8 : memref<128x128xf32, #tpu.memory_space<vmem>>) target(%dma_start3A_216 : memref<10000x128xf32, #tpu.memory_space<vmem_shared>>) offsets(%dma_start3A_213 : memref<128xi32, #tpu.memory_space<vmem>>) semaphore(%run_scoped3A_210 : memref<!tpu.dma_semaphore, #tpu.memory_space<semaphore_mem>>) {add = true}
        %dma_wait3A_217 = arith.constant 0 : i32
        %dma_wait3A_218 = tpu.memref_slice %arg6[%run_scoped3A_209, %dma_wait3A_217] : memref<2x128xi32, #tpu.memory_space<vmem>> -> memref<1x128xi32, #tpu.memory_space<vmem>>
        %dma_wait3A_219 = tpu.memref_squeeze %dma_wait3A_218 : memref<1x128xi32, #tpu.memory_space<vmem>> -> memref<128xi32, #tpu.memory_space<vmem>>
        %dma_wait3A_220 = arith.constant 0 : i32
        %dma_wait3A_221 = arith.constant 0 : i32
        %dma_wait3A_222 = tpu.memref_slice %arg10[%dma_wait3A_220, %dma_wait3A_221] : memref<10000x128xf32, #tpu.memory_space<vmem_shared>> -> memref<10000x128xf32, #tpu.memory_space<vmem_shared>>
        tpu.wait_indirect_dma semaphore(%run_scoped3A_210 : memref<!tpu.dma_semaphore, #tpu.memory_space<semaphore_mem>>) src(%arg8 : memref<128x128xf32, #tpu.memory_space<vmem>>) dst(%dma_wait3A_222 : memref<10000x128xf32, #tpu.memory_space<vmem_shared>>)
        tpu.yield
      }) : () -> ()
    } else {
    }
    %barrier3A_70 = arith.constant 0 : index
    tpu.barrier barrier_id(%barrier3A_70)
    %add3A_71 = arith.constant 0 : i32
    %add3A_72 = arith.addi %multiple_of3A, %add3A_71 : i32
    "tpu.region"() ({
      %run_scoped3A_190 = tpu.sem_alloc : memref<!tpu.dma_semaphore, #tpu.memory_space<semaphore_mem>>
      %dma_start3A_191 = arith.constant 0 : i32
      %dma_start3A_192 = arith.constant 0 : i32
      %dma_start3A_193 = tpu.memref_slice %arg8[%dma_start3A_191, %dma_start3A_192] : memref<128x128xf32, #tpu.memory_space<vmem>> -> memref<128x128xf32, #tpu.memory_space<vmem>>
      %dma_start3A_194 = arith.constant 0 : i32
      %dma_start3A_195 = tpu.memref_slice %arg10[%add3A_72, %dma_start3A_194] : memref<10000x128xf32, #tpu.memory_space<vmem_shared>> -> memref<128x128xf32, #tpu.memory_space<vmem_shared>>
      %dma_start3A_196 = arith.constant 0 : i32
      %dma_start3A_197 = arith.constant 0 : i32
      %dma_start3A_198 = tpu.memref_slice %arg8[%dma_start3A_196, %dma_start3A_197] : memref<128x128xf32, #tpu.memory_space<vmem>> -> memref<128x128xf32, #tpu.memory_space<vmem>>
      %dma_start3A_199 = arith.constant 0 : i32
      %dma_start3A_200 = tpu.memref_slice %arg10[%add3A_72, %dma_start3A_199] : memref<10000x128xf32, #tpu.memory_space<vmem_shared>> -> memref<128x128xf32, #tpu.memory_space<vmem_shared>>
      tpu.enqueue_dma source(%dma_start3A_200 : memref<128x128xf32, #tpu.memory_space<vmem_shared>>) target(%dma_start3A_198 : memref<128x128xf32, #tpu.memory_space<vmem>>) target_semaphore(%run_scoped3A_190 : memref<!tpu.dma_semaphore, #tpu.memory_space<semaphore_mem>>)
      %dma_wait3A_201 = arith.constant 0 : i32
      %dma_wait3A_202 = arith.constant 0 : i32
      %dma_wait3A_203 = tpu.memref_slice %arg8[%dma_wait3A_201, %dma_wait3A_202] : memref<128x128xf32, #tpu.memory_space<vmem>> -> memref<128x128xf32, #tpu.memory_space<vmem>>
      %dma_wait3A_204 = arith.constant 0 : i32
      %dma_wait3A_205 = tpu.memref_slice %arg10[%add3A_72, %dma_wait3A_204] : memref<10000x128xf32, #tpu.memory_space<vmem_shared>> -> memref<128x128xf32, #tpu.memory_space<vmem_shared>>
      %dma_wait3A_206 = arith.constant 0 : i32
      %dma_wait3A_207 = arith.constant 0 : i32
      %dma_wait3A_208 = tpu.memref_slice %arg8[%dma_wait3A_206, %dma_wait3A_207] : memref<128x128xf32, #tpu.memory_space<vmem>> -> memref<128x128xf32, #tpu.memory_space<vmem>>
      %dma_wait3A_209 = arith.constant 0 : i32
      %dma_wait3A_210 = tpu.memref_slice %arg10[%add3A_72, %dma_wait3A_209] : memref<10000x128xf32, #tpu.memory_space<vmem_shared>> -> memref<128x128xf32, #tpu.memory_space<vmem_shared>>
      tpu.wait_dma2 semaphore(%run_scoped3A_190 : memref<!tpu.dma_semaphore, #tpu.memory_space<semaphore_mem>>) src(%dma_wait3A_210 : memref<128x128xf32, #tpu.memory_space<vmem_shared>>) dst(%dma_wait3A_208 : memref<128x128xf32, #tpu.memory_space<vmem>>)
      tpu.yield
    }) : () -> ()
    %add3A_73 = arith.constant 0 : i32
    %add3A_74 = arith.addi %multiple_of3A, %add3A_73 : i32
    "tpu.region"() ({
      %run_scoped3A_190 = tpu.sem_alloc : memref<!tpu.dma_semaphore, #tpu.memory_space<semaphore_mem>>
      %dma_start3A_191 = arith.constant 0 : i32
      %dma_start3A_192 = arith.constant 0 : i32
      %dma_start3A_193 = tpu.memref_slice %arg8[%dma_start3A_191, %dma_start3A_192] : memref<128x128xf32, #tpu.memory_space<vmem>> -> memref<128x128xf32, #tpu.memory_space<vmem>>
      %dma_start3A_194 = arith.constant 0 : i32
      %dma_start3A_195 = arith.constant 0 : i32
      %dma_start3A_196 = tpu.memref_slice %arg4[%arg0, %dma_start3A_194, %dma_start3A_195] : memref<2x10000x128xf32, #tpu.memory_space<hbm>> -> memref<1x10000x128xf32, #tpu.memory_space<hbm>>
      %dma_start3A_197 = tpu.memref_squeeze %dma_start3A_196 : memref<1x10000x128xf32, #tpu.memory_space<hbm>> -> memref<10000x128xf32, #tpu.memory_space<hbm>>
      %dma_start3A_198 = arith.constant 0 : i32
      %dma_start3A_199 = tpu.memref_slice %dma_start3A_197[%add3A_74, %dma_start3A_198] : memref<10000x128xf32, #tpu.memory_space<hbm>> -> memref<128x128xf32, #tpu.memory_space<hbm>>
      %dma_start3A_200 = arith.constant 0 : i32
      %dma_start3A_201 = arith.constant 0 : i32
      %dma_start3A_202 = tpu.memref_slice %arg4[%arg0, %dma_start3A_200, %dma_start3A_201] : memref<2x10000x128xf32, #tpu.memory_space<hbm>> -> memref<1x10000x128xf32, #tpu.memory_space<hbm>>
      %dma_start3A_203 = tpu.memref_squeeze %dma_start3A_202 : memref<1x10000x128xf32, #tpu.memory_space<hbm>> -> memref<10000x128xf32, #tpu.memory_space<hbm>>
      %dma_start3A_204 = arith.constant 0 : i32
      %dma_start3A_205 = tpu.memref_slice %dma_start3A_203[%add3A_74, %dma_start3A_204] : memref<10000x128xf32, #tpu.memory_space<hbm>> -> memref<128x128xf32, #tpu.memory_space<hbm>>
      %dma_start3A_206 = arith.constant 0 : i32
      %dma_start3A_207 = arith.constant 0 : i32
      %dma_start3A_208 = tpu.memref_slice %arg8[%dma_start3A_206, %dma_start3A_207] : memref<128x128xf32, #tpu.memory_space<vmem>> -> memref<128x128xf32, #tpu.memory_space<vmem>>
      tpu.enqueue_dma source(%dma_start3A_208 : memref<128x128xf32, #tpu.memory_space<vmem>>) target(%dma_start3A_205 : memref<128x128xf32, #tpu.memory_space<hbm>>) target_semaphore(%run_scoped3A_190 : memref<!tpu.dma_semaphore, #tpu.memory_space<semaphore_mem>>)
      %dma_wait3A_209 = arith.constant 0 : i32
      %dma_wait3A_210 = arith.constant 0 : i32
      %dma_wait3A_211 = tpu.memref_slice %arg8[%dma_wait3A_209, %dma_wait3A_210] : memref<128x128xf32, #tpu.memory_space<vmem>> -> memref<128x128xf32, #tpu.memory_space<vmem>>
      %dma_wait3A_212 = arith.constant 0 : i32
      %dma_wait3A_213 = arith.constant 0 : i32
      %dma_wait3A_214 = tpu.memref_slice %arg4[%arg0, %dma_wait3A_212, %dma_wait3A_213] : memref<2x10000x128xf32, #tpu.memory_space<hbm>> -> memref<1x10000x128xf32, #tpu.memory_space<hbm>>
      %dma_wait3A_215 = tpu.memref_squeeze %dma_wait3A_214 : memref<1x10000x128xf32, #tpu.memory_space<hbm>> -> memref<10000x128xf32, #tpu.memory_space<hbm>>
      %dma_wait3A_216 = arith.constant 0 : i32
      %dma_wait3A_217 = tpu.memref_slice %dma_wait3A_215[%add3A_74, %dma_wait3A_216] : memref<10000x128xf32, #tpu.memory_space<hbm>> -> memref<128x128xf32, #tpu.memory_space<hbm>>
      %dma_wait3A_218 = arith.constant 0 : i32
      %dma_wait3A_219 = arith.constant 0 : i32
      %dma_wait3A_220 = tpu.memref_slice %arg4[%arg0, %dma_wait3A_218, %dma_wait3A_219] : memref<2x10000x128xf32, #tpu.memory_space<hbm>> -> memref<1x10000x128xf32, #tpu.memory_space<hbm>>
      %dma_wait3A_221 = tpu.memref_squeeze %dma_wait3A_220 : memref<1x10000x128xf32, #tpu.memory_space<hbm>> -> memref<10000x128xf32, #tpu.memory_space<hbm>>
      %dma_wait3A_222 = arith.constant 0 : i32
      %dma_wait3A_223 = tpu.memref_slice %dma_wait3A_221[%add3A_74, %dma_wait3A_222] : memref<10000x128xf32, #tpu.memory_space<hbm>> -> memref<128x128xf32, #tpu.memory_space<hbm>>
      %dma_wait3A_224 = arith.constant 0 : i32
      %dma_wait3A_225 = arith.constant 0 : i32
      %dma_wait3A_226 = tpu.memref_slice %arg8[%dma_wait3A_224, %dma_wait3A_225] : memref<128x128xf32, #tpu.memory_space<vmem>> -> memref<128x128xf32, #tpu.memory_space<vmem>>
      tpu.wait_dma2 semaphore(%run_scoped3A_190 : memref<!tpu.dma_semaphore, #tpu.memory_space<semaphore_mem>>) src(%dma_wait3A_226 : memref<128x128xf32, #tpu.memory_space<vmem>>) dst(%dma_wait3A_223 : memref<128x128xf32, #tpu.memory_space<hbm>>)
      tpu.yield
    }) : () -> ()
    %add3A_75 = arith.constant 128 : i32
    %add3A_76 = arith.addi %multiple_of3A, %add3A_75 : i32
    "tpu.region"() ({
      %run_scoped3A_190 = tpu.sem_alloc : memref<!tpu.dma_semaphore, #tpu.memory_space<semaphore_mem>>
      %dma_start3A_191 = arith.constant 0 : i32
      %dma_start3A_192 = arith.constant 0 : i32
      %dma_start3A_193 = tpu.memref_slice %arg8[%dma_start3A_191, %dma_start3A_192] : memref<128x128xf32, #tpu.memory_space<vmem>> -> memref<128x128xf32, #tpu.memory_space<vmem>>
      %dma_start3A_194 = arith.constant 0 : i32
      %dma_start3A_195 = tpu.memref_slice %arg10[%add3A_76, %dma_start3A_194] : memref<10000x128xf32, #tpu.memory_space<vmem_shared>> -> memref<128x128xf32, #tpu.memory_space<vmem_shared>>
      %dma_start3A_196 = arith.constant 0 : i32
      %dma_start3A_197 = arith.constant 0 : i32
      %dma_start3A_198 = tpu.memref_slice %arg8[%dma_start3A_196, %dma_start3A_197] : memref<128x128xf32, #tpu.memory_space<vmem>> -> memref<128x128xf32, #tpu.memory_space<vmem>>
      %dma_start3A_199 = arith.constant 0 : i32
      %dma_start3A_200 = tpu.memref_slice %arg10[%add3A_76, %dma_start3A_199] : memref<10000x128xf32, #tpu.memory_space<vmem_shared>> -> memref<128x128xf32, #tpu.memory_space<vmem_shared>>
      tpu.enqueue_dma source(%dma_start3A_200 : memref<128x128xf32, #tpu.memory_space<vmem_shared>>) target(%dma_start3A_198 : memref<128x128xf32, #tpu.memory_space<vmem>>) target_semaphore(%run_scoped3A_190 : memref<!tpu.dma_semaphore, #tpu.memory_space<semaphore_mem>>)
      %dma_wait3A_201 = arith.constant 0 : i32
      %dma_wait3A_202 = arith.constant 0 : i32
      %dma_wait3A_203 = tpu.memref_slice %arg8[%dma_wait3A_201, %dma_wait3A_202] : memref<128x128xf32, #tpu.memory_space<vmem>> -> memref<128x128xf32, #tpu.memory_space<vmem>>
      %dma_wait3A_204 = arith.constant 0 : i32
      %dma_wait3A_205 = tpu.memref_slice %arg10[%add3A_76, %dma_wait3A_204] : memref<10000x128xf32, #tpu.memory_space<vmem_shared>> -> memref<128x128xf32, #tpu.memory_space<vmem_shared>>
      %dma_wait3A_206 = arith.constant 0 : i32
      %dma_wait3A_207 = arith.constant 0 : i32
      %dma_wait3A_208 = tpu.memref_slice %arg8[%dma_wait3A_206, %dma_wait3A_207] : memref<128x128xf32, #tpu.memory_space<vmem>> -> memref<128x128xf32, #tpu.memory_space<vmem>>
      %dma_wait3A_209 = arith.constant 0 : i32
      %dma_wait3A_210 = tpu.memref_slice %arg10[%add3A_76, %dma_wait3A_209] : memref<10000x128xf32, #tpu.memory_space<vmem_shared>> -> memref<128x128xf32, #tpu.memory_space<vmem_shared>>
      tpu.wait_dma2 semaphore(%run_scoped3A_190 : memref<!tpu.dma_semaphore, #tpu.memory_space<semaphore_mem>>) src(%dma_wait3A_210 : memref<128x128xf32, #tpu.memory_space<vmem_shared>>) dst(%dma_wait3A_208 : memref<128x128xf32, #tpu.memory_space<vmem>>)
      tpu.yield
    }) : () -> ()
    %add3A_77 = arith.constant 128 : i32
    %add3A_78 = arith.addi %multiple_of3A, %add3A_77 : i32
    "tpu.region"() ({
      %run_scoped3A_190 = tpu.sem_alloc : memref<!tpu.dma_semaphore, #tpu.memory_space<semaphore_mem>>
      %dma_start3A_191 = arith.constant 0 : i32
      %dma_start3A_192 = arith.constant 0 : i32
      %dma_start3A_193 = tpu.memref_slice %arg8[%dma_start3A_191, %dma_start3A_192] : memref<128x128xf32, #tpu.memory_space<vmem>> -> memref<128x128xf32, #tpu.memory_space<vmem>>
      %dma_start3A_194 = arith.constant 0 : i32
      %dma_start3A_195 = arith.constant 0 : i32
      %dma_start3A_196 = tpu.memref_slice %arg4[%arg0, %dma_start3A_194, %dma_start3A_195] : memref<2x10000x128xf32, #tpu.memory_space<hbm>> -> memref<1x10000x128xf32, #tpu.memory_space<hbm>>
      %dma_start3A_197 = tpu.memref_squeeze %dma_start3A_196 : memref<1x10000x128xf32, #tpu.memory_space<hbm>> -> memref<10000x128xf32, #tpu.memory_space<hbm>>
      %dma_start3A_198 = arith.constant 0 : i32
      %dma_start3A_199 = tpu.memref_slice %dma_start3A_197[%add3A_78, %dma_start3A_198] : memref<10000x128xf32, #tpu.memory_space<hbm>> -> memref<128x128xf32, #tpu.memory_space<hbm>>
      %dma_start3A_200 = arith.constant 0 : i32
      %dma_start3A_201 = arith.constant 0 : i32
      %dma_start3A_202 = tpu.memref_slice %arg4[%arg0, %dma_start3A_200, %dma_start3A_201] : memref<2x10000x128xf32, #tpu.memory_space<hbm>> -> memref<1x10000x128xf32, #tpu.memory_space<hbm>>
      %dma_start3A_203 = tpu.memref_squeeze %dma_start3A_202 : memref<1x10000x128xf32, #tpu.memory_space<hbm>> -> memref<10000x128xf32, #tpu.memory_space<hbm>>
      %dma_start3A_204 = arith.constant 0 : i32
      %dma_start3A_205 = tpu.memref_slice %dma_start3A_203[%add3A_78, %dma_start3A_204] : memref<10000x128xf32, #tpu.memory_space<hbm>> -> memref<128x128xf32, #tpu.memory_space<hbm>>
      %dma_start3A_206 = arith.constant 0 : i32
      %dma_start3A_207 = arith.constant 0 : i32
      %dma_start3A_208 = tpu.memref_slice %arg8[%dma_start3A_206, %dma_start3A_207] : memref<128x128xf32, #tpu.memory_space<vmem>> -> memref<128x128xf32, #tpu.memory_space<vmem>>
      tpu.enqueue_dma source(%dma_start3A_208 : memref<128x128xf32, #tpu.memory_space<vmem>>) target(%dma_start3A_205 : memref<128x128xf32, #tpu.memory_space<hbm>>) target_semaphore(%run_scoped3A_190 : memref<!tpu.dma_semaphore, #tpu.memory_space<semaphore_mem>>)
      %dma_wait3A_209 = arith.constant 0 : i32
      %dma_wait3A_210 = arith.constant 0 : i32
      %dma_wait3A_211 = tpu.memref_slice %arg8[%dma_wait3A_209, %dma_wait3A_210] : memref<128x128xf32, #tpu.memory_space<vmem>> -> memref<128x128xf32, #tpu.memory_space<vmem>>
      %dma_wait3A_212 = arith.constant 0 : i32
      %dma_wait3A_213 = arith.constant 0 : i32
      %dma_wait3A_214 = tpu.memref_slice %arg4[%arg0, %dma_wait3A_212, %dma_wait3A_213] : memref<2x10000x128xf32, #tpu.memory_space<hbm>> -> memref<1x10000x128xf32, #tpu.memory_space<hbm>>
      %dma_wait3A_215 = tpu.memref_squeeze %dma_wait3A_214 : memref<1x10000x128xf32, #tpu.memory_space<hbm>> -> memref<10000x128xf32, #tpu.memory_space<hbm>>
      %dma_wait3A_216 = arith.constant 0 : i32
      %dma_wait3A_217 = tpu.memref_slice %dma_wait3A_215[%add3A_78, %dma_wait3A_216] : memref<10000x128xf32, #tpu.memory_space<hbm>> -> memref<128x128xf32, #tpu.memory_space<hbm>>
      %dma_wait3A_218 = arith.constant 0 : i32
      %dma_wait3A_219 = arith.constant 0 : i32
      %dma_wait3A_220 = tpu.memref_slice %arg4[%arg0, %dma_wait3A_218, %dma_wait3A_219] : memref<2x10000x128xf32, #tpu.memory_space<hbm>> -> memref<1x10000x128xf32, #tpu.memory_space<hbm>>
      %dma_wait3A_221 = tpu.memref_squeeze %dma_wait3A_220 : memref<1x10000x128xf32, #tpu.memory_space<hbm>> -> memref<10000x128xf32, #tpu.memory_space<hbm>>
      %dma_wait3A_222 = arith.constant 0 : i32
      %dma_wait3A_223 = tpu.memref_slice %dma_wait3A_221[%add3A_78, %dma_wait3A_222] : memref<10000x128xf32, #tpu.memory_space<hbm>> -> memref<128x128xf32, #tpu.memory_space<hbm>>
      %dma_wait3A_224 = arith.constant 0 : i32
      %dma_wait3A_225 = arith.constant 0 : i32
      %dma_wait3A_226 = tpu.memref_slice %arg8[%dma_wait3A_224, %dma_wait3A_225] : memref<128x128xf32, #tpu.memory_space<vmem>> -> memref<128x128xf32, #tpu.memory_space<vmem>>
      tpu.wait_dma2 semaphore(%run_scoped3A_190 : memref<!tpu.dma_semaphore, #tpu.memory_space<semaphore_mem>>) src(%dma_wait3A_226 : memref<128x128xf32, #tpu.memory_space<vmem>>) dst(%dma_wait3A_223 : memref<128x128xf32, #tpu.memory_space<hbm>>)
      tpu.yield
    }) : () -> ()
    %add3A_79 = arith.constant 256 : i32
    %add3A_80 = arith.addi %multiple_of3A, %add3A_79 : i32
    "tpu.region"() ({
      %run_scoped3A_190 = tpu.sem_alloc : memref<!tpu.dma_semaphore, #tpu.memory_space<semaphore_mem>>
      %dma_start3A_191 = arith.constant 0 : i32
      %dma_start3A_192 = arith.constant 0 : i32
      %dma_start3A_193 = tpu.memref_slice %arg8[%dma_start3A_191, %dma_start3A_192] : memref<128x128xf32, #tpu.memory_space<vmem>> -> memref<128x128xf32, #tpu.memory_space<vmem>>
      %dma_start3A_194 = arith.constant 0 : i32
      %dma_start3A_195 = tpu.memref_slice %arg10[%add3A_80, %dma_start3A_194] : memref<10000x128xf32, #tpu.memory_space<vmem_shared>> -> memref<128x128xf32, #tpu.memory_space<vmem_shared>>
      %dma_start3A_196 = arith.constant 0 : i32
      %dma_start3A_197 = arith.constant 0 : i32
      %dma_start3A_198 = tpu.memref_slice %arg8[%dma_start3A_196, %dma_start3A_197] : memref<128x128xf32, #tpu.memory_space<vmem>> -> memref<128x128xf32, #tpu.memory_space<vmem>>
      %dma_start3A_199 = arith.constant 0 : i32
      %dma_start3A_200 = tpu.memref_slice %arg10[%add3A_80, %dma_start3A_199] : memref<10000x128xf32, #tpu.memory_space<vmem_shared>> -> memref<128x128xf32, #tpu.memory_space<vmem_shared>>
      tpu.enqueue_dma source(%dma_start3A_200 : memref<128x128xf32, #tpu.memory_space<vmem_shared>>) target(%dma_start3A_198 : memref<128x128xf32, #tpu.memory_space<vmem>>) target_semaphore(%run_scoped3A_190 : memref<!tpu.dma_semaphore, #tpu.memory_space<semaphore_mem>>)
      %dma_wait3A_201 = arith.constant 0 : i32
      %dma_wait3A_202 = arith.constant 0 : i32
      %dma_wait3A_203 = tpu.memref_slice %arg8[%dma_wait3A_201, %dma_wait3A_202] : memref<128x128xf32, #tpu.memory_space<vmem>> -> memref<128x128xf32, #tpu.memory_space<vmem>>
      %dma_wait3A_204 = arith.constant 0 : i32
      %dma_wait3A_205 = tpu.memref_slice %arg10[%add3A_80, %dma_wait3A_204] : memref<10000x128xf32, #tpu.memory_space<vmem_shared>> -> memref<128x128xf32, #tpu.memory_space<vmem_shared>>
      %dma_wait3A_206 = arith.constant 0 : i32
      %dma_wait3A_207 = arith.constant 0 : i32
      %dma_wait3A_208 = tpu.memref_slice %arg8[%dma_wait3A_206, %dma_wait3A_207] : memref<128x128xf32, #tpu.memory_space<vmem>> -> memref<128x128xf32, #tpu.memory_space<vmem>>
      %dma_wait3A_209 = arith.constant 0 : i32
      %dma_wait3A_210 = tpu.memref_slice %arg10[%add3A_80, %dma_wait3A_209] : memref<10000x128xf32, #tpu.memory_space<vmem_shared>> -> memref<128x128xf32, #tpu.memory_space<vmem_shared>>
      tpu.wait_dma2 semaphore(%run_scoped3A_190 : memref<!tpu.dma_semaphore, #tpu.memory_space<semaphore_mem>>) src(%dma_wait3A_210 : memref<128x128xf32, #tpu.memory_space<vmem_shared>>) dst(%dma_wait3A_208 : memref<128x128xf32, #tpu.memory_space<vmem>>)
      tpu.yield
    }) : () -> ()
    %add3A_81 = arith.constant 256 : i32
    %add3A_82 = arith.addi %multiple_of3A, %add3A_81 : i32
    "tpu.region"() ({
      %run_scoped3A_190 = tpu.sem_alloc : memref<!tpu.dma_semaphore, #tpu.memory_space<semaphore_mem>>
      %dma_start3A_191 = arith.constant 0 : i32
      %dma_start3A_192 = arith.constant 0 : i32
      %dma_start3A_193 = tpu.memref_slice %arg8[%dma_start3A_191, %dma_start3A_192] : memref<128x128xf32, #tpu.memory_space<vmem>> -> memref<128x128xf32, #tpu.memory_space<vmem>>
      %dma_start3A_194 = arith.constant 0 : i32
      %dma_start3A_195 = arith.constant 0 : i32
      %dma_start3A_196 = tpu.memref_slice %arg4[%arg0, %dma_start3A_194, %dma_start3A_195] : memref<2x10000x128xf32, #tpu.memory_space<hbm>> -> memref<1x10000x128xf32, #tpu.memory_space<hbm>>
      %dma_start3A_197 = tpu.memref_squeeze %dma_start3A_196 : memref<1x10000x128xf32, #tpu.memory_space<hbm>> -> memref<10000x128xf32, #tpu.memory_space<hbm>>
      %dma_start3A_198 = arith.constant 0 : i32
      %dma_start3A_199 = tpu.memref_slice %dma_start3A_197[%add3A_82, %dma_start3A_198] : memref<10000x128xf32, #tpu.memory_space<hbm>> -> memref<128x128xf32, #tpu.memory_space<hbm>>
      %dma_start3A_200 = arith.constant 0 : i32
      %dma_start3A_201 = arith.constant 0 : i32
      %dma_start3A_202 = tpu.memref_slice %arg4[%arg0, %dma_start3A_200, %dma_start3A_201] : memref<2x10000x128xf32, #tpu.memory_space<hbm>> -> memref<1x10000x128xf32, #tpu.memory_space<hbm>>
      %dma_start3A_203 = tpu.memref_squeeze %dma_start3A_202 : memref<1x10000x128xf32, #tpu.memory_space<hbm>> -> memref<10000x128xf32, #tpu.memory_space<hbm>>
      %dma_start3A_204 = arith.constant 0 : i32
      %dma_start3A_205 = tpu.memref_slice %dma_start3A_203[%add3A_82, %dma_start3A_204] : memref<10000x128xf32, #tpu.memory_space<hbm>> -> memref<128x128xf32, #tpu.memory_space<hbm>>
      %dma_start3A_206 = arith.constant 0 : i32
      %dma_start3A_207 = arith.constant 0 : i32
      %dma_start3A_208 = tpu.memref_slice %arg8[%dma_start3A_206, %dma_start3A_207] : memref<128x128xf32, #tpu.memory_space<vmem>> -> memref<128x128xf32, #tpu.memory_space<vmem>>
      tpu.enqueue_dma source(%dma_start3A_208 : memref<128x128xf32, #tpu.memory_space<vmem>>) target(%dma_start3A_205 : memref<128x128xf32, #tpu.memory_space<hbm>>) target_semaphore(%run_scoped3A_190 : memref<!tpu.dma_semaphore, #tpu.memory_space<semaphore_mem>>)
      %dma_wait3A_209 = arith.constant 0 : i32
      %dma_wait3A_210 = arith.constant 0 : i32
      %dma_wait3A_211 = tpu.memref_slice %arg8[%dma_wait3A_209, %dma_wait3A_210] : memref<128x128xf32, #tpu.memory_space<vmem>> -> memref<128x128xf32, #tpu.memory_space<vmem>>
      %dma_wait3A_212 = arith.constant 0 : i32
      %dma_wait3A_213 = arith.constant 0 : i32
      %dma_wait3A_214 = tpu.memref_slice %arg4[%arg0, %dma_wait3A_212, %dma_wait3A_213] : memref<2x10000x128xf32, #tpu.memory_space<hbm>> -> memref<1x10000x128xf32, #tpu.memory_space<hbm>>
      %dma_wait3A_215 = tpu.memref_squeeze %dma_wait3A_214 : memref<1x10000x128xf32, #tpu.memory_space<hbm>> -> memref<10000x128xf32, #tpu.memory_space<hbm>>
      %dma_wait3A_216 = arith.constant 0 : i32
      %dma_wait3A_217 = tpu.memref_slice %dma_wait3A_215[%add3A_82, %dma_wait3A_216] : memref<10000x128xf32, #tpu.memory_space<hbm>> -> memref<128x128xf32, #tpu.memory_space<hbm>>
      %dma_wait3A_218 = arith.constant 0 : i32
      %dma_wait3A_219 = arith.constant 0 : i32
      %dma_wait3A_220 = tpu.memref_slice %arg4[%arg0, %dma_wait3A_218, %dma_wait3A_219] : memref<2x10000x128xf32, #tpu.memory_space<hbm>> -> memref<1x10000x128xf32, #tpu.memory_space<hbm>>
      %dma_wait3A_221 = tpu.memref_squeeze %dma_wait3A_220 : memref<1x10000x128xf32, #tpu.memory_space<hbm>> -> memref<10000x128xf32, #tpu.memory_space<hbm>>
      %dma_wait3A_222 = arith.constant 0 : i32
      %dma_wait3A_223 = tpu.memref_slice %dma_wait3A_221[%add3A_82, %dma_wait3A_222] : memref<10000x128xf32, #tpu.memory_space<hbm>> -> memref<128x128xf32, #tpu.memory_space<hbm>>
      %dma_wait3A_224 = arith.constant 0 : i32
      %dma_wait3A_225 = arith.constant 0 : i32
      %dma_wait3A_226 = tpu.memref_slice %arg8[%dma_wait3A_224, %dma_wait3A_225] : memref<128x128xf32, #tpu.memory_space<vmem>> -> memref<128x128xf32, #tpu.memory_space<vmem>>
      tpu.wait_dma2 semaphore(%run_scoped3A_190 : memref<!tpu.dma_semaphore, #tpu.memory_space<semaphore_mem>>) src(%dma_wait3A_226 : memref<128x128xf32, #tpu.memory_space<vmem>>) dst(%dma_wait3A_223 : memref<128x128xf32, #tpu.memory_space<hbm>>)
      tpu.yield
    }) : () -> ()
    %add3A_83 = arith.constant 384 : i32
    %add3A_84 = arith.addi %multiple_of3A, %add3A_83 : i32
    "tpu.region"() ({
      %run_scoped3A_190 = tpu.sem_alloc : memref<!tpu.dma_semaphore, #tpu.memory_space<semaphore_mem>>
      %dma_start3A_191 = arith.constant 0 : i32
      %dma_start3A_192 = arith.constant 0 : i32
      %dma_start3A_193 = tpu.memref_slice %arg8[%dma_start3A_191, %dma_start3A_192] : memref<128x128xf32, #tpu.memory_space<vmem>> -> memref<128x128xf32, #tpu.memory_space<vmem>>
      %dma_start3A_194 = arith.constant 0 : i32
      %dma_start3A_195 = tpu.memref_slice %arg10[%add3A_84, %dma_start3A_194] : memref<10000x128xf32, #tpu.memory_space<vmem_shared>> -> memref<128x128xf32, #tpu.memory_space<vmem_shared>>
      %dma_start3A_196 = arith.constant 0 : i32
      %dma_start3A_197 = arith.constant 0 : i32
      %dma_start3A_198 = tpu.memref_slice %arg8[%dma_start3A_196, %dma_start3A_197] : memref<128x128xf32, #tpu.memory_space<vmem>> -> memref<128x128xf32, #tpu.memory_space<vmem>>
      %dma_start3A_199 = arith.constant 0 : i32
      %dma_start3A_200 = tpu.memref_slice %arg10[%add3A_84, %dma_start3A_199] : memref<10000x128xf32, #tpu.memory_space<vmem_shared>> -> memref<128x128xf32, #tpu.memory_space<vmem_shared>>
      tpu.enqueue_dma source(%dma_start3A_200 : memref<128x128xf32, #tpu.memory_space<vmem_shared>>) target(%dma_start3A_198 : memref<128x128xf32, #tpu.memory_space<vmem>>) target_semaphore(%run_scoped3A_190 : memref<!tpu.dma_semaphore, #tpu.memory_space<semaphore_mem>>)
      %dma_wait3A_201 = arith.constant 0 : i32
      %dma_wait3A_202 = arith.constant 0 : i32
      %dma_wait3A_203 = tpu.memref_slice %arg8[%dma_wait3A_201, %dma_wait3A_202] : memref<128x128xf32, #tpu.memory_space<vmem>> -> memref<128x128xf32, #tpu.memory_space<vmem>>
      %dma_wait3A_204 = arith.constant 0 : i32
      %dma_wait3A_205 = tpu.memref_slice %arg10[%add3A_84, %dma_wait3A_204] : memref<10000x128xf32, #tpu.memory_space<vmem_shared>> -> memref<128x128xf32, #tpu.memory_space<vmem_shared>>
      %dma_wait3A_206 = arith.constant 0 : i32
      %dma_wait3A_207 = arith.constant 0 : i32
      %dma_wait3A_208 = tpu.memref_slice %arg8[%dma_wait3A_206, %dma_wait3A_207] : memref<128x128xf32, #tpu.memory_space<vmem>> -> memref<128x128xf32, #tpu.memory_space<vmem>>
      %dma_wait3A_209 = arith.constant 0 : i32
      %dma_wait3A_210 = tpu.memref_slice %arg10[%add3A_84, %dma_wait3A_209] : memref<10000x128xf32, #tpu.memory_space<vmem_shared>> -> memref<128x128xf32, #tpu.memory_space<vmem_shared>>
      tpu.wait_dma2 semaphore(%run_scoped3A_190 : memref<!tpu.dma_semaphore, #tpu.memory_space<semaphore_mem>>) src(%dma_wait3A_210 : memref<128x128xf32, #tpu.memory_space<vmem_shared>>) dst(%dma_wait3A_208 : memref<128x128xf32, #tpu.memory_space<vmem>>)
      tpu.yield
    }) : () -> ()
    %add3A_85 = arith.constant 384 : i32
    %add3A_86 = arith.addi %multiple_of3A, %add3A_85 : i32
    "tpu.region"() ({
      %run_scoped3A_190 = tpu.sem_alloc : memref<!tpu.dma_semaphore, #tpu.memory_space<semaphore_mem>>
      %dma_start3A_191 = arith.constant 0 : i32
      %dma_start3A_192 = arith.constant 0 : i32
      %dma_start3A_193 = tpu.memref_slice %arg8[%dma_start3A_191, %dma_start3A_192] : memref<128x128xf32, #tpu.memory_space<vmem>> -> memref<128x128xf32, #tpu.memory_space<vmem>>
      %dma_start3A_194 = arith.constant 0 : i32
      %dma_start3A_195 = arith.constant 0 : i32
      %dma_start3A_196 = tpu.memref_slice %arg4[%arg0, %dma_start3A_194, %dma_start3A_195] : memref<2x10000x128xf32, #tpu.memory_space<hbm>> -> memref<1x10000x128xf32, #tpu.memory_space<hbm>>
      %dma_start3A_197 = tpu.memref_squeeze %dma_start3A_196 : memref<1x10000x128xf32, #tpu.memory_space<hbm>> -> memref<10000x128xf32, #tpu.memory_space<hbm>>
      %dma_start3A_198 = arith.constant 0 : i32
      %dma_start3A_199 = tpu.memref_slice %dma_start3A_197[%add3A_86, %dma_start3A_198] : memref<10000x128xf32, #tpu.memory_space<hbm>> -> memref<128x128xf32, #tpu.memory_space<hbm>>
      %dma_start3A_200 = arith.constant 0 : i32
      %dma_start3A_201 = arith.constant 0 : i32
      %dma_start3A_202 = tpu.memref_slice %arg4[%arg0, %dma_start3A_200, %dma_start3A_201] : memref<2x10000x128xf32, #tpu.memory_space<hbm>> -> memref<1x10000x128xf32, #tpu.memory_space<hbm>>
      %dma_start3A_203 = tpu.memref_squeeze %dma_start3A_202 : memref<1x10000x128xf32, #tpu.memory_space<hbm>> -> memref<10000x128xf32, #tpu.memory_space<hbm>>
      %dma_start3A_204 = arith.constant 0 : i32
      %dma_start3A_205 = tpu.memref_slice %dma_start3A_203[%add3A_86, %dma_start3A_204] : memref<10000x128xf32, #tpu.memory_space<hbm>> -> memref<128x128xf32, #tpu.memory_space<hbm>>
      %dma_start3A_206 = arith.constant 0 : i32
      %dma_start3A_207 = arith.constant 0 : i32
      %dma_start3A_208 = tpu.memref_slice %arg8[%dma_start3A_206, %dma_start3A_207] : memref<128x128xf32, #tpu.memory_space<vmem>> -> memref<128x128xf32, #tpu.memory_space<vmem>>
      tpu.enqueue_dma source(%dma_start3A_208 : memref<128x128xf32, #tpu.memory_space<vmem>>) target(%dma_start3A_205 : memref<128x128xf32, #tpu.memory_space<hbm>>) target_semaphore(%run_scoped3A_190 : memref<!tpu.dma_semaphore, #tpu.memory_space<semaphore_mem>>)
      %dma_wait3A_209 = arith.constant 0 : i32
      %dma_wait3A_210 = arith.constant 0 : i32
      %dma_wait3A_211 = tpu.memref_slice %arg8[%dma_wait3A_209, %dma_wait3A_210] : memref<128x128xf32, #tpu.memory_space<vmem>> -> memref<128x128xf32, #tpu.memory_space<vmem>>
      %dma_wait3A_212 = arith.constant 0 : i32
      %dma_wait3A_213 = arith.constant 0 : i32
      %dma_wait3A_214 = tpu.memref_slice %arg4[%arg0, %dma_wait3A_212, %dma_wait3A_213] : memref<2x10000x128xf32, #tpu.memory_space<hbm>> -> memref<1x10000x128xf32, #tpu.memory_space<hbm>>
      %dma_wait3A_215 = tpu.memref_squeeze %dma_wait3A_214 : memref<1x10000x128xf32, #tpu.memory_space<hbm>> -> memref<10000x128xf32, #tpu.memory_space<hbm>>
      %dma_wait3A_216 = arith.constant 0 : i32
      %dma_wait3A_217 = tpu.memref_slice %dma_wait3A_215[%add3A_86, %dma_wait3A_216] : memref<10000x128xf32, #tpu.memory_space<hbm>> -> memref<128x128xf32, #tpu.memory_space<hbm>>
      %dma_wait3A_218 = arith.constant 0 : i32
      %dma_wait3A_219 = arith.constant 0 : i32
      %dma_wait3A_220 = tpu.memref_slice %arg4[%arg0, %dma_wait3A_218, %dma_wait3A_219] : memref<2x10000x128xf32, #tpu.memory_space<hbm>> -> memref<1x10000x128xf32, #tpu.memory_space<hbm>>
      %dma_wait3A_221 = tpu.memref_squeeze %dma_wait3A_220 : memref<1x10000x128xf32, #tpu.memory_space<hbm>> -> memref<10000x128xf32, #tpu.memory_space<hbm>>
      %dma_wait3A_222 = arith.constant 0 : i32
      %dma_wait3A_223 = tpu.memref_slice %dma_wait3A_221[%add3A_86, %dma_wait3A_222] : memref<10000x128xf32, #tpu.memory_space<hbm>> -> memref<128x128xf32, #tpu.memory_space<hbm>>
      %dma_wait3A_224 = arith.constant 0 : i32
      %dma_wait3A_225 = arith.constant 0 : i32
      %dma_wait3A_226 = tpu.memref_slice %arg8[%dma_wait3A_224, %dma_wait3A_225] : memref<128x128xf32, #tpu.memory_space<vmem>> -> memref<128x128xf32, #tpu.memory_space<vmem>>
      tpu.wait_dma2 semaphore(%run_scoped3A_190 : memref<!tpu.dma_semaphore, #tpu.memory_space<semaphore_mem>>) src(%dma_wait3A_226 : memref<128x128xf32, #tpu.memory_space<vmem>>) dst(%dma_wait3A_223 : memref<128x128xf32, #tpu.memory_space<hbm>>)
      tpu.yield
    }) : () -> ()
    %add3A_87 = arith.constant 512 : i32
    %add3A_88 = arith.addi %multiple_of3A, %add3A_87 : i32
    "tpu.region"() ({
      %run_scoped3A_190 = tpu.sem_alloc : memref<!tpu.dma_semaphore, #tpu.memory_space<semaphore_mem>>
      %dma_start3A_191 = arith.constant 0 : i32
      %dma_start3A_192 = arith.constant 0 : i32
      %dma_start3A_193 = tpu.memref_slice %arg8[%dma_start3A_191, %dma_start3A_192] : memref<128x128xf32, #tpu.memory_space<vmem>> -> memref<112x128xf32, #tpu.memory_space<vmem>>
      %dma_start3A_194 = arith.constant 0 : i32
      %dma_start3A_195 = tpu.memref_slice %arg10[%add3A_88, %dma_start3A_194] : memref<10000x128xf32, #tpu.memory_space<vmem_shared>> -> memref<112x128xf32, #tpu.memory_space<vmem_shared>>
      %dma_start3A_196 = arith.constant 0 : i32
      %dma_start3A_197 = arith.constant 0 : i32
      %dma_start3A_198 = tpu.memref_slice %arg8[%dma_start3A_196, %dma_start3A_197] : memref<128x128xf32, #tpu.memory_space<vmem>> -> memref<112x128xf32, #tpu.memory_space<vmem>>
      %dma_start3A_199 = arith.constant 0 : i32
      %dma_start3A_200 = tpu.memref_slice %arg10[%add3A_88, %dma_start3A_199] : memref<10000x128xf32, #tpu.memory_space<vmem_shared>> -> memref<112x128xf32, #tpu.memory_space<vmem_shared>>
      tpu.enqueue_dma source(%dma_start3A_200 : memref<112x128xf32, #tpu.memory_space<vmem_shared>>) target(%dma_start3A_198 : memref<112x128xf32, #tpu.memory_space<vmem>>) target_semaphore(%run_scoped3A_190 : memref<!tpu.dma_semaphore, #tpu.memory_space<semaphore_mem>>)
      %dma_wait3A_201 = arith.constant 0 : i32
      %dma_wait3A_202 = arith.constant 0 : i32
      %dma_wait3A_203 = tpu.memref_slice %arg8[%dma_wait3A_201, %dma_wait3A_202] : memref<128x128xf32, #tpu.memory_space<vmem>> -> memref<112x128xf32, #tpu.memory_space<vmem>>
      %dma_wait3A_204 = arith.constant 0 : i32
      %dma_wait3A_205 = tpu.memref_slice %arg10[%add3A_88, %dma_wait3A_204] : memref<10000x128xf32, #tpu.memory_space<vmem_shared>> -> memref<112x128xf32, #tpu.memory_space<vmem_shared>>
      %dma_wait3A_206 = arith.constant 0 : i32
      %dma_wait3A_207 = arith.constant 0 : i32
      %dma_wait3A_208 = tpu.memref_slice %arg8[%dma_wait3A_206, %dma_wait3A_207] : memref<128x128xf32, #tpu.memory_space<vmem>> -> memref<112x128xf32, #tpu.memory_space<vmem>>
      %dma_wait3A_209 = arith.constant 0 : i32
      %dma_wait3A_210 = tpu.memref_slice %arg10[%add3A_88, %dma_wait3A_209] : memref<10000x128xf32, #tpu.memory_space<vmem_shared>> -> memref<112x128xf32, #tpu.memory_space<vmem_shared>>
      tpu.wait_dma2 semaphore(%run_scoped3A_190 : memref<!tpu.dma_semaphore, #tpu.memory_space<semaphore_mem>>) src(%dma_wait3A_210 : memref<112x128xf32, #tpu.memory_space<vmem_shared>>) dst(%dma_wait3A_208 : memref<112x128xf32, #tpu.memory_space<vmem>>)
      tpu.yield
    }) : () -> ()
    %add3A_89 = arith.constant 512 : i32
    %add3A_90 = arith.addi %multiple_of3A, %add3A_89 : i32
    "tpu.region"() ({
      %run_scoped3A_190 = tpu.sem_alloc : memref<!tpu.dma_semaphore, #tpu.memory_space<semaphore_mem>>
      %dma_start3A_191 = arith.constant 0 : i32
      %dma_start3A_192 = arith.constant 0 : i32
      %dma_start3A_193 = tpu.memref_slice %arg8[%dma_start3A_191, %dma_start3A_192] : memref<128x128xf32, #tpu.memory_space<vmem>> -> memref<112x128xf32, #tpu.memory_space<vmem>>
      %dma_start3A_194 = arith.constant 0 : i32
      %dma_start3A_195 = arith.constant 0 : i32
      %dma_start3A_196 = tpu.memref_slice %arg4[%arg0, %dma_start3A_194, %dma_start3A_195] : memref<2x10000x128xf32, #tpu.memory_space<hbm>> -> memref<1x10000x128xf32, #tpu.memory_space<hbm>>
      %dma_start3A_197 = tpu.memref_squeeze %dma_start3A_196 : memref<1x10000x128xf32, #tpu.memory_space<hbm>> -> memref<10000x128xf32, #tpu.memory_space<hbm>>
      %dma_start3A_198 = arith.constant 0 : i32
      %dma_start3A_199 = tpu.memref_slice %dma_start3A_197[%add3A_90, %dma_start3A_198] : memref<10000x128xf32, #tpu.memory_space<hbm>> -> memref<112x128xf32, #tpu.memory_space<hbm>>
      %dma_start3A_200 = arith.constant 0 : i32
      %dma_start3A_201 = arith.constant 0 : i32
      %dma_start3A_202 = tpu.memref_slice %arg4[%arg0, %dma_start3A_200, %dma_start3A_201] : memref<2x10000x128xf32, #tpu.memory_space<hbm>> -> memref<1x10000x128xf32, #tpu.memory_space<hbm>>
      %dma_start3A_203 = tpu.memref_squeeze %dma_start3A_202 : memref<1x10000x128xf32, #tpu.memory_space<hbm>> -> memref<10000x128xf32, #tpu.memory_space<hbm>>
      %dma_start3A_204 = arith.constant 0 : i32
      %dma_start3A_205 = tpu.memref_slice %dma_start3A_203[%add3A_90, %dma_start3A_204] : memref<10000x128xf32, #tpu.memory_space<hbm>> -> memref<112x128xf32, #tpu.memory_space<hbm>>
      %dma_start3A_206 = arith.constant 0 : i32
      %dma_start3A_207 = arith.constant 0 : i32
      %dma_start3A_208 = tpu.memref_slice %arg8[%dma_start3A_206, %dma_start3A_207] : memref<128x128xf32, #tpu.memory_space<vmem>> -> memref<112x128xf32, #tpu.memory_space<vmem>>
      tpu.enqueue_dma source(%dma_start3A_208 : memref<112x128xf32, #tpu.memory_space<vmem>>) target(%dma_start3A_205 : memref<112x128xf32, #tpu.memory_space<hbm>>) target_semaphore(%run_scoped3A_190 : memref<!tpu.dma_semaphore, #tpu.memory_space<semaphore_mem>>)
      %dma_wait3A_209 = arith.constant 0 : i32
      %dma_wait3A_210 = arith.constant 0 : i32
      %dma_wait3A_211 = tpu.memref_slice %arg8[%dma_wait3A_209, %dma_wait3A_210] : memref<128x128xf32, #tpu.memory_space<vmem>> -> memref<112x128xf32, #tpu.memory_space<vmem>>
      %dma_wait3A_212 = arith.constant 0 : i32
      %dma_wait3A_213 = arith.constant 0 : i32
      %dma_wait3A_214 = tpu.memref_slice %arg4[%arg0, %dma_wait3A_212, %dma_wait3A_213] : memref<2x10000x128xf32, #tpu.memory_space<hbm>> -> memref<1x10000x128xf32, #tpu.memory_space<hbm>>
      %dma_wait3A_215 = tpu.memref_squeeze %dma_wait3A_214 : memref<1x10000x128xf32, #tpu.memory_space<hbm>> -> memref<10000x128xf32, #tpu.memory_space<hbm>>
      %dma_wait3A_216 = arith.constant 0 : i32
      %dma_wait3A_217 = tpu.memref_slice %dma_wait3A_215[%add3A_90, %dma_wait3A_216] : memref<10000x128xf32, #tpu.memory_space<hbm>> -> memref<112x128xf32, #tpu.memory_space<hbm>>
      %dma_wait3A_218 = arith.constant 0 : i32
      %dma_wait3A_219 = arith.constant 0 : i32
      %dma_wait3A_220 = tpu.memref_slice %arg4[%arg0, %dma_wait3A_218, %dma_wait3A_219] : memref<2x10000x128xf32, #tpu.memory_space<hbm>> -> memref<1x10000x128xf32, #tpu.memory_space<hbm>>
      %dma_wait3A_221 = tpu.memref_squeeze %dma_wait3A_220 : memref<1x10000x128xf32, #tpu.memory_space<hbm>> -> memref<10000x128xf32, #tpu.memory_space<hbm>>
      %dma_wait3A_222 = arith.constant 0 : i32
      %dma_wait3A_223 = tpu.memref_slice %dma_wait3A_221[%add3A_90, %dma_wait3A_222] : memref<10000x128xf32, #tpu.memory_space<hbm>> -> memref<112x128xf32, #tpu.memory_space<hbm>>
      %dma_wait3A_224 = arith.constant 0 : i32
      %dma_wait3A_225 = arith.constant 0 : i32
      %dma_wait3A_226 = tpu.memref_slice %arg8[%dma_wait3A_224, %dma_wait3A_225] : memref<128x128xf32, #tpu.memory_space<vmem>> -> memref<112x128xf32, #tpu.memory_space<vmem>>
      tpu.wait_dma2 semaphore(%run_scoped3A_190 : memref<!tpu.dma_semaphore, #tpu.memory_space<semaphore_mem>>) src(%dma_wait3A_226 : memref<112x128xf32, #tpu.memory_space<vmem>>) dst(%dma_wait3A_223 : memref<112x128xf32, #tpu.memory_space<hbm>>)
      tpu.yield
    }) : () -> ()
    %eq3A_91 = arith.constant 0 : i32
    %eq3A_92 = arith.cmpi eq, %arg1, %eq3A_91 : i32
    %convert_element_type3A_93 = arith.extui %eq3A_92 : i1 to i32
    %cond3A_94 = arith.constant 0 : i32
    %cond3A_95 = arith.cmpi ne, %convert_element_type3A_93, %cond3A_94 : i32
    scf.if %cond3A_95 {
      "tpu.region"() ({
        %run_scoped3A_190 = tpu.sem_alloc : memref<!tpu.dma_semaphore, #tpu.memory_space<semaphore_mem>>
        %dma_start3A_191 = arith.constant 0 : i32
        %dma_start3A_192 = arith.constant 0 : i32
        %dma_start3A_193 = tpu.memref_slice %arg8[%dma_start3A_191, %dma_start3A_192] : memref<128x128xf32, #tpu.memory_space<vmem>> -> memref<16x128xf32, #tpu.memory_space<vmem>>
        %dma_start3A_194 = arith.constant 9984 : i32
        %dma_start3A_195 = arith.constant 0 : i32
        %dma_start3A_196 = tpu.memref_slice %arg10[%dma_start3A_194, %dma_start3A_195] : memref<10000x128xf32, #tpu.memory_space<vmem_shared>> -> memref<16x128xf32, #tpu.memory_space<vmem_shared>>
        %dma_start3A_197 = arith.constant 0 : i32
        %dma_start3A_198 = arith.constant 0 : i32
        %dma_start3A_199 = tpu.memref_slice %arg8[%dma_start3A_197, %dma_start3A_198] : memref<128x128xf32, #tpu.memory_space<vmem>> -> memref<16x128xf32, #tpu.memory_space<vmem>>
        %dma_start3A_200 = arith.constant 9984 : i32
        %dma_start3A_201 = arith.constant 0 : i32
        %dma_start3A_202 = tpu.memref_slice %arg10[%dma_start3A_200, %dma_start3A_201] : memref<10000x128xf32, #tpu.memory_space<vmem_shared>> -> memref<16x128xf32, #tpu.memory_space<vmem_shared>>
        tpu.enqueue_dma source(%dma_start3A_202 : memref<16x128xf32, #tpu.memory_space<vmem_shared>>) target(%dma_start3A_199 : memref<16x128xf32, #tpu.memory_space<vmem>>) target_semaphore(%run_scoped3A_190 : memref<!tpu.dma_semaphore, #tpu.memory_space<semaphore_mem>>)
        %dma_wait3A_203 = arith.constant 0 : i32
        %dma_wait3A_204 = arith.constant 0 : i32
        %dma_wait3A_205 = tpu.memref_slice %arg8[%dma_wait3A_203, %dma_wait3A_204] : memref<128x128xf32, #tpu.memory_space<vmem>> -> memref<16x128xf32, #tpu.memory_space<vmem>>
        %dma_wait3A_206 = arith.constant 9984 : i32
        %dma_wait3A_207 = arith.constant 0 : i32
        %dma_wait3A_208 = tpu.memref_slice %arg10[%dma_wait3A_206, %dma_wait3A_207] : memref<10000x128xf32, #tpu.memory_space<vmem_shared>> -> memref<16x128xf32, #tpu.memory_space<vmem_shared>>
        %dma_wait3A_209 = arith.constant 0 : i32
        %dma_wait3A_210 = arith.constant 0 : i32
        %dma_wait3A_211 = tpu.memref_slice %arg8[%dma_wait3A_209, %dma_wait3A_210] : memref<128x128xf32, #tpu.memory_space<vmem>> -> memref<16x128xf32, #tpu.memory_space<vmem>>
        %dma_wait3A_212 = arith.constant 9984 : i32
        %dma_wait3A_213 = arith.constant 0 : i32
        %dma_wait3A_214 = tpu.memref_slice %arg10[%dma_wait3A_212, %dma_wait3A_213] : memref<10000x128xf32, #tpu.memory_space<vmem_shared>> -> memref<16x128xf32, #tpu.memory_space<vmem_shared>>
        tpu.wait_dma2 semaphore(%run_scoped3A_190 : memref<!tpu.dma_semaphore, #tpu.memory_space<semaphore_mem>>) src(%dma_wait3A_214 : memref<16x128xf32, #tpu.memory_space<vmem_shared>>) dst(%dma_wait3A_211 : memref<16x128xf32, #tpu.memory_space<vmem>>)
        tpu.yield
      }) : () -> ()
      "tpu.region"() ({
        %run_scoped3A_190 = tpu.sem_alloc : memref<!tpu.dma_semaphore, #tpu.memory_space<semaphore_mem>>
        %dma_start3A_191 = arith.constant 0 : i32
        %dma_start3A_192 = arith.constant 0 : i32
        %dma_start3A_193 = tpu.memref_slice %arg8[%dma_start3A_191, %dma_start3A_192] : memref<128x128xf32, #tpu.memory_space<vmem>> -> memref<16x128xf32, #tpu.memory_space<vmem>>
        %dma_start3A_194 = arith.constant 0 : i32
        %dma_start3A_195 = arith.constant 0 : i32
        %dma_start3A_196 = tpu.memref_slice %arg4[%arg0, %dma_start3A_194, %dma_start3A_195] : memref<2x10000x128xf32, #tpu.memory_space<hbm>> -> memref<1x10000x128xf32, #tpu.memory_space<hbm>>
        %dma_start3A_197 = tpu.memref_squeeze %dma_start3A_196 : memref<1x10000x128xf32, #tpu.memory_space<hbm>> -> memref<10000x128xf32, #tpu.memory_space<hbm>>
        %dma_start3A_198 = arith.constant 9984 : i32
        %dma_start3A_199 = arith.constant 0 : i32
        %dma_start3A_200 = tpu.memref_slice %dma_start3A_197[%dma_start3A_198, %dma_start3A_199] : memref<10000x128xf32, #tpu.memory_space<hbm>> -> memref<16x128xf32, #tpu.memory_space<hbm>>
        %dma_start3A_201 = arith.constant 0 : i32
        %dma_start3A_202 = arith.constant 0 : i32
        %dma_start3A_203 = tpu.memref_slice %arg4[%arg0, %dma_start3A_201, %dma_start3A_202] : memref<2x10000x128xf32, #tpu.memory_space<hbm>> -> memref<1x10000x128xf32, #tpu.memory_space<hbm>>
        %dma_start3A_204 = tpu.memref_squeeze %dma_start3A_203 : memref<1x10000x128xf32, #tpu.memory_space<hbm>> -> memref<10000x128xf32, #tpu.memory_space<hbm>>
        %dma_start3A_205 = arith.constant 9984 : i32
        %dma_start3A_206 = arith.constant 0 : i32
        %dma_start3A_207 = tpu.memref_slice %dma_start3A_204[%dma_start3A_205, %dma_start3A_206] : memref<10000x128xf32, #tpu.memory_space<hbm>> -> memref<16x128xf32, #tpu.memory_space<hbm>>
        %dma_start3A_208 = arith.constant 0 : i32
        %dma_start3A_209 = arith.constant 0 : i32
        %dma_start3A_210 = tpu.memref_slice %arg8[%dma_start3A_208, %dma_start3A_209] : memref<128x128xf32, #tpu.memory_space<vmem>> -> memref<16x128xf32, #tpu.memory_space<vmem>>
        tpu.enqueue_dma source(%dma_start3A_210 : memref<16x128xf32, #tpu.memory_space<vmem>>) target(%dma_start3A_207 : memref<16x128xf32, #tpu.memory_space<hbm>>) target_semaphore(%run_scoped3A_190 : memref<!tpu.dma_semaphore, #tpu.memory_space<semaphore_mem>>)
        %dma_wait3A_211 = arith.constant 0 : i32
        %dma_wait3A_212 = arith.constant 0 : i32
        %dma_wait3A_213 = tpu.memref_slice %arg8[%dma_wait3A_211, %dma_wait3A_212] : memref<128x128xf32, #tpu.memory_space<vmem>> -> memref<16x128xf32, #tpu.memory_space<vmem>>
        %dma_wait3A_214 = arith.constant 0 : i32
        %dma_wait3A_215 = arith.constant 0 : i32
        %dma_wait3A_216 = tpu.memref_slice %arg4[%arg0, %dma_wait3A_214, %dma_wait3A_215] : memref<2x10000x128xf32, #tpu.memory_space<hbm>> -> memref<1x10000x128xf32, #tpu.memory_space<hbm>>
        %dma_wait3A_217 = tpu.memref_squeeze %dma_wait3A_216 : memref<1x10000x128xf32, #tpu.memory_space<hbm>> -> memref<10000x128xf32, #tpu.memory_space<hbm>>
        %dma_wait3A_218 = arith.constant 9984 : i32
        %dma_wait3A_219 = arith.constant 0 : i32
        %dma_wait3A_220 = tpu.memref_slice %dma_wait3A_217[%dma_wait3A_218, %dma_wait3A_219] : memref<10000x128xf32, #tpu.memory_space<hbm>> -> memref<16x128xf32, #tpu.memory_space<hbm>>
        %dma_wait3A_221 = arith.constant 0 : i32
        %dma_wait3A_222 = arith.constant 0 : i32
        %dma_wait3A_223 = tpu.memref_slice %arg4[%arg0, %dma_wait3A_221, %dma_wait3A_222] : memref<2x10000x128xf32, #tpu.memory_space<hbm>> -> memref<1x10000x128xf32, #tpu.memory_space<hbm>>
        %dma_wait3A_224 = tpu.memref_squeeze %dma_wait3A_223 : memref<1x10000x128xf32, #tpu.memory_space<hbm>> -> memref<10000x128xf32, #tpu.memory_space<hbm>>
        %dma_wait3A_225 = arith.constant 9984 : i32
        %dma_wait3A_226 = arith.constant 0 : i32
        %dma_wait3A_227 = tpu.memref_slice %dma_wait3A_224[%dma_wait3A_225, %dma_wait3A_226] : memref<10000x128xf32, #tpu.memory_space<hbm>> -> memref<16x128xf32, #tpu.memory_space<hbm>>
        %dma_wait3A_228 = arith.constant 0 : i32
        %dma_wait3A_229 = arith.constant 0 : i32
        %dma_wait3A_230 = tpu.memref_slice %arg8[%dma_wait3A_228, %dma_wait3A_229] : memref<128x128xf32, #tpu.memory_space<vmem>> -> memref<16x128xf32, #tpu.memory_space<vmem>>
        tpu.wait_dma2 semaphore(%run_scoped3A_190 : memref<!tpu.dma_semaphore, #tpu.memory_space<semaphore_mem>>) src(%dma_wait3A_230 : memref<16x128xf32, #tpu.memory_space<vmem>>) dst(%dma_wait3A_227 : memref<16x128xf32, #tpu.memory_space<hbm>>)
        tpu.yield
      }) : () -> ()
    } else {
    }
    %barrier3A_96 = arith.constant 0 : index
    tpu.barrier barrier_id(%barrier3A_96)
    %broadcast_in_dim3A_97 = arith.constant 0.000000e+00 : f32
    %broadcast_in_dim3A_98 = vector.broadcast %broadcast_in_dim3A_97 : f32 to vector<16xf32>
    %scan3A_99 = arith.constant 0 : i32
    %scan3A_100 = arith.constant 0 : i32
    %scan3A_101 = arith.constant 128 : i32
    %scan3A_102 = arith.addi %scan3A_100, %scan3A_101 : i32
    %scan3A_103 = arith.constant 1 : i32
    scf.for %scan3A_190 = %scan3A_100 to %scan3A_102 step %scan3A_103  : i32 {
      %swap3A = arith.index_cast %scan3A_190 : i32 to index
      %swap3A_191 = arith.constant 0 : index
      %swap3A_192 = tpu.vector_load %arg8[%swap3A, %swap3A_191] {strides = array<i32>} : memref<128x128xf32, #tpu.memory_space<vmem>>, vector<1x16xf32>,
      %swap3A_193 = vector.shape_cast %swap3A_192 : vector<1x16xf32> to vector<16xf32>
      %swap3A_194 = vector.shape_cast %broadcast_in_dim3A_98 : vector<16xf32> to vector<1x16xf32>
      tpu.vector_store %arg8[%swap3A, %swap3A_191], %swap3A_194 {strides = array<i32>} : memref<128x128xf32, #tpu.memory_space<vmem>>, vector<1x16xf32>,
      %swap3A_195 = arith.index_cast %scan3A_190 : i32 to index
      %swap3A_196 = arith.constant 16 : index
      %swap3A_197 = tpu.vector_load %arg8[%swap3A_195, %swap3A_196] {strides = array<i32>} : memref<128x128xf32, #tpu.memory_space<vmem>>, vector<1x16xf32>,
      %swap3A_198 = vector.shape_cast %swap3A_197 : vector<1x16xf32> to vector<16xf32>
      %swap3A_199 = vector.shape_cast %broadcast_in_dim3A_98 : vector<16xf32> to vector<1x16xf32>
      tpu.vector_store %arg8[%swap3A_195, %swap3A_196], %swap3A_199 {strides = array<i32>} : memref<128x128xf32, #tpu.memory_space<vmem>>, vector<1x16xf32>,
      %swap3A_200 = arith.index_cast %scan3A_190 : i32 to index
      %swap3A_201 = arith.constant 32 : index
      %swap3A_202 = tpu.vector_load %arg8[%swap3A_200, %swap3A_201] {strides = array<i32>} : memref<128x128xf32, #tpu.memory_space<vmem>>, vector<1x16xf32>,
      %swap3A_203 = vector.shape_cast %swap3A_202 : vector<1x16xf32> to vector<16xf32>
      %swap3A_204 = vector.shape_cast %broadcast_in_dim3A_98 : vector<16xf32> to vector<1x16xf32>
      tpu.vector_store %arg8[%swap3A_200, %swap3A_201], %swap3A_204 {strides = array<i32>} : memref<128x128xf32, #tpu.memory_space<vmem>>, vector<1x16xf32>,
      %swap3A_205 = arith.index_cast %scan3A_190 : i32 to index
      %swap3A_206 = arith.constant 48 : index
      %swap3A_207 = tpu.vector_load %arg8[%swap3A_205, %swap3A_206] {strides = array<i32>} : memref<128x128xf32, #tpu.memory_space<vmem>>, vector<1x16xf32>,
      %swap3A_208 = vector.shape_cast %swap3A_207 : vector<1x16xf32> to vector<16xf32>
      %swap3A_209 = vector.shape_cast %broadcast_in_dim3A_98 : vector<16xf32> to vector<1x16xf32>
      tpu.vector_store %arg8[%swap3A_205, %swap3A_206], %swap3A_209 {strides = array<i32>} : memref<128x128xf32, #tpu.memory_space<vmem>>, vector<1x16xf32>,
      %swap3A_210 = arith.index_cast %scan3A_190 : i32 to index
      %swap3A_211 = arith.constant 64 : index
      %swap3A_212 = tpu.vector_load %arg8[%swap3A_210, %swap3A_211] {strides = array<i32>} : memref<128x128xf32, #tpu.memory_space<vmem>>, vector<1x16xf32>,
      %swap3A_213 = vector.shape_cast %swap3A_212 : vector<1x16xf32> to vector<16xf32>
      %swap3A_214 = vector.shape_cast %broadcast_in_dim3A_98 : vector<16xf32> to vector<1x16xf32>
      tpu.vector_store %arg8[%swap3A_210, %swap3A_211], %swap3A_214 {strides = array<i32>} : memref<128x128xf32, #tpu.memory_space<vmem>>, vector<1x16xf32>,
      %swap3A_215 = arith.index_cast %scan3A_190 : i32 to index
      %swap3A_216 = arith.constant 80 : index
      %swap3A_217 = tpu.vector_load %arg8[%swap3A_215, %swap3A_216] {strides = array<i32>} : memref<128x128xf32, #tpu.memory_space<vmem>>, vector<1x16xf32>,
      %swap3A_218 = vector.shape_cast %swap3A_217 : vector<1x16xf32> to vector<16xf32>
      %swap3A_219 = vector.shape_cast %broadcast_in_dim3A_98 : vector<16xf32> to vector<1x16xf32>
      tpu.vector_store %arg8[%swap3A_215, %swap3A_216], %swap3A_219 {strides = array<i32>} : memref<128x128xf32, #tpu.memory_space<vmem>>, vector<1x16xf32>,
      %swap3A_220 = arith.index_cast %scan3A_190 : i32 to index
      %swap3A_221 = arith.constant 96 : index
      %swap3A_222 = tpu.vector_load %arg8[%swap3A_220, %swap3A_221] {strides = array<i32>} : memref<128x128xf32, #tpu.memory_space<vmem>>, vector<1x16xf32>,
      %swap3A_223 = vector.shape_cast %swap3A_222 : vector<1x16xf32> to vector<16xf32>
      %swap3A_224 = vector.shape_cast %broadcast_in_dim3A_98 : vector<16xf32> to vector<1x16xf32>
      tpu.vector_store %arg8[%swap3A_220, %swap3A_221], %swap3A_224 {strides = array<i32>} : memref<128x128xf32, #tpu.memory_space<vmem>>, vector<1x16xf32>,
      %swap3A_225 = arith.index_cast %scan3A_190 : i32 to index
      %swap3A_226 = arith.constant 112 : index
      %swap3A_227 = tpu.vector_load %arg8[%swap3A_225, %swap3A_226] {strides = array<i32>} : memref<128x128xf32, #tpu.memory_space<vmem>>, vector<1x16xf32>,
      %swap3A_228 = vector.shape_cast %swap3A_227 : vector<1x16xf32> to vector<16xf32>
      %swap3A_229 = vector.shape_cast %broadcast_in_dim3A_98 : vector<16xf32> to vector<1x16xf32>
      tpu.vector_store %arg8[%swap3A_225, %swap3A_226], %swap3A_229 {strides = array<i32>} : memref<128x128xf32, #tpu.memory_space<vmem>>, vector<1x16xf32>,
    }
    %scan3A_104 = arith.constant 128 : i32
    %add3A_105 = arith.constant 0 : i32
    %add3A_106 = arith.addi %multiple_of3A, %add3A_105 : i32
    "tpu.region"() ({
      %run_scoped3A_190 = tpu.sem_alloc : memref<!tpu.dma_semaphore, #tpu.memory_space<semaphore_mem>>
      %dma_start3A_191 = arith.constant 0 : i32
      %dma_start3A_192 = arith.constant 0 : i32
      %dma_start3A_193 = tpu.memref_slice %arg8[%dma_start3A_191, %dma_start3A_192] : memref<128x128xf32, #tpu.memory_space<vmem>> -> memref<128x128xf32, #tpu.memory_space<vmem>>
      %dma_start3A_194 = arith.constant 0 : i32
      %dma_start3A_195 = tpu.memref_slice %arg10[%add3A_106, %dma_start3A_194] : memref<10000x128xf32, #tpu.memory_space<vmem_shared>> -> memref<128x128xf32, #tpu.memory_space<vmem_shared>>
      %dma_start3A_196 = arith.constant 0 : i32
      %dma_start3A_197 = tpu.memref_slice %arg10[%add3A_106, %dma_start3A_196] : memref<10000x128xf32, #tpu.memory_space<vmem_shared>> -> memref<128x128xf32, #tpu.memory_space<vmem_shared>>
      %dma_start3A_198 = arith.constant 0 : i32
      %dma_start3A_199 = arith.constant 0 : i32
      %dma_start3A_200 = tpu.memref_slice %arg8[%dma_start3A_198, %dma_start3A_199] : memref<128x128xf32, #tpu.memory_space<vmem>> -> memref<128x128xf32, #tpu.memory_space<vmem>>
      tpu.enqueue_dma source(%dma_start3A_200 : memref<128x128xf32, #tpu.memory_space<vmem>>) target(%dma_start3A_197 : memref<128x128xf32, #tpu.memory_space<vmem_shared>>) target_semaphore(%run_scoped3A_190 : memref<!tpu.dma_semaphore, #tpu.memory_space<semaphore_mem>>)
      %dma_wait3A_201 = arith.constant 0 : i32
      %dma_wait3A_202 = arith.constant 0 : i32
      %dma_wait3A_203 = tpu.memref_slice %arg8[%dma_wait3A_201, %dma_wait3A_202] : memref<128x128xf32, #tpu.memory_space<vmem>> -> memref<128x128xf32, #tpu.memory_space<vmem>>
      %dma_wait3A_204 = arith.constant 0 : i32
      %dma_wait3A_205 = tpu.memref_slice %arg10[%add3A_106, %dma_wait3A_204] : memref<10000x128xf32, #tpu.memory_space<vmem_shared>> -> memref<128x128xf32, #tpu.memory_space<vmem_shared>>
      %dma_wait3A_206 = arith.constant 0 : i32
      %dma_wait3A_207 = tpu.memref_slice %arg10[%add3A_106, %dma_wait3A_206] : memref<10000x128xf32, #tpu.memory_space<vmem_shared>> -> memref<128x128xf32, #tpu.memory_space<vmem_shared>>
      %dma_wait3A_208 = arith.constant 0 : i32
      %dma_wait3A_209 = arith.constant 0 : i32
      %dma_wait3A_210 = tpu.memref_slice %arg8[%dma_wait3A_208, %dma_wait3A_209] : memref<128x128xf32, #tpu.memory_space<vmem>> -> memref<128x128xf32, #tpu.memory_space<vmem>>
      tpu.wait_dma2 semaphore(%run_scoped3A_190 : memref<!tpu.dma_semaphore, #tpu.memory_space<semaphore_mem>>) src(%dma_wait3A_210 : memref<128x128xf32, #tpu.memory_space<vmem>>) dst(%dma_wait3A_207 : memref<128x128xf32, #tpu.memory_space<vmem_shared>>)
      tpu.yield
    }) : () -> ()
    %add3A_107 = arith.constant 128 : i32
    %add3A_108 = arith.addi %multiple_of3A, %add3A_107 : i32
    "tpu.region"() ({
      %run_scoped3A_190 = tpu.sem_alloc : memref<!tpu.dma_semaphore, #tpu.memory_space<semaphore_mem>>
      %dma_start3A_191 = arith.constant 0 : i32
      %dma_start3A_192 = arith.constant 0 : i32
      %dma_start3A_193 = tpu.memref_slice %arg8[%dma_start3A_191, %dma_start3A_192] : memref<128x128xf32, #tpu.memory_space<vmem>> -> memref<128x128xf32, #tpu.memory_space<vmem>>
      %dma_start3A_194 = arith.constant 0 : i32
      %dma_start3A_195 = tpu.memref_slice %arg10[%add3A_108, %dma_start3A_194] : memref<10000x128xf32, #tpu.memory_space<vmem_shared>> -> memref<128x128xf32, #tpu.memory_space<vmem_shared>>
      %dma_start3A_196 = arith.constant 0 : i32
      %dma_start3A_197 = tpu.memref_slice %arg10[%add3A_108, %dma_start3A_196] : memref<10000x128xf32, #tpu.memory_space<vmem_shared>> -> memref<128x128xf32, #tpu.memory_space<vmem_shared>>
      %dma_start3A_198 = arith.constant 0 : i32
      %dma_start3A_199 = arith.constant 0 : i32
      %dma_start3A_200 = tpu.memref_slice %arg8[%dma_start3A_198, %dma_start3A_199] : memref<128x128xf32, #tpu.memory_space<vmem>> -> memref<128x128xf32, #tpu.memory_space<vmem>>
      tpu.enqueue_dma source(%dma_start3A_200 : memref<128x128xf32, #tpu.memory_space<vmem>>) target(%dma_start3A_197 : memref<128x128xf32, #tpu.memory_space<vmem_shared>>) target_semaphore(%run_scoped3A_190 : memref<!tpu.dma_semaphore, #tpu.memory_space<semaphore_mem>>)
      %dma_wait3A_201 = arith.constant 0 : i32
      %dma_wait3A_202 = arith.constant 0 : i32
      %dma_wait3A_203 = tpu.memref_slice %arg8[%dma_wait3A_201, %dma_wait3A_202] : memref<128x128xf32, #tpu.memory_space<vmem>> -> memref<128x128xf32, #tpu.memory_space<vmem>>
      %dma_wait3A_204 = arith.constant 0 : i32
      %dma_wait3A_205 = tpu.memref_slice %arg10[%add3A_108, %dma_wait3A_204] : memref<10000x128xf32, #tpu.memory_space<vmem_shared>> -> memref<128x128xf32, #tpu.memory_space<vmem_shared>>
      %dma_wait3A_206 = arith.constant 0 : i32
      %dma_wait3A_207 = tpu.memref_slice %arg10[%add3A_108, %dma_wait3A_206] : memref<10000x128xf32, #tpu.memory_space<vmem_shared>> -> memref<128x128xf32, #tpu.memory_space<vmem_shared>>
      %dma_wait3A_208 = arith.constant 0 : i32
      %dma_wait3A_209 = arith.constant 0 : i32
      %dma_wait3A_210 = tpu.memref_slice %arg8[%dma_wait3A_208, %dma_wait3A_209] : memref<128x128xf32, #tpu.memory_space<vmem>> -> memref<128x128xf32, #tpu.memory_space<vmem>>
      tpu.wait_dma2 semaphore(%run_scoped3A_190 : memref<!tpu.dma_semaphore, #tpu.memory_space<semaphore_mem>>) src(%dma_wait3A_210 : memref<128x128xf32, #tpu.memory_space<vmem>>) dst(%dma_wait3A_207 : memref<128x128xf32, #tpu.memory_space<vmem_shared>>)
      tpu.yield
    }) : () -> ()
    %add3A_109 = arith.constant 256 : i32
    %add3A_110 = arith.addi %multiple_of3A, %add3A_109 : i32
    "tpu.region"() ({
      %run_scoped3A_190 = tpu.sem_alloc : memref<!tpu.dma_semaphore, #tpu.memory_space<semaphore_mem>>
      %dma_start3A_191 = arith.constant 0 : i32
      %dma_start3A_192 = arith.constant 0 : i32
      %dma_start3A_193 = tpu.memref_slice %arg8[%dma_start3A_191, %dma_start3A_192] : memref<128x128xf32, #tpu.memory_space<vmem>> -> memref<128x128xf32, #tpu.memory_space<vmem>>
      %dma_start3A_194 = arith.constant 0 : i32
      %dma_start3A_195 = tpu.memref_slice %arg10[%add3A_110, %dma_start3A_194] : memref<10000x128xf32, #tpu.memory_space<vmem_shared>> -> memref<128x128xf32, #tpu.memory_space<vmem_shared>>
      %dma_start3A_196 = arith.constant 0 : i32
      %dma_start3A_197 = tpu.memref_slice %arg10[%add3A_110, %dma_start3A_196] : memref<10000x128xf32, #tpu.memory_space<vmem_shared>> -> memref<128x128xf32, #tpu.memory_space<vmem_shared>>
      %dma_start3A_198 = arith.constant 0 : i32
      %dma_start3A_199 = arith.constant 0 : i32
      %dma_start3A_200 = tpu.memref_slice %arg8[%dma_start3A_198, %dma_start3A_199] : memref<128x128xf32, #tpu.memory_space<vmem>> -> memref<128x128xf32, #tpu.memory_space<vmem>>
      tpu.enqueue_dma source(%dma_start3A_200 : memref<128x128xf32, #tpu.memory_space<vmem>>) target(%dma_start3A_197 : memref<128x128xf32, #tpu.memory_space<vmem_shared>>) target_semaphore(%run_scoped3A_190 : memref<!tpu.dma_semaphore, #tpu.memory_space<semaphore_mem>>)
      %dma_wait3A_201 = arith.constant 0 : i32
      %dma_wait3A_202 = arith.constant 0 : i32
      %dma_wait3A_203 = tpu.memref_slice %arg8[%dma_wait3A_201, %dma_wait3A_202] : memref<128x128xf32, #tpu.memory_space<vmem>> -> memref<128x128xf32, #tpu.memory_space<vmem>>
      %dma_wait3A_204 = arith.constant 0 : i32
      %dma_wait3A_205 = tpu.memref_slice %arg10[%add3A_110, %dma_wait3A_204] : memref<10000x128xf32, #tpu.memory_space<vmem_shared>> -> memref<128x128xf32, #tpu.memory_space<vmem_shared>>
      %dma_wait3A_206 = arith.constant 0 : i32
      %dma_wait3A_207 = tpu.memref_slice %arg10[%add3A_110, %dma_wait3A_206] : memref<10000x128xf32, #tpu.memory_space<vmem_shared>> -> memref<128x128xf32, #tpu.memory_space<vmem_shared>>
      %dma_wait3A_208 = arith.constant 0 : i32
      %dma_wait3A_209 = arith.constant 0 : i32
      %dma_wait3A_210 = tpu.memref_slice %arg8[%dma_wait3A_208, %dma_wait3A_209] : memref<128x128xf32, #tpu.memory_space<vmem>> -> memref<128x128xf32, #tpu.memory_space<vmem>>
      tpu.wait_dma2 semaphore(%run_scoped3A_190 : memref<!tpu.dma_semaphore, #tpu.memory_space<semaphore_mem>>) src(%dma_wait3A_210 : memref<128x128xf32, #tpu.memory_space<vmem>>) dst(%dma_wait3A_207 : memref<128x128xf32, #tpu.memory_space<vmem_shared>>)
      tpu.yield
    }) : () -> ()
    %add3A_111 = arith.constant 384 : i32
    %add3A_112 = arith.addi %multiple_of3A, %add3A_111 : i32
    "tpu.region"() ({
      %run_scoped3A_190 = tpu.sem_alloc : memref<!tpu.dma_semaphore, #tpu.memory_space<semaphore_mem>>
      %dma_start3A_191 = arith.constant 0 : i32
      %dma_start3A_192 = arith.constant 0 : i32
      %dma_start3A_193 = tpu.memref_slice %arg8[%dma_start3A_191, %dma_start3A_192] : memref<128x128xf32, #tpu.memory_space<vmem>> -> memref<128x128xf32, #tpu.memory_space<vmem>>
      %dma_start3A_194 = arith.constant 0 : i32
      %dma_start3A_195 = tpu.memref_slice %arg10[%add3A_112, %dma_start3A_194] : memref<10000x128xf32, #tpu.memory_space<vmem_shared>> -> memref<128x128xf32, #tpu.memory_space<vmem_shared>>
      %dma_start3A_196 = arith.constant 0 : i32
      %dma_start3A_197 = tpu.memref_slice %arg10[%add3A_112, %dma_start3A_196] : memref<10000x128xf32, #tpu.memory_space<vmem_shared>> -> memref<128x128xf32, #tpu.memory_space<vmem_shared>>
      %dma_start3A_198 = arith.constant 0 : i32
      %dma_start3A_199 = arith.constant 0 : i32
      %dma_start3A_200 = tpu.memref_slice %arg8[%dma_start3A_198, %dma_start3A_199] : memref<128x128xf32, #tpu.memory_space<vmem>> -> memref<128x128xf32, #tpu.memory_space<vmem>>
      tpu.enqueue_dma source(%dma_start3A_200 : memref<128x128xf32, #tpu.memory_space<vmem>>) target(%dma_start3A_197 : memref<128x128xf32, #tpu.memory_space<vmem_shared>>) target_semaphore(%run_scoped3A_190 : memref<!tpu.dma_semaphore, #tpu.memory_space<semaphore_mem>>)
      %dma_wait3A_201 = arith.constant 0 : i32
      %dma_wait3A_202 = arith.constant 0 : i32
      %dma_wait3A_203 = tpu.memref_slice %arg8[%dma_wait3A_201, %dma_wait3A_202] : memref<128x128xf32, #tpu.memory_space<vmem>> -> memref<128x128xf32, #tpu.memory_space<vmem>>
      %dma_wait3A_204 = arith.constant 0 : i32
      %dma_wait3A_205 = tpu.memref_slice %arg10[%add3A_112, %dma_wait3A_204] : memref<10000x128xf32, #tpu.memory_space<vmem_shared>> -> memref<128x128xf32, #tpu.memory_space<vmem_shared>>
      %dma_wait3A_206 = arith.constant 0 : i32
      %dma_wait3A_207 = tpu.memref_slice %arg10[%add3A_112, %dma_wait3A_206] : memref<10000x128xf32, #tpu.memory_space<vmem_shared>> -> memref<128x128xf32, #tpu.memory_space<vmem_shared>>
      %dma_wait3A_208 = arith.constant 0 : i32
      %dma_wait3A_209 = arith.constant 0 : i32
      %dma_wait3A_210 = tpu.memref_slice %arg8[%dma_wait3A_208, %dma_wait3A_209] : memref<128x128xf32, #tpu.memory_space<vmem>> -> memref<128x128xf32, #tpu.memory_space<vmem>>
      tpu.wait_dma2 semaphore(%run_scoped3A_190 : memref<!tpu.dma_semaphore, #tpu.memory_space<semaphore_mem>>) src(%dma_wait3A_210 : memref<128x128xf32, #tpu.memory_space<vmem>>) dst(%dma_wait3A_207 : memref<128x128xf32, #tpu.memory_space<vmem_shared>>)
      tpu.yield
    }) : () -> ()
    %add3A_113 = arith.constant 512 : i32
    %add3A_114 = arith.addi %multiple_of3A, %add3A_113 : i32
    "tpu.region"() ({
      %run_scoped3A_190 = tpu.sem_alloc : memref<!tpu.dma_semaphore, #tpu.memory_space<semaphore_mem>>
      %dma_start3A_191 = arith.constant 0 : i32
      %dma_start3A_192 = arith.constant 0 : i32
      %dma_start3A_193 = tpu.memref_slice %arg8[%dma_start3A_191, %dma_start3A_192] : memref<128x128xf32, #tpu.memory_space<vmem>> -> memref<112x128xf32, #tpu.memory_space<vmem>>
      %dma_start3A_194 = arith.constant 0 : i32
      %dma_start3A_195 = tpu.memref_slice %arg10[%add3A_114, %dma_start3A_194] : memref<10000x128xf32, #tpu.memory_space<vmem_shared>> -> memref<112x128xf32, #tpu.memory_space<vmem_shared>>
      %dma_start3A_196 = arith.constant 0 : i32
      %dma_start3A_197 = tpu.memref_slice %arg10[%add3A_114, %dma_start3A_196] : memref<10000x128xf32, #tpu.memory_space<vmem_shared>> -> memref<112x128xf32, #tpu.memory_space<vmem_shared>>
      %dma_start3A_198 = arith.constant 0 : i32
      %dma_start3A_199 = arith.constant 0 : i32
      %dma_start3A_200 = tpu.memref_slice %arg8[%dma_start3A_198, %dma_start3A_199] : memref<128x128xf32, #tpu.memory_space<vmem>> -> memref<112x128xf32, #tpu.memory_space<vmem>>
      tpu.enqueue_dma source(%dma_start3A_200 : memref<112x128xf32, #tpu.memory_space<vmem>>) target(%dma_start3A_197 : memref<112x128xf32, #tpu.memory_space<vmem_shared>>) target_semaphore(%run_scoped3A_190 : memref<!tpu.dma_semaphore, #tpu.memory_space<semaphore_mem>>)
      %dma_wait3A_201 = arith.constant 0 : i32
      %dma_wait3A_202 = arith.constant 0 : i32
      %dma_wait3A_203 = tpu.memref_slice %arg8[%dma_wait3A_201, %dma_wait3A_202] : memref<128x128xf32, #tpu.memory_space<vmem>> -> memref<112x128xf32, #tpu.memory_space<vmem>>
      %dma_wait3A_204 = arith.constant 0 : i32
      %dma_wait3A_205 = tpu.memref_slice %arg10[%add3A_114, %dma_wait3A_204] : memref<10000x128xf32, #tpu.memory_space<vmem_shared>> -> memref<112x128xf32, #tpu.memory_space<vmem_shared>>
      %dma_wait3A_206 = arith.constant 0 : i32
      %dma_wait3A_207 = tpu.memref_slice %arg10[%add3A_114, %dma_wait3A_206] : memref<10000x128xf32, #tpu.memory_space<vmem_shared>> -> memref<112x128xf32, #tpu.memory_space<vmem_shared>>
      %dma_wait3A_208 = arith.constant 0 : i32
      %dma_wait3A_209 = arith.constant 0 : i32
      %dma_wait3A_210 = tpu.memref_slice %arg8[%dma_wait3A_208, %dma_wait3A_209] : memref<128x128xf32, #tpu.memory_space<vmem>> -> memref<112x128xf32, #tpu.memory_space<vmem>>
      tpu.wait_dma2 semaphore(%run_scoped3A_190 : memref<!tpu.dma_semaphore, #tpu.memory_space<semaphore_mem>>) src(%dma_wait3A_210 : memref<112x128xf32, #tpu.memory_space<vmem>>) dst(%dma_wait3A_207 : memref<112x128xf32, #tpu.memory_space<vmem_shared>>)
      tpu.yield
    }) : () -> ()
    %eq3A_115 = arith.constant 0 : i32
    %eq3A_116 = arith.cmpi eq, %arg1, %eq3A_115 : i32
    %convert_element_type3A_117 = arith.extui %eq3A_116 : i1 to i32
    %cond3A_118 = arith.constant 0 : i32
    %cond3A_119 = arith.cmpi ne, %convert_element_type3A_117, %cond3A_118 : i32
    scf.if %cond3A_119 {
      "tpu.region"() ({
        %run_scoped3A_190 = tpu.sem_alloc : memref<!tpu.dma_semaphore, #tpu.memory_space<semaphore_mem>>
        %dma_start3A_191 = arith.constant 0 : i32
        %dma_start3A_192 = arith.constant 0 : i32
        %dma_start3A_193 = tpu.memref_slice %arg8[%dma_start3A_191, %dma_start3A_192] : memref<128x128xf32, #tpu.memory_space<vmem>> -> memref<16x128xf32, #tpu.memory_space<vmem>>
        %dma_start3A_194 = arith.constant 9984 : i32
        %dma_start3A_195 = arith.constant 0 : i32
        %dma_start3A_196 = tpu.memref_slice %arg10[%dma_start3A_194, %dma_start3A_195] : memref<10000x128xf32, #tpu.memory_space<vmem_shared>> -> memref<16x128xf32, #tpu.memory_space<vmem_shared>>
        %dma_start3A_197 = arith.constant 9984 : i32
        %dma_start3A_198 = arith.constant 0 : i32
        %dma_start3A_199 = tpu.memref_slice %arg10[%dma_start3A_197, %dma_start3A_198] : memref<10000x128xf32, #tpu.memory_space<vmem_shared>> -> memref<16x128xf32, #tpu.memory_space<vmem_shared>>
        %dma_start3A_200 = arith.constant 0 : i32
        %dma_start3A_201 = arith.constant 0 : i32
        %dma_start3A_202 = tpu.memref_slice %arg8[%dma_start3A_200, %dma_start3A_201] : memref<128x128xf32, #tpu.memory_space<vmem>> -> memref<16x128xf32, #tpu.memory_space<vmem>>
        tpu.enqueue_dma source(%dma_start3A_202 : memref<16x128xf32, #tpu.memory_space<vmem>>) target(%dma_start3A_199 : memref<16x128xf32, #tpu.memory_space<vmem_shared>>) target_semaphore(%run_scoped3A_190 : memref<!tpu.dma_semaphore, #tpu.memory_space<semaphore_mem>>)
        %dma_wait3A_203 = arith.constant 0 : i32
        %dma_wait3A_204 = arith.constant 0 : i32
        %dma_wait3A_205 = tpu.memref_slice %arg8[%dma_wait3A_203, %dma_wait3A_204] : memref<128x128xf32, #tpu.memory_space<vmem>> -> memref<16x128xf32, #tpu.memory_space<vmem>>
        %dma_wait3A_206 = arith.constant 9984 : i32
        %dma_wait3A_207 = arith.constant 0 : i32
        %dma_wait3A_208 = tpu.memref_slice %arg10[%dma_wait3A_206, %dma_wait3A_207] : memref<10000x128xf32, #tpu.memory_space<vmem_shared>> -> memref<16x128xf32, #tpu.memory_space<vmem_shared>>
        %dma_wait3A_209 = arith.constant 9984 : i32
        %dma_wait3A_210 = arith.constant 0 : i32
        %dma_wait3A_211 = tpu.memref_slice %arg10[%dma_wait3A_209, %dma_wait3A_210] : memref<10000x128xf32, #tpu.memory_space<vmem_shared>> -> memref<16x128xf32, #tpu.memory_space<vmem_shared>>
        %dma_wait3A_212 = arith.constant 0 : i32
        %dma_wait3A_213 = arith.constant 0 : i32
        %dma_wait3A_214 = tpu.memref_slice %arg8[%dma_wait3A_212, %dma_wait3A_213] : memref<128x128xf32, #tpu.memory_space<vmem>> -> memref<16x128xf32, #tpu.memory_space<vmem>>
        tpu.wait_dma2 semaphore(%run_scoped3A_190 : memref<!tpu.dma_semaphore, #tpu.memory_space<semaphore_mem>>) src(%dma_wait3A_214 : memref<16x128xf32, #tpu.memory_space<vmem>>) dst(%dma_wait3A_211 : memref<16x128xf32, #tpu.memory_space<vmem_shared>>)
        tpu.yield
      }) : () -> ()
    } else {
    }
    %broadcast_in_dim3A_120 = arith.constant 1.000000e+00 : f32
    %broadcast_in_dim3A_121 = vector.broadcast %broadcast_in_dim3A_120 : f32 to vector<16xf32>
    %scan3A_122 = arith.constant 0 : i32
    %scan3A_123 = arith.constant 0 : i32
    %scan3A_124 = arith.constant 128 : i32
    %scan3A_125 = arith.addi %scan3A_123, %scan3A_124 : i32
    %scan3A_126 = arith.constant 1 : i32
    scf.for %scan3A_190 = %scan3A_123 to %scan3A_125 step %scan3A_126  : i32 {
      %swap3A = arith.index_cast %scan3A_190 : i32 to index
      %swap3A_191 = arith.constant 0 : index
      %swap3A_192 = tpu.vector_load %arg8[%swap3A, %swap3A_191] {strides = array<i32>} : memref<128x128xf32, #tpu.memory_space<vmem>>, vector<1x16xf32>,
      %swap3A_193 = vector.shape_cast %swap3A_192 : vector<1x16xf32> to vector<16xf32>
      %swap3A_194 = vector.shape_cast %broadcast_in_dim3A_121 : vector<16xf32> to vector<1x16xf32>
      tpu.vector_store %arg8[%swap3A, %swap3A_191], %swap3A_194 {strides = array<i32>} : memref<128x128xf32, #tpu.memory_space<vmem>>, vector<1x16xf32>,
      %swap3A_195 = arith.index_cast %scan3A_190 : i32 to index
      %swap3A_196 = arith.constant 16 : index
      %swap3A_197 = tpu.vector_load %arg8[%swap3A_195, %swap3A_196] {strides = array<i32>} : memref<128x128xf32, #tpu.memory_space<vmem>>, vector<1x16xf32>,
      %swap3A_198 = vector.shape_cast %swap3A_197 : vector<1x16xf32> to vector<16xf32>
      %swap3A_199 = vector.shape_cast %broadcast_in_dim3A_121 : vector<16xf32> to vector<1x16xf32>
      tpu.vector_store %arg8[%swap3A_195, %swap3A_196], %swap3A_199 {strides = array<i32>} : memref<128x128xf32, #tpu.memory_space<vmem>>, vector<1x16xf32>,
      %swap3A_200 = arith.index_cast %scan3A_190 : i32 to index
      %swap3A_201 = arith.constant 32 : index
      %swap3A_202 = tpu.vector_load %arg8[%swap3A_200, %swap3A_201] {strides = array<i32>} : memref<128x128xf32, #tpu.memory_space<vmem>>, vector<1x16xf32>,
      %swap3A_203 = vector.shape_cast %swap3A_202 : vector<1x16xf32> to vector<16xf32>
      %swap3A_204 = vector.shape_cast %broadcast_in_dim3A_121 : vector<16xf32> to vector<1x16xf32>
      tpu.vector_store %arg8[%swap3A_200, %swap3A_201], %swap3A_204 {strides = array<i32>} : memref<128x128xf32, #tpu.memory_space<vmem>>, vector<1x16xf32>,
      %swap3A_205 = arith.index_cast %scan3A_190 : i32 to index
      %swap3A_206 = arith.constant 48 : index
      %swap3A_207 = tpu.vector_load %arg8[%swap3A_205, %swap3A_206] {strides = array<i32>} : memref<128x128xf32, #tpu.memory_space<vmem>>, vector<1x16xf32>,
      %swap3A_208 = vector.shape_cast %swap3A_207 : vector<1x16xf32> to vector<16xf32>
      %swap3A_209 = vector.shape_cast %broadcast_in_dim3A_121 : vector<16xf32> to vector<1x16xf32>
      tpu.vector_store %arg8[%swap3A_205, %swap3A_206], %swap3A_209 {strides = array<i32>} : memref<128x128xf32, #tpu.memory_space<vmem>>, vector<1x16xf32>,
      %swap3A_210 = arith.index_cast %scan3A_190 : i32 to index
      %swap3A_211 = arith.constant 64 : index
      %swap3A_212 = tpu.vector_load %arg8[%swap3A_210, %swap3A_211] {strides = array<i32>} : memref<128x128xf32, #tpu.memory_space<vmem>>, vector<1x16xf32>,
      %swap3A_213 = vector.shape_cast %swap3A_212 : vector<1x16xf32> to vector<16xf32>
      %swap3A_214 = vector.shape_cast %broadcast_in_dim3A_121 : vector<16xf32> to vector<1x16xf32>
      tpu.vector_store %arg8[%swap3A_210, %swap3A_211], %swap3A_214 {strides = array<i32>} : memref<128x128xf32, #tpu.memory_space<vmem>>, vector<1x16xf32>,
      %swap3A_215 = arith.index_cast %scan3A_190 : i32 to index
      %swap3A_216 = arith.constant 80 : index
      %swap3A_217 = tpu.vector_load %arg8[%swap3A_215, %swap3A_216] {strides = array<i32>} : memref<128x128xf32, #tpu.memory_space<vmem>>, vector<1x16xf32>,
      %swap3A_218 = vector.shape_cast %swap3A_217 : vector<1x16xf32> to vector<16xf32>
      %swap3A_219 = vector.shape_cast %broadcast_in_dim3A_121 : vector<16xf32> to vector<1x16xf32>
      tpu.vector_store %arg8[%swap3A_215, %swap3A_216], %swap3A_219 {strides = array<i32>} : memref<128x128xf32, #tpu.memory_space<vmem>>, vector<1x16xf32>,
      %swap3A_220 = arith.index_cast %scan3A_190 : i32 to index
      %swap3A_221 = arith.constant 96 : index
      %swap3A_222 = tpu.vector_load %arg8[%swap3A_220, %swap3A_221] {strides = array<i32>} : memref<128x128xf32, #tpu.memory_space<vmem>>, vector<1x16xf32>,
      %swap3A_223 = vector.shape_cast %swap3A_222 : vector<1x16xf32> to vector<16xf32>
      %swap3A_224 = vector.shape_cast %broadcast_in_dim3A_121 : vector<16xf32> to vector<1x16xf32>
      tpu.vector_store %arg8[%swap3A_220, %swap3A_221], %swap3A_224 {strides = array<i32>} : memref<128x128xf32, #tpu.memory_space<vmem>>, vector<1x16xf32>,
      %swap3A_225 = arith.index_cast %scan3A_190 : i32 to index
      %swap3A_226 = arith.constant 112 : index
      %swap3A_227 = tpu.vector_load %arg8[%swap3A_225, %swap3A_226] {strides = array<i32>} : memref<128x128xf32, #tpu.memory_space<vmem>>, vector<1x16xf32>,
      %swap3A_228 = vector.shape_cast %swap3A_227 : vector<1x16xf32> to vector<16xf32>
      %swap3A_229 = vector.shape_cast %broadcast_in_dim3A_121 : vector<16xf32> to vector<1x16xf32>
      tpu.vector_store %arg8[%swap3A_225, %swap3A_226], %swap3A_229 {strides = array<i32>} : memref<128x128xf32, #tpu.memory_space<vmem>>, vector<1x16xf32>,
    }
    %scan3A_127 = arith.constant 128 : i32
    %barrier3A_128 = arith.constant 0 : index
    tpu.barrier barrier_id(%barrier3A_128)
    %scan3A_129 = arith.constant 0 : i32
    %scan3A_130 = arith.constant 0 : i32
    %scan3A_131 = arith.constant 39 : i32
    %scan3A_132 = arith.addi %scan3A_130, %scan3A_131 : i32
    %scan3A_133 = arith.constant 1 : i32
    scf.for %scan3A_190 = %scan3A_130 to %scan3A_132 step %scan3A_133  : i32 {
      %mul3A_191 = arith.constant 2 : i32
      %mul3A_192 = arith.muli %mul3A_191, %scan3A_190 : i32
      %add3A_193 = arith.addi %mul3A_4, %mul3A_192 : i32
      %mul3A_194 = arith.constant 128 : i32
      %mul3A_195 = arith.muli %add3A_193, %mul3A_194 : i32
      %multiple_of3A_196 = tpu.assume_multiple %mul3A_195, 128 : i32
      "tpu.region"() ({
        %run_scoped3A_230 = tpu.sem_alloc : memref<!tpu.dma_semaphore, #tpu.memory_space<semaphore_mem>>
        %dma_start3A_231 = arith.constant 0 : i32
        %dma_start3A_232 = tpu.memref_slice %arg2[%dma_start3A_231, %multiple_of3A_196] : memref<2x320000xi32, #tpu.memory_space<hbm>> -> memref<2x128xi32, #tpu.memory_space<hbm>>
        %dma_start3A_233 = arith.constant 0 : i32
        %dma_start3A_234 = tpu.memref_slice %arg2[%dma_start3A_233, %multiple_of3A_196] : memref<2x320000xi32, #tpu.memory_space<hbm>> -> memref<2x128xi32, #tpu.memory_space<hbm>>
        tpu.enqueue_dma source(%dma_start3A_234 : memref<2x128xi32, #tpu.memory_space<hbm>>) target(%arg6 : memref<2x128xi32, #tpu.memory_space<vmem>>) target_semaphore(%run_scoped3A_230 : memref<!tpu.dma_semaphore, #tpu.memory_space<semaphore_mem>>)
        %dma_wait3A_235 = arith.constant 0 : i32
        %dma_wait3A_236 = tpu.memref_slice %arg2[%dma_wait3A_235, %multiple_of3A_196] : memref<2x320000xi32, #tpu.memory_space<hbm>> -> memref<2x128xi32, #tpu.memory_space<hbm>>
        %dma_wait3A_237 = arith.constant 0 : i32
        %dma_wait3A_238 = tpu.memref_slice %arg2[%dma_wait3A_237, %multiple_of3A_196] : memref<2x320000xi32, #tpu.memory_space<hbm>> -> memref<2x128xi32, #tpu.memory_space<hbm>>
        tpu.wait_dma2 semaphore(%run_scoped3A_230 : memref<!tpu.dma_semaphore, #tpu.memory_space<semaphore_mem>>) src(%dma_wait3A_238 : memref<2x128xi32, #tpu.memory_space<hbm>>) dst(%arg6 : memref<2x128xi32, #tpu.memory_space<vmem>>)
        tpu.yield
      }) : () -> ()
      %dma_start3A_197 = arith.constant 1 : i32
      %dma_start3A_198 = arith.constant 0 : i32
      %dma_start3A_199 = tpu.memref_slice %arg6[%dma_start3A_197, %dma_start3A_198] : memref<2x128xi32, #tpu.memory_space<vmem>> -> memref<1x128xi32, #tpu.memory_space<vmem>>
      %dma_start3A_200 = tpu.memref_squeeze %dma_start3A_199 : memref<1x128xi32, #tpu.memory_space<vmem>> -> memref<128xi32, #tpu.memory_space<vmem>>
      %dma_start3A_201 = arith.constant 0 : i32
      %dma_start3A_202 = arith.constant 0 : i32
      %dma_start3A_203 = tpu.memref_slice %arg10[%dma_start3A_201, %dma_start3A_202] : memref<10000x128xf32, #tpu.memory_space<vmem_shared>> -> memref<10000x128xf32, #tpu.memory_space<vmem_shared>>
      tpu.enqueue_indirect_dma source(%arg8 : memref<128x128xf32, #tpu.memory_space<vmem>>) target(%dma_start3A_203 : memref<10000x128xf32, #tpu.memory_space<vmem_shared>>) offsets(%dma_start3A_200 : memref<128xi32, #tpu.memory_space<vmem>>) semaphore(%arg11 : memref<!tpu.dma_semaphore, #tpu.memory_space<semaphore_mem>>) {add = true}
      %add3A_204 = arith.constant 1 : i32
      %add3A_205 = arith.addi %add3A_193, %add3A_204 : i32
      %mul3A_206 = arith.constant 128 : i32
      %mul3A_207 = arith.muli %add3A_205, %mul3A_206 : i32
      %multiple_of3A_208 = tpu.assume_multiple %mul3A_207, 128 : i32
      "tpu.region"() ({
        %run_scoped3A_230 = tpu.sem_alloc : memref<!tpu.dma_semaphore, #tpu.memory_space<semaphore_mem>>
        %dma_start3A_231 = arith.constant 0 : i32
        %dma_start3A_232 = tpu.memref_slice %arg2[%dma_start3A_231, %multiple_of3A_208] : memref<2x320000xi32, #tpu.memory_space<hbm>> -> memref<2x128xi32, #tpu.memory_space<hbm>>
        %dma_start3A_233 = arith.constant 0 : i32
        %dma_start3A_234 = tpu.memref_slice %arg2[%dma_start3A_233, %multiple_of3A_208] : memref<2x320000xi32, #tpu.memory_space<hbm>> -> memref<2x128xi32, #tpu.memory_space<hbm>>
        tpu.enqueue_dma source(%dma_start3A_234 : memref<2x128xi32, #tpu.memory_space<hbm>>) target(%arg7 : memref<2x128xi32, #tpu.memory_space<vmem>>) target_semaphore(%run_scoped3A_230 : memref<!tpu.dma_semaphore, #tpu.memory_space<semaphore_mem>>)
        %dma_wait3A_235 = arith.constant 0 : i32
        %dma_wait3A_236 = tpu.memref_slice %arg2[%dma_wait3A_235, %multiple_of3A_208] : memref<2x320000xi32, #tpu.memory_space<hbm>> -> memref<2x128xi32, #tpu.memory_space<hbm>>
        %dma_wait3A_237 = arith.constant 0 : i32
        %dma_wait3A_238 = tpu.memref_slice %arg2[%dma_wait3A_237, %multiple_of3A_208] : memref<2x320000xi32, #tpu.memory_space<hbm>> -> memref<2x128xi32, #tpu.memory_space<hbm>>
        tpu.wait_dma2 semaphore(%run_scoped3A_230 : memref<!tpu.dma_semaphore, #tpu.memory_space<semaphore_mem>>) src(%dma_wait3A_238 : memref<2x128xi32, #tpu.memory_space<hbm>>) dst(%arg7 : memref<2x128xi32, #tpu.memory_space<vmem>>)
        tpu.yield
      }) : () -> ()
      %dma_start3A_209 = arith.constant 1 : i32
      %dma_start3A_210 = arith.constant 0 : i32
      %dma_start3A_211 = tpu.memref_slice %arg7[%dma_start3A_209, %dma_start3A_210] : memref<2x128xi32, #tpu.memory_space<vmem>> -> memref<1x128xi32, #tpu.memory_space<vmem>>
      %dma_start3A_212 = tpu.memref_squeeze %dma_start3A_211 : memref<1x128xi32, #tpu.memory_space<vmem>> -> memref<128xi32, #tpu.memory_space<vmem>>
      %dma_start3A_213 = arith.constant 0 : i32
      %dma_start3A_214 = arith.constant 0 : i32
      %dma_start3A_215 = tpu.memref_slice %arg10[%dma_start3A_213, %dma_start3A_214] : memref<10000x128xf32, #tpu.memory_space<vmem_shared>> -> memref<10000x128xf32, #tpu.memory_space<vmem_shared>>
      tpu.enqueue_indirect_dma source(%arg8 : memref<128x128xf32, #tpu.memory_space<vmem>>) target(%dma_start3A_215 : memref<10000x128xf32, #tpu.memory_space<vmem_shared>>) offsets(%dma_start3A_212 : memref<128xi32, #tpu.memory_space<vmem>>) semaphore(%arg12 : memref<!tpu.dma_semaphore, #tpu.memory_space<semaphore_mem>>) {add = true}
      %dma_wait3A_216 = arith.constant 1 : i32
      %dma_wait3A_217 = arith.constant 0 : i32
      %dma_wait3A_218 = tpu.memref_slice %arg6[%dma_wait3A_216, %dma_wait3A_217] : memref<2x128xi32, #tpu.memory_space<vmem>> -> memref<1x128xi32, #tpu.memory_space<vmem>>
      %dma_wait3A_219 = tpu.memref_squeeze %dma_wait3A_218 : memref<1x128xi32, #tpu.memory_space<vmem>> -> memref<128xi32, #tpu.memory_space<vmem>>
      %dma_wait3A_220 = arith.constant 0 : i32
      %dma_wait3A_221 = arith.constant 0 : i32
      %dma_wait3A_222 = tpu.memref_slice %arg10[%dma_wait3A_220, %dma_wait3A_221] : memref<10000x128xf32, #tpu.memory_space<vmem_shared>> -> memref<10000x128xf32, #tpu.memory_space<vmem_shared>>
      tpu.wait_indirect_dma semaphore(%arg11 : memref<!tpu.dma_semaphore, #tpu.memory_space<semaphore_mem>>) src(%arg8 : memref<128x128xf32, #tpu.memory_space<vmem>>) dst(%dma_wait3A_222 : memref<10000x128xf32, #tpu.memory_space<vmem_shared>>)
      %dma_wait3A_223 = arith.constant 1 : i32
      %dma_wait3A_224 = arith.constant 0 : i32
      %dma_wait3A_225 = tpu.memref_slice %arg7[%dma_wait3A_223, %dma_wait3A_224] : memref<2x128xi32, #tpu.memory_space<vmem>> -> memref<1x128xi32, #tpu.memory_space<vmem>>
      %dma_wait3A_226 = tpu.memref_squeeze %dma_wait3A_225 : memref<1x128xi32, #tpu.memory_space<vmem>> -> memref<128xi32, #tpu.memory_space<vmem>>
      %dma_wait3A_227 = arith.constant 0 : i32
      %dma_wait3A_228 = arith.constant 0 : i32
      %dma_wait3A_229 = tpu.memref_slice %arg10[%dma_wait3A_227, %dma_wait3A_228] : memref<10000x128xf32, #tpu.memory_space<vmem_shared>> -> memref<10000x128xf32, #tpu.memory_space<vmem_shared>>
      tpu.wait_indirect_dma semaphore(%arg12 : memref<!tpu.dma_semaphore, #tpu.memory_space<semaphore_mem>>) src(%arg8 : memref<128x128xf32, #tpu.memory_space<vmem>>) dst(%dma_wait3A_229 : memref<10000x128xf32, #tpu.memory_space<vmem_shared>>)
    }
    %scan3A_134 = arith.constant 39 : i32
    %lt3A_135 = arith.constant 4 : i32
    %lt3A_136 = arith.cmpi slt, %add3A, %lt3A_135 : i32
    %convert_element_type3A_137 = arith.extui %lt3A_136 : i1 to i32
    %cond3A_138 = arith.constant 0 : i32
    %cond3A_139 = arith.cmpi ne, %convert_element_type3A_137, %cond3A_138 : i32
    scf.if %cond3A_139 {
      %add3A_190 = arith.constant 2496 : i32
      %add3A_191 = arith.addi %add3A_190, %add3A : i32
      %mul3A_192 = arith.constant 128 : i32
      %mul3A_193 = arith.muli %add3A_191, %mul3A_192 : i32
      %multiple_of3A_194 = tpu.assume_multiple %mul3A_193, 128 : i32
      "tpu.region"() ({
        %run_scoped3A_209 = tpu.sem_alloc : memref<!tpu.dma_semaphore, #tpu.memory_space<semaphore_mem>>
        %dma_start3A_210 = arith.constant 0 : i32
        %dma_start3A_211 = tpu.memref_slice %arg2[%dma_start3A_210, %multiple_of3A_194] : memref<2x320000xi32, #tpu.memory_space<hbm>> -> memref<2x128xi32, #tpu.memory_space<hbm>>
        %dma_start3A_212 = arith.constant 0 : i32
        %dma_start3A_213 = tpu.memref_slice %arg2[%dma_start3A_212, %multiple_of3A_194] : memref<2x320000xi32, #tpu.memory_space<hbm>> -> memref<2x128xi32, #tpu.memory_space<hbm>>
        tpu.enqueue_dma source(%dma_start3A_213 : memref<2x128xi32, #tpu.memory_space<hbm>>) target(%arg6 : memref<2x128xi32, #tpu.memory_space<vmem>>) target_semaphore(%run_scoped3A_209 : memref<!tpu.dma_semaphore, #tpu.memory_space<semaphore_mem>>)
        %dma_wait3A_214 = arith.constant 0 : i32
        %dma_wait3A_215 = tpu.memref_slice %arg2[%dma_wait3A_214, %multiple_of3A_194] : memref<2x320000xi32, #tpu.memory_space<hbm>> -> memref<2x128xi32, #tpu.memory_space<hbm>>
        %dma_wait3A_216 = arith.constant 0 : i32
        %dma_wait3A_217 = tpu.memref_slice %arg2[%dma_wait3A_216, %multiple_of3A_194] : memref<2x320000xi32, #tpu.memory_space<hbm>> -> memref<2x128xi32, #tpu.memory_space<hbm>>
        tpu.wait_dma2 semaphore(%run_scoped3A_209 : memref<!tpu.dma_semaphore, #tpu.memory_space<semaphore_mem>>) src(%dma_wait3A_217 : memref<2x128xi32, #tpu.memory_space<hbm>>) dst(%arg6 : memref<2x128xi32, #tpu.memory_space<vmem>>)
        tpu.yield
      }) : () -> ()
      %dma_start3A_195 = arith.constant 1 : i32
      %dma_start3A_196 = arith.constant 0 : i32
      %dma_start3A_197 = tpu.memref_slice %arg6[%dma_start3A_195, %dma_start3A_196] : memref<2x128xi32, #tpu.memory_space<vmem>> -> memref<1x128xi32, #tpu.memory_space<vmem>>
      %dma_start3A_198 = tpu.memref_squeeze %dma_start3A_197 : memref<1x128xi32, #tpu.memory_space<vmem>> -> memref<128xi32, #tpu.memory_space<vmem>>
      %dma_start3A_199 = arith.constant 0 : i32
      %dma_start3A_200 = arith.constant 0 : i32
      %dma_start3A_201 = tpu.memref_slice %arg10[%dma_start3A_199, %dma_start3A_200] : memref<10000x128xf32, #tpu.memory_space<vmem_shared>> -> memref<10000x128xf32, #tpu.memory_space<vmem_shared>>
      tpu.enqueue_indirect_dma source(%arg8 : memref<128x128xf32, #tpu.memory_space<vmem>>) target(%dma_start3A_201 : memref<10000x128xf32, #tpu.memory_space<vmem_shared>>) offsets(%dma_start3A_198 : memref<128xi32, #tpu.memory_space<vmem>>) semaphore(%arg11 : memref<!tpu.dma_semaphore, #tpu.memory_space<semaphore_mem>>) {add = true}
      %dma_wait3A_202 = arith.constant 1 : i32
      %dma_wait3A_203 = arith.constant 0 : i32
      %dma_wait3A_204 = tpu.memref_slice %arg6[%dma_wait3A_202, %dma_wait3A_203] : memref<2x128xi32, #tpu.memory_space<vmem>> -> memref<1x128xi32, #tpu.memory_space<vmem>>
      %dma_wait3A_205 = tpu.memref_squeeze %dma_wait3A_204 : memref<1x128xi32, #tpu.memory_space<vmem>> -> memref<128xi32, #tpu.memory_space<vmem>>
      %dma_wait3A_206 = arith.constant 0 : i32
      %dma_wait3A_207 = arith.constant 0 : i32
      %dma_wait3A_208 = tpu.memref_slice %arg10[%dma_wait3A_206, %dma_wait3A_207] : memref<10000x128xf32, #tpu.memory_space<vmem_shared>> -> memref<10000x128xf32, #tpu.memory_space<vmem_shared>>
      tpu.wait_indirect_dma semaphore(%arg11 : memref<!tpu.dma_semaphore, #tpu.memory_space<semaphore_mem>>) src(%arg8 : memref<128x128xf32, #tpu.memory_space<vmem>>) dst(%dma_wait3A_208 : memref<10000x128xf32, #tpu.memory_space<vmem_shared>>)
    } else {
    }
    %barrier3A_140 = arith.constant 0 : index
    tpu.barrier barrier_id(%barrier3A_140)
    %iota3A = tpu.iota {dimensions = array<i32: 0>} : vector<16xi32>
    %add3A_141 = arith.constant 0 : i32
    %add3A_142 = arith.addi %multiple_of3A, %add3A_141 : i32
    "tpu.region"() ({
      %run_scoped3A_190 = tpu.sem_alloc : memref<!tpu.dma_semaphore, #tpu.memory_space<semaphore_mem>>
      %dma_start3A_191 = arith.constant 0 : i32
      %dma_start3A_192 = arith.constant 0 : i32
      %dma_start3A_193 = tpu.memref_slice %arg8[%dma_start3A_191, %dma_start3A_192] : memref<128x128xf32, #tpu.memory_space<vmem>> -> memref<128x128xf32, #tpu.memory_space<vmem>>
      %dma_start3A_194 = arith.constant 0 : i32
      %dma_start3A_195 = tpu.memref_slice %arg10[%add3A_142, %dma_start3A_194] : memref<10000x128xf32, #tpu.memory_space<vmem_shared>> -> memref<128x128xf32, #tpu.memory_space<vmem_shared>>
      %dma_start3A_196 = arith.constant 0 : i32
      %dma_start3A_197 = arith.constant 0 : i32
      %dma_start3A_198 = tpu.memref_slice %arg8[%dma_start3A_196, %dma_start3A_197] : memref<128x128xf32, #tpu.memory_space<vmem>> -> memref<128x128xf32, #tpu.memory_space<vmem>>
      %dma_start3A_199 = arith.constant 0 : i32
      %dma_start3A_200 = tpu.memref_slice %arg10[%add3A_142, %dma_start3A_199] : memref<10000x128xf32, #tpu.memory_space<vmem_shared>> -> memref<128x128xf32, #tpu.memory_space<vmem_shared>>
      tpu.enqueue_dma source(%dma_start3A_200 : memref<128x128xf32, #tpu.memory_space<vmem_shared>>) target(%dma_start3A_198 : memref<128x128xf32, #tpu.memory_space<vmem>>) target_semaphore(%run_scoped3A_190 : memref<!tpu.dma_semaphore, #tpu.memory_space<semaphore_mem>>)
      %dma_wait3A_201 = arith.constant 0 : i32
      %dma_wait3A_202 = arith.constant 0 : i32
      %dma_wait3A_203 = tpu.memref_slice %arg8[%dma_wait3A_201, %dma_wait3A_202] : memref<128x128xf32, #tpu.memory_space<vmem>> -> memref<128x128xf32, #tpu.memory_space<vmem>>
      %dma_wait3A_204 = arith.constant 0 : i32
      %dma_wait3A_205 = tpu.memref_slice %arg10[%add3A_142, %dma_wait3A_204] : memref<10000x128xf32, #tpu.memory_space<vmem_shared>> -> memref<128x128xf32, #tpu.memory_space<vmem_shared>>
      %dma_wait3A_206 = arith.constant 0 : i32
      %dma_wait3A_207 = arith.constant 0 : i32
      %dma_wait3A_208 = tpu.memref_slice %arg8[%dma_wait3A_206, %dma_wait3A_207] : memref<128x128xf32, #tpu.memory_space<vmem>> -> memref<128x128xf32, #tpu.memory_space<vmem>>
      %dma_wait3A_209 = arith.constant 0 : i32
      %dma_wait3A_210 = tpu.memref_slice %arg10[%add3A_142, %dma_wait3A_209] : memref<10000x128xf32, #tpu.memory_space<vmem_shared>> -> memref<128x128xf32, #tpu.memory_space<vmem_shared>>
      tpu.wait_dma2 semaphore(%run_scoped3A_190 : memref<!tpu.dma_semaphore, #tpu.memory_space<semaphore_mem>>) src(%dma_wait3A_210 : memref<128x128xf32, #tpu.memory_space<vmem_shared>>) dst(%dma_wait3A_208 : memref<128x128xf32, #tpu.memory_space<vmem>>)
      tpu.yield
    }) : () -> ()
    %scan3A_143 = arith.constant 0 : i32
    %scan3A_144 = arith.constant 0 : i32
    %scan3A_145 = arith.constant 8 : i32
    %scan3A_146 = arith.addi %scan3A_144, %scan3A_145 : i32
    %scan3A_147 = arith.constant 1 : i32
    scf.for %scan3A_190 = %scan3A_144 to %scan3A_146 step %scan3A_147  : i32 {
      %broadcast_in_dim3A_191 = arith.constant 0.000000e+00 : f32
      %broadcast_in_dim3A_192 = vector.broadcast %broadcast_in_dim3A_191 : f32 to vector<16xf32>
      %mul3A_193 = arith.constant 16 : i32
      %mul3A_194 = arith.muli %scan3A_190, %mul3A_193 : i32
      %add3A_195 = arith.constant 0 : i32
      %add3A_196 = arith.addi %mul3A_194, %add3A_195 : i32
      %get3A = arith.index_cast %add3A_196 : i32 to index
      %get3A_197 = arith.constant 0 : index
      %get3A_198 = tpu.vector_load %arg8[%get3A, %get3A_197] {strides = array<i32>} : memref<128x128xf32, #tpu.memory_space<vmem>>, vector<1x16xf32>,
      %get3A_199 = vector.shape_cast %get3A_198 : vector<1x16xf32> to vector<16xf32>
      %eq3A_200 = arith.constant 0 : i32
      %eq3A_201 = vector.broadcast %eq3A_200 : i32 to vector<16xi32>
      %eq3A_202 = arith.cmpi eq, %iota3A, %eq3A_201 : vector<16xi32>
      %select_n3A = arith.select %eq3A_202, %get3A_199, %broadcast_in_dim3A_192 : vector<16xi1>, vector<16xf32>
      %mul3A_203 = arith.constant 16 : i32
      %mul3A_204 = arith.muli %scan3A_190, %mul3A_203 : i32
      %add3A_205 = arith.constant 1 : i32
      %add3A_206 = arith.addi %mul3A_204, %add3A_205 : i32
      %get3A_207 = arith.index_cast %add3A_206 : i32 to index
      %get3A_208 = arith.constant 0 : index
      %get3A_209 = tpu.vector_load %arg8[%get3A_207, %get3A_208] {strides = array<i32>} : memref<128x128xf32, #tpu.memory_space<vmem>>, vector<1x16xf32>,
      %get3A_210 = vector.shape_cast %get3A_209 : vector<1x16xf32> to vector<16xf32>
      %eq3A_211 = arith.constant 1 : i32
      %eq3A_212 = vector.broadcast %eq3A_211 : i32 to vector<16xi32>
      %eq3A_213 = arith.cmpi eq, %iota3A, %eq3A_212 : vector<16xi32>
      %select_n3A_214 = arith.select %eq3A_213, %get3A_210, %select_n3A : vector<16xi1>, vector<16xf32>
      %mul3A_215 = arith.constant 16 : i32
      %mul3A_216 = arith.muli %scan3A_190, %mul3A_215 : i32
      %add3A_217 = arith.constant 2 : i32
      %add3A_218 = arith.addi %mul3A_216, %add3A_217 : i32
      %get3A_219 = arith.index_cast %add3A_218 : i32 to index
      %get3A_220 = arith.constant 0 : index
      %get3A_221 = tpu.vector_load %arg8[%get3A_219, %get3A_220] {strides = array<i32>} : memref<128x128xf32, #tpu.memory_space<vmem>>, vector<1x16xf32>,
      %get3A_222 = vector.shape_cast %get3A_221 : vector<1x16xf32> to vector<16xf32>
      %eq3A_223 = arith.constant 2 : i32
      %eq3A_224 = vector.broadcast %eq3A_223 : i32 to vector<16xi32>
      %eq3A_225 = arith.cmpi eq, %iota3A, %eq3A_224 : vector<16xi32>
      %select_n3A_226 = arith.select %eq3A_225, %get3A_222, %select_n3A_214 : vector<16xi1>, vector<16xf32>
      %mul3A_227 = arith.constant 16 : i32
      %mul3A_228 = arith.muli %scan3A_190, %mul3A_227 : i32
      %add3A_229 = arith.constant 3 : i32
      %add3A_230 = arith.addi %mul3A_228, %add3A_229 : i32
      %get3A_231 = arith.index_cast %add3A_230 : i32 to index
      %get3A_232 = arith.constant 0 : index
      %get3A_233 = tpu.vector_load %arg8[%get3A_231, %get3A_232] {strides = array<i32>} : memref<128x128xf32, #tpu.memory_space<vmem>>, vector<1x16xf32>,
      %get3A_234 = vector.shape_cast %get3A_233 : vector<1x16xf32> to vector<16xf32>
      %eq3A_235 = arith.constant 3 : i32
      %eq3A_236 = vector.broadcast %eq3A_235 : i32 to vector<16xi32>
      %eq3A_237 = arith.cmpi eq, %iota3A, %eq3A_236 : vector<16xi32>
      %select_n3A_238 = arith.select %eq3A_237, %get3A_234, %select_n3A_226 : vector<16xi1>, vector<16xf32>
      %mul3A_239 = arith.constant 16 : i32
      %mul3A_240 = arith.muli %scan3A_190, %mul3A_239 : i32
      %add3A_241 = arith.constant 4 : i32
      %add3A_242 = arith.addi %mul3A_240, %add3A_241 : i32
      %get3A_243 = arith.index_cast %add3A_242 : i32 to index
      %get3A_244 = arith.constant 0 : index
      %get3A_245 = tpu.vector_load %arg8[%get3A_243, %get3A_244] {strides = array<i32>} : memref<128x128xf32, #tpu.memory_space<vmem>>, vector<1x16xf32>,
      %get3A_246 = vector.shape_cast %get3A_245 : vector<1x16xf32> to vector<16xf32>
      %eq3A_247 = arith.constant 4 : i32
      %eq3A_248 = vector.broadcast %eq3A_247 : i32 to vector<16xi32>
      %eq3A_249 = arith.cmpi eq, %iota3A, %eq3A_248 : vector<16xi32>
      %select_n3A_250 = arith.select %eq3A_249, %get3A_246, %select_n3A_238 : vector<16xi1>, vector<16xf32>
      %mul3A_251 = arith.constant 16 : i32
      %mul3A_252 = arith.muli %scan3A_190, %mul3A_251 : i32
      %add3A_253 = arith.constant 5 : i32
      %add3A_254 = arith.addi %mul3A_252, %add3A_253 : i32
      %get3A_255 = arith.index_cast %add3A_254 : i32 to index
      %get3A_256 = arith.constant 0 : index
      %get3A_257 = tpu.vector_load %arg8[%get3A_255, %get3A_256] {strides = array<i32>} : memref<128x128xf32, #tpu.memory_space<vmem>>, vector<1x16xf32>,
      %get3A_258 = vector.shape_cast %get3A_257 : vector<1x16xf32> to vector<16xf32>
      %eq3A_259 = arith.constant 5 : i32
      %eq3A_260 = vector.broadcast %eq3A_259 : i32 to vector<16xi32>
      %eq3A_261 = arith.cmpi eq, %iota3A, %eq3A_260 : vector<16xi32>
      %select_n3A_262 = arith.select %eq3A_261, %get3A_258, %select_n3A_250 : vector<16xi1>, vector<16xf32>
      %mul3A_263 = arith.constant 16 : i32
      %mul3A_264 = arith.muli %scan3A_190, %mul3A_263 : i32
      %add3A_265 = arith.constant 6 : i32
      %add3A_266 = arith.addi %mul3A_264, %add3A_265 : i32
      %get3A_267 = arith.index_cast %add3A_266 : i32 to index
      %get3A_268 = arith.constant 0 : index
      %get3A_269 = tpu.vector_load %arg8[%get3A_267, %get3A_268] {strides = array<i32>} : memref<128x128xf32, #tpu.memory_space<vmem>>, vector<1x16xf32>,
      %get3A_270 = vector.shape_cast %get3A_269 : vector<1x16xf32> to vector<16xf32>
      %eq3A_271 = arith.constant 6 : i32
      %eq3A_272 = vector.broadcast %eq3A_271 : i32 to vector<16xi32>
      %eq3A_273 = arith.cmpi eq, %iota3A, %eq3A_272 : vector<16xi32>
      %select_n3A_274 = arith.select %eq3A_273, %get3A_270, %select_n3A_262 : vector<16xi1>, vector<16xf32>
      %mul3A_275 = arith.constant 16 : i32
      %mul3A_276 = arith.muli %scan3A_190, %mul3A_275 : i32
      %add3A_277 = arith.constant 7 : i32
      %add3A_278 = arith.addi %mul3A_276, %add3A_277 : i32
      %get3A_279 = arith.index_cast %add3A_278 : i32 to index
      %get3A_280 = arith.constant 0 : index
      %get3A_281 = tpu.vector_load %arg8[%get3A_279, %get3A_280] {strides = array<i32>} : memref<128x128xf32, #tpu.memory_space<vmem>>, vector<1x16xf32>,
      %get3A_282 = vector.shape_cast %get3A_281 : vector<1x16xf32> to vector<16xf32>
      %eq3A_283 = arith.constant 7 : i32
      %eq3A_284 = vector.broadcast %eq3A_283 : i32 to vector<16xi32>
      %eq3A_285 = arith.cmpi eq, %iota3A, %eq3A_284 : vector<16xi32>
      %select_n3A_286 = arith.select %eq3A_285, %get3A_282, %select_n3A_274 : vector<16xi1>, vector<16xf32>
      %mul3A_287 = arith.constant 16 : i32
      %mul3A_288 = arith.muli %scan3A_190, %mul3A_287 : i32
      %add3A_289 = arith.constant 8 : i32
      %add3A_290 = arith.addi %mul3A_288, %add3A_289 : i32
      %get3A_291 = arith.index_cast %add3A_290 : i32 to index
      %get3A_292 = arith.constant 0 : index
      %get3A_293 = tpu.vector_load %arg8[%get3A_291, %get3A_292] {strides = array<i32>} : memref<128x128xf32, #tpu.memory_space<vmem>>, vector<1x16xf32>,
      %get3A_294 = vector.shape_cast %get3A_293 : vector<1x16xf32> to vector<16xf32>
      %eq3A_295 = arith.constant 8 : i32
      %eq3A_296 = vector.broadcast %eq3A_295 : i32 to vector<16xi32>
      %eq3A_297 = arith.cmpi eq, %iota3A, %eq3A_296 : vector<16xi32>
      %select_n3A_298 = arith.select %eq3A_297, %get3A_294, %select_n3A_286 : vector<16xi1>, vector<16xf32>
      %mul3A_299 = arith.constant 16 : i32
      %mul3A_300 = arith.muli %scan3A_190, %mul3A_299 : i32
      %add3A_301 = arith.constant 9 : i32
      %add3A_302 = arith.addi %mul3A_300, %add3A_301 : i32
      %get3A_303 = arith.index_cast %add3A_302 : i32 to index
      %get3A_304 = arith.constant 0 : index
      %get3A_305 = tpu.vector_load %arg8[%get3A_303, %get3A_304] {strides = array<i32>} : memref<128x128xf32, #tpu.memory_space<vmem>>, vector<1x16xf32>,
      %get3A_306 = vector.shape_cast %get3A_305 : vector<1x16xf32> to vector<16xf32>
      %eq3A_307 = arith.constant 9 : i32
      %eq3A_308 = vector.broadcast %eq3A_307 : i32 to vector<16xi32>
      %eq3A_309 = arith.cmpi eq, %iota3A, %eq3A_308 : vector<16xi32>
      %select_n3A_310 = arith.select %eq3A_309, %get3A_306, %select_n3A_298 : vector<16xi1>, vector<16xf32>
      %mul3A_311 = arith.constant 16 : i32
      %mul3A_312 = arith.muli %scan3A_190, %mul3A_311 : i32
      %add3A_313 = arith.constant 10 : i32
      %add3A_314 = arith.addi %mul3A_312, %add3A_313 : i32
      %get3A_315 = arith.index_cast %add3A_314 : i32 to index
      %get3A_316 = arith.constant 0 : index
      %get3A_317 = tpu.vector_load %arg8[%get3A_315, %get3A_316] {strides = array<i32>} : memref<128x128xf32, #tpu.memory_space<vmem>>, vector<1x16xf32>,
      %get3A_318 = vector.shape_cast %get3A_317 : vector<1x16xf32> to vector<16xf32>
      %eq3A_319 = arith.constant 10 : i32
      %eq3A_320 = vector.broadcast %eq3A_319 : i32 to vector<16xi32>
      %eq3A_321 = arith.cmpi eq, %iota3A, %eq3A_320 : vector<16xi32>
      %select_n3A_322 = arith.select %eq3A_321, %get3A_318, %select_n3A_310 : vector<16xi1>, vector<16xf32>
      %mul3A_323 = arith.constant 16 : i32
      %mul3A_324 = arith.muli %scan3A_190, %mul3A_323 : i32
      %add3A_325 = arith.constant 11 : i32
      %add3A_326 = arith.addi %mul3A_324, %add3A_325 : i32
      %get3A_327 = arith.index_cast %add3A_326 : i32 to index
      %get3A_328 = arith.constant 0 : index
      %get3A_329 = tpu.vector_load %arg8[%get3A_327, %get3A_328] {strides = array<i32>} : memref<128x128xf32, #tpu.memory_space<vmem>>, vector<1x16xf32>,
      %get3A_330 = vector.shape_cast %get3A_329 : vector<1x16xf32> to vector<16xf32>
      %eq3A_331 = arith.constant 11 : i32
      %eq3A_332 = vector.broadcast %eq3A_331 : i32 to vector<16xi32>
      %eq3A_333 = arith.cmpi eq, %iota3A, %eq3A_332 : vector<16xi32>
      %select_n3A_334 = arith.select %eq3A_333, %get3A_330, %select_n3A_322 : vector<16xi1>, vector<16xf32>
      %mul3A_335 = arith.constant 16 : i32
      %mul3A_336 = arith.muli %scan3A_190, %mul3A_335 : i32
      %add3A_337 = arith.constant 12 : i32
      %add3A_338 = arith.addi %mul3A_336, %add3A_337 : i32
      %get3A_339 = arith.index_cast %add3A_338 : i32 to index
      %get3A_340 = arith.constant 0 : index
      %get3A_341 = tpu.vector_load %arg8[%get3A_339, %get3A_340] {strides = array<i32>} : memref<128x128xf32, #tpu.memory_space<vmem>>, vector<1x16xf32>,
      %get3A_342 = vector.shape_cast %get3A_341 : vector<1x16xf32> to vector<16xf32>
      %eq3A_343 = arith.constant 12 : i32
      %eq3A_344 = vector.broadcast %eq3A_343 : i32 to vector<16xi32>
      %eq3A_345 = arith.cmpi eq, %iota3A, %eq3A_344 : vector<16xi32>
      %select_n3A_346 = arith.select %eq3A_345, %get3A_342, %select_n3A_334 : vector<16xi1>, vector<16xf32>
      %mul3A_347 = arith.constant 16 : i32
      %mul3A_348 = arith.muli %scan3A_190, %mul3A_347 : i32
      %add3A_349 = arith.constant 13 : i32
      %add3A_350 = arith.addi %mul3A_348, %add3A_349 : i32
      %get3A_351 = arith.index_cast %add3A_350 : i32 to index
      %get3A_352 = arith.constant 0 : index
      %get3A_353 = tpu.vector_load %arg8[%get3A_351, %get3A_352] {strides = array<i32>} : memref<128x128xf32, #tpu.memory_space<vmem>>, vector<1x16xf32>,
      %get3A_354 = vector.shape_cast %get3A_353 : vector<1x16xf32> to vector<16xf32>
      %eq3A_355 = arith.constant 13 : i32
      %eq3A_356 = vector.broadcast %eq3A_355 : i32 to vector<16xi32>
      %eq3A_357 = arith.cmpi eq, %iota3A, %eq3A_356 : vector<16xi32>
      %select_n3A_358 = arith.select %eq3A_357, %get3A_354, %select_n3A_346 : vector<16xi1>, vector<16xf32>
      %mul3A_359 = arith.constant 16 : i32
      %mul3A_360 = arith.muli %scan3A_190, %mul3A_359 : i32
      %add3A_361 = arith.constant 14 : i32
      %add3A_362 = arith.addi %mul3A_360, %add3A_361 : i32
      %get3A_363 = arith.index_cast %add3A_362 : i32 to index
      %get3A_364 = arith.constant 0 : index
      %get3A_365 = tpu.vector_load %arg8[%get3A_363, %get3A_364] {strides = array<i32>} : memref<128x128xf32, #tpu.memory_space<vmem>>, vector<1x16xf32>,
      %get3A_366 = vector.shape_cast %get3A_365 : vector<1x16xf32> to vector<16xf32>
      %eq3A_367 = arith.constant 14 : i32
      %eq3A_368 = vector.broadcast %eq3A_367 : i32 to vector<16xi32>
      %eq3A_369 = arith.cmpi eq, %iota3A, %eq3A_368 : vector<16xi32>
      %select_n3A_370 = arith.select %eq3A_369, %get3A_366, %select_n3A_358 : vector<16xi1>, vector<16xf32>
      %mul3A_371 = arith.constant 16 : i32
      %mul3A_372 = arith.muli %scan3A_190, %mul3A_371 : i32
      %add3A_373 = arith.constant 15 : i32
      %add3A_374 = arith.addi %mul3A_372, %add3A_373 : i32
      %get3A_375 = arith.index_cast %add3A_374 : i32 to index
      %get3A_376 = arith.constant 0 : index
      %get3A_377 = tpu.vector_load %arg8[%get3A_375, %get3A_376] {strides = array<i32>} : memref<128x128xf32, #tpu.memory_space<vmem>>, vector<1x16xf32>,
      %get3A_378 = vector.shape_cast %get3A_377 : vector<1x16xf32> to vector<16xf32>
      %eq3A_379 = arith.constant 15 : i32
      %eq3A_380 = vector.broadcast %eq3A_379 : i32 to vector<16xi32>
      %eq3A_381 = arith.cmpi eq, %iota3A, %eq3A_380 : vector<16xi32>
      %select_n3A_382 = arith.select %eq3A_381, %get3A_378, %select_n3A_370 : vector<16xi1>, vector<16xf32>
      %mul3A_383 = arith.constant 16 : i32
      %mul3A_384 = arith.muli %scan3A_190, %mul3A_383 : i32
      %add3A_385 = arith.constant 0 : i32
      %add3A_386 = arith.addi %add3A_385, %mul3A_384 : i32
      %swap3A = arith.index_cast %add3A_386 : i32 to index
      %swap3A_387 = tpu.vector_load %arg13[%swap3A] {strides = array<i32>} : memref<624xf32, #tpu.memory_space<vmem>>, vector<16xf32>,
      %swap3A_388 = vector.shape_cast %swap3A_387 : vector<16xf32> to vector<16xf32>
      %swap3A_389 = vector.shape_cast %select_n3A_382 : vector<16xf32> to vector<16xf32>
      tpu.vector_store %arg13[%swap3A], %swap3A_389 {strides = array<i32>} : memref<624xf32, #tpu.memory_space<vmem>>, vector<16xf32>,
    }
    %scan3A_148 = arith.constant 8 : i32
    %add3A_149 = arith.constant 128 : i32
    %add3A_150 = arith.addi %multiple_of3A, %add3A_149 : i32
    "tpu.region"() ({
      %run_scoped3A_190 = tpu.sem_alloc : memref<!tpu.dma_semaphore, #tpu.memory_space<semaphore_mem>>
      %dma_start3A_191 = arith.constant 0 : i32
      %dma_start3A_192 = arith.constant 0 : i32
      %dma_start3A_193 = tpu.memref_slice %arg8[%dma_start3A_191, %dma_start3A_192] : memref<128x128xf32, #tpu.memory_space<vmem>> -> memref<128x128xf32, #tpu.memory_space<vmem>>
      %dma_start3A_194 = arith.constant 0 : i32
      %dma_start3A_195 = tpu.memref_slice %arg10[%add3A_150, %dma_start3A_194] : memref<10000x128xf32, #tpu.memory_space<vmem_shared>> -> memref<128x128xf32, #tpu.memory_space<vmem_shared>>
      %dma_start3A_196 = arith.constant 0 : i32
      %dma_start3A_197 = arith.constant 0 : i32
      %dma_start3A_198 = tpu.memref_slice %arg8[%dma_start3A_196, %dma_start3A_197] : memref<128x128xf32, #tpu.memory_space<vmem>> -> memref<128x128xf32, #tpu.memory_space<vmem>>
      %dma_start3A_199 = arith.constant 0 : i32
      %dma_start3A_200 = tpu.memref_slice %arg10[%add3A_150, %dma_start3A_199] : memref<10000x128xf32, #tpu.memory_space<vmem_shared>> -> memref<128x128xf32, #tpu.memory_space<vmem_shared>>
      tpu.enqueue_dma source(%dma_start3A_200 : memref<128x128xf32, #tpu.memory_space<vmem_shared>>) target(%dma_start3A_198 : memref<128x128xf32, #tpu.memory_space<vmem>>) target_semaphore(%run_scoped3A_190 : memref<!tpu.dma_semaphore, #tpu.memory_space<semaphore_mem>>)
      %dma_wait3A_201 = arith.constant 0 : i32
      %dma_wait3A_202 = arith.constant 0 : i32
      %dma_wait3A_203 = tpu.memref_slice %arg8[%dma_wait3A_201, %dma_wait3A_202] : memref<128x128xf32, #tpu.memory_space<vmem>> -> memref<128x128xf32, #tpu.memory_space<vmem>>
      %dma_wait3A_204 = arith.constant 0 : i32
      %dma_wait3A_205 = tpu.memref_slice %arg10[%add3A_150, %dma_wait3A_204] : memref<10000x128xf32, #tpu.memory_space<vmem_shared>> -> memref<128x128xf32, #tpu.memory_space<vmem_shared>>
      %dma_wait3A_206 = arith.constant 0 : i32
      %dma_wait3A_207 = arith.constant 0 : i32
      %dma_wait3A_208 = tpu.memref_slice %arg8[%dma_wait3A_206, %dma_wait3A_207] : memref<128x128xf32, #tpu.memory_space<vmem>> -> memref<128x128xf32, #tpu.memory_space<vmem>>
      %dma_wait3A_209 = arith.constant 0 : i32
      %dma_wait3A_210 = tpu.memref_slice %arg10[%add3A_150, %dma_wait3A_209] : memref<10000x128xf32, #tpu.memory_space<vmem_shared>> -> memref<128x128xf32, #tpu.memory_space<vmem_shared>>
      tpu.wait_dma2 semaphore(%run_scoped3A_190 : memref<!tpu.dma_semaphore, #tpu.memory_space<semaphore_mem>>) src(%dma_wait3A_210 : memref<128x128xf32, #tpu.memory_space<vmem_shared>>) dst(%dma_wait3A_208 : memref<128x128xf32, #tpu.memory_space<vmem>>)
      tpu.yield
    }) : () -> ()
    %scan3A_151 = arith.constant 0 : i32
    %scan3A_152 = arith.constant 0 : i32
    %scan3A_153 = arith.constant 8 : i32
    %scan3A_154 = arith.addi %scan3A_152, %scan3A_153 : i32
    %scan3A_155 = arith.constant 1 : i32
    scf.for %scan3A_190 = %scan3A_152 to %scan3A_154 step %scan3A_155  : i32 {
      %broadcast_in_dim3A_191 = arith.constant 0.000000e+00 : f32
      %broadcast_in_dim3A_192 = vector.broadcast %broadcast_in_dim3A_191 : f32 to vector<16xf32>
      %mul3A_193 = arith.constant 16 : i32
      %mul3A_194 = arith.muli %scan3A_190, %mul3A_193 : i32
      %add3A_195 = arith.constant 0 : i32
      %add3A_196 = arith.addi %mul3A_194, %add3A_195 : i32
      %get3A = arith.index_cast %add3A_196 : i32 to index
      %get3A_197 = arith.constant 0 : index
      %get3A_198 = tpu.vector_load %arg8[%get3A, %get3A_197] {strides = array<i32>} : memref<128x128xf32, #tpu.memory_space<vmem>>, vector<1x16xf32>,
      %get3A_199 = vector.shape_cast %get3A_198 : vector<1x16xf32> to vector<16xf32>
      %eq3A_200 = arith.constant 0 : i32
      %eq3A_201 = vector.broadcast %eq3A_200 : i32 to vector<16xi32>
      %eq3A_202 = arith.cmpi eq, %iota3A, %eq3A_201 : vector<16xi32>
      %select_n3A = arith.select %eq3A_202, %get3A_199, %broadcast_in_dim3A_192 : vector<16xi1>, vector<16xf32>
      %mul3A_203 = arith.constant 16 : i32
      %mul3A_204 = arith.muli %scan3A_190, %mul3A_203 : i32
      %add3A_205 = arith.constant 1 : i32
      %add3A_206 = arith.addi %mul3A_204, %add3A_205 : i32
      %get3A_207 = arith.index_cast %add3A_206 : i32 to index
      %get3A_208 = arith.constant 0 : index
      %get3A_209 = tpu.vector_load %arg8[%get3A_207, %get3A_208] {strides = array<i32>} : memref<128x128xf32, #tpu.memory_space<vmem>>, vector<1x16xf32>,
      %get3A_210 = vector.shape_cast %get3A_209 : vector<1x16xf32> to vector<16xf32>
      %eq3A_211 = arith.constant 1 : i32
      %eq3A_212 = vector.broadcast %eq3A_211 : i32 to vector<16xi32>
      %eq3A_213 = arith.cmpi eq, %iota3A, %eq3A_212 : vector<16xi32>
      %select_n3A_214 = arith.select %eq3A_213, %get3A_210, %select_n3A : vector<16xi1>, vector<16xf32>
      %mul3A_215 = arith.constant 16 : i32
      %mul3A_216 = arith.muli %scan3A_190, %mul3A_215 : i32
      %add3A_217 = arith.constant 2 : i32
      %add3A_218 = arith.addi %mul3A_216, %add3A_217 : i32
      %get3A_219 = arith.index_cast %add3A_218 : i32 to index
      %get3A_220 = arith.constant 0 : index
      %get3A_221 = tpu.vector_load %arg8[%get3A_219, %get3A_220] {strides = array<i32>} : memref<128x128xf32, #tpu.memory_space<vmem>>, vector<1x16xf32>,
      %get3A_222 = vector.shape_cast %get3A_221 : vector<1x16xf32> to vector<16xf32>
      %eq3A_223 = arith.constant 2 : i32
      %eq3A_224 = vector.broadcast %eq3A_223 : i32 to vector<16xi32>
      %eq3A_225 = arith.cmpi eq, %iota3A, %eq3A_224 : vector<16xi32>
      %select_n3A_226 = arith.select %eq3A_225, %get3A_222, %select_n3A_214 : vector<16xi1>, vector<16xf32>
      %mul3A_227 = arith.constant 16 : i32
      %mul3A_228 = arith.muli %scan3A_190, %mul3A_227 : i32
      %add3A_229 = arith.constant 3 : i32
      %add3A_230 = arith.addi %mul3A_228, %add3A_229 : i32
      %get3A_231 = arith.index_cast %add3A_230 : i32 to index
      %get3A_232 = arith.constant 0 : index
      %get3A_233 = tpu.vector_load %arg8[%get3A_231, %get3A_232] {strides = array<i32>} : memref<128x128xf32, #tpu.memory_space<vmem>>, vector<1x16xf32>,
      %get3A_234 = vector.shape_cast %get3A_233 : vector<1x16xf32> to vector<16xf32>
      %eq3A_235 = arith.constant 3 : i32
      %eq3A_236 = vector.broadcast %eq3A_235 : i32 to vector<16xi32>
      %eq3A_237 = arith.cmpi eq, %iota3A, %eq3A_236 : vector<16xi32>
      %select_n3A_238 = arith.select %eq3A_237, %get3A_234, %select_n3A_226 : vector<16xi1>, vector<16xf32>
      %mul3A_239 = arith.constant 16 : i32
      %mul3A_240 = arith.muli %scan3A_190, %mul3A_239 : i32
      %add3A_241 = arith.constant 4 : i32
      %add3A_242 = arith.addi %mul3A_240, %add3A_241 : i32
      %get3A_243 = arith.index_cast %add3A_242 : i32 to index
      %get3A_244 = arith.constant 0 : index
      %get3A_245 = tpu.vector_load %arg8[%get3A_243, %get3A_244] {strides = array<i32>} : memref<128x128xf32, #tpu.memory_space<vmem>>, vector<1x16xf32>,
      %get3A_246 = vector.shape_cast %get3A_245 : vector<1x16xf32> to vector<16xf32>
      %eq3A_247 = arith.constant 4 : i32
      %eq3A_248 = vector.broadcast %eq3A_247 : i32 to vector<16xi32>
      %eq3A_249 = arith.cmpi eq, %iota3A, %eq3A_248 : vector<16xi32>
      %select_n3A_250 = arith.select %eq3A_249, %get3A_246, %select_n3A_238 : vector<16xi1>, vector<16xf32>
      %mul3A_251 = arith.constant 16 : i32
      %mul3A_252 = arith.muli %scan3A_190, %mul3A_251 : i32
      %add3A_253 = arith.constant 5 : i32
      %add3A_254 = arith.addi %mul3A_252, %add3A_253 : i32
      %get3A_255 = arith.index_cast %add3A_254 : i32 to index
      %get3A_256 = arith.constant 0 : index
      %get3A_257 = tpu.vector_load %arg8[%get3A_255, %get3A_256] {strides = array<i32>} : memref<128x128xf32, #tpu.memory_space<vmem>>, vector<1x16xf32>,
      %get3A_258 = vector.shape_cast %get3A_257 : vector<1x16xf32> to vector<16xf32>
      %eq3A_259 = arith.constant 5 : i32
      %eq3A_260 = vector.broadcast %eq3A_259 : i32 to vector<16xi32>
      %eq3A_261 = arith.cmpi eq, %iota3A, %eq3A_260 : vector<16xi32>
      %select_n3A_262 = arith.select %eq3A_261, %get3A_258, %select_n3A_250 : vector<16xi1>, vector<16xf32>
      %mul3A_263 = arith.constant 16 : i32
      %mul3A_264 = arith.muli %scan3A_190, %mul3A_263 : i32
      %add3A_265 = arith.constant 6 : i32
      %add3A_266 = arith.addi %mul3A_264, %add3A_265 : i32
      %get3A_267 = arith.index_cast %add3A_266 : i32 to index
      %get3A_268 = arith.constant 0 : index
      %get3A_269 = tpu.vector_load %arg8[%get3A_267, %get3A_268] {strides = array<i32>} : memref<128x128xf32, #tpu.memory_space<vmem>>, vector<1x16xf32>,
      %get3A_270 = vector.shape_cast %get3A_269 : vector<1x16xf32> to vector<16xf32>
      %eq3A_271 = arith.constant 6 : i32
      %eq3A_272 = vector.broadcast %eq3A_271 : i32 to vector<16xi32>
      %eq3A_273 = arith.cmpi eq, %iota3A, %eq3A_272 : vector<16xi32>
      %select_n3A_274 = arith.select %eq3A_273, %get3A_270, %select_n3A_262 : vector<16xi1>, vector<16xf32>
      %mul3A_275 = arith.constant 16 : i32
      %mul3A_276 = arith.muli %scan3A_190, %mul3A_275 : i32
      %add3A_277 = arith.constant 7 : i32
      %add3A_278 = arith.addi %mul3A_276, %add3A_277 : i32
      %get3A_279 = arith.index_cast %add3A_278 : i32 to index
      %get3A_280 = arith.constant 0 : index
      %get3A_281 = tpu.vector_load %arg8[%get3A_279, %get3A_280] {strides = array<i32>} : memref<128x128xf32, #tpu.memory_space<vmem>>, vector<1x16xf32>,
      %get3A_282 = vector.shape_cast %get3A_281 : vector<1x16xf32> to vector<16xf32>
      %eq3A_283 = arith.constant 7 : i32
      %eq3A_284 = vector.broadcast %eq3A_283 : i32 to vector<16xi32>
      %eq3A_285 = arith.cmpi eq, %iota3A, %eq3A_284 : vector<16xi32>
      %select_n3A_286 = arith.select %eq3A_285, %get3A_282, %select_n3A_274 : vector<16xi1>, vector<16xf32>
      %mul3A_287 = arith.constant 16 : i32
      %mul3A_288 = arith.muli %scan3A_190, %mul3A_287 : i32
      %add3A_289 = arith.constant 8 : i32
      %add3A_290 = arith.addi %mul3A_288, %add3A_289 : i32
      %get3A_291 = arith.index_cast %add3A_290 : i32 to index
      %get3A_292 = arith.constant 0 : index
      %get3A_293 = tpu.vector_load %arg8[%get3A_291, %get3A_292] {strides = array<i32>} : memref<128x128xf32, #tpu.memory_space<vmem>>, vector<1x16xf32>,
      %get3A_294 = vector.shape_cast %get3A_293 : vector<1x16xf32> to vector<16xf32>
      %eq3A_295 = arith.constant 8 : i32
      %eq3A_296 = vector.broadcast %eq3A_295 : i32 to vector<16xi32>
      %eq3A_297 = arith.cmpi eq, %iota3A, %eq3A_296 : vector<16xi32>
      %select_n3A_298 = arith.select %eq3A_297, %get3A_294, %select_n3A_286 : vector<16xi1>, vector<16xf32>
      %mul3A_299 = arith.constant 16 : i32
      %mul3A_300 = arith.muli %scan3A_190, %mul3A_299 : i32
      %add3A_301 = arith.constant 9 : i32
      %add3A_302 = arith.addi %mul3A_300, %add3A_301 : i32
      %get3A_303 = arith.index_cast %add3A_302 : i32 to index
      %get3A_304 = arith.constant 0 : index
      %get3A_305 = tpu.vector_load %arg8[%get3A_303, %get3A_304] {strides = array<i32>} : memref<128x128xf32, #tpu.memory_space<vmem>>, vector<1x16xf32>,
      %get3A_306 = vector.shape_cast %get3A_305 : vector<1x16xf32> to vector<16xf32>
      %eq3A_307 = arith.constant 9 : i32
      %eq3A_308 = vector.broadcast %eq3A_307 : i32 to vector<16xi32>
      %eq3A_309 = arith.cmpi eq, %iota3A, %eq3A_308 : vector<16xi32>
      %select_n3A_310 = arith.select %eq3A_309, %get3A_306, %select_n3A_298 : vector<16xi1>, vector<16xf32>
      %mul3A_311 = arith.constant 16 : i32
      %mul3A_312 = arith.muli %scan3A_190, %mul3A_311 : i32
      %add3A_313 = arith.constant 10 : i32
      %add3A_314 = arith.addi %mul3A_312, %add3A_313 : i32
      %get3A_315 = arith.index_cast %add3A_314 : i32 to index
      %get3A_316 = arith.constant 0 : index
      %get3A_317 = tpu.vector_load %arg8[%get3A_315, %get3A_316] {strides = array<i32>} : memref<128x128xf32, #tpu.memory_space<vmem>>, vector<1x16xf32>,
      %get3A_318 = vector.shape_cast %get3A_317 : vector<1x16xf32> to vector<16xf32>
      %eq3A_319 = arith.constant 10 : i32
      %eq3A_320 = vector.broadcast %eq3A_319 : i32 to vector<16xi32>
      %eq3A_321 = arith.cmpi eq, %iota3A, %eq3A_320 : vector<16xi32>
      %select_n3A_322 = arith.select %eq3A_321, %get3A_318, %select_n3A_310 : vector<16xi1>, vector<16xf32>
      %mul3A_323 = arith.constant 16 : i32
      %mul3A_324 = arith.muli %scan3A_190, %mul3A_323 : i32
      %add3A_325 = arith.constant 11 : i32
      %add3A_326 = arith.addi %mul3A_324, %add3A_325 : i32
      %get3A_327 = arith.index_cast %add3A_326 : i32 to index
      %get3A_328 = arith.constant 0 : index
      %get3A_329 = tpu.vector_load %arg8[%get3A_327, %get3A_328] {strides = array<i32>} : memref<128x128xf32, #tpu.memory_space<vmem>>, vector<1x16xf32>,
      %get3A_330 = vector.shape_cast %get3A_329 : vector<1x16xf32> to vector<16xf32>
      %eq3A_331 = arith.constant 11 : i32
      %eq3A_332 = vector.broadcast %eq3A_331 : i32 to vector<16xi32>
      %eq3A_333 = arith.cmpi eq, %iota3A, %eq3A_332 : vector<16xi32>
      %select_n3A_334 = arith.select %eq3A_333, %get3A_330, %select_n3A_322 : vector<16xi1>, vector<16xf32>
      %mul3A_335 = arith.constant 16 : i32
      %mul3A_336 = arith.muli %scan3A_190, %mul3A_335 : i32
      %add3A_337 = arith.constant 12 : i32
      %add3A_338 = arith.addi %mul3A_336, %add3A_337 : i32
      %get3A_339 = arith.index_cast %add3A_338 : i32 to index
      %get3A_340 = arith.constant 0 : index
      %get3A_341 = tpu.vector_load %arg8[%get3A_339, %get3A_340] {strides = array<i32>} : memref<128x128xf32, #tpu.memory_space<vmem>>, vector<1x16xf32>,
      %get3A_342 = vector.shape_cast %get3A_341 : vector<1x16xf32> to vector<16xf32>
      %eq3A_343 = arith.constant 12 : i32
      %eq3A_344 = vector.broadcast %eq3A_343 : i32 to vector<16xi32>
      %eq3A_345 = arith.cmpi eq, %iota3A, %eq3A_344 : vector<16xi32>
      %select_n3A_346 = arith.select %eq3A_345, %get3A_342, %select_n3A_334 : vector<16xi1>, vector<16xf32>
      %mul3A_347 = arith.constant 16 : i32
      %mul3A_348 = arith.muli %scan3A_190, %mul3A_347 : i32
      %add3A_349 = arith.constant 13 : i32
      %add3A_350 = arith.addi %mul3A_348, %add3A_349 : i32
      %get3A_351 = arith.index_cast %add3A_350 : i32 to index
      %get3A_352 = arith.constant 0 : index
      %get3A_353 = tpu.vector_load %arg8[%get3A_351, %get3A_352] {strides = array<i32>} : memref<128x128xf32, #tpu.memory_space<vmem>>, vector<1x16xf32>,
      %get3A_354 = vector.shape_cast %get3A_353 : vector<1x16xf32> to vector<16xf32>
      %eq3A_355 = arith.constant 13 : i32
      %eq3A_356 = vector.broadcast %eq3A_355 : i32 to vector<16xi32>
      %eq3A_357 = arith.cmpi eq, %iota3A, %eq3A_356 : vector<16xi32>
      %select_n3A_358 = arith.select %eq3A_357, %get3A_354, %select_n3A_346 : vector<16xi1>, vector<16xf32>
      %mul3A_359 = arith.constant 16 : i32
      %mul3A_360 = arith.muli %scan3A_190, %mul3A_359 : i32
      %add3A_361 = arith.constant 14 : i32
      %add3A_362 = arith.addi %mul3A_360, %add3A_361 : i32
      %get3A_363 = arith.index_cast %add3A_362 : i32 to index
      %get3A_364 = arith.constant 0 : index
      %get3A_365 = tpu.vector_load %arg8[%get3A_363, %get3A_364] {strides = array<i32>} : memref<128x128xf32, #tpu.memory_space<vmem>>, vector<1x16xf32>,
      %get3A_366 = vector.shape_cast %get3A_365 : vector<1x16xf32> to vector<16xf32>
      %eq3A_367 = arith.constant 14 : i32
      %eq3A_368 = vector.broadcast %eq3A_367 : i32 to vector<16xi32>
      %eq3A_369 = arith.cmpi eq, %iota3A, %eq3A_368 : vector<16xi32>
      %select_n3A_370 = arith.select %eq3A_369, %get3A_366, %select_n3A_358 : vector<16xi1>, vector<16xf32>
      %mul3A_371 = arith.constant 16 : i32
      %mul3A_372 = arith.muli %scan3A_190, %mul3A_371 : i32
      %add3A_373 = arith.constant 15 : i32
      %add3A_374 = arith.addi %mul3A_372, %add3A_373 : i32
      %get3A_375 = arith.index_cast %add3A_374 : i32 to index
      %get3A_376 = arith.constant 0 : index
      %get3A_377 = tpu.vector_load %arg8[%get3A_375, %get3A_376] {strides = array<i32>} : memref<128x128xf32, #tpu.memory_space<vmem>>, vector<1x16xf32>,
      %get3A_378 = vector.shape_cast %get3A_377 : vector<1x16xf32> to vector<16xf32>
      %eq3A_379 = arith.constant 15 : i32
      %eq3A_380 = vector.broadcast %eq3A_379 : i32 to vector<16xi32>
      %eq3A_381 = arith.cmpi eq, %iota3A, %eq3A_380 : vector<16xi32>
      %select_n3A_382 = arith.select %eq3A_381, %get3A_378, %select_n3A_370 : vector<16xi1>, vector<16xf32>
      %mul3A_383 = arith.constant 16 : i32
      %mul3A_384 = arith.muli %scan3A_190, %mul3A_383 : i32
      %add3A_385 = arith.constant 128 : i32
      %add3A_386 = arith.addi %add3A_385, %mul3A_384 : i32
      %swap3A = arith.index_cast %add3A_386 : i32 to index
      %swap3A_387 = tpu.vector_load %arg13[%swap3A] {strides = array<i32>} : memref<624xf32, #tpu.memory_space<vmem>>, vector<16xf32>,
      %swap3A_388 = vector.shape_cast %swap3A_387 : vector<16xf32> to vector<16xf32>
      %swap3A_389 = vector.shape_cast %select_n3A_382 : vector<16xf32> to vector<16xf32>
      tpu.vector_store %arg13[%swap3A], %swap3A_389 {strides = array<i32>} : memref<624xf32, #tpu.memory_space<vmem>>, vector<16xf32>,
    }
    %scan3A_156 = arith.constant 8 : i32
    %add3A_157 = arith.constant 256 : i32
    %add3A_158 = arith.addi %multiple_of3A, %add3A_157 : i32
    "tpu.region"() ({
      %run_scoped3A_190 = tpu.sem_alloc : memref<!tpu.dma_semaphore, #tpu.memory_space<semaphore_mem>>
      %dma_start3A_191 = arith.constant 0 : i32
      %dma_start3A_192 = arith.constant 0 : i32
      %dma_start3A_193 = tpu.memref_slice %arg8[%dma_start3A_191, %dma_start3A_192] : memref<128x128xf32, #tpu.memory_space<vmem>> -> memref<128x128xf32, #tpu.memory_space<vmem>>
      %dma_start3A_194 = arith.constant 0 : i32
      %dma_start3A_195 = tpu.memref_slice %arg10[%add3A_158, %dma_start3A_194] : memref<10000x128xf32, #tpu.memory_space<vmem_shared>> -> memref<128x128xf32, #tpu.memory_space<vmem_shared>>
      %dma_start3A_196 = arith.constant 0 : i32
      %dma_start3A_197 = arith.constant 0 : i32
      %dma_start3A_198 = tpu.memref_slice %arg8[%dma_start3A_196, %dma_start3A_197] : memref<128x128xf32, #tpu.memory_space<vmem>> -> memref<128x128xf32, #tpu.memory_space<vmem>>
      %dma_start3A_199 = arith.constant 0 : i32
      %dma_start3A_200 = tpu.memref_slice %arg10[%add3A_158, %dma_start3A_199] : memref<10000x128xf32, #tpu.memory_space<vmem_shared>> -> memref<128x128xf32, #tpu.memory_space<vmem_shared>>
      tpu.enqueue_dma source(%dma_start3A_200 : memref<128x128xf32, #tpu.memory_space<vmem_shared>>) target(%dma_start3A_198 : memref<128x128xf32, #tpu.memory_space<vmem>>) target_semaphore(%run_scoped3A_190 : memref<!tpu.dma_semaphore, #tpu.memory_space<semaphore_mem>>)
      %dma_wait3A_201 = arith.constant 0 : i32
      %dma_wait3A_202 = arith.constant 0 : i32
      %dma_wait3A_203 = tpu.memref_slice %arg8[%dma_wait3A_201, %dma_wait3A_202] : memref<128x128xf32, #tpu.memory_space<vmem>> -> memref<128x128xf32, #tpu.memory_space<vmem>>
      %dma_wait3A_204 = arith.constant 0 : i32
      %dma_wait3A_205 = tpu.memref_slice %arg10[%add3A_158, %dma_wait3A_204] : memref<10000x128xf32, #tpu.memory_space<vmem_shared>> -> memref<128x128xf32, #tpu.memory_space<vmem_shared>>
      %dma_wait3A_206 = arith.constant 0 : i32
      %dma_wait3A_207 = arith.constant 0 : i32
      %dma_wait3A_208 = tpu.memref_slice %arg8[%dma_wait3A_206, %dma_wait3A_207] : memref<128x128xf32, #tpu.memory_space<vmem>> -> memref<128x128xf32, #tpu.memory_space<vmem>>
      %dma_wait3A_209 = arith.constant 0 : i32
      %dma_wait3A_210 = tpu.memref_slice %arg10[%add3A_158, %dma_wait3A_209] : memref<10000x128xf32, #tpu.memory_space<vmem_shared>> -> memref<128x128xf32, #tpu.memory_space<vmem_shared>>
      tpu.wait_dma2 semaphore(%run_scoped3A_190 : memref<!tpu.dma_semaphore, #tpu.memory_space<semaphore_mem>>) src(%dma_wait3A_210 : memref<128x128xf32, #tpu.memory_space<vmem_shared>>) dst(%dma_wait3A_208 : memref<128x128xf32, #tpu.memory_space<vmem>>)
      tpu.yield
    }) : () -> ()
    %scan3A_159 = arith.constant 0 : i32
    %scan3A_160 = arith.constant 0 : i32
    %scan3A_161 = arith.constant 8 : i32
    %scan3A_162 = arith.addi %scan3A_160, %scan3A_161 : i32
    %scan3A_163 = arith.constant 1 : i32
    scf.for %scan3A_190 = %scan3A_160 to %scan3A_162 step %scan3A_163  : i32 {
      %broadcast_in_dim3A_191 = arith.constant 0.000000e+00 : f32
      %broadcast_in_dim3A_192 = vector.broadcast %broadcast_in_dim3A_191 : f32 to vector<16xf32>
      %mul3A_193 = arith.constant 16 : i32
      %mul3A_194 = arith.muli %scan3A_190, %mul3A_193 : i32
      %add3A_195 = arith.constant 0 : i32
      %add3A_196 = arith.addi %mul3A_194, %add3A_195 : i32
      %get3A = arith.index_cast %add3A_196 : i32 to index
      %get3A_197 = arith.constant 0 : index
      %get3A_198 = tpu.vector_load %arg8[%get3A, %get3A_197] {strides = array<i32>} : memref<128x128xf32, #tpu.memory_space<vmem>>, vector<1x16xf32>,
      %get3A_199 = vector.shape_cast %get3A_198 : vector<1x16xf32> to vector<16xf32>
      %eq3A_200 = arith.constant 0 : i32
      %eq3A_201 = vector.broadcast %eq3A_200 : i32 to vector<16xi32>
      %eq3A_202 = arith.cmpi eq, %iota3A, %eq3A_201 : vector<16xi32>
      %select_n3A = arith.select %eq3A_202, %get3A_199, %broadcast_in_dim3A_192 : vector<16xi1>, vector<16xf32>
      %mul3A_203 = arith.constant 16 : i32
      %mul3A_204 = arith.muli %scan3A_190, %mul3A_203 : i32
      %add3A_205 = arith.constant 1 : i32
      %add3A_206 = arith.addi %mul3A_204, %add3A_205 : i32
      %get3A_207 = arith.index_cast %add3A_206 : i32 to index
      %get3A_208 = arith.constant 0 : index
      %get3A_209 = tpu.vector_load %arg8[%get3A_207, %get3A_208] {strides = array<i32>} : memref<128x128xf32, #tpu.memory_space<vmem>>, vector<1x16xf32>,
      %get3A_210 = vector.shape_cast %get3A_209 : vector<1x16xf32> to vector<16xf32>
      %eq3A_211 = arith.constant 1 : i32
      %eq3A_212 = vector.broadcast %eq3A_211 : i32 to vector<16xi32>
      %eq3A_213 = arith.cmpi eq, %iota3A, %eq3A_212 : vector<16xi32>
      %select_n3A_214 = arith.select %eq3A_213, %get3A_210, %select_n3A : vector<16xi1>, vector<16xf32>
      %mul3A_215 = arith.constant 16 : i32
      %mul3A_216 = arith.muli %scan3A_190, %mul3A_215 : i32
      %add3A_217 = arith.constant 2 : i32
      %add3A_218 = arith.addi %mul3A_216, %add3A_217 : i32
      %get3A_219 = arith.index_cast %add3A_218 : i32 to index
      %get3A_220 = arith.constant 0 : index
      %get3A_221 = tpu.vector_load %arg8[%get3A_219, %get3A_220] {strides = array<i32>} : memref<128x128xf32, #tpu.memory_space<vmem>>, vector<1x16xf32>,
      %get3A_222 = vector.shape_cast %get3A_221 : vector<1x16xf32> to vector<16xf32>
      %eq3A_223 = arith.constant 2 : i32
      %eq3A_224 = vector.broadcast %eq3A_223 : i32 to vector<16xi32>
      %eq3A_225 = arith.cmpi eq, %iota3A, %eq3A_224 : vector<16xi32>
      %select_n3A_226 = arith.select %eq3A_225, %get3A_222, %select_n3A_214 : vector<16xi1>, vector<16xf32>
      %mul3A_227 = arith.constant 16 : i32
      %mul3A_228 = arith.muli %scan3A_190, %mul3A_227 : i32
      %add3A_229 = arith.constant 3 : i32
      %add3A_230 = arith.addi %mul3A_228, %add3A_229 : i32
      %get3A_231 = arith.index_cast %add3A_230 : i32 to index
      %get3A_232 = arith.constant 0 : index
      %get3A_233 = tpu.vector_load %arg8[%get3A_231, %get3A_232] {strides = array<i32>} : memref<128x128xf32, #tpu.memory_space<vmem>>, vector<1x16xf32>,
      %get3A_234 = vector.shape_cast %get3A_233 : vector<1x16xf32> to vector<16xf32>
      %eq3A_235 = arith.constant 3 : i32
      %eq3A_236 = vector.broadcast %eq3A_235 : i32 to vector<16xi32>
      %eq3A_237 = arith.cmpi eq, %iota3A, %eq3A_236 : vector<16xi32>
      %select_n3A_238 = arith.select %eq3A_237, %get3A_234, %select_n3A_226 : vector<16xi1>, vector<16xf32>
      %mul3A_239 = arith.constant 16 : i32
      %mul3A_240 = arith.muli %scan3A_190, %mul3A_239 : i32
      %add3A_241 = arith.constant 4 : i32
      %add3A_242 = arith.addi %mul3A_240, %add3A_241 : i32
      %get3A_243 = arith.index_cast %add3A_242 : i32 to index
      %get3A_244 = arith.constant 0 : index
      %get3A_245 = tpu.vector_load %arg8[%get3A_243, %get3A_244] {strides = array<i32>} : memref<128x128xf32, #tpu.memory_space<vmem>>, vector<1x16xf32>,
      %get3A_246 = vector.shape_cast %get3A_245 : vector<1x16xf32> to vector<16xf32>
      %eq3A_247 = arith.constant 4 : i32
      %eq3A_248 = vector.broadcast %eq3A_247 : i32 to vector<16xi32>
      %eq3A_249 = arith.cmpi eq, %iota3A, %eq3A_248 : vector<16xi32>
      %select_n3A_250 = arith.select %eq3A_249, %get3A_246, %select_n3A_238 : vector<16xi1>, vector<16xf32>
      %mul3A_251 = arith.constant 16 : i32
      %mul3A_252 = arith.muli %scan3A_190, %mul3A_251 : i32
      %add3A_253 = arith.constant 5 : i32
      %add3A_254 = arith.addi %mul3A_252, %add3A_253 : i32
      %get3A_255 = arith.index_cast %add3A_254 : i32 to index
      %get3A_256 = arith.constant 0 : index
      %get3A_257 = tpu.vector_load %arg8[%get3A_255, %get3A_256] {strides = array<i32>} : memref<128x128xf32, #tpu.memory_space<vmem>>, vector<1x16xf32>,
      %get3A_258 = vector.shape_cast %get3A_257 : vector<1x16xf32> to vector<16xf32>
      %eq3A_259 = arith.constant 5 : i32
      %eq3A_260 = vector.broadcast %eq3A_259 : i32 to vector<16xi32>
      %eq3A_261 = arith.cmpi eq, %iota3A, %eq3A_260 : vector<16xi32>
      %select_n3A_262 = arith.select %eq3A_261, %get3A_258, %select_n3A_250 : vector<16xi1>, vector<16xf32>
      %mul3A_263 = arith.constant 16 : i32
      %mul3A_264 = arith.muli %scan3A_190, %mul3A_263 : i32
      %add3A_265 = arith.constant 6 : i32
      %add3A_266 = arith.addi %mul3A_264, %add3A_265 : i32
      %get3A_267 = arith.index_cast %add3A_266 : i32 to index
      %get3A_268 = arith.constant 0 : index
      %get3A_269 = tpu.vector_load %arg8[%get3A_267, %get3A_268] {strides = array<i32>} : memref<128x128xf32, #tpu.memory_space<vmem>>, vector<1x16xf32>,
      %get3A_270 = vector.shape_cast %get3A_269 : vector<1x16xf32> to vector<16xf32>
      %eq3A_271 = arith.constant 6 : i32
      %eq3A_272 = vector.broadcast %eq3A_271 : i32 to vector<16xi32>
      %eq3A_273 = arith.cmpi eq, %iota3A, %eq3A_272 : vector<16xi32>
      %select_n3A_274 = arith.select %eq3A_273, %get3A_270, %select_n3A_262 : vector<16xi1>, vector<16xf32>
      %mul3A_275 = arith.constant 16 : i32
      %mul3A_276 = arith.muli %scan3A_190, %mul3A_275 : i32
      %add3A_277 = arith.constant 7 : i32
      %add3A_278 = arith.addi %mul3A_276, %add3A_277 : i32
      %get3A_279 = arith.index_cast %add3A_278 : i32 to index
      %get3A_280 = arith.constant 0 : index
      %get3A_281 = tpu.vector_load %arg8[%get3A_279, %get3A_280] {strides = array<i32>} : memref<128x128xf32, #tpu.memory_space<vmem>>, vector<1x16xf32>,
      %get3A_282 = vector.shape_cast %get3A_281 : vector<1x16xf32> to vector<16xf32>
      %eq3A_283 = arith.constant 7 : i32
      %eq3A_284 = vector.broadcast %eq3A_283 : i32 to vector<16xi32>
      %eq3A_285 = arith.cmpi eq, %iota3A, %eq3A_284 : vector<16xi32>
      %select_n3A_286 = arith.select %eq3A_285, %get3A_282, %select_n3A_274 : vector<16xi1>, vector<16xf32>
      %mul3A_287 = arith.constant 16 : i32
      %mul3A_288 = arith.muli %scan3A_190, %mul3A_287 : i32
      %add3A_289 = arith.constant 8 : i32
      %add3A_290 = arith.addi %mul3A_288, %add3A_289 : i32
      %get3A_291 = arith.index_cast %add3A_290 : i32 to index
      %get3A_292 = arith.constant 0 : index
      %get3A_293 = tpu.vector_load %arg8[%get3A_291, %get3A_292] {strides = array<i32>} : memref<128x128xf32, #tpu.memory_space<vmem>>, vector<1x16xf32>,
      %get3A_294 = vector.shape_cast %get3A_293 : vector<1x16xf32> to vector<16xf32>
      %eq3A_295 = arith.constant 8 : i32
      %eq3A_296 = vector.broadcast %eq3A_295 : i32 to vector<16xi32>
      %eq3A_297 = arith.cmpi eq, %iota3A, %eq3A_296 : vector<16xi32>
      %select_n3A_298 = arith.select %eq3A_297, %get3A_294, %select_n3A_286 : vector<16xi1>, vector<16xf32>
      %mul3A_299 = arith.constant 16 : i32
      %mul3A_300 = arith.muli %scan3A_190, %mul3A_299 : i32
      %add3A_301 = arith.constant 9 : i32
      %add3A_302 = arith.addi %mul3A_300, %add3A_301 : i32
      %get3A_303 = arith.index_cast %add3A_302 : i32 to index
      %get3A_304 = arith.constant 0 : index
      %get3A_305 = tpu.vector_load %arg8[%get3A_303, %get3A_304] {strides = array<i32>} : memref<128x128xf32, #tpu.memory_space<vmem>>, vector<1x16xf32>,
      %get3A_306 = vector.shape_cast %get3A_305 : vector<1x16xf32> to vector<16xf32>
      %eq3A_307 = arith.constant 9 : i32
      %eq3A_308 = vector.broadcast %eq3A_307 : i32 to vector<16xi32>
      %eq3A_309 = arith.cmpi eq, %iota3A, %eq3A_308 : vector<16xi32>
      %select_n3A_310 = arith.select %eq3A_309, %get3A_306, %select_n3A_298 : vector<16xi1>, vector<16xf32>
      %mul3A_311 = arith.constant 16 : i32
      %mul3A_312 = arith.muli %scan3A_190, %mul3A_311 : i32
      %add3A_313 = arith.constant 10 : i32
      %add3A_314 = arith.addi %mul3A_312, %add3A_313 : i32
      %get3A_315 = arith.index_cast %add3A_314 : i32 to index
      %get3A_316 = arith.constant 0 : index
      %get3A_317 = tpu.vector_load %arg8[%get3A_315, %get3A_316] {strides = array<i32>} : memref<128x128xf32, #tpu.memory_space<vmem>>, vector<1x16xf32>,
      %get3A_318 = vector.shape_cast %get3A_317 : vector<1x16xf32> to vector<16xf32>
      %eq3A_319 = arith.constant 10 : i32
      %eq3A_320 = vector.broadcast %eq3A_319 : i32 to vector<16xi32>
      %eq3A_321 = arith.cmpi eq, %iota3A, %eq3A_320 : vector<16xi32>
      %select_n3A_322 = arith.select %eq3A_321, %get3A_318, %select_n3A_310 : vector<16xi1>, vector<16xf32>
      %mul3A_323 = arith.constant 16 : i32
      %mul3A_324 = arith.muli %scan3A_190, %mul3A_323 : i32
      %add3A_325 = arith.constant 11 : i32
      %add3A_326 = arith.addi %mul3A_324, %add3A_325 : i32
      %get3A_327 = arith.index_cast %add3A_326 : i32 to index
      %get3A_328 = arith.constant 0 : index
      %get3A_329 = tpu.vector_load %arg8[%get3A_327, %get3A_328] {strides = array<i32>} : memref<128x128xf32, #tpu.memory_space<vmem>>, vector<1x16xf32>,
      %get3A_330 = vector.shape_cast %get3A_329 : vector<1x16xf32> to vector<16xf32>
      %eq3A_331 = arith.constant 11 : i32
      %eq3A_332 = vector.broadcast %eq3A_331 : i32 to vector<16xi32>
      %eq3A_333 = arith.cmpi eq, %iota3A, %eq3A_332 : vector<16xi32>
      %select_n3A_334 = arith.select %eq3A_333, %get3A_330, %select_n3A_322 : vector<16xi1>, vector<16xf32>
      %mul3A_335 = arith.constant 16 : i32
      %mul3A_336 = arith.muli %scan3A_190, %mul3A_335 : i32
      %add3A_337 = arith.constant 12 : i32
      %add3A_338 = arith.addi %mul3A_336, %add3A_337 : i32
      %get3A_339 = arith.index_cast %add3A_338 : i32 to index
      %get3A_340 = arith.constant 0 : index
      %get3A_341 = tpu.vector_load %arg8[%get3A_339, %get3A_340] {strides = array<i32>} : memref<128x128xf32, #tpu.memory_space<vmem>>, vector<1x16xf32>,
      %get3A_342 = vector.shape_cast %get3A_341 : vector<1x16xf32> to vector<16xf32>
      %eq3A_343 = arith.constant 12 : i32
      %eq3A_344 = vector.broadcast %eq3A_343 : i32 to vector<16xi32>
      %eq3A_345 = arith.cmpi eq, %iota3A, %eq3A_344 : vector<16xi32>
      %select_n3A_346 = arith.select %eq3A_345, %get3A_342, %select_n3A_334 : vector<16xi1>, vector<16xf32>
      %mul3A_347 = arith.constant 16 : i32
      %mul3A_348 = arith.muli %scan3A_190, %mul3A_347 : i32
      %add3A_349 = arith.constant 13 : i32
      %add3A_350 = arith.addi %mul3A_348, %add3A_349 : i32
      %get3A_351 = arith.index_cast %add3A_350 : i32 to index
      %get3A_352 = arith.constant 0 : index
      %get3A_353 = tpu.vector_load %arg8[%get3A_351, %get3A_352] {strides = array<i32>} : memref<128x128xf32, #tpu.memory_space<vmem>>, vector<1x16xf32>,
      %get3A_354 = vector.shape_cast %get3A_353 : vector<1x16xf32> to vector<16xf32>
      %eq3A_355 = arith.constant 13 : i32
      %eq3A_356 = vector.broadcast %eq3A_355 : i32 to vector<16xi32>
      %eq3A_357 = arith.cmpi eq, %iota3A, %eq3A_356 : vector<16xi32>
      %select_n3A_358 = arith.select %eq3A_357, %get3A_354, %select_n3A_346 : vector<16xi1>, vector<16xf32>
      %mul3A_359 = arith.constant 16 : i32
      %mul3A_360 = arith.muli %scan3A_190, %mul3A_359 : i32
      %add3A_361 = arith.constant 14 : i32
      %add3A_362 = arith.addi %mul3A_360, %add3A_361 : i32
      %get3A_363 = arith.index_cast %add3A_362 : i32 to index
      %get3A_364 = arith.constant 0 : index
      %get3A_365 = tpu.vector_load %arg8[%get3A_363, %get3A_364] {strides = array<i32>} : memref<128x128xf32, #tpu.memory_space<vmem>>, vector<1x16xf32>,
      %get3A_366 = vector.shape_cast %get3A_365 : vector<1x16xf32> to vector<16xf32>
      %eq3A_367 = arith.constant 14 : i32
      %eq3A_368 = vector.broadcast %eq3A_367 : i32 to vector<16xi32>
      %eq3A_369 = arith.cmpi eq, %iota3A, %eq3A_368 : vector<16xi32>
      %select_n3A_370 = arith.select %eq3A_369, %get3A_366, %select_n3A_358 : vector<16xi1>, vector<16xf32>
      %mul3A_371 = arith.constant 16 : i32
      %mul3A_372 = arith.muli %scan3A_190, %mul3A_371 : i32
      %add3A_373 = arith.constant 15 : i32
      %add3A_374 = arith.addi %mul3A_372, %add3A_373 : i32
      %get3A_375 = arith.index_cast %add3A_374 : i32 to index
      %get3A_376 = arith.constant 0 : index
      %get3A_377 = tpu.vector_load %arg8[%get3A_375, %get3A_376] {strides = array<i32>} : memref<128x128xf32, #tpu.memory_space<vmem>>, vector<1x16xf32>,
      %get3A_378 = vector.shape_cast %get3A_377 : vector<1x16xf32> to vector<16xf32>
      %eq3A_379 = arith.constant 15 : i32
      %eq3A_380 = vector.broadcast %eq3A_379 : i32 to vector<16xi32>
      %eq3A_381 = arith.cmpi eq, %iota3A, %eq3A_380 : vector<16xi32>
      %select_n3A_382 = arith.select %eq3A_381, %get3A_378, %select_n3A_370 : vector<16xi1>, vector<16xf32>
      %mul3A_383 = arith.constant 16 : i32
      %mul3A_384 = arith.muli %scan3A_190, %mul3A_383 : i32
      %add3A_385 = arith.constant 256 : i32
      %add3A_386 = arith.addi %add3A_385, %mul3A_384 : i32
      %swap3A = arith.index_cast %add3A_386 : i32 to index
      %swap3A_387 = tpu.vector_load %arg13[%swap3A] {strides = array<i32>} : memref<624xf32, #tpu.memory_space<vmem>>, vector<16xf32>,
      %swap3A_388 = vector.shape_cast %swap3A_387 : vector<16xf32> to vector<16xf32>
      %swap3A_389 = vector.shape_cast %select_n3A_382 : vector<16xf32> to vector<16xf32>
      tpu.vector_store %arg13[%swap3A], %swap3A_389 {strides = array<i32>} : memref<624xf32, #tpu.memory_space<vmem>>, vector<16xf32>,
    }
    %scan3A_164 = arith.constant 8 : i32
    %add3A_165 = arith.constant 384 : i32
    %add3A_166 = arith.addi %multiple_of3A, %add3A_165 : i32
    "tpu.region"() ({
      %run_scoped3A_190 = tpu.sem_alloc : memref<!tpu.dma_semaphore, #tpu.memory_space<semaphore_mem>>
      %dma_start3A_191 = arith.constant 0 : i32
      %dma_start3A_192 = arith.constant 0 : i32
      %dma_start3A_193 = tpu.memref_slice %arg8[%dma_start3A_191, %dma_start3A_192] : memref<128x128xf32, #tpu.memory_space<vmem>> -> memref<128x128xf32, #tpu.memory_space<vmem>>
      %dma_start3A_194 = arith.constant 0 : i32
      %dma_start3A_195 = tpu.memref_slice %arg10[%add3A_166, %dma_start3A_194] : memref<10000x128xf32, #tpu.memory_space<vmem_shared>> -> memref<128x128xf32, #tpu.memory_space<vmem_shared>>
      %dma_start3A_196 = arith.constant 0 : i32
      %dma_start3A_197 = arith.constant 0 : i32
      %dma_start3A_198 = tpu.memref_slice %arg8[%dma_start3A_196, %dma_start3A_197] : memref<128x128xf32, #tpu.memory_space<vmem>> -> memref<128x128xf32, #tpu.memory_space<vmem>>
      %dma_start3A_199 = arith.constant 0 : i32
      %dma_start3A_200 = tpu.memref_slice %arg10[%add3A_166, %dma_start3A_199] : memref<10000x128xf32, #tpu.memory_space<vmem_shared>> -> memref<128x128xf32, #tpu.memory_space<vmem_shared>>
      tpu.enqueue_dma source(%dma_start3A_200 : memref<128x128xf32, #tpu.memory_space<vmem_shared>>) target(%dma_start3A_198 : memref<128x128xf32, #tpu.memory_space<vmem>>) target_semaphore(%run_scoped3A_190 : memref<!tpu.dma_semaphore, #tpu.memory_space<semaphore_mem>>)
      %dma_wait3A_201 = arith.constant 0 : i32
      %dma_wait3A_202 = arith.constant 0 : i32
      %dma_wait3A_203 = tpu.memref_slice %arg8[%dma_wait3A_201, %dma_wait3A_202] : memref<128x128xf32, #tpu.memory_space<vmem>> -> memref<128x128xf32, #tpu.memory_space<vmem>>
      %dma_wait3A_204 = arith.constant 0 : i32
      %dma_wait3A_205 = tpu.memref_slice %arg10[%add3A_166, %dma_wait3A_204] : memref<10000x128xf32, #tpu.memory_space<vmem_shared>> -> memref<128x128xf32, #tpu.memory_space<vmem_shared>>
      %dma_wait3A_206 = arith.constant 0 : i32
      %dma_wait3A_207 = arith.constant 0 : i32
      %dma_wait3A_208 = tpu.memref_slice %arg8[%dma_wait3A_206, %dma_wait3A_207] : memref<128x128xf32, #tpu.memory_space<vmem>> -> memref<128x128xf32, #tpu.memory_space<vmem>>
      %dma_wait3A_209 = arith.constant 0 : i32
      %dma_wait3A_210 = tpu.memref_slice %arg10[%add3A_166, %dma_wait3A_209] : memref<10000x128xf32, #tpu.memory_space<vmem_shared>> -> memref<128x128xf32, #tpu.memory_space<vmem_shared>>
      tpu.wait_dma2 semaphore(%run_scoped3A_190 : memref<!tpu.dma_semaphore, #tpu.memory_space<semaphore_mem>>) src(%dma_wait3A_210 : memref<128x128xf32, #tpu.memory_space<vmem_shared>>) dst(%dma_wait3A_208 : memref<128x128xf32, #tpu.memory_space<vmem>>)
      tpu.yield
    }) : () -> ()
    %scan3A_167 = arith.constant 0 : i32
    %scan3A_168 = arith.constant 0 : i32
    %scan3A_169 = arith.constant 8 : i32
    %scan3A_170 = arith.addi %scan3A_168, %scan3A_169 : i32
    %scan3A_171 = arith.constant 1 : i32
    scf.for %scan3A_190 = %scan3A_168 to %scan3A_170 step %scan3A_171  : i32 {
      %broadcast_in_dim3A_191 = arith.constant 0.000000e+00 : f32
      %broadcast_in_dim3A_192 = vector.broadcast %broadcast_in_dim3A_191 : f32 to vector<16xf32>
      %mul3A_193 = arith.constant 16 : i32
      %mul3A_194 = arith.muli %scan3A_190, %mul3A_193 : i32
      %add3A_195 = arith.constant 0 : i32
      %add3A_196 = arith.addi %mul3A_194, %add3A_195 : i32
      %get3A = arith.index_cast %add3A_196 : i32 to index
      %get3A_197 = arith.constant 0 : index
      %get3A_198 = tpu.vector_load %arg8[%get3A, %get3A_197] {strides = array<i32>} : memref<128x128xf32, #tpu.memory_space<vmem>>, vector<1x16xf32>,
      %get3A_199 = vector.shape_cast %get3A_198 : vector<1x16xf32> to vector<16xf32>
      %eq3A_200 = arith.constant 0 : i32
      %eq3A_201 = vector.broadcast %eq3A_200 : i32 to vector<16xi32>
      %eq3A_202 = arith.cmpi eq, %iota3A, %eq3A_201 : vector<16xi32>
      %select_n3A = arith.select %eq3A_202, %get3A_199, %broadcast_in_dim3A_192 : vector<16xi1>, vector<16xf32>
      %mul3A_203 = arith.constant 16 : i32
      %mul3A_204 = arith.muli %scan3A_190, %mul3A_203 : i32
      %add3A_205 = arith.constant 1 : i32
      %add3A_206 = arith.addi %mul3A_204, %add3A_205 : i32
      %get3A_207 = arith.index_cast %add3A_206 : i32 to index
      %get3A_208 = arith.constant 0 : index
      %get3A_209 = tpu.vector_load %arg8[%get3A_207, %get3A_208] {strides = array<i32>} : memref<128x128xf32, #tpu.memory_space<vmem>>, vector<1x16xf32>,
      %get3A_210 = vector.shape_cast %get3A_209 : vector<1x16xf32> to vector<16xf32>
      %eq3A_211 = arith.constant 1 : i32
      %eq3A_212 = vector.broadcast %eq3A_211 : i32 to vector<16xi32>
      %eq3A_213 = arith.cmpi eq, %iota3A, %eq3A_212 : vector<16xi32>
      %select_n3A_214 = arith.select %eq3A_213, %get3A_210, %select_n3A : vector<16xi1>, vector<16xf32>
      %mul3A_215 = arith.constant 16 : i32
      %mul3A_216 = arith.muli %scan3A_190, %mul3A_215 : i32
      %add3A_217 = arith.constant 2 : i32
      %add3A_218 = arith.addi %mul3A_216, %add3A_217 : i32
      %get3A_219 = arith.index_cast %add3A_218 : i32 to index
      %get3A_220 = arith.constant 0 : index
      %get3A_221 = tpu.vector_load %arg8[%get3A_219, %get3A_220] {strides = array<i32>} : memref<128x128xf32, #tpu.memory_space<vmem>>, vector<1x16xf32>,
      %get3A_222 = vector.shape_cast %get3A_221 : vector<1x16xf32> to vector<16xf32>
      %eq3A_223 = arith.constant 2 : i32
      %eq3A_224 = vector.broadcast %eq3A_223 : i32 to vector<16xi32>
      %eq3A_225 = arith.cmpi eq, %iota3A, %eq3A_224 : vector<16xi32>
      %select_n3A_226 = arith.select %eq3A_225, %get3A_222, %select_n3A_214 : vector<16xi1>, vector<16xf32>
      %mul3A_227 = arith.constant 16 : i32
      %mul3A_228 = arith.muli %scan3A_190, %mul3A_227 : i32
      %add3A_229 = arith.constant 3 : i32
      %add3A_230 = arith.addi %mul3A_228, %add3A_229 : i32
      %get3A_231 = arith.index_cast %add3A_230 : i32 to index
      %get3A_232 = arith.constant 0 : index
      %get3A_233 = tpu.vector_load %arg8[%get3A_231, %get3A_232] {strides = array<i32>} : memref<128x128xf32, #tpu.memory_space<vmem>>, vector<1x16xf32>,
      %get3A_234 = vector.shape_cast %get3A_233 : vector<1x16xf32> to vector<16xf32>
      %eq3A_235 = arith.constant 3 : i32
      %eq3A_236 = vector.broadcast %eq3A_235 : i32 to vector<16xi32>
      %eq3A_237 = arith.cmpi eq, %iota3A, %eq3A_236 : vector<16xi32>
      %select_n3A_238 = arith.select %eq3A_237, %get3A_234, %select_n3A_226 : vector<16xi1>, vector<16xf32>
      %mul3A_239 = arith.constant 16 : i32
      %mul3A_240 = arith.muli %scan3A_190, %mul3A_239 : i32
      %add3A_241 = arith.constant 4 : i32
      %add3A_242 = arith.addi %mul3A_240, %add3A_241 : i32
      %get3A_243 = arith.index_cast %add3A_242 : i32 to index
      %get3A_244 = arith.constant 0 : index
      %get3A_245 = tpu.vector_load %arg8[%get3A_243, %get3A_244] {strides = array<i32>} : memref<128x128xf32, #tpu.memory_space<vmem>>, vector<1x16xf32>,
      %get3A_246 = vector.shape_cast %get3A_245 : vector<1x16xf32> to vector<16xf32>
      %eq3A_247 = arith.constant 4 : i32
      %eq3A_248 = vector.broadcast %eq3A_247 : i32 to vector<16xi32>
      %eq3A_249 = arith.cmpi eq, %iota3A, %eq3A_248 : vector<16xi32>
      %select_n3A_250 = arith.select %eq3A_249, %get3A_246, %select_n3A_238 : vector<16xi1>, vector<16xf32>
      %mul3A_251 = arith.constant 16 : i32
      %mul3A_252 = arith.muli %scan3A_190, %mul3A_251 : i32
      %add3A_253 = arith.constant 5 : i32
      %add3A_254 = arith.addi %mul3A_252, %add3A_253 : i32
      %get3A_255 = arith.index_cast %add3A_254 : i32 to index
      %get3A_256 = arith.constant 0 : index
      %get3A_257 = tpu.vector_load %arg8[%get3A_255, %get3A_256] {strides = array<i32>} : memref<128x128xf32, #tpu.memory_space<vmem>>, vector<1x16xf32>,
      %get3A_258 = vector.shape_cast %get3A_257 : vector<1x16xf32> to vector<16xf32>
      %eq3A_259 = arith.constant 5 : i32
      %eq3A_260 = vector.broadcast %eq3A_259 : i32 to vector<16xi32>
      %eq3A_261 = arith.cmpi eq, %iota3A, %eq3A_260 : vector<16xi32>
      %select_n3A_262 = arith.select %eq3A_261, %get3A_258, %select_n3A_250 : vector<16xi1>, vector<16xf32>
      %mul3A_263 = arith.constant 16 : i32
      %mul3A_264 = arith.muli %scan3A_190, %mul3A_263 : i32
      %add3A_265 = arith.constant 6 : i32
      %add3A_266 = arith.addi %mul3A_264, %add3A_265 : i32
      %get3A_267 = arith.index_cast %add3A_266 : i32 to index
      %get3A_268 = arith.constant 0 : index
      %get3A_269 = tpu.vector_load %arg8[%get3A_267, %get3A_268] {strides = array<i32>} : memref<128x128xf32, #tpu.memory_space<vmem>>, vector<1x16xf32>,
      %get3A_270 = vector.shape_cast %get3A_269 : vector<1x16xf32> to vector<16xf32>
      %eq3A_271 = arith.constant 6 : i32
      %eq3A_272 = vector.broadcast %eq3A_271 : i32 to vector<16xi32>
      %eq3A_273 = arith.cmpi eq, %iota3A, %eq3A_272 : vector<16xi32>
      %select_n3A_274 = arith.select %eq3A_273, %get3A_270, %select_n3A_262 : vector<16xi1>, vector<16xf32>
      %mul3A_275 = arith.constant 16 : i32
      %mul3A_276 = arith.muli %scan3A_190, %mul3A_275 : i32
      %add3A_277 = arith.constant 7 : i32
      %add3A_278 = arith.addi %mul3A_276, %add3A_277 : i32
      %get3A_279 = arith.index_cast %add3A_278 : i32 to index
      %get3A_280 = arith.constant 0 : index
      %get3A_281 = tpu.vector_load %arg8[%get3A_279, %get3A_280] {strides = array<i32>} : memref<128x128xf32, #tpu.memory_space<vmem>>, vector<1x16xf32>,
      %get3A_282 = vector.shape_cast %get3A_281 : vector<1x16xf32> to vector<16xf32>
      %eq3A_283 = arith.constant 7 : i32
      %eq3A_284 = vector.broadcast %eq3A_283 : i32 to vector<16xi32>
      %eq3A_285 = arith.cmpi eq, %iota3A, %eq3A_284 : vector<16xi32>
      %select_n3A_286 = arith.select %eq3A_285, %get3A_282, %select_n3A_274 : vector<16xi1>, vector<16xf32>
      %mul3A_287 = arith.constant 16 : i32
      %mul3A_288 = arith.muli %scan3A_190, %mul3A_287 : i32
      %add3A_289 = arith.constant 8 : i32
      %add3A_290 = arith.addi %mul3A_288, %add3A_289 : i32
      %get3A_291 = arith.index_cast %add3A_290 : i32 to index
      %get3A_292 = arith.constant 0 : index
      %get3A_293 = tpu.vector_load %arg8[%get3A_291, %get3A_292] {strides = array<i32>} : memref<128x128xf32, #tpu.memory_space<vmem>>, vector<1x16xf32>,
      %get3A_294 = vector.shape_cast %get3A_293 : vector<1x16xf32> to vector<16xf32>
      %eq3A_295 = arith.constant 8 : i32
      %eq3A_296 = vector.broadcast %eq3A_295 : i32 to vector<16xi32>
      %eq3A_297 = arith.cmpi eq, %iota3A, %eq3A_296 : vector<16xi32>
      %select_n3A_298 = arith.select %eq3A_297, %get3A_294, %select_n3A_286 : vector<16xi1>, vector<16xf32>
      %mul3A_299 = arith.constant 16 : i32
      %mul3A_300 = arith.muli %scan3A_190, %mul3A_299 : i32
      %add3A_301 = arith.constant 9 : i32
      %add3A_302 = arith.addi %mul3A_300, %add3A_301 : i32
      %get3A_303 = arith.index_cast %add3A_302 : i32 to index
      %get3A_304 = arith.constant 0 : index
      %get3A_305 = tpu.vector_load %arg8[%get3A_303, %get3A_304] {strides = array<i32>} : memref<128x128xf32, #tpu.memory_space<vmem>>, vector<1x16xf32>,
      %get3A_306 = vector.shape_cast %get3A_305 : vector<1x16xf32> to vector<16xf32>
      %eq3A_307 = arith.constant 9 : i32
      %eq3A_308 = vector.broadcast %eq3A_307 : i32 to vector<16xi32>
      %eq3A_309 = arith.cmpi eq, %iota3A, %eq3A_308 : vector<16xi32>
      %select_n3A_310 = arith.select %eq3A_309, %get3A_306, %select_n3A_298 : vector<16xi1>, vector<16xf32>
      %mul3A_311 = arith.constant 16 : i32
      %mul3A_312 = arith.muli %scan3A_190, %mul3A_311 : i32
      %add3A_313 = arith.constant 10 : i32
      %add3A_314 = arith.addi %mul3A_312, %add3A_313 : i32
      %get3A_315 = arith.index_cast %add3A_314 : i32 to index
      %get3A_316 = arith.constant 0 : index
      %get3A_317 = tpu.vector_load %arg8[%get3A_315, %get3A_316] {strides = array<i32>} : memref<128x128xf32, #tpu.memory_space<vmem>>, vector<1x16xf32>,
      %get3A_318 = vector.shape_cast %get3A_317 : vector<1x16xf32> to vector<16xf32>
      %eq3A_319 = arith.constant 10 : i32
      %eq3A_320 = vector.broadcast %eq3A_319 : i32 to vector<16xi32>
      %eq3A_321 = arith.cmpi eq, %iota3A, %eq3A_320 : vector<16xi32>
      %select_n3A_322 = arith.select %eq3A_321, %get3A_318, %select_n3A_310 : vector<16xi1>, vector<16xf32>
      %mul3A_323 = arith.constant 16 : i32
      %mul3A_324 = arith.muli %scan3A_190, %mul3A_323 : i32
      %add3A_325 = arith.constant 11 : i32
      %add3A_326 = arith.addi %mul3A_324, %add3A_325 : i32
      %get3A_327 = arith.index_cast %add3A_326 : i32 to index
      %get3A_328 = arith.constant 0 : index
      %get3A_329 = tpu.vector_load %arg8[%get3A_327, %get3A_328] {strides = array<i32>} : memref<128x128xf32, #tpu.memory_space<vmem>>, vector<1x16xf32>,
      %get3A_330 = vector.shape_cast %get3A_329 : vector<1x16xf32> to vector<16xf32>
      %eq3A_331 = arith.constant 11 : i32
      %eq3A_332 = vector.broadcast %eq3A_331 : i32 to vector<16xi32>
      %eq3A_333 = arith.cmpi eq, %iota3A, %eq3A_332 : vector<16xi32>
      %select_n3A_334 = arith.select %eq3A_333, %get3A_330, %select_n3A_322 : vector<16xi1>, vector<16xf32>
      %mul3A_335 = arith.constant 16 : i32
      %mul3A_336 = arith.muli %scan3A_190, %mul3A_335 : i32
      %add3A_337 = arith.constant 12 : i32
      %add3A_338 = arith.addi %mul3A_336, %add3A_337 : i32
      %get3A_339 = arith.index_cast %add3A_338 : i32 to index
      %get3A_340 = arith.constant 0 : index
      %get3A_341 = tpu.vector_load %arg8[%get3A_339, %get3A_340] {strides = array<i32>} : memref<128x128xf32, #tpu.memory_space<vmem>>, vector<1x16xf32>,
      %get3A_342 = vector.shape_cast %get3A_341 : vector<1x16xf32> to vector<16xf32>
      %eq3A_343 = arith.constant 12 : i32
      %eq3A_344 = vector.broadcast %eq3A_343 : i32 to vector<16xi32>
      %eq3A_345 = arith.cmpi eq, %iota3A, %eq3A_344 : vector<16xi32>
      %select_n3A_346 = arith.select %eq3A_345, %get3A_342, %select_n3A_334 : vector<16xi1>, vector<16xf32>
      %mul3A_347 = arith.constant 16 : i32
      %mul3A_348 = arith.muli %scan3A_190, %mul3A_347 : i32
      %add3A_349 = arith.constant 13 : i32
      %add3A_350 = arith.addi %mul3A_348, %add3A_349 : i32
      %get3A_351 = arith.index_cast %add3A_350 : i32 to index
      %get3A_352 = arith.constant 0 : index
      %get3A_353 = tpu.vector_load %arg8[%get3A_351, %get3A_352] {strides = array<i32>} : memref<128x128xf32, #tpu.memory_space<vmem>>, vector<1x16xf32>,
      %get3A_354 = vector.shape_cast %get3A_353 : vector<1x16xf32> to vector<16xf32>
      %eq3A_355 = arith.constant 13 : i32
      %eq3A_356 = vector.broadcast %eq3A_355 : i32 to vector<16xi32>
      %eq3A_357 = arith.cmpi eq, %iota3A, %eq3A_356 : vector<16xi32>
      %select_n3A_358 = arith.select %eq3A_357, %get3A_354, %select_n3A_346 : vector<16xi1>, vector<16xf32>
      %mul3A_359 = arith.constant 16 : i32
      %mul3A_360 = arith.muli %scan3A_190, %mul3A_359 : i32
      %add3A_361 = arith.constant 14 : i32
      %add3A_362 = arith.addi %mul3A_360, %add3A_361 : i32
      %get3A_363 = arith.index_cast %add3A_362 : i32 to index
      %get3A_364 = arith.constant 0 : index
      %get3A_365 = tpu.vector_load %arg8[%get3A_363, %get3A_364] {strides = array<i32>} : memref<128x128xf32, #tpu.memory_space<vmem>>, vector<1x16xf32>,
      %get3A_366 = vector.shape_cast %get3A_365 : vector<1x16xf32> to vector<16xf32>
      %eq3A_367 = arith.constant 14 : i32
      %eq3A_368 = vector.broadcast %eq3A_367 : i32 to vector<16xi32>
      %eq3A_369 = arith.cmpi eq, %iota3A, %eq3A_368 : vector<16xi32>
      %select_n3A_370 = arith.select %eq3A_369, %get3A_366, %select_n3A_358 : vector<16xi1>, vector<16xf32>
      %mul3A_371 = arith.constant 16 : i32
      %mul3A_372 = arith.muli %scan3A_190, %mul3A_371 : i32
      %add3A_373 = arith.constant 15 : i32
      %add3A_374 = arith.addi %mul3A_372, %add3A_373 : i32
      %get3A_375 = arith.index_cast %add3A_374 : i32 to index
      %get3A_376 = arith.constant 0 : index
      %get3A_377 = tpu.vector_load %arg8[%get3A_375, %get3A_376] {strides = array<i32>} : memref<128x128xf32, #tpu.memory_space<vmem>>, vector<1x16xf32>,
      %get3A_378 = vector.shape_cast %get3A_377 : vector<1x16xf32> to vector<16xf32>
      %eq3A_379 = arith.constant 15 : i32
      %eq3A_380 = vector.broadcast %eq3A_379 : i32 to vector<16xi32>
      %eq3A_381 = arith.cmpi eq, %iota3A, %eq3A_380 : vector<16xi32>
      %select_n3A_382 = arith.select %eq3A_381, %get3A_378, %select_n3A_370 : vector<16xi1>, vector<16xf32>
      %mul3A_383 = arith.constant 16 : i32
      %mul3A_384 = arith.muli %scan3A_190, %mul3A_383 : i32
      %add3A_385 = arith.constant 384 : i32
      %add3A_386 = arith.addi %add3A_385, %mul3A_384 : i32
      %swap3A = arith.index_cast %add3A_386 : i32 to index
      %swap3A_387 = tpu.vector_load %arg13[%swap3A] {strides = array<i32>} : memref<624xf32, #tpu.memory_space<vmem>>, vector<16xf32>,
      %swap3A_388 = vector.shape_cast %swap3A_387 : vector<16xf32> to vector<16xf32>
      %swap3A_389 = vector.shape_cast %select_n3A_382 : vector<16xf32> to vector<16xf32>
      tpu.vector_store %arg13[%swap3A], %swap3A_389 {strides = array<i32>} : memref<624xf32, #tpu.memory_space<vmem>>, vector<16xf32>,
    }
    %scan3A_172 = arith.constant 8 : i32
    %add3A_173 = arith.constant 512 : i32
    %add3A_174 = arith.addi %multiple_of3A, %add3A_173 : i32
    "tpu.region"() ({
      %run_scoped3A_190 = tpu.sem_alloc : memref<!tpu.dma_semaphore, #tpu.memory_space<semaphore_mem>>
      %dma_start3A_191 = arith.constant 0 : i32
      %dma_start3A_192 = arith.constant 0 : i32
      %dma_start3A_193 = tpu.memref_slice %arg8[%dma_start3A_191, %dma_start3A_192] : memref<128x128xf32, #tpu.memory_space<vmem>> -> memref<112x128xf32, #tpu.memory_space<vmem>>
      %dma_start3A_194 = arith.constant 0 : i32
      %dma_start3A_195 = tpu.memref_slice %arg10[%add3A_174, %dma_start3A_194] : memref<10000x128xf32, #tpu.memory_space<vmem_shared>> -> memref<112x128xf32, #tpu.memory_space<vmem_shared>>
      %dma_start3A_196 = arith.constant 0 : i32
      %dma_start3A_197 = arith.constant 0 : i32
      %dma_start3A_198 = tpu.memref_slice %arg8[%dma_start3A_196, %dma_start3A_197] : memref<128x128xf32, #tpu.memory_space<vmem>> -> memref<112x128xf32, #tpu.memory_space<vmem>>
      %dma_start3A_199 = arith.constant 0 : i32
      %dma_start3A_200 = tpu.memref_slice %arg10[%add3A_174, %dma_start3A_199] : memref<10000x128xf32, #tpu.memory_space<vmem_shared>> -> memref<112x128xf32, #tpu.memory_space<vmem_shared>>
      tpu.enqueue_dma source(%dma_start3A_200 : memref<112x128xf32, #tpu.memory_space<vmem_shared>>) target(%dma_start3A_198 : memref<112x128xf32, #tpu.memory_space<vmem>>) target_semaphore(%run_scoped3A_190 : memref<!tpu.dma_semaphore, #tpu.memory_space<semaphore_mem>>)
      %dma_wait3A_201 = arith.constant 0 : i32
      %dma_wait3A_202 = arith.constant 0 : i32
      %dma_wait3A_203 = tpu.memref_slice %arg8[%dma_wait3A_201, %dma_wait3A_202] : memref<128x128xf32, #tpu.memory_space<vmem>> -> memref<112x128xf32, #tpu.memory_space<vmem>>
      %dma_wait3A_204 = arith.constant 0 : i32
      %dma_wait3A_205 = tpu.memref_slice %arg10[%add3A_174, %dma_wait3A_204] : memref<10000x128xf32, #tpu.memory_space<vmem_shared>> -> memref<112x128xf32, #tpu.memory_space<vmem_shared>>
      %dma_wait3A_206 = arith.constant 0 : i32
      %dma_wait3A_207 = arith.constant 0 : i32
      %dma_wait3A_208 = tpu.memref_slice %arg8[%dma_wait3A_206, %dma_wait3A_207] : memref<128x128xf32, #tpu.memory_space<vmem>> -> memref<112x128xf32, #tpu.memory_space<vmem>>
      %dma_wait3A_209 = arith.constant 0 : i32
      %dma_wait3A_210 = tpu.memref_slice %arg10[%add3A_174, %dma_wait3A_209] : memref<10000x128xf32, #tpu.memory_space<vmem_shared>> -> memref<112x128xf32, #tpu.memory_space<vmem_shared>>
      tpu.wait_dma2 semaphore(%run_scoped3A_190 : memref<!tpu.dma_semaphore, #tpu.memory_space<semaphore_mem>>) src(%dma_wait3A_210 : memref<112x128xf32, #tpu.memory_space<vmem_shared>>) dst(%dma_wait3A_208 : memref<112x128xf32, #tpu.memory_space<vmem>>)
      tpu.yield
    }) : () -> ()
    %scan3A_175 = arith.constant 0 : i32
    %scan3A_176 = arith.constant 0 : i32
    %scan3A_177 = arith.constant 7 : i32
    %scan3A_178 = arith.addi %scan3A_176, %scan3A_177 : i32
    %scan3A_179 = arith.constant 1 : i32
    scf.for %scan3A_190 = %scan3A_176 to %scan3A_178 step %scan3A_179  : i32 {
      %broadcast_in_dim3A_191 = arith.constant 0.000000e+00 : f32
      %broadcast_in_dim3A_192 = vector.broadcast %broadcast_in_dim3A_191 : f32 to vector<16xf32>
      %mul3A_193 = arith.constant 16 : i32
      %mul3A_194 = arith.muli %scan3A_190, %mul3A_193 : i32
      %add3A_195 = arith.constant 0 : i32
      %add3A_196 = arith.addi %mul3A_194, %add3A_195 : i32
      %get3A = arith.index_cast %add3A_196 : i32 to index
      %get3A_197 = arith.constant 0 : index
      %get3A_198 = tpu.vector_load %arg8[%get3A, %get3A_197] {strides = array<i32>} : memref<128x128xf32, #tpu.memory_space<vmem>>, vector<1x16xf32>,
      %get3A_199 = vector.shape_cast %get3A_198 : vector<1x16xf32> to vector<16xf32>
      %eq3A_200 = arith.constant 0 : i32
      %eq3A_201 = vector.broadcast %eq3A_200 : i32 to vector<16xi32>
      %eq3A_202 = arith.cmpi eq, %iota3A, %eq3A_201 : vector<16xi32>
      %select_n3A = arith.select %eq3A_202, %get3A_199, %broadcast_in_dim3A_192 : vector<16xi1>, vector<16xf32>
      %mul3A_203 = arith.constant 16 : i32
      %mul3A_204 = arith.muli %scan3A_190, %mul3A_203 : i32
      %add3A_205 = arith.constant 1 : i32
      %add3A_206 = arith.addi %mul3A_204, %add3A_205 : i32
      %get3A_207 = arith.index_cast %add3A_206 : i32 to index
      %get3A_208 = arith.constant 0 : index
      %get3A_209 = tpu.vector_load %arg8[%get3A_207, %get3A_208] {strides = array<i32>} : memref<128x128xf32, #tpu.memory_space<vmem>>, vector<1x16xf32>,
      %get3A_210 = vector.shape_cast %get3A_209 : vector<1x16xf32> to vector<16xf32>
      %eq3A_211 = arith.constant 1 : i32
      %eq3A_212 = vector.broadcast %eq3A_211 : i32 to vector<16xi32>
      %eq3A_213 = arith.cmpi eq, %iota3A, %eq3A_212 : vector<16xi32>
      %select_n3A_214 = arith.select %eq3A_213, %get3A_210, %select_n3A : vector<16xi1>, vector<16xf32>
      %mul3A_215 = arith.constant 16 : i32
      %mul3A_216 = arith.muli %scan3A_190, %mul3A_215 : i32
      %add3A_217 = arith.constant 2 : i32
      %add3A_218 = arith.addi %mul3A_216, %add3A_217 : i32
      %get3A_219 = arith.index_cast %add3A_218 : i32 to index
      %get3A_220 = arith.constant 0 : index
      %get3A_221 = tpu.vector_load %arg8[%get3A_219, %get3A_220] {strides = array<i32>} : memref<128x128xf32, #tpu.memory_space<vmem>>, vector<1x16xf32>,
      %get3A_222 = vector.shape_cast %get3A_221 : vector<1x16xf32> to vector<16xf32>
      %eq3A_223 = arith.constant 2 : i32
      %eq3A_224 = vector.broadcast %eq3A_223 : i32 to vector<16xi32>
      %eq3A_225 = arith.cmpi eq, %iota3A, %eq3A_224 : vector<16xi32>
      %select_n3A_226 = arith.select %eq3A_225, %get3A_222, %select_n3A_214 : vector<16xi1>, vector<16xf32>
      %mul3A_227 = arith.constant 16 : i32
      %mul3A_228 = arith.muli %scan3A_190, %mul3A_227 : i32
      %add3A_229 = arith.constant 3 : i32
      %add3A_230 = arith.addi %mul3A_228, %add3A_229 : i32
      %get3A_231 = arith.index_cast %add3A_230 : i32 to index
      %get3A_232 = arith.constant 0 : index
      %get3A_233 = tpu.vector_load %arg8[%get3A_231, %get3A_232] {strides = array<i32>} : memref<128x128xf32, #tpu.memory_space<vmem>>, vector<1x16xf32>,
      %get3A_234 = vector.shape_cast %get3A_233 : vector<1x16xf32> to vector<16xf32>
      %eq3A_235 = arith.constant 3 : i32
      %eq3A_236 = vector.broadcast %eq3A_235 : i32 to vector<16xi32>
      %eq3A_237 = arith.cmpi eq, %iota3A, %eq3A_236 : vector<16xi32>
      %select_n3A_238 = arith.select %eq3A_237, %get3A_234, %select_n3A_226 : vector<16xi1>, vector<16xf32>
      %mul3A_239 = arith.constant 16 : i32
      %mul3A_240 = arith.muli %scan3A_190, %mul3A_239 : i32
      %add3A_241 = arith.constant 4 : i32
      %add3A_242 = arith.addi %mul3A_240, %add3A_241 : i32
      %get3A_243 = arith.index_cast %add3A_242 : i32 to index
      %get3A_244 = arith.constant 0 : index
      %get3A_245 = tpu.vector_load %arg8[%get3A_243, %get3A_244] {strides = array<i32>} : memref<128x128xf32, #tpu.memory_space<vmem>>, vector<1x16xf32>,
      %get3A_246 = vector.shape_cast %get3A_245 : vector<1x16xf32> to vector<16xf32>
      %eq3A_247 = arith.constant 4 : i32
      %eq3A_248 = vector.broadcast %eq3A_247 : i32 to vector<16xi32>
      %eq3A_249 = arith.cmpi eq, %iota3A, %eq3A_248 : vector<16xi32>
      %select_n3A_250 = arith.select %eq3A_249, %get3A_246, %select_n3A_238 : vector<16xi1>, vector<16xf32>
      %mul3A_251 = arith.constant 16 : i32
      %mul3A_252 = arith.muli %scan3A_190, %mul3A_251 : i32
      %add3A_253 = arith.constant 5 : i32
      %add3A_254 = arith.addi %mul3A_252, %add3A_253 : i32
      %get3A_255 = arith.index_cast %add3A_254 : i32 to index
      %get3A_256 = arith.constant 0 : index
      %get3A_257 = tpu.vector_load %arg8[%get3A_255, %get3A_256] {strides = array<i32>} : memref<128x128xf32, #tpu.memory_space<vmem>>, vector<1x16xf32>,
      %get3A_258 = vector.shape_cast %get3A_257 : vector<1x16xf32> to vector<16xf32>
      %eq3A_259 = arith.constant 5 : i32
      %eq3A_260 = vector.broadcast %eq3A_259 : i32 to vector<16xi32>
      %eq3A_261 = arith.cmpi eq, %iota3A, %eq3A_260 : vector<16xi32>
      %select_n3A_262 = arith.select %eq3A_261, %get3A_258, %select_n3A_250 : vector<16xi1>, vector<16xf32>
      %mul3A_263 = arith.constant 16 : i32
      %mul3A_264 = arith.muli %scan3A_190, %mul3A_263 : i32
      %add3A_265 = arith.constant 6 : i32
      %add3A_266 = arith.addi %mul3A_264, %add3A_265 : i32
      %get3A_267 = arith.index_cast %add3A_266 : i32 to index
      %get3A_268 = arith.constant 0 : index
      %get3A_269 = tpu.vector_load %arg8[%get3A_267, %get3A_268] {strides = array<i32>} : memref<128x128xf32, #tpu.memory_space<vmem>>, vector<1x16xf32>,
      %get3A_270 = vector.shape_cast %get3A_269 : vector<1x16xf32> to vector<16xf32>
      %eq3A_271 = arith.constant 6 : i32
      %eq3A_272 = vector.broadcast %eq3A_271 : i32 to vector<16xi32>
      %eq3A_273 = arith.cmpi eq, %iota3A, %eq3A_272 : vector<16xi32>
      %select_n3A_274 = arith.select %eq3A_273, %get3A_270, %select_n3A_262 : vector<16xi1>, vector<16xf32>
      %mul3A_275 = arith.constant 16 : i32
      %mul3A_276 = arith.muli %scan3A_190, %mul3A_275 : i32
      %add3A_277 = arith.constant 7 : i32
      %add3A_278 = arith.addi %mul3A_276, %add3A_277 : i32
      %get3A_279 = arith.index_cast %add3A_278 : i32 to index
      %get3A_280 = arith.constant 0 : index
      %get3A_281 = tpu.vector_load %arg8[%get3A_279, %get3A_280] {strides = array<i32>} : memref<128x128xf32, #tpu.memory_space<vmem>>, vector<1x16xf32>,
      %get3A_282 = vector.shape_cast %get3A_281 : vector<1x16xf32> to vector<16xf32>
      %eq3A_283 = arith.constant 7 : i32
      %eq3A_284 = vector.broadcast %eq3A_283 : i32 to vector<16xi32>
      %eq3A_285 = arith.cmpi eq, %iota3A, %eq3A_284 : vector<16xi32>
      %select_n3A_286 = arith.select %eq3A_285, %get3A_282, %select_n3A_274 : vector<16xi1>, vector<16xf32>
      %mul3A_287 = arith.constant 16 : i32
      %mul3A_288 = arith.muli %scan3A_190, %mul3A_287 : i32
      %add3A_289 = arith.constant 8 : i32
      %add3A_290 = arith.addi %mul3A_288, %add3A_289 : i32
      %get3A_291 = arith.index_cast %add3A_290 : i32 to index
      %get3A_292 = arith.constant 0 : index
      %get3A_293 = tpu.vector_load %arg8[%get3A_291, %get3A_292] {strides = array<i32>} : memref<128x128xf32, #tpu.memory_space<vmem>>, vector<1x16xf32>,
      %get3A_294 = vector.shape_cast %get3A_293 : vector<1x16xf32> to vector<16xf32>
      %eq3A_295 = arith.constant 8 : i32
      %eq3A_296 = vector.broadcast %eq3A_295 : i32 to vector<16xi32>
      %eq3A_297 = arith.cmpi eq, %iota3A, %eq3A_296 : vector<16xi32>
      %select_n3A_298 = arith.select %eq3A_297, %get3A_294, %select_n3A_286 : vector<16xi1>, vector<16xf32>
      %mul3A_299 = arith.constant 16 : i32
      %mul3A_300 = arith.muli %scan3A_190, %mul3A_299 : i32
      %add3A_301 = arith.constant 9 : i32
      %add3A_302 = arith.addi %mul3A_300, %add3A_301 : i32
      %get3A_303 = arith.index_cast %add3A_302 : i32 to index
      %get3A_304 = arith.constant 0 : index
      %get3A_305 = tpu.vector_load %arg8[%get3A_303, %get3A_304] {strides = array<i32>} : memref<128x128xf32, #tpu.memory_space<vmem>>, vector<1x16xf32>,
      %get3A_306 = vector.shape_cast %get3A_305 : vector<1x16xf32> to vector<16xf32>
      %eq3A_307 = arith.constant 9 : i32
      %eq3A_308 = vector.broadcast %eq3A_307 : i32 to vector<16xi32>
      %eq3A_309 = arith.cmpi eq, %iota3A, %eq3A_308 : vector<16xi32>
      %select_n3A_310 = arith.select %eq3A_309, %get3A_306, %select_n3A_298 : vector<16xi1>, vector<16xf32>
      %mul3A_311 = arith.constant 16 : i32
      %mul3A_312 = arith.muli %scan3A_190, %mul3A_311 : i32
      %add3A_313 = arith.constant 10 : i32
      %add3A_314 = arith.addi %mul3A_312, %add3A_313 : i32
      %get3A_315 = arith.index_cast %add3A_314 : i32 to index
      %get3A_316 = arith.constant 0 : index
      %get3A_317 = tpu.vector_load %arg8[%get3A_315, %get3A_316] {strides = array<i32>} : memref<128x128xf32, #tpu.memory_space<vmem>>, vector<1x16xf32>,
      %get3A_318 = vector.shape_cast %get3A_317 : vector<1x16xf32> to vector<16xf32>
      %eq3A_319 = arith.constant 10 : i32
      %eq3A_320 = vector.broadcast %eq3A_319 : i32 to vector<16xi32>
      %eq3A_321 = arith.cmpi eq, %iota3A, %eq3A_320 : vector<16xi32>
      %select_n3A_322 = arith.select %eq3A_321, %get3A_318, %select_n3A_310 : vector<16xi1>, vector<16xf32>
      %mul3A_323 = arith.constant 16 : i32
      %mul3A_324 = arith.muli %scan3A_190, %mul3A_323 : i32
      %add3A_325 = arith.constant 11 : i32
      %add3A_326 = arith.addi %mul3A_324, %add3A_325 : i32
      %get3A_327 = arith.index_cast %add3A_326 : i32 to index
      %get3A_328 = arith.constant 0 : index
      %get3A_329 = tpu.vector_load %arg8[%get3A_327, %get3A_328] {strides = array<i32>} : memref<128x128xf32, #tpu.memory_space<vmem>>, vector<1x16xf32>,
      %get3A_330 = vector.shape_cast %get3A_329 : vector<1x16xf32> to vector<16xf32>
      %eq3A_331 = arith.constant 11 : i32
      %eq3A_332 = vector.broadcast %eq3A_331 : i32 to vector<16xi32>
      %eq3A_333 = arith.cmpi eq, %iota3A, %eq3A_332 : vector<16xi32>
      %select_n3A_334 = arith.select %eq3A_333, %get3A_330, %select_n3A_322 : vector<16xi1>, vector<16xf32>
      %mul3A_335 = arith.constant 16 : i32
      %mul3A_336 = arith.muli %scan3A_190, %mul3A_335 : i32
      %add3A_337 = arith.constant 12 : i32
      %add3A_338 = arith.addi %mul3A_336, %add3A_337 : i32
      %get3A_339 = arith.index_cast %add3A_338 : i32 to index
      %get3A_340 = arith.constant 0 : index
      %get3A_341 = tpu.vector_load %arg8[%get3A_339, %get3A_340] {strides = array<i32>} : memref<128x128xf32, #tpu.memory_space<vmem>>, vector<1x16xf32>,
      %get3A_342 = vector.shape_cast %get3A_341 : vector<1x16xf32> to vector<16xf32>
      %eq3A_343 = arith.constant 12 : i32
      %eq3A_344 = vector.broadcast %eq3A_343 : i32 to vector<16xi32>
      %eq3A_345 = arith.cmpi eq, %iota3A, %eq3A_344 : vector<16xi32>
      %select_n3A_346 = arith.select %eq3A_345, %get3A_342, %select_n3A_334 : vector<16xi1>, vector<16xf32>
      %mul3A_347 = arith.constant 16 : i32
      %mul3A_348 = arith.muli %scan3A_190, %mul3A_347 : i32
      %add3A_349 = arith.constant 13 : i32
      %add3A_350 = arith.addi %mul3A_348, %add3A_349 : i32
      %get3A_351 = arith.index_cast %add3A_350 : i32 to index
      %get3A_352 = arith.constant 0 : index
      %get3A_353 = tpu.vector_load %arg8[%get3A_351, %get3A_352] {strides = array<i32>} : memref<128x128xf32, #tpu.memory_space<vmem>>, vector<1x16xf32>,
      %get3A_354 = vector.shape_cast %get3A_353 : vector<1x16xf32> to vector<16xf32>
      %eq3A_355 = arith.constant 13 : i32
      %eq3A_356 = vector.broadcast %eq3A_355 : i32 to vector<16xi32>
      %eq3A_357 = arith.cmpi eq, %iota3A, %eq3A_356 : vector<16xi32>
      %select_n3A_358 = arith.select %eq3A_357, %get3A_354, %select_n3A_346 : vector<16xi1>, vector<16xf32>
      %mul3A_359 = arith.constant 16 : i32
      %mul3A_360 = arith.muli %scan3A_190, %mul3A_359 : i32
      %add3A_361 = arith.constant 14 : i32
      %add3A_362 = arith.addi %mul3A_360, %add3A_361 : i32
      %get3A_363 = arith.index_cast %add3A_362 : i32 to index
      %get3A_364 = arith.constant 0 : index
      %get3A_365 = tpu.vector_load %arg8[%get3A_363, %get3A_364] {strides = array<i32>} : memref<128x128xf32, #tpu.memory_space<vmem>>, vector<1x16xf32>,
      %get3A_366 = vector.shape_cast %get3A_365 : vector<1x16xf32> to vector<16xf32>
      %eq3A_367 = arith.constant 14 : i32
      %eq3A_368 = vector.broadcast %eq3A_367 : i32 to vector<16xi32>
      %eq3A_369 = arith.cmpi eq, %iota3A, %eq3A_368 : vector<16xi32>
      %select_n3A_370 = arith.select %eq3A_369, %get3A_366, %select_n3A_358 : vector<16xi1>, vector<16xf32>
      %mul3A_371 = arith.constant 16 : i32
      %mul3A_372 = arith.muli %scan3A_190, %mul3A_371 : i32
      %add3A_373 = arith.constant 15 : i32
      %add3A_374 = arith.addi %mul3A_372, %add3A_373 : i32
      %get3A_375 = arith.index_cast %add3A_374 : i32 to index
      %get3A_376 = arith.constant 0 : index
      %get3A_377 = tpu.vector_load %arg8[%get3A_375, %get3A_376] {strides = array<i32>} : memref<128x128xf32, #tpu.memory_space<vmem>>, vector<1x16xf32>,
      %get3A_378 = vector.shape_cast %get3A_377 : vector<1x16xf32> to vector<16xf32>
      %eq3A_379 = arith.constant 15 : i32
      %eq3A_380 = vector.broadcast %eq3A_379 : i32 to vector<16xi32>
      %eq3A_381 = arith.cmpi eq, %iota3A, %eq3A_380 : vector<16xi32>
      %select_n3A_382 = arith.select %eq3A_381, %get3A_378, %select_n3A_370 : vector<16xi1>, vector<16xf32>
      %mul3A_383 = arith.constant 16 : i32
      %mul3A_384 = arith.muli %scan3A_190, %mul3A_383 : i32
      %add3A_385 = arith.constant 512 : i32
      %add3A_386 = arith.addi %add3A_385, %mul3A_384 : i32
      %swap3A = arith.index_cast %add3A_386 : i32 to index
      %swap3A_387 = tpu.vector_load %arg13[%swap3A] {strides = array<i32>} : memref<624xf32, #tpu.memory_space<vmem>>, vector<16xf32>,
      %swap3A_388 = vector.shape_cast %swap3A_387 : vector<16xf32> to vector<16xf32>
      %swap3A_389 = vector.shape_cast %select_n3A_382 : vector<16xf32> to vector<16xf32>
      tpu.vector_store %arg13[%swap3A], %swap3A_389 {strides = array<i32>} : memref<624xf32, #tpu.memory_space<vmem>>, vector<16xf32>,
    }
    %scan3A_180 = arith.constant 7 : i32
    %mul3A_181 = arith.constant 10000 : i32
    %mul3A_182 = arith.muli %arg0, %mul3A_181 : i32
    %add3A_183 = arith.addi %mul3A_182, %multiple_of3A : i32
    %multiple_of3A_184 = tpu.assume_multiple %add3A_183, 8 : i32
    "tpu.region"() ({
      %run_scoped3A_190 = tpu.sem_alloc : memref<!tpu.dma_semaphore, #tpu.memory_space<semaphore_mem>>
      %dma_start3A_191 = tpu.memref_slice %arg5[%multiple_of3A_184] : memref<20000xf32, #tpu.memory_space<hbm>> -> memref<624xf32, #tpu.memory_space<hbm>>
      %dma_start3A_192 = tpu.memref_slice %arg5[%multiple_of3A_184] : memref<20000xf32, #tpu.memory_space<hbm>> -> memref<624xf32, #tpu.memory_space<hbm>>
      tpu.enqueue_dma source(%arg13 : memref<624xf32, #tpu.memory_space<vmem>>) target(%dma_start3A_192 : memref<624xf32, #tpu.memory_space<hbm>>) target_semaphore(%run_scoped3A_190 : memref<!tpu.dma_semaphore, #tpu.memory_space<semaphore_mem>>)
      %dma_wait3A_193 = tpu.memref_slice %arg5[%multiple_of3A_184] : memref<20000xf32, #tpu.memory_space<hbm>> -> memref<624xf32, #tpu.memory_space<hbm>>
      %dma_wait3A_194 = tpu.memref_slice %arg5[%multiple_of3A_184] : memref<20000xf32, #tpu.memory_space<hbm>> -> memref<624xf32, #tpu.memory_space<hbm>>
      tpu.wait_dma2 semaphore(%run_scoped3A_190 : memref<!tpu.dma_semaphore, #tpu.memory_space<semaphore_mem>>) src(%arg13 : memref<624xf32, #tpu.memory_space<vmem>>) dst(%dma_wait3A_194 : memref<624xf32, #tpu.memory_space<hbm>>)
      tpu.yield
    }) : () -> ()
    %eq3A_185 = arith.constant 0 : i32
    %eq3A_186 = arith.cmpi eq, %arg1, %eq3A_185 : i32
    %convert_element_type3A_187 = arith.extui %eq3A_186 : i1 to i32
    %cond3A_188 = arith.constant 0 : i32
    %cond3A_189 = arith.cmpi ne, %convert_element_type3A_187, %cond3A_188 : i32
    scf.if %cond3A_189 {
      "tpu.region"() ({
        %run_scoped3A_342 = tpu.sem_alloc : memref<!tpu.dma_semaphore, #tpu.memory_space<semaphore_mem>>
        %dma_start3A_343 = arith.constant 0 : i32
        %dma_start3A_344 = arith.constant 0 : i32
        %dma_start3A_345 = tpu.memref_slice %arg8[%dma_start3A_343, %dma_start3A_344] : memref<128x128xf32, #tpu.memory_space<vmem>> -> memref<16x128xf32, #tpu.memory_space<vmem>>
        %dma_start3A_346 = arith.constant 9984 : i32
        %dma_start3A_347 = arith.constant 0 : i32
        %dma_start3A_348 = tpu.memref_slice %arg10[%dma_start3A_346, %dma_start3A_347] : memref<10000x128xf32, #tpu.memory_space<vmem_shared>> -> memref<16x128xf32, #tpu.memory_space<vmem_shared>>
        %dma_start3A_349 = arith.constant 0 : i32
        %dma_start3A_350 = arith.constant 0 : i32
        %dma_start3A_351 = tpu.memref_slice %arg8[%dma_start3A_349, %dma_start3A_350] : memref<128x128xf32, #tpu.memory_space<vmem>> -> memref<16x128xf32, #tpu.memory_space<vmem>>
        %dma_start3A_352 = arith.constant 9984 : i32
        %dma_start3A_353 = arith.constant 0 : i32
        %dma_start3A_354 = tpu.memref_slice %arg10[%dma_start3A_352, %dma_start3A_353] : memref<10000x128xf32, #tpu.memory_space<vmem_shared>> -> memref<16x128xf32, #tpu.memory_space<vmem_shared>>
        tpu.enqueue_dma source(%dma_start3A_354 : memref<16x128xf32, #tpu.memory_space<vmem_shared>>) target(%dma_start3A_351 : memref<16x128xf32, #tpu.memory_space<vmem>>) target_semaphore(%run_scoped3A_342 : memref<!tpu.dma_semaphore, #tpu.memory_space<semaphore_mem>>)
        %dma_wait3A_355 = arith.constant 0 : i32
        %dma_wait3A_356 = arith.constant 0 : i32
        %dma_wait3A_357 = tpu.memref_slice %arg8[%dma_wait3A_355, %dma_wait3A_356] : memref<128x128xf32, #tpu.memory_space<vmem>> -> memref<16x128xf32, #tpu.memory_space<vmem>>
        %dma_wait3A_358 = arith.constant 9984 : i32
        %dma_wait3A_359 = arith.constant 0 : i32
        %dma_wait3A_360 = tpu.memref_slice %arg10[%dma_wait3A_358, %dma_wait3A_359] : memref<10000x128xf32, #tpu.memory_space<vmem_shared>> -> memref<16x128xf32, #tpu.memory_space<vmem_shared>>
        %dma_wait3A_361 = arith.constant 0 : i32
        %dma_wait3A_362 = arith.constant 0 : i32
        %dma_wait3A_363 = tpu.memref_slice %arg8[%dma_wait3A_361, %dma_wait3A_362] : memref<128x128xf32, #tpu.memory_space<vmem>> -> memref<16x128xf32, #tpu.memory_space<vmem>>
        %dma_wait3A_364 = arith.constant 9984 : i32
        %dma_wait3A_365 = arith.constant 0 : i32
        %dma_wait3A_366 = tpu.memref_slice %arg10[%dma_wait3A_364, %dma_wait3A_365] : memref<10000x128xf32, #tpu.memory_space<vmem_shared>> -> memref<16x128xf32, #tpu.memory_space<vmem_shared>>
        tpu.wait_dma2 semaphore(%run_scoped3A_342 : memref<!tpu.dma_semaphore, #tpu.memory_space<semaphore_mem>>) src(%dma_wait3A_366 : memref<16x128xf32, #tpu.memory_space<vmem_shared>>) dst(%dma_wait3A_363 : memref<16x128xf32, #tpu.memory_space<vmem>>)
        tpu.yield
      }) : () -> ()
      %broadcast_in_dim3A_190 = arith.constant 0.000000e+00 : f32
      %broadcast_in_dim3A_191 = vector.broadcast %broadcast_in_dim3A_190 : f32 to vector<16xf32>
      %get3A = arith.constant 0 : i32
      %get3A_192 = arith.index_cast %get3A : i32 to index
      %get3A_193 = arith.constant 0 : index
      %get3A_194 = tpu.vector_load %arg8[%get3A_192, %get3A_193] {strides = array<i32>} : memref<128x128xf32, #tpu.memory_space<vmem>>, vector<1x16xf32>,
      %get3A_195 = vector.shape_cast %get3A_194 : vector<1x16xf32> to vector<16xf32>
      %eq3A_196 = arith.constant 0 : i32
      %eq3A_197 = vector.broadcast %eq3A_196 : i32 to vector<16xi32>
      %eq3A_198 = arith.cmpi eq, %iota3A, %eq3A_197 : vector<16xi32>
      %select_n3A = arith.select %eq3A_198, %get3A_195, %broadcast_in_dim3A_191 : vector<16xi1>, vector<16xf32>
      %get3A_199 = arith.constant 1 : i32
      %get3A_200 = arith.index_cast %get3A_199 : i32 to index
      %get3A_201 = arith.constant 0 : index
      %get3A_202 = tpu.vector_load %arg8[%get3A_200, %get3A_201] {strides = array<i32>} : memref<128x128xf32, #tpu.memory_space<vmem>>, vector<1x16xf32>,
      %get3A_203 = vector.shape_cast %get3A_202 : vector<1x16xf32> to vector<16xf32>
      %eq3A_204 = arith.constant 1 : i32
      %eq3A_205 = vector.broadcast %eq3A_204 : i32 to vector<16xi32>
      %eq3A_206 = arith.cmpi eq, %iota3A, %eq3A_205 : vector<16xi32>
      %select_n3A_207 = arith.select %eq3A_206, %get3A_203, %select_n3A : vector<16xi1>, vector<16xf32>
      %get3A_208 = arith.constant 2 : i32
      %get3A_209 = arith.index_cast %get3A_208 : i32 to index
      %get3A_210 = arith.constant 0 : index
      %get3A_211 = tpu.vector_load %arg8[%get3A_209, %get3A_210] {strides = array<i32>} : memref<128x128xf32, #tpu.memory_space<vmem>>, vector<1x16xf32>,
      %get3A_212 = vector.shape_cast %get3A_211 : vector<1x16xf32> to vector<16xf32>
      %eq3A_213 = arith.constant 2 : i32
      %eq3A_214 = vector.broadcast %eq3A_213 : i32 to vector<16xi32>
      %eq3A_215 = arith.cmpi eq, %iota3A, %eq3A_214 : vector<16xi32>
      %select_n3A_216 = arith.select %eq3A_215, %get3A_212, %select_n3A_207 : vector<16xi1>, vector<16xf32>
      %get3A_217 = arith.constant 3 : i32
      %get3A_218 = arith.index_cast %get3A_217 : i32 to index
      %get3A_219 = arith.constant 0 : index
      %get3A_220 = tpu.vector_load %arg8[%get3A_218, %get3A_219] {strides = array<i32>} : memref<128x128xf32, #tpu.memory_space<vmem>>, vector<1x16xf32>,
      %get3A_221 = vector.shape_cast %get3A_220 : vector<1x16xf32> to vector<16xf32>
      %eq3A_222 = arith.constant 3 : i32
      %eq3A_223 = vector.broadcast %eq3A_222 : i32 to vector<16xi32>
      %eq3A_224 = arith.cmpi eq, %iota3A, %eq3A_223 : vector<16xi32>
      %select_n3A_225 = arith.select %eq3A_224, %get3A_221, %select_n3A_216 : vector<16xi1>, vector<16xf32>
      %get3A_226 = arith.constant 4 : i32
      %get3A_227 = arith.index_cast %get3A_226 : i32 to index
      %get3A_228 = arith.constant 0 : index
      %get3A_229 = tpu.vector_load %arg8[%get3A_227, %get3A_228] {strides = array<i32>} : memref<128x128xf32, #tpu.memory_space<vmem>>, vector<1x16xf32>,
      %get3A_230 = vector.shape_cast %get3A_229 : vector<1x16xf32> to vector<16xf32>
      %eq3A_231 = arith.constant 4 : i32
      %eq3A_232 = vector.broadcast %eq3A_231 : i32 to vector<16xi32>
      %eq3A_233 = arith.cmpi eq, %iota3A, %eq3A_232 : vector<16xi32>
      %select_n3A_234 = arith.select %eq3A_233, %get3A_230, %select_n3A_225 : vector<16xi1>, vector<16xf32>
      %get3A_235 = arith.constant 5 : i32
      %get3A_236 = arith.index_cast %get3A_235 : i32 to index
      %get3A_237 = arith.constant 0 : index
      %get3A_238 = tpu.vector_load %arg8[%get3A_236, %get3A_237] {strides = array<i32>} : memref<128x128xf32, #tpu.memory_space<vmem>>, vector<1x16xf32>,
      %get3A_239 = vector.shape_cast %get3A_238 : vector<1x16xf32> to vector<16xf32>
      %eq3A_240 = arith.constant 5 : i32
      %eq3A_241 = vector.broadcast %eq3A_240 : i32 to vector<16xi32>
      %eq3A_242 = arith.cmpi eq, %iota3A, %eq3A_241 : vector<16xi32>
      %select_n3A_243 = arith.select %eq3A_242, %get3A_239, %select_n3A_234 : vector<16xi1>, vector<16xf32>
      %get3A_244 = arith.constant 6 : i32
      %get3A_245 = arith.index_cast %get3A_244 : i32 to index
      %get3A_246 = arith.constant 0 : index
      %get3A_247 = tpu.vector_load %arg8[%get3A_245, %get3A_246] {strides = array<i32>} : memref<128x128xf32, #tpu.memory_space<vmem>>, vector<1x16xf32>,
      %get3A_248 = vector.shape_cast %get3A_247 : vector<1x16xf32> to vector<16xf32>
      %eq3A_249 = arith.constant 6 : i32
      %eq3A_250 = vector.broadcast %eq3A_249 : i32 to vector<16xi32>
      %eq3A_251 = arith.cmpi eq, %iota3A, %eq3A_250 : vector<16xi32>
      %select_n3A_252 = arith.select %eq3A_251, %get3A_248, %select_n3A_243 : vector<16xi1>, vector<16xf32>
      %get3A_253 = arith.constant 7 : i32
      %get3A_254 = arith.index_cast %get3A_253 : i32 to index
      %get3A_255 = arith.constant 0 : index
      %get3A_256 = tpu.vector_load %arg8[%get3A_254, %get3A_255] {strides = array<i32>} : memref<128x128xf32, #tpu.memory_space<vmem>>, vector<1x16xf32>,
      %get3A_257 = vector.shape_cast %get3A_256 : vector<1x16xf32> to vector<16xf32>
      %eq3A_258 = arith.constant 7 : i32
      %eq3A_259 = vector.broadcast %eq3A_258 : i32 to vector<16xi32>
      %eq3A_260 = arith.cmpi eq, %iota3A, %eq3A_259 : vector<16xi32>
      %select_n3A_261 = arith.select %eq3A_260, %get3A_257, %select_n3A_252 : vector<16xi1>, vector<16xf32>
      %get3A_262 = arith.constant 8 : i32
      %get3A_263 = arith.index_cast %get3A_262 : i32 to index
      %get3A_264 = arith.constant 0 : index
      %get3A_265 = tpu.vector_load %arg8[%get3A_263, %get3A_264] {strides = array<i32>} : memref<128x128xf32, #tpu.memory_space<vmem>>, vector<1x16xf32>,
      %get3A_266 = vector.shape_cast %get3A_265 : vector<1x16xf32> to vector<16xf32>
      %eq3A_267 = arith.constant 8 : i32
      %eq3A_268 = vector.broadcast %eq3A_267 : i32 to vector<16xi32>
      %eq3A_269 = arith.cmpi eq, %iota3A, %eq3A_268 : vector<16xi32>
      %select_n3A_270 = arith.select %eq3A_269, %get3A_266, %select_n3A_261 : vector<16xi1>, vector<16xf32>
      %get3A_271 = arith.constant 9 : i32
      %get3A_272 = arith.index_cast %get3A_271 : i32 to index
      %get3A_273 = arith.constant 0 : index
      %get3A_274 = tpu.vector_load %arg8[%get3A_272, %get3A_273] {strides = array<i32>} : memref<128x128xf32, #tpu.memory_space<vmem>>, vector<1x16xf32>,
      %get3A_275 = vector.shape_cast %get3A_274 : vector<1x16xf32> to vector<16xf32>
      %eq3A_276 = arith.constant 9 : i32
      %eq3A_277 = vector.broadcast %eq3A_276 : i32 to vector<16xi32>
      %eq3A_278 = arith.cmpi eq, %iota3A, %eq3A_277 : vector<16xi32>
      %select_n3A_279 = arith.select %eq3A_278, %get3A_275, %select_n3A_270 : vector<16xi1>, vector<16xf32>
      %get3A_280 = arith.constant 10 : i32
      %get3A_281 = arith.index_cast %get3A_280 : i32 to index
      %get3A_282 = arith.constant 0 : index
      %get3A_283 = tpu.vector_load %arg8[%get3A_281, %get3A_282] {strides = array<i32>} : memref<128x128xf32, #tpu.memory_space<vmem>>, vector<1x16xf32>,
      %get3A_284 = vector.shape_cast %get3A_283 : vector<1x16xf32> to vector<16xf32>
      %eq3A_285 = arith.constant 10 : i32
      %eq3A_286 = vector.broadcast %eq3A_285 : i32 to vector<16xi32>
      %eq3A_287 = arith.cmpi eq, %iota3A, %eq3A_286 : vector<16xi32>
      %select_n3A_288 = arith.select %eq3A_287, %get3A_284, %select_n3A_279 : vector<16xi1>, vector<16xf32>
      %get3A_289 = arith.constant 11 : i32
      %get3A_290 = arith.index_cast %get3A_289 : i32 to index
      %get3A_291 = arith.constant 0 : index
      %get3A_292 = tpu.vector_load %arg8[%get3A_290, %get3A_291] {strides = array<i32>} : memref<128x128xf32, #tpu.memory_space<vmem>>, vector<1x16xf32>,
      %get3A_293 = vector.shape_cast %get3A_292 : vector<1x16xf32> to vector<16xf32>
      %eq3A_294 = arith.constant 11 : i32
      %eq3A_295 = vector.broadcast %eq3A_294 : i32 to vector<16xi32>
      %eq3A_296 = arith.cmpi eq, %iota3A, %eq3A_295 : vector<16xi32>
      %select_n3A_297 = arith.select %eq3A_296, %get3A_293, %select_n3A_288 : vector<16xi1>, vector<16xf32>
      %get3A_298 = arith.constant 12 : i32
      %get3A_299 = arith.index_cast %get3A_298 : i32 to index
      %get3A_300 = arith.constant 0 : index
      %get3A_301 = tpu.vector_load %arg8[%get3A_299, %get3A_300] {strides = array<i32>} : memref<128x128xf32, #tpu.memory_space<vmem>>, vector<1x16xf32>,
      %get3A_302 = vector.shape_cast %get3A_301 : vector<1x16xf32> to vector<16xf32>
      %eq3A_303 = arith.constant 12 : i32
      %eq3A_304 = vector.broadcast %eq3A_303 : i32 to vector<16xi32>
      %eq3A_305 = arith.cmpi eq, %iota3A, %eq3A_304 : vector<16xi32>
      %select_n3A_306 = arith.select %eq3A_305, %get3A_302, %select_n3A_297 : vector<16xi1>, vector<16xf32>
      %get3A_307 = arith.constant 13 : i32
      %get3A_308 = arith.index_cast %get3A_307 : i32 to index
      %get3A_309 = arith.constant 0 : index
      %get3A_310 = tpu.vector_load %arg8[%get3A_308, %get3A_309] {strides = array<i32>} : memref<128x128xf32, #tpu.memory_space<vmem>>, vector<1x16xf32>,
      %get3A_311 = vector.shape_cast %get3A_310 : vector<1x16xf32> to vector<16xf32>
      %eq3A_312 = arith.constant 13 : i32
      %eq3A_313 = vector.broadcast %eq3A_312 : i32 to vector<16xi32>
      %eq3A_314 = arith.cmpi eq, %iota3A, %eq3A_313 : vector<16xi32>
      %select_n3A_315 = arith.select %eq3A_314, %get3A_311, %select_n3A_306 : vector<16xi1>, vector<16xf32>
      %get3A_316 = arith.constant 14 : i32
      %get3A_317 = arith.index_cast %get3A_316 : i32 to index
      %get3A_318 = arith.constant 0 : index
      %get3A_319 = tpu.vector_load %arg8[%get3A_317, %get3A_318] {strides = array<i32>} : memref<128x128xf32, #tpu.memory_space<vmem>>, vector<1x16xf32>,
      %get3A_320 = vector.shape_cast %get3A_319 : vector<1x16xf32> to vector<16xf32>
      %eq3A_321 = arith.constant 14 : i32
      %eq3A_322 = vector.broadcast %eq3A_321 : i32 to vector<16xi32>
      %eq3A_323 = arith.cmpi eq, %iota3A, %eq3A_322 : vector<16xi32>
      %select_n3A_324 = arith.select %eq3A_323, %get3A_320, %select_n3A_315 : vector<16xi1>, vector<16xf32>
      %get3A_325 = arith.constant 15 : i32
      %get3A_326 = arith.index_cast %get3A_325 : i32 to index
      %get3A_327 = arith.constant 0 : index
      %get3A_328 = tpu.vector_load %arg8[%get3A_326, %get3A_327] {strides = array<i32>} : memref<128x128xf32, #tpu.memory_space<vmem>>, vector<1x16xf32>,
      %get3A_329 = vector.shape_cast %get3A_328 : vector<1x16xf32> to vector<16xf32>
      %eq3A_330 = arith.constant 15 : i32
      %eq3A_331 = vector.broadcast %eq3A_330 : i32 to vector<16xi32>
      %eq3A_332 = arith.cmpi eq, %iota3A, %eq3A_331 : vector<16xi32>
      %select_n3A_333 = arith.select %eq3A_332, %get3A_329, %select_n3A_324 : vector<16xi1>, vector<16xf32>
      %swap3A = arith.constant 0 : index
      %swap3A_334 = tpu.vector_load %arg13[%swap3A] {strides = array<i32>} : memref<624xf32, #tpu.memory_space<vmem>>, vector<16xf32>,
      %swap3A_335 = vector.shape_cast %swap3A_334 : vector<16xf32> to vector<16xf32>
      %swap3A_336 = vector.shape_cast %select_n3A_333 : vector<16xf32> to vector<16xf32>
      tpu.vector_store %arg13[%swap3A], %swap3A_336 {strides = array<i32>} : memref<624xf32, #tpu.memory_space<vmem>>, vector<16xf32>,
      %mul3A_337 = arith.constant 10000 : i32
      %mul3A_338 = arith.muli %arg0, %mul3A_337 : i32
      %add3A_339 = arith.constant 9984 : i32
      %add3A_340 = arith.addi %mul3A_338, %add3A_339 : i32
      %multiple_of3A_341 = tpu.assume_multiple %add3A_340, 8 : i32
      "tpu.region"() ({
        %run_scoped3A_342 = tpu.sem_alloc : memref<!tpu.dma_semaphore, #tpu.memory_space<semaphore_mem>>
        %dma_start3A_343 = arith.constant 0 : i32
        %dma_start3A_344 = tpu.memref_slice %arg13[%dma_start3A_343] : memref<624xf32, #tpu.memory_space<vmem>> -> memref<16xf32, #tpu.memory_space<vmem>>
        %dma_start3A_345 = tpu.memref_slice %arg5[%multiple_of3A_341] : memref<20000xf32, #tpu.memory_space<hbm>> -> memref<16xf32, #tpu.memory_space<hbm>>
        %dma_start3A_346 = tpu.memref_slice %arg5[%multiple_of3A_341] : memref<20000xf32, #tpu.memory_space<hbm>> -> memref<16xf32, #tpu.memory_space<hbm>>
        %dma_start3A_347 = arith.constant 0 : i32
        %dma_start3A_348 = tpu.memref_slice %arg13[%dma_start3A_347] : memref<624xf32, #tpu.memory_space<vmem>> -> memref<16xf32, #tpu.memory_space<vmem>>
        tpu.enqueue_dma source(%dma_start3A_348 : memref<16xf32, #tpu.memory_space<vmem>>) target(%dma_start3A_346 : memref<16xf32, #tpu.memory_space<hbm>>) target_semaphore(%run_scoped3A_342 : memref<!tpu.dma_semaphore, #tpu.memory_space<semaphore_mem>>)
        %dma_wait3A_349 = arith.constant 0 : i32
        %dma_wait3A_350 = tpu.memref_slice %arg13[%dma_wait3A_349] : memref<624xf32, #tpu.memory_space<vmem>> -> memref<16xf32, #tpu.memory_space<vmem>>
        %dma_wait3A_351 = tpu.memref_slice %arg5[%multiple_of3A_341] : memref<20000xf32, #tpu.memory_space<hbm>> -> memref<16xf32, #tpu.memory_space<hbm>>
        %dma_wait3A_352 = tpu.memref_slice %arg5[%multiple_of3A_341] : memref<20000xf32, #tpu.memory_space<hbm>> -> memref<16xf32, #tpu.memory_space<hbm>>
        %dma_wait3A_353 = arith.constant 0 : i32
        %dma_wait3A_354 = tpu.memref_slice %arg13[%dma_wait3A_353] : memref<624xf32, #tpu.memory_space<vmem>> -> memref<16xf32, #tpu.memory_space<vmem>>
        tpu.wait_dma2 semaphore(%run_scoped3A_342 : memref<!tpu.dma_semaphore, #tpu.memory_space<semaphore_mem>>) src(%dma_wait3A_354 : memref<16xf32, #tpu.memory_space<vmem>>) dst(%dma_wait3A_352 : memref<16xf32, #tpu.memory_space<hbm>>)
        tpu.yield
      }) : () -> ()
    } else {
    }
    return
  }
}

#map = affine_map<(d0, d1) -> (0, 0)>
#map1 = affine_map<(d0, d1) -> (0, 0, 0)>
module attributes {stable_mosaic.version = 14 : i64} {
  func.func @body(%arg0: i32, %arg1: i32, %arg2: memref<2x320000xi32, #tpu.memory_space<hbm>>, %arg3: memref<10000x128xf32, #tpu.memory_space<hbm>>, %arg4: memref<2x10000x128xf32, #tpu.memory_space<hbm>>, %arg5: memref<2x128xi32, #tpu.memory_space<vmem>>, %arg6: memref<2x128xi32, #tpu.memory_space<vmem>>, %arg7: memref<128x128xf32, #tpu.memory_space<vmem>>, %arg8: memref<128x128xf32, #tpu.memory_space<vmem>>, %arg9: memref<10000x128xf32, #tpu.memory_space<vmem_shared>>, %arg10: memref<!tpu.dma_semaphore, #tpu.memory_space<semaphore_mem>>, %arg11: memref<!tpu.dma_semaphore, #tpu.memory_space<semaphore_mem>>) attributes {dimension_semantics = [#tpu.dimension_semantics<core_parallel>, #tpu.dimension_semantics<subcore_parallel>], iteration_bounds = array<i64: 2, 16>, scalar_prefetch = 0 : i64, scratch_operands = 7 : i64, tpu.core_type = #tpu.core_type<sc_vector_subcore>, window_params = [{transform_indices = #map}, {transform_indices = #map}, {transform_indices = #map1}]} {
    %mul3A = arith.constant 2 : i32
    %mul3A_0 = arith.muli %arg1, %mul3A : i32
    %add3A = arith.addi %mul3A_0, %arg0 : i32
    %mul3A_1 = arith.constant 624 : i32
    %mul3A_2 = arith.muli %arg1, %mul3A_1 : i32
    %multiple_of3A = tpu.assume_multiple %mul3A_2, 8 : i32
    %mul3A_3 = arith.constant 78 : i32
    %mul3A_4 = arith.muli %add3A, %mul3A_3 : i32
    %broadcast_in_dim3A = arith.constant 0.000000e+00 : f32
    %broadcast_in_dim3A_5 = vector.broadcast %broadcast_in_dim3A : f32 to vector<16xf32>
    %scan3A = arith.constant 0 : i32
    %scan3A_6 = arith.constant 0 : i32
    %scan3A_7 = arith.constant 128 : i32
    %scan3A_8 = arith.addi %scan3A_6, %scan3A_7 : i32
    %scan3A_9 = arith.constant 1 : i32
    scf.for %scan3A_96 = %scan3A_6 to %scan3A_8 step %scan3A_9  : i32 {
      %swap3A = arith.index_cast %scan3A_96 : i32 to index
      %swap3A_97 = arith.constant 0 : index
      %swap3A_98 = tpu.vector_load %arg7[%swap3A, %swap3A_97] {strides = array<i32>} : memref<128x128xf32, #tpu.memory_space<vmem>>, vector<1x16xf32>,
      %swap3A_99 = vector.shape_cast %swap3A_98 : vector<1x16xf32> to vector<16xf32>
      %swap3A_100 = vector.shape_cast %broadcast_in_dim3A_5 : vector<16xf32> to vector<1x16xf32>
      tpu.vector_store %arg7[%swap3A, %swap3A_97], %swap3A_100 {strides = array<i32>} : memref<128x128xf32, #tpu.memory_space<vmem>>, vector<1x16xf32>,
      %swap3A_101 = arith.index_cast %scan3A_96 : i32 to index
      %swap3A_102 = arith.constant 16 : index
      %swap3A_103 = tpu.vector_load %arg7[%swap3A_101, %swap3A_102] {strides = array<i32>} : memref<128x128xf32, #tpu.memory_space<vmem>>, vector<1x16xf32>,
      %swap3A_104 = vector.shape_cast %swap3A_103 : vector<1x16xf32> to vector<16xf32>
      %swap3A_105 = vector.shape_cast %broadcast_in_dim3A_5 : vector<16xf32> to vector<1x16xf32>
      tpu.vector_store %arg7[%swap3A_101, %swap3A_102], %swap3A_105 {strides = array<i32>} : memref<128x128xf32, #tpu.memory_space<vmem>>, vector<1x16xf32>,
      %swap3A_106 = arith.index_cast %scan3A_96 : i32 to index
      %swap3A_107 = arith.constant 32 : index
      %swap3A_108 = tpu.vector_load %arg7[%swap3A_106, %swap3A_107] {strides = array<i32>} : memref<128x128xf32, #tpu.memory_space<vmem>>, vector<1x16xf32>,
      %swap3A_109 = vector.shape_cast %swap3A_108 : vector<1x16xf32> to vector<16xf32>
      %swap3A_110 = vector.shape_cast %broadcast_in_dim3A_5 : vector<16xf32> to vector<1x16xf32>
      tpu.vector_store %arg7[%swap3A_106, %swap3A_107], %swap3A_110 {strides = array<i32>} : memref<128x128xf32, #tpu.memory_space<vmem>>, vector<1x16xf32>,
      %swap3A_111 = arith.index_cast %scan3A_96 : i32 to index
      %swap3A_112 = arith.constant 48 : index
      %swap3A_113 = tpu.vector_load %arg7[%swap3A_111, %swap3A_112] {strides = array<i32>} : memref<128x128xf32, #tpu.memory_space<vmem>>, vector<1x16xf32>,
      %swap3A_114 = vector.shape_cast %swap3A_113 : vector<1x16xf32> to vector<16xf32>
      %swap3A_115 = vector.shape_cast %broadcast_in_dim3A_5 : vector<16xf32> to vector<1x16xf32>
      tpu.vector_store %arg7[%swap3A_111, %swap3A_112], %swap3A_115 {strides = array<i32>} : memref<128x128xf32, #tpu.memory_space<vmem>>, vector<1x16xf32>,
      %swap3A_116 = arith.index_cast %scan3A_96 : i32 to index
      %swap3A_117 = arith.constant 64 : index
      %swap3A_118 = tpu.vector_load %arg7[%swap3A_116, %swap3A_117] {strides = array<i32>} : memref<128x128xf32, #tpu.memory_space<vmem>>, vector<1x16xf32>,
      %swap3A_119 = vector.shape_cast %swap3A_118 : vector<1x16xf32> to vector<16xf32>
      %swap3A_120 = vector.shape_cast %broadcast_in_dim3A_5 : vector<16xf32> to vector<1x16xf32>
      tpu.vector_store %arg7[%swap3A_116, %swap3A_117], %swap3A_120 {strides = array<i32>} : memref<128x128xf32, #tpu.memory_space<vmem>>, vector<1x16xf32>,
      %swap3A_121 = arith.index_cast %scan3A_96 : i32 to index
      %swap3A_122 = arith.constant 80 : index
      %swap3A_123 = tpu.vector_load %arg7[%swap3A_121, %swap3A_122] {strides = array<i32>} : memref<128x128xf32, #tpu.memory_space<vmem>>, vector<1x16xf32>,
      %swap3A_124 = vector.shape_cast %swap3A_123 : vector<1x16xf32> to vector<16xf32>
      %swap3A_125 = vector.shape_cast %broadcast_in_dim3A_5 : vector<16xf32> to vector<1x16xf32>
      tpu.vector_store %arg7[%swap3A_121, %swap3A_122], %swap3A_125 {strides = array<i32>} : memref<128x128xf32, #tpu.memory_space<vmem>>, vector<1x16xf32>,
      %swap3A_126 = arith.index_cast %scan3A_96 : i32 to index
      %swap3A_127 = arith.constant 96 : index
      %swap3A_128 = tpu.vector_load %arg7[%swap3A_126, %swap3A_127] {strides = array<i32>} : memref<128x128xf32, #tpu.memory_space<vmem>>, vector<1x16xf32>,
      %swap3A_129 = vector.shape_cast %swap3A_128 : vector<1x16xf32> to vector<16xf32>
      %swap3A_130 = vector.shape_cast %broadcast_in_dim3A_5 : vector<16xf32> to vector<1x16xf32>
      tpu.vector_store %arg7[%swap3A_126, %swap3A_127], %swap3A_130 {strides = array<i32>} : memref<128x128xf32, #tpu.memory_space<vmem>>, vector<1x16xf32>,
      %swap3A_131 = arith.index_cast %scan3A_96 : i32 to index
      %swap3A_132 = arith.constant 112 : index
      %swap3A_133 = tpu.vector_load %arg7[%swap3A_131, %swap3A_132] {strides = array<i32>} : memref<128x128xf32, #tpu.memory_space<vmem>>, vector<1x16xf32>,
      %swap3A_134 = vector.shape_cast %swap3A_133 : vector<1x16xf32> to vector<16xf32>
      %swap3A_135 = vector.shape_cast %broadcast_in_dim3A_5 : vector<16xf32> to vector<1x16xf32>
      tpu.vector_store %arg7[%swap3A_131, %swap3A_132], %swap3A_135 {strides = array<i32>} : memref<128x128xf32, #tpu.memory_space<vmem>>, vector<1x16xf32>,
    }
    %scan3A_10 = arith.constant 128 : i32
    %add3A_11 = arith.constant 0 : i32
    %add3A_12 = arith.addi %multiple_of3A, %add3A_11 : i32
    "tpu.region"() ({
      %run_scoped3A_96 = tpu.sem_alloc : memref<!tpu.dma_semaphore, #tpu.memory_space<semaphore_mem>>
      %dma_start3A_97 = arith.constant 0 : i32
      %dma_start3A_98 = arith.constant 0 : i32
      %dma_start3A_99 = tpu.memref_slice %arg7[%dma_start3A_97, %dma_start3A_98] : memref<128x128xf32, #tpu.memory_space<vmem>> -> memref<128x128xf32, #tpu.memory_space<vmem>>
      %dma_start3A_100 = arith.constant 0 : i32
      %dma_start3A_101 = tpu.memref_slice %arg9[%add3A_12, %dma_start3A_100] : memref<10000x128xf32, #tpu.memory_space<vmem_shared>> -> memref<128x128xf32, #tpu.memory_space<vmem_shared>>
      %dma_start3A_102 = arith.constant 0 : i32
      %dma_start3A_103 = tpu.memref_slice %arg9[%add3A_12, %dma_start3A_102] : memref<10000x128xf32, #tpu.memory_space<vmem_shared>> -> memref<128x128xf32, #tpu.memory_space<vmem_shared>>
      %dma_start3A_104 = arith.constant 0 : i32
      %dma_start3A_105 = arith.constant 0 : i32
      %dma_start3A_106 = tpu.memref_slice %arg7[%dma_start3A_104, %dma_start3A_105] : memref<128x128xf32, #tpu.memory_space<vmem>> -> memref<128x128xf32, #tpu.memory_space<vmem>>
      tpu.enqueue_dma source(%dma_start3A_106 : memref<128x128xf32, #tpu.memory_space<vmem>>) target(%dma_start3A_103 : memref<128x128xf32, #tpu.memory_space<vmem_shared>>) target_semaphore(%run_scoped3A_96 : memref<!tpu.dma_semaphore, #tpu.memory_space<semaphore_mem>>)
      %dma_wait3A_107 = arith.constant 0 : i32
      %dma_wait3A_108 = arith.constant 0 : i32
      %dma_wait3A_109 = tpu.memref_slice %arg7[%dma_wait3A_107, %dma_wait3A_108] : memref<128x128xf32, #tpu.memory_space<vmem>> -> memref<128x128xf32, #tpu.memory_space<vmem>>
      %dma_wait3A_110 = arith.constant 0 : i32
      %dma_wait3A_111 = tpu.memref_slice %arg9[%add3A_12, %dma_wait3A_110] : memref<10000x128xf32, #tpu.memory_space<vmem_shared>> -> memref<128x128xf32, #tpu.memory_space<vmem_shared>>
      %dma_wait3A_112 = arith.constant 0 : i32
      %dma_wait3A_113 = tpu.memref_slice %arg9[%add3A_12, %dma_wait3A_112] : memref<10000x128xf32, #tpu.memory_space<vmem_shared>> -> memref<128x128xf32, #tpu.memory_space<vmem_shared>>
      %dma_wait3A_114 = arith.constant 0 : i32
      %dma_wait3A_115 = arith.constant 0 : i32
      %dma_wait3A_116 = tpu.memref_slice %arg7[%dma_wait3A_114, %dma_wait3A_115] : memref<128x128xf32, #tpu.memory_space<vmem>> -> memref<128x128xf32, #tpu.memory_space<vmem>>
      tpu.wait_dma2 semaphore(%run_scoped3A_96 : memref<!tpu.dma_semaphore, #tpu.memory_space<semaphore_mem>>) src(%dma_wait3A_116 : memref<128x128xf32, #tpu.memory_space<vmem>>) dst(%dma_wait3A_113 : memref<128x128xf32, #tpu.memory_space<vmem_shared>>)
      tpu.yield
    }) : () -> ()
    %add3A_13 = arith.constant 128 : i32
    %add3A_14 = arith.addi %multiple_of3A, %add3A_13 : i32
    "tpu.region"() ({
      %run_scoped3A_96 = tpu.sem_alloc : memref<!tpu.dma_semaphore, #tpu.memory_space<semaphore_mem>>
      %dma_start3A_97 = arith.constant 0 : i32
      %dma_start3A_98 = arith.constant 0 : i32
      %dma_start3A_99 = tpu.memref_slice %arg7[%dma_start3A_97, %dma_start3A_98] : memref<128x128xf32, #tpu.memory_space<vmem>> -> memref<128x128xf32, #tpu.memory_space<vmem>>
      %dma_start3A_100 = arith.constant 0 : i32
      %dma_start3A_101 = tpu.memref_slice %arg9[%add3A_14, %dma_start3A_100] : memref<10000x128xf32, #tpu.memory_space<vmem_shared>> -> memref<128x128xf32, #tpu.memory_space<vmem_shared>>
      %dma_start3A_102 = arith.constant 0 : i32
      %dma_start3A_103 = tpu.memref_slice %arg9[%add3A_14, %dma_start3A_102] : memref<10000x128xf32, #tpu.memory_space<vmem_shared>> -> memref<128x128xf32, #tpu.memory_space<vmem_shared>>
      %dma_start3A_104 = arith.constant 0 : i32
      %dma_start3A_105 = arith.constant 0 : i32
      %dma_start3A_106 = tpu.memref_slice %arg7[%dma_start3A_104, %dma_start3A_105] : memref<128x128xf32, #tpu.memory_space<vmem>> -> memref<128x128xf32, #tpu.memory_space<vmem>>
      tpu.enqueue_dma source(%dma_start3A_106 : memref<128x128xf32, #tpu.memory_space<vmem>>) target(%dma_start3A_103 : memref<128x128xf32, #tpu.memory_space<vmem_shared>>) target_semaphore(%run_scoped3A_96 : memref<!tpu.dma_semaphore, #tpu.memory_space<semaphore_mem>>)
      %dma_wait3A_107 = arith.constant 0 : i32
      %dma_wait3A_108 = arith.constant 0 : i32
      %dma_wait3A_109 = tpu.memref_slice %arg7[%dma_wait3A_107, %dma_wait3A_108] : memref<128x128xf32, #tpu.memory_space<vmem>> -> memref<128x128xf32, #tpu.memory_space<vmem>>
      %dma_wait3A_110 = arith.constant 0 : i32
      %dma_wait3A_111 = tpu.memref_slice %arg9[%add3A_14, %dma_wait3A_110] : memref<10000x128xf32, #tpu.memory_space<vmem_shared>> -> memref<128x128xf32, #tpu.memory_space<vmem_shared>>
      %dma_wait3A_112 = arith.constant 0 : i32
      %dma_wait3A_113 = tpu.memref_slice %arg9[%add3A_14, %dma_wait3A_112] : memref<10000x128xf32, #tpu.memory_space<vmem_shared>> -> memref<128x128xf32, #tpu.memory_space<vmem_shared>>
      %dma_wait3A_114 = arith.constant 0 : i32
      %dma_wait3A_115 = arith.constant 0 : i32
      %dma_wait3A_116 = tpu.memref_slice %arg7[%dma_wait3A_114, %dma_wait3A_115] : memref<128x128xf32, #tpu.memory_space<vmem>> -> memref<128x128xf32, #tpu.memory_space<vmem>>
      tpu.wait_dma2 semaphore(%run_scoped3A_96 : memref<!tpu.dma_semaphore, #tpu.memory_space<semaphore_mem>>) src(%dma_wait3A_116 : memref<128x128xf32, #tpu.memory_space<vmem>>) dst(%dma_wait3A_113 : memref<128x128xf32, #tpu.memory_space<vmem_shared>>)
      tpu.yield
    }) : () -> ()
    %add3A_15 = arith.constant 256 : i32
    %add3A_16 = arith.addi %multiple_of3A, %add3A_15 : i32
    "tpu.region"() ({
      %run_scoped3A_96 = tpu.sem_alloc : memref<!tpu.dma_semaphore, #tpu.memory_space<semaphore_mem>>
      %dma_start3A_97 = arith.constant 0 : i32
      %dma_start3A_98 = arith.constant 0 : i32
      %dma_start3A_99 = tpu.memref_slice %arg7[%dma_start3A_97, %dma_start3A_98] : memref<128x128xf32, #tpu.memory_space<vmem>> -> memref<128x128xf32, #tpu.memory_space<vmem>>
      %dma_start3A_100 = arith.constant 0 : i32
      %dma_start3A_101 = tpu.memref_slice %arg9[%add3A_16, %dma_start3A_100] : memref<10000x128xf32, #tpu.memory_space<vmem_shared>> -> memref<128x128xf32, #tpu.memory_space<vmem_shared>>
      %dma_start3A_102 = arith.constant 0 : i32
      %dma_start3A_103 = tpu.memref_slice %arg9[%add3A_16, %dma_start3A_102] : memref<10000x128xf32, #tpu.memory_space<vmem_shared>> -> memref<128x128xf32, #tpu.memory_space<vmem_shared>>
      %dma_start3A_104 = arith.constant 0 : i32
      %dma_start3A_105 = arith.constant 0 : i32
      %dma_start3A_106 = tpu.memref_slice %arg7[%dma_start3A_104, %dma_start3A_105] : memref<128x128xf32, #tpu.memory_space<vmem>> -> memref<128x128xf32, #tpu.memory_space<vmem>>
      tpu.enqueue_dma source(%dma_start3A_106 : memref<128x128xf32, #tpu.memory_space<vmem>>) target(%dma_start3A_103 : memref<128x128xf32, #tpu.memory_space<vmem_shared>>) target_semaphore(%run_scoped3A_96 : memref<!tpu.dma_semaphore, #tpu.memory_space<semaphore_mem>>)
      %dma_wait3A_107 = arith.constant 0 : i32
      %dma_wait3A_108 = arith.constant 0 : i32
      %dma_wait3A_109 = tpu.memref_slice %arg7[%dma_wait3A_107, %dma_wait3A_108] : memref<128x128xf32, #tpu.memory_space<vmem>> -> memref<128x128xf32, #tpu.memory_space<vmem>>
      %dma_wait3A_110 = arith.constant 0 : i32
      %dma_wait3A_111 = tpu.memref_slice %arg9[%add3A_16, %dma_wait3A_110] : memref<10000x128xf32, #tpu.memory_space<vmem_shared>> -> memref<128x128xf32, #tpu.memory_space<vmem_shared>>
      %dma_wait3A_112 = arith.constant 0 : i32
      %dma_wait3A_113 = tpu.memref_slice %arg9[%add3A_16, %dma_wait3A_112] : memref<10000x128xf32, #tpu.memory_space<vmem_shared>> -> memref<128x128xf32, #tpu.memory_space<vmem_shared>>
      %dma_wait3A_114 = arith.constant 0 : i32
      %dma_wait3A_115 = arith.constant 0 : i32
      %dma_wait3A_116 = tpu.memref_slice %arg7[%dma_wait3A_114, %dma_wait3A_115] : memref<128x128xf32, #tpu.memory_space<vmem>> -> memref<128x128xf32, #tpu.memory_space<vmem>>
      tpu.wait_dma2 semaphore(%run_scoped3A_96 : memref<!tpu.dma_semaphore, #tpu.memory_space<semaphore_mem>>) src(%dma_wait3A_116 : memref<128x128xf32, #tpu.memory_space<vmem>>) dst(%dma_wait3A_113 : memref<128x128xf32, #tpu.memory_space<vmem_shared>>)
      tpu.yield
    }) : () -> ()
    %add3A_17 = arith.constant 384 : i32
    %add3A_18 = arith.addi %multiple_of3A, %add3A_17 : i32
    "tpu.region"() ({
      %run_scoped3A_96 = tpu.sem_alloc : memref<!tpu.dma_semaphore, #tpu.memory_space<semaphore_mem>>
      %dma_start3A_97 = arith.constant 0 : i32
      %dma_start3A_98 = arith.constant 0 : i32
      %dma_start3A_99 = tpu.memref_slice %arg7[%dma_start3A_97, %dma_start3A_98] : memref<128x128xf32, #tpu.memory_space<vmem>> -> memref<128x128xf32, #tpu.memory_space<vmem>>
      %dma_start3A_100 = arith.constant 0 : i32
      %dma_start3A_101 = tpu.memref_slice %arg9[%add3A_18, %dma_start3A_100] : memref<10000x128xf32, #tpu.memory_space<vmem_shared>> -> memref<128x128xf32, #tpu.memory_space<vmem_shared>>
      %dma_start3A_102 = arith.constant 0 : i32
      %dma_start3A_103 = tpu.memref_slice %arg9[%add3A_18, %dma_start3A_102] : memref<10000x128xf32, #tpu.memory_space<vmem_shared>> -> memref<128x128xf32, #tpu.memory_space<vmem_shared>>
      %dma_start3A_104 = arith.constant 0 : i32
      %dma_start3A_105 = arith.constant 0 : i32
      %dma_start3A_106 = tpu.memref_slice %arg7[%dma_start3A_104, %dma_start3A_105] : memref<128x128xf32, #tpu.memory_space<vmem>> -> memref<128x128xf32, #tpu.memory_space<vmem>>
      tpu.enqueue_dma source(%dma_start3A_106 : memref<128x128xf32, #tpu.memory_space<vmem>>) target(%dma_start3A_103 : memref<128x128xf32, #tpu.memory_space<vmem_shared>>) target_semaphore(%run_scoped3A_96 : memref<!tpu.dma_semaphore, #tpu.memory_space<semaphore_mem>>)
      %dma_wait3A_107 = arith.constant 0 : i32
      %dma_wait3A_108 = arith.constant 0 : i32
      %dma_wait3A_109 = tpu.memref_slice %arg7[%dma_wait3A_107, %dma_wait3A_108] : memref<128x128xf32, #tpu.memory_space<vmem>> -> memref<128x128xf32, #tpu.memory_space<vmem>>
      %dma_wait3A_110 = arith.constant 0 : i32
      %dma_wait3A_111 = tpu.memref_slice %arg9[%add3A_18, %dma_wait3A_110] : memref<10000x128xf32, #tpu.memory_space<vmem_shared>> -> memref<128x128xf32, #tpu.memory_space<vmem_shared>>
      %dma_wait3A_112 = arith.constant 0 : i32
      %dma_wait3A_113 = tpu.memref_slice %arg9[%add3A_18, %dma_wait3A_112] : memref<10000x128xf32, #tpu.memory_space<vmem_shared>> -> memref<128x128xf32, #tpu.memory_space<vmem_shared>>
      %dma_wait3A_114 = arith.constant 0 : i32
      %dma_wait3A_115 = arith.constant 0 : i32
      %dma_wait3A_116 = tpu.memref_slice %arg7[%dma_wait3A_114, %dma_wait3A_115] : memref<128x128xf32, #tpu.memory_space<vmem>> -> memref<128x128xf32, #tpu.memory_space<vmem>>
      tpu.wait_dma2 semaphore(%run_scoped3A_96 : memref<!tpu.dma_semaphore, #tpu.memory_space<semaphore_mem>>) src(%dma_wait3A_116 : memref<128x128xf32, #tpu.memory_space<vmem>>) dst(%dma_wait3A_113 : memref<128x128xf32, #tpu.memory_space<vmem_shared>>)
      tpu.yield
    }) : () -> ()
    %add3A_19 = arith.constant 512 : i32
    %add3A_20 = arith.addi %multiple_of3A, %add3A_19 : i32
    "tpu.region"() ({
      %run_scoped3A_96 = tpu.sem_alloc : memref<!tpu.dma_semaphore, #tpu.memory_space<semaphore_mem>>
      %dma_start3A_97 = arith.constant 0 : i32
      %dma_start3A_98 = arith.constant 0 : i32
      %dma_start3A_99 = tpu.memref_slice %arg7[%dma_start3A_97, %dma_start3A_98] : memref<128x128xf32, #tpu.memory_space<vmem>> -> memref<112x128xf32, #tpu.memory_space<vmem>>
      %dma_start3A_100 = arith.constant 0 : i32
      %dma_start3A_101 = tpu.memref_slice %arg9[%add3A_20, %dma_start3A_100] : memref<10000x128xf32, #tpu.memory_space<vmem_shared>> -> memref<112x128xf32, #tpu.memory_space<vmem_shared>>
      %dma_start3A_102 = arith.constant 0 : i32
      %dma_start3A_103 = tpu.memref_slice %arg9[%add3A_20, %dma_start3A_102] : memref<10000x128xf32, #tpu.memory_space<vmem_shared>> -> memref<112x128xf32, #tpu.memory_space<vmem_shared>>
      %dma_start3A_104 = arith.constant 0 : i32
      %dma_start3A_105 = arith.constant 0 : i32
      %dma_start3A_106 = tpu.memref_slice %arg7[%dma_start3A_104, %dma_start3A_105] : memref<128x128xf32, #tpu.memory_space<vmem>> -> memref<112x128xf32, #tpu.memory_space<vmem>>
      tpu.enqueue_dma source(%dma_start3A_106 : memref<112x128xf32, #tpu.memory_space<vmem>>) target(%dma_start3A_103 : memref<112x128xf32, #tpu.memory_space<vmem_shared>>) target_semaphore(%run_scoped3A_96 : memref<!tpu.dma_semaphore, #tpu.memory_space<semaphore_mem>>)
      %dma_wait3A_107 = arith.constant 0 : i32
      %dma_wait3A_108 = arith.constant 0 : i32
      %dma_wait3A_109 = tpu.memref_slice %arg7[%dma_wait3A_107, %dma_wait3A_108] : memref<128x128xf32, #tpu.memory_space<vmem>> -> memref<112x128xf32, #tpu.memory_space<vmem>>
      %dma_wait3A_110 = arith.constant 0 : i32
      %dma_wait3A_111 = tpu.memref_slice %arg9[%add3A_20, %dma_wait3A_110] : memref<10000x128xf32, #tpu.memory_space<vmem_shared>> -> memref<112x128xf32, #tpu.memory_space<vmem_shared>>
      %dma_wait3A_112 = arith.constant 0 : i32
      %dma_wait3A_113 = tpu.memref_slice %arg9[%add3A_20, %dma_wait3A_112] : memref<10000x128xf32, #tpu.memory_space<vmem_shared>> -> memref<112x128xf32, #tpu.memory_space<vmem_shared>>
      %dma_wait3A_114 = arith.constant 0 : i32
      %dma_wait3A_115 = arith.constant 0 : i32
      %dma_wait3A_116 = tpu.memref_slice %arg7[%dma_wait3A_114, %dma_wait3A_115] : memref<128x128xf32, #tpu.memory_space<vmem>> -> memref<112x128xf32, #tpu.memory_space<vmem>>
      tpu.wait_dma2 semaphore(%run_scoped3A_96 : memref<!tpu.dma_semaphore, #tpu.memory_space<semaphore_mem>>) src(%dma_wait3A_116 : memref<112x128xf32, #tpu.memory_space<vmem>>) dst(%dma_wait3A_113 : memref<112x128xf32, #tpu.memory_space<vmem_shared>>)
      tpu.yield
    }) : () -> ()
    %eq3A = arith.constant 0 : i32
    %eq3A_21 = arith.cmpi eq, %arg1, %eq3A : i32
    %convert_element_type3A = arith.extui %eq3A_21 : i1 to i32
    %cond3A = arith.constant 0 : i32
    %cond3A_22 = arith.cmpi ne, %convert_element_type3A, %cond3A : i32
    scf.if %cond3A_22 {
      "tpu.region"() ({
        %run_scoped3A_96 = tpu.sem_alloc : memref<!tpu.dma_semaphore, #tpu.memory_space<semaphore_mem>>
        %dma_start3A_97 = arith.constant 0 : i32
        %dma_start3A_98 = arith.constant 0 : i32
        %dma_start3A_99 = tpu.memref_slice %arg7[%dma_start3A_97, %dma_start3A_98] : memref<128x128xf32, #tpu.memory_space<vmem>> -> memref<16x128xf32, #tpu.memory_space<vmem>>
        %dma_start3A_100 = arith.constant 9984 : i32
        %dma_start3A_101 = arith.constant 0 : i32
        %dma_start3A_102 = tpu.memref_slice %arg9[%dma_start3A_100, %dma_start3A_101] : memref<10000x128xf32, #tpu.memory_space<vmem_shared>> -> memref<16x128xf32, #tpu.memory_space<vmem_shared>>
        %dma_start3A_103 = arith.constant 9984 : i32
        %dma_start3A_104 = arith.constant 0 : i32
        %dma_start3A_105 = tpu.memref_slice %arg9[%dma_start3A_103, %dma_start3A_104] : memref<10000x128xf32, #tpu.memory_space<vmem_shared>> -> memref<16x128xf32, #tpu.memory_space<vmem_shared>>
        %dma_start3A_106 = arith.constant 0 : i32
        %dma_start3A_107 = arith.constant 0 : i32
        %dma_start3A_108 = tpu.memref_slice %arg7[%dma_start3A_106, %dma_start3A_107] : memref<128x128xf32, #tpu.memory_space<vmem>> -> memref<16x128xf32, #tpu.memory_space<vmem>>
        tpu.enqueue_dma source(%dma_start3A_108 : memref<16x128xf32, #tpu.memory_space<vmem>>) target(%dma_start3A_105 : memref<16x128xf32, #tpu.memory_space<vmem_shared>>) target_semaphore(%run_scoped3A_96 : memref<!tpu.dma_semaphore, #tpu.memory_space<semaphore_mem>>)
        %dma_wait3A_109 = arith.constant 0 : i32
        %dma_wait3A_110 = arith.constant 0 : i32
        %dma_wait3A_111 = tpu.memref_slice %arg7[%dma_wait3A_109, %dma_wait3A_110] : memref<128x128xf32, #tpu.memory_space<vmem>> -> memref<16x128xf32, #tpu.memory_space<vmem>>
        %dma_wait3A_112 = arith.constant 9984 : i32
        %dma_wait3A_113 = arith.constant 0 : i32
        %dma_wait3A_114 = tpu.memref_slice %arg9[%dma_wait3A_112, %dma_wait3A_113] : memref<10000x128xf32, #tpu.memory_space<vmem_shared>> -> memref<16x128xf32, #tpu.memory_space<vmem_shared>>
        %dma_wait3A_115 = arith.constant 9984 : i32
        %dma_wait3A_116 = arith.constant 0 : i32
        %dma_wait3A_117 = tpu.memref_slice %arg9[%dma_wait3A_115, %dma_wait3A_116] : memref<10000x128xf32, #tpu.memory_space<vmem_shared>> -> memref<16x128xf32, #tpu.memory_space<vmem_shared>>
        %dma_wait3A_118 = arith.constant 0 : i32
        %dma_wait3A_119 = arith.constant 0 : i32
        %dma_wait3A_120 = tpu.memref_slice %arg7[%dma_wait3A_118, %dma_wait3A_119] : memref<128x128xf32, #tpu.memory_space<vmem>> -> memref<16x128xf32, #tpu.memory_space<vmem>>
        tpu.wait_dma2 semaphore(%run_scoped3A_96 : memref<!tpu.dma_semaphore, #tpu.memory_space<semaphore_mem>>) src(%dma_wait3A_120 : memref<16x128xf32, #tpu.memory_space<vmem>>) dst(%dma_wait3A_117 : memref<16x128xf32, #tpu.memory_space<vmem_shared>>)
        tpu.yield
      }) : () -> ()
    } else {
    }
    %barrier3A = arith.constant 0 : index
    tpu.barrier barrier_id(%barrier3A)
    %mul3A_23 = arith.constant 128 : i32
    %mul3A_24 = arith.muli %mul3A_4, %mul3A_23 : i32
    %multiple_of3A_25 = tpu.assume_multiple %mul3A_24, 128 : i32
    "tpu.region"() ({
      %run_scoped3A_96 = tpu.sem_alloc : memref<!tpu.dma_semaphore, #tpu.memory_space<semaphore_mem>>
      %dma_start3A_97 = arith.constant 0 : i32
      %dma_start3A_98 = tpu.memref_slice %arg2[%dma_start3A_97, %multiple_of3A_25] : memref<2x320000xi32, #tpu.memory_space<hbm>> -> memref<2x128xi32, #tpu.memory_space<hbm>>
      %dma_start3A_99 = arith.constant 0 : i32
      %dma_start3A_100 = tpu.memref_slice %arg2[%dma_start3A_99, %multiple_of3A_25] : memref<2x320000xi32, #tpu.memory_space<hbm>> -> memref<2x128xi32, #tpu.memory_space<hbm>>
      tpu.enqueue_dma source(%dma_start3A_100 : memref<2x128xi32, #tpu.memory_space<hbm>>) target(%arg5 : memref<2x128xi32, #tpu.memory_space<vmem>>) target_semaphore(%run_scoped3A_96 : memref<!tpu.dma_semaphore, #tpu.memory_space<semaphore_mem>>)
      %dma_wait3A_101 = arith.constant 0 : i32
      %dma_wait3A_102 = tpu.memref_slice %arg2[%dma_wait3A_101, %multiple_of3A_25] : memref<2x320000xi32, #tpu.memory_space<hbm>> -> memref<2x128xi32, #tpu.memory_space<hbm>>
      %dma_wait3A_103 = arith.constant 0 : i32
      %dma_wait3A_104 = tpu.memref_slice %arg2[%dma_wait3A_103, %multiple_of3A_25] : memref<2x320000xi32, #tpu.memory_space<hbm>> -> memref<2x128xi32, #tpu.memory_space<hbm>>
      tpu.wait_dma2 semaphore(%run_scoped3A_96 : memref<!tpu.dma_semaphore, #tpu.memory_space<semaphore_mem>>) src(%dma_wait3A_104 : memref<2x128xi32, #tpu.memory_space<hbm>>) dst(%arg5 : memref<2x128xi32, #tpu.memory_space<vmem>>)
      tpu.yield
    }) : () -> ()
    %dma_start3A = arith.constant 0 : i32
    %dma_start3A_26 = arith.constant 0 : i32
    %dma_start3A_27 = tpu.memref_slice %arg5[%dma_start3A, %dma_start3A_26] : memref<2x128xi32, #tpu.memory_space<vmem>> -> memref<1x128xi32, #tpu.memory_space<vmem>>
    %dma_start3A_28 = tpu.memref_squeeze %dma_start3A_27 : memref<1x128xi32, #tpu.memory_space<vmem>> -> memref<128xi32, #tpu.memory_space<vmem>>
    %dma_start3A_29 = arith.constant 0 : i32
    %dma_start3A_30 = arith.constant 0 : i32
    %dma_start3A_31 = tpu.memref_slice %arg3[%dma_start3A_29, %dma_start3A_30] : memref<10000x128xf32, #tpu.memory_space<hbm>> -> memref<10000x128xf32, #tpu.memory_space<hbm>>
    tpu.enqueue_indirect_dma source(%dma_start3A_31 : memref<10000x128xf32, #tpu.memory_space<hbm>>) target(%arg7 : memref<128x128xf32, #tpu.memory_space<vmem>>) offsets(%dma_start3A_28 : memref<128xi32, #tpu.memory_space<vmem>>) semaphore(%arg10 : memref<!tpu.dma_semaphore, #tpu.memory_space<semaphore_mem>>)
    %scan3A_32 = arith.constant 0 : i32
    %scan3A_33 = arith.constant 0 : i32
    %scan3A_34 = arith.constant 38 : i32
    %scan3A_35 = arith.addi %scan3A_33, %scan3A_34 : i32
    %scan3A_36 = arith.constant 1 : i32
    scf.for %scan3A_96 = %scan3A_33 to %scan3A_35 step %scan3A_36  : i32 {
      %mul3A_97 = arith.constant 2 : i32
      %mul3A_98 = arith.muli %mul3A_97, %scan3A_96 : i32
      %add3A_99 = arith.addi %mul3A_4, %mul3A_98 : i32
      %add3A_100 = arith.constant 1 : i32
      %add3A_101 = arith.addi %add3A_99, %add3A_100 : i32
      %mul3A_102 = arith.constant 128 : i32
      %mul3A_103 = arith.muli %add3A_101, %mul3A_102 : i32
      %multiple_of3A_104 = tpu.assume_multiple %mul3A_103, 128 : i32
      "tpu.region"() ({
        %run_scoped3A_140 = tpu.sem_alloc : memref<!tpu.dma_semaphore, #tpu.memory_space<semaphore_mem>>
        %dma_start3A_141 = arith.constant 0 : i32
        %dma_start3A_142 = tpu.memref_slice %arg2[%dma_start3A_141, %multiple_of3A_104] : memref<2x320000xi32, #tpu.memory_space<hbm>> -> memref<2x128xi32, #tpu.memory_space<hbm>>
        %dma_start3A_143 = arith.constant 0 : i32
        %dma_start3A_144 = tpu.memref_slice %arg2[%dma_start3A_143, %multiple_of3A_104] : memref<2x320000xi32, #tpu.memory_space<hbm>> -> memref<2x128xi32, #tpu.memory_space<hbm>>
        tpu.enqueue_dma source(%dma_start3A_144 : memref<2x128xi32, #tpu.memory_space<hbm>>) target(%arg6 : memref<2x128xi32, #tpu.memory_space<vmem>>) target_semaphore(%run_scoped3A_140 : memref<!tpu.dma_semaphore, #tpu.memory_space<semaphore_mem>>)
        %dma_wait3A_145 = arith.constant 0 : i32
        %dma_wait3A_146 = tpu.memref_slice %arg2[%dma_wait3A_145, %multiple_of3A_104] : memref<2x320000xi32, #tpu.memory_space<hbm>> -> memref<2x128xi32, #tpu.memory_space<hbm>>
        %dma_wait3A_147 = arith.constant 0 : i32
        %dma_wait3A_148 = tpu.memref_slice %arg2[%dma_wait3A_147, %multiple_of3A_104] : memref<2x320000xi32, #tpu.memory_space<hbm>> -> memref<2x128xi32, #tpu.memory_space<hbm>>
        tpu.wait_dma2 semaphore(%run_scoped3A_140 : memref<!tpu.dma_semaphore, #tpu.memory_space<semaphore_mem>>) src(%dma_wait3A_148 : memref<2x128xi32, #tpu.memory_space<hbm>>) dst(%arg6 : memref<2x128xi32, #tpu.memory_space<vmem>>)
        tpu.yield
      }) : () -> ()
      %dma_start3A_105 = arith.constant 0 : i32
      %dma_start3A_106 = arith.constant 0 : i32
      %dma_start3A_107 = tpu.memref_slice %arg6[%dma_start3A_105, %dma_start3A_106] : memref<2x128xi32, #tpu.memory_space<vmem>> -> memref<1x128xi32, #tpu.memory_space<vmem>>
      %dma_start3A_108 = tpu.memref_squeeze %dma_start3A_107 : memref<1x128xi32, #tpu.memory_space<vmem>> -> memref<128xi32, #tpu.memory_space<vmem>>
      %dma_start3A_109 = arith.constant 0 : i32
      %dma_start3A_110 = arith.constant 0 : i32
      %dma_start3A_111 = tpu.memref_slice %arg3[%dma_start3A_109, %dma_start3A_110] : memref<10000x128xf32, #tpu.memory_space<hbm>> -> memref<10000x128xf32, #tpu.memory_space<hbm>>
      tpu.enqueue_indirect_dma source(%dma_start3A_111 : memref<10000x128xf32, #tpu.memory_space<hbm>>) target(%arg8 : memref<128x128xf32, #tpu.memory_space<vmem>>) offsets(%dma_start3A_108 : memref<128xi32, #tpu.memory_space<vmem>>) semaphore(%arg11 : memref<!tpu.dma_semaphore, #tpu.memory_space<semaphore_mem>>)
      %dma_wait3A_112 = arith.constant 0 : i32
      %dma_wait3A_113 = arith.constant 0 : i32
      %dma_wait3A_114 = tpu.memref_slice %arg5[%dma_wait3A_112, %dma_wait3A_113] : memref<2x128xi32, #tpu.memory_space<vmem>> -> memref<1x128xi32, #tpu.memory_space<vmem>>
      %dma_wait3A_115 = tpu.memref_squeeze %dma_wait3A_114 : memref<1x128xi32, #tpu.memory_space<vmem>> -> memref<128xi32, #tpu.memory_space<vmem>>
      %dma_wait3A_116 = arith.constant 0 : i32
      %dma_wait3A_117 = arith.constant 0 : i32
      %dma_wait3A_118 = tpu.memref_slice %arg3[%dma_wait3A_116, %dma_wait3A_117] : memref<10000x128xf32, #tpu.memory_space<hbm>> -> memref<10000x128xf32, #tpu.memory_space<hbm>>
      tpu.wait_indirect_dma semaphore(%arg10 : memref<!tpu.dma_semaphore, #tpu.memory_space<semaphore_mem>>) src(%dma_wait3A_118 : memref<10000x128xf32, #tpu.memory_space<hbm>>) dst(%arg7 : memref<128x128xf32, #tpu.memory_space<vmem>>)
      %run_scoped3A_119 = arith.constant 1 : i32
      "tpu.region"() ({
        %run_scoped3A_140 = tpu.sem_alloc : memref<!tpu.dma_semaphore, #tpu.memory_space<semaphore_mem>>
        %dma_start3A_141 = arith.constant 0 : i32
        %dma_start3A_142 = tpu.memref_slice %arg5[%run_scoped3A_119, %dma_start3A_141] : memref<2x128xi32, #tpu.memory_space<vmem>> -> memref<1x128xi32, #tpu.memory_space<vmem>>
        %dma_start3A_143 = tpu.memref_squeeze %dma_start3A_142 : memref<1x128xi32, #tpu.memory_space<vmem>> -> memref<128xi32, #tpu.memory_space<vmem>>
        %dma_start3A_144 = arith.constant 0 : i32
        %dma_start3A_145 = arith.constant 0 : i32
        %dma_start3A_146 = tpu.memref_slice %arg9[%dma_start3A_144, %dma_start3A_145] : memref<10000x128xf32, #tpu.memory_space<vmem_shared>> -> memref<10000x128xf32, #tpu.memory_space<vmem_shared>>
        tpu.enqueue_indirect_dma source(%arg7 : memref<128x128xf32, #tpu.memory_space<vmem>>) target(%dma_start3A_146 : memref<10000x128xf32, #tpu.memory_space<vmem_shared>>) offsets(%dma_start3A_143 : memref<128xi32, #tpu.memory_space<vmem>>) semaphore(%run_scoped3A_140 : memref<!tpu.dma_semaphore, #tpu.memory_space<semaphore_mem>>) {add = true}
        %dma_wait3A_147 = arith.constant 0 : i32
        %dma_wait3A_148 = tpu.memref_slice %arg5[%run_scoped3A_119, %dma_wait3A_147] : memref<2x128xi32, #tpu.memory_space<vmem>> -> memref<1x128xi32, #tpu.memory_space<vmem>>
        %dma_wait3A_149 = tpu.memref_squeeze %dma_wait3A_148 : memref<1x128xi32, #tpu.memory_space<vmem>> -> memref<128xi32, #tpu.memory_space<vmem>>
        %dma_wait3A_150 = arith.constant 0 : i32
        %dma_wait3A_151 = arith.constant 0 : i32
        %dma_wait3A_152 = tpu.memref_slice %arg9[%dma_wait3A_150, %dma_wait3A_151] : memref<10000x128xf32, #tpu.memory_space<vmem_shared>> -> memref<10000x128xf32, #tpu.memory_space<vmem_shared>>
        tpu.wait_indirect_dma semaphore(%run_scoped3A_140 : memref<!tpu.dma_semaphore, #tpu.memory_space<semaphore_mem>>) src(%arg7 : memref<128x128xf32, #tpu.memory_space<vmem>>) dst(%dma_wait3A_152 : memref<10000x128xf32, #tpu.memory_space<vmem_shared>>)
        tpu.yield
      }) : () -> ()
      %add3A_120 = arith.constant 2 : i32
      %add3A_121 = arith.addi %add3A_99, %add3A_120 : i32
      %mul3A_122 = arith.constant 128 : i32
      %mul3A_123 = arith.muli %add3A_121, %mul3A_122 : i32
      %multiple_of3A_124 = tpu.assume_multiple %mul3A_123, 128 : i32
      "tpu.region"() ({
        %run_scoped3A_140 = tpu.sem_alloc : memref<!tpu.dma_semaphore, #tpu.memory_space<semaphore_mem>>
        %dma_start3A_141 = arith.constant 0 : i32
        %dma_start3A_142 = tpu.memref_slice %arg2[%dma_start3A_141, %multiple_of3A_124] : memref<2x320000xi32, #tpu.memory_space<hbm>> -> memref<2x128xi32, #tpu.memory_space<hbm>>
        %dma_start3A_143 = arith.constant 0 : i32
        %dma_start3A_144 = tpu.memref_slice %arg2[%dma_start3A_143, %multiple_of3A_124] : memref<2x320000xi32, #tpu.memory_space<hbm>> -> memref<2x128xi32, #tpu.memory_space<hbm>>
        tpu.enqueue_dma source(%dma_start3A_144 : memref<2x128xi32, #tpu.memory_space<hbm>>) target(%arg5 : memref<2x128xi32, #tpu.memory_space<vmem>>) target_semaphore(%run_scoped3A_140 : memref<!tpu.dma_semaphore, #tpu.memory_space<semaphore_mem>>)
        %dma_wait3A_145 = arith.constant 0 : i32
        %dma_wait3A_146 = tpu.memref_slice %arg2[%dma_wait3A_145, %multiple_of3A_124] : memref<2x320000xi32, #tpu.memory_space<hbm>> -> memref<2x128xi32, #tpu.memory_space<hbm>>
        %dma_wait3A_147 = arith.constant 0 : i32
        %dma_wait3A_148 = tpu.memref_slice %arg2[%dma_wait3A_147, %multiple_of3A_124] : memref<2x320000xi32, #tpu.memory_space<hbm>> -> memref<2x128xi32, #tpu.memory_space<hbm>>
        tpu.wait_dma2 semaphore(%run_scoped3A_140 : memref<!tpu.dma_semaphore, #tpu.memory_space<semaphore_mem>>) src(%dma_wait3A_148 : memref<2x128xi32, #tpu.memory_space<hbm>>) dst(%arg5 : memref<2x128xi32, #tpu.memory_space<vmem>>)
        tpu.yield
      }) : () -> ()
      %dma_start3A_125 = arith.constant 0 : i32
      %dma_start3A_126 = arith.constant 0 : i32
      %dma_start3A_127 = tpu.memref_slice %arg5[%dma_start3A_125, %dma_start3A_126] : memref<2x128xi32, #tpu.memory_space<vmem>> -> memref<1x128xi32, #tpu.memory_space<vmem>>
      %dma_start3A_128 = tpu.memref_squeeze %dma_start3A_127 : memref<1x128xi32, #tpu.memory_space<vmem>> -> memref<128xi32, #tpu.memory_space<vmem>>
      %dma_start3A_129 = arith.constant 0 : i32
      %dma_start3A_130 = arith.constant 0 : i32
      %dma_start3A_131 = tpu.memref_slice %arg3[%dma_start3A_129, %dma_start3A_130] : memref<10000x128xf32, #tpu.memory_space<hbm>> -> memref<10000x128xf32, #tpu.memory_space<hbm>>
      tpu.enqueue_indirect_dma source(%dma_start3A_131 : memref<10000x128xf32, #tpu.memory_space<hbm>>) target(%arg7 : memref<128x128xf32, #tpu.memory_space<vmem>>) offsets(%dma_start3A_128 : memref<128xi32, #tpu.memory_space<vmem>>) semaphore(%arg10 : memref<!tpu.dma_semaphore, #tpu.memory_space<semaphore_mem>>)
      %dma_wait3A_132 = arith.constant 0 : i32
      %dma_wait3A_133 = arith.constant 0 : i32
      %dma_wait3A_134 = tpu.memref_slice %arg6[%dma_wait3A_132, %dma_wait3A_133] : memref<2x128xi32, #tpu.memory_space<vmem>> -> memref<1x128xi32, #tpu.memory_space<vmem>>
      %dma_wait3A_135 = tpu.memref_squeeze %dma_wait3A_134 : memref<1x128xi32, #tpu.memory_space<vmem>> -> memref<128xi32, #tpu.memory_space<vmem>>
      %dma_wait3A_136 = arith.constant 0 : i32
      %dma_wait3A_137 = arith.constant 0 : i32
      %dma_wait3A_138 = tpu.memref_slice %arg3[%dma_wait3A_136, %dma_wait3A_137] : memref<10000x128xf32, #tpu.memory_space<hbm>> -> memref<10000x128xf32, #tpu.memory_space<hbm>>
      tpu.wait_indirect_dma semaphore(%arg11 : memref<!tpu.dma_semaphore, #tpu.memory_space<semaphore_mem>>) src(%dma_wait3A_138 : memref<10000x128xf32, #tpu.memory_space<hbm>>) dst(%arg8 : memref<128x128xf32, #tpu.memory_space<vmem>>)
      %run_scoped3A_139 = arith.constant 1 : i32
      "tpu.region"() ({
        %run_scoped3A_140 = tpu.sem_alloc : memref<!tpu.dma_semaphore, #tpu.memory_space<semaphore_mem>>
        %dma_start3A_141 = arith.constant 0 : i32
        %dma_start3A_142 = tpu.memref_slice %arg6[%run_scoped3A_139, %dma_start3A_141] : memref<2x128xi32, #tpu.memory_space<vmem>> -> memref<1x128xi32, #tpu.memory_space<vmem>>
        %dma_start3A_143 = tpu.memref_squeeze %dma_start3A_142 : memref<1x128xi32, #tpu.memory_space<vmem>> -> memref<128xi32, #tpu.memory_space<vmem>>
        %dma_start3A_144 = arith.constant 0 : i32
        %dma_start3A_145 = arith.constant 0 : i32
        %dma_start3A_146 = tpu.memref_slice %arg9[%dma_start3A_144, %dma_start3A_145] : memref<10000x128xf32, #tpu.memory_space<vmem_shared>> -> memref<10000x128xf32, #tpu.memory_space<vmem_shared>>
        tpu.enqueue_indirect_dma source(%arg8 : memref<128x128xf32, #tpu.memory_space<vmem>>) target(%dma_start3A_146 : memref<10000x128xf32, #tpu.memory_space<vmem_shared>>) offsets(%dma_start3A_143 : memref<128xi32, #tpu.memory_space<vmem>>) semaphore(%run_scoped3A_140 : memref<!tpu.dma_semaphore, #tpu.memory_space<semaphore_mem>>) {add = true}
        %dma_wait3A_147 = arith.constant 0 : i32
        %dma_wait3A_148 = tpu.memref_slice %arg6[%run_scoped3A_139, %dma_wait3A_147] : memref<2x128xi32, #tpu.memory_space<vmem>> -> memref<1x128xi32, #tpu.memory_space<vmem>>
        %dma_wait3A_149 = tpu.memref_squeeze %dma_wait3A_148 : memref<1x128xi32, #tpu.memory_space<vmem>> -> memref<128xi32, #tpu.memory_space<vmem>>
        %dma_wait3A_150 = arith.constant 0 : i32
        %dma_wait3A_151 = arith.constant 0 : i32
        %dma_wait3A_152 = tpu.memref_slice %arg9[%dma_wait3A_150, %dma_wait3A_151] : memref<10000x128xf32, #tpu.memory_space<vmem_shared>> -> memref<10000x128xf32, #tpu.memory_space<vmem_shared>>
        tpu.wait_indirect_dma semaphore(%run_scoped3A_140 : memref<!tpu.dma_semaphore, #tpu.memory_space<semaphore_mem>>) src(%arg8 : memref<128x128xf32, #tpu.memory_space<vmem>>) dst(%dma_wait3A_152 : memref<10000x128xf32, #tpu.memory_space<vmem_shared>>)
        tpu.yield
      }) : () -> ()
    }
    %scan3A_37 = arith.constant 38 : i32
    %add3A_38 = arith.constant 76 : i32
    %add3A_39 = arith.addi %mul3A_4, %add3A_38 : i32
    %add3A_40 = arith.constant 1 : i32
    %add3A_41 = arith.addi %add3A_39, %add3A_40 : i32
    %mul3A_42 = arith.constant 128 : i32
    %mul3A_43 = arith.muli %add3A_41, %mul3A_42 : i32
    %multiple_of3A_44 = tpu.assume_multiple %mul3A_43, 128 : i32
    "tpu.region"() ({
      %run_scoped3A_96 = tpu.sem_alloc : memref<!tpu.dma_semaphore, #tpu.memory_space<semaphore_mem>>
      %dma_start3A_97 = arith.constant 0 : i32
      %dma_start3A_98 = tpu.memref_slice %arg2[%dma_start3A_97, %multiple_of3A_44] : memref<2x320000xi32, #tpu.memory_space<hbm>> -> memref<2x128xi32, #tpu.memory_space<hbm>>
      %dma_start3A_99 = arith.constant 0 : i32
      %dma_start3A_100 = tpu.memref_slice %arg2[%dma_start3A_99, %multiple_of3A_44] : memref<2x320000xi32, #tpu.memory_space<hbm>> -> memref<2x128xi32, #tpu.memory_space<hbm>>
      tpu.enqueue_dma source(%dma_start3A_100 : memref<2x128xi32, #tpu.memory_space<hbm>>) target(%arg6 : memref<2x128xi32, #tpu.memory_space<vmem>>) target_semaphore(%run_scoped3A_96 : memref<!tpu.dma_semaphore, #tpu.memory_space<semaphore_mem>>)
      %dma_wait3A_101 = arith.constant 0 : i32
      %dma_wait3A_102 = tpu.memref_slice %arg2[%dma_wait3A_101, %multiple_of3A_44] : memref<2x320000xi32, #tpu.memory_space<hbm>> -> memref<2x128xi32, #tpu.memory_space<hbm>>
      %dma_wait3A_103 = arith.constant 0 : i32
      %dma_wait3A_104 = tpu.memref_slice %arg2[%dma_wait3A_103, %multiple_of3A_44] : memref<2x320000xi32, #tpu.memory_space<hbm>> -> memref<2x128xi32, #tpu.memory_space<hbm>>
      tpu.wait_dma2 semaphore(%run_scoped3A_96 : memref<!tpu.dma_semaphore, #tpu.memory_space<semaphore_mem>>) src(%dma_wait3A_104 : memref<2x128xi32, #tpu.memory_space<hbm>>) dst(%arg6 : memref<2x128xi32, #tpu.memory_space<vmem>>)
      tpu.yield
    }) : () -> ()
    %dma_start3A_45 = arith.constant 0 : i32
    %dma_start3A_46 = arith.constant 0 : i32
    %dma_start3A_47 = tpu.memref_slice %arg6[%dma_start3A_45, %dma_start3A_46] : memref<2x128xi32, #tpu.memory_space<vmem>> -> memref<1x128xi32, #tpu.memory_space<vmem>>
    %dma_start3A_48 = tpu.memref_squeeze %dma_start3A_47 : memref<1x128xi32, #tpu.memory_space<vmem>> -> memref<128xi32, #tpu.memory_space<vmem>>
    %dma_start3A_49 = arith.constant 0 : i32
    %dma_start3A_50 = arith.constant 0 : i32
    %dma_start3A_51 = tpu.memref_slice %arg3[%dma_start3A_49, %dma_start3A_50] : memref<10000x128xf32, #tpu.memory_space<hbm>> -> memref<10000x128xf32, #tpu.memory_space<hbm>>
    tpu.enqueue_indirect_dma source(%dma_start3A_51 : memref<10000x128xf32, #tpu.memory_space<hbm>>) target(%arg8 : memref<128x128xf32, #tpu.memory_space<vmem>>) offsets(%dma_start3A_48 : memref<128xi32, #tpu.memory_space<vmem>>) semaphore(%arg11 : memref<!tpu.dma_semaphore, #tpu.memory_space<semaphore_mem>>)
    %dma_wait3A = arith.constant 0 : i32
    %dma_wait3A_52 = arith.constant 0 : i32
    %dma_wait3A_53 = tpu.memref_slice %arg5[%dma_wait3A, %dma_wait3A_52] : memref<2x128xi32, #tpu.memory_space<vmem>> -> memref<1x128xi32, #tpu.memory_space<vmem>>
    %dma_wait3A_54 = tpu.memref_squeeze %dma_wait3A_53 : memref<1x128xi32, #tpu.memory_space<vmem>> -> memref<128xi32, #tpu.memory_space<vmem>>
    %dma_wait3A_55 = arith.constant 0 : i32
    %dma_wait3A_56 = arith.constant 0 : i32
    %dma_wait3A_57 = tpu.memref_slice %arg3[%dma_wait3A_55, %dma_wait3A_56] : memref<10000x128xf32, #tpu.memory_space<hbm>> -> memref<10000x128xf32, #tpu.memory_space<hbm>>
    tpu.wait_indirect_dma semaphore(%arg10 : memref<!tpu.dma_semaphore, #tpu.memory_space<semaphore_mem>>) src(%dma_wait3A_57 : memref<10000x128xf32, #tpu.memory_space<hbm>>) dst(%arg7 : memref<128x128xf32, #tpu.memory_space<vmem>>)
    %run_scoped3A = arith.constant 1 : i32
    "tpu.region"() ({
      %run_scoped3A_96 = tpu.sem_alloc : memref<!tpu.dma_semaphore, #tpu.memory_space<semaphore_mem>>
      %dma_start3A_97 = arith.constant 0 : i32
      %dma_start3A_98 = tpu.memref_slice %arg5[%run_scoped3A, %dma_start3A_97] : memref<2x128xi32, #tpu.memory_space<vmem>> -> memref<1x128xi32, #tpu.memory_space<vmem>>
      %dma_start3A_99 = tpu.memref_squeeze %dma_start3A_98 : memref<1x128xi32, #tpu.memory_space<vmem>> -> memref<128xi32, #tpu.memory_space<vmem>>
      %dma_start3A_100 = arith.constant 0 : i32
      %dma_start3A_101 = arith.constant 0 : i32
      %dma_start3A_102 = tpu.memref_slice %arg9[%dma_start3A_100, %dma_start3A_101] : memref<10000x128xf32, #tpu.memory_space<vmem_shared>> -> memref<10000x128xf32, #tpu.memory_space<vmem_shared>>
      tpu.enqueue_indirect_dma source(%arg7 : memref<128x128xf32, #tpu.memory_space<vmem>>) target(%dma_start3A_102 : memref<10000x128xf32, #tpu.memory_space<vmem_shared>>) offsets(%dma_start3A_99 : memref<128xi32, #tpu.memory_space<vmem>>) semaphore(%run_scoped3A_96 : memref<!tpu.dma_semaphore, #tpu.memory_space<semaphore_mem>>) {add = true}
      %dma_wait3A_103 = arith.constant 0 : i32
      %dma_wait3A_104 = tpu.memref_slice %arg5[%run_scoped3A, %dma_wait3A_103] : memref<2x128xi32, #tpu.memory_space<vmem>> -> memref<1x128xi32, #tpu.memory_space<vmem>>
      %dma_wait3A_105 = tpu.memref_squeeze %dma_wait3A_104 : memref<1x128xi32, #tpu.memory_space<vmem>> -> memref<128xi32, #tpu.memory_space<vmem>>
      %dma_wait3A_106 = arith.constant 0 : i32
      %dma_wait3A_107 = arith.constant 0 : i32
      %dma_wait3A_108 = tpu.memref_slice %arg9[%dma_wait3A_106, %dma_wait3A_107] : memref<10000x128xf32, #tpu.memory_space<vmem_shared>> -> memref<10000x128xf32, #tpu.memory_space<vmem_shared>>
      tpu.wait_indirect_dma semaphore(%run_scoped3A_96 : memref<!tpu.dma_semaphore, #tpu.memory_space<semaphore_mem>>) src(%arg7 : memref<128x128xf32, #tpu.memory_space<vmem>>) dst(%dma_wait3A_108 : memref<10000x128xf32, #tpu.memory_space<vmem_shared>>)
      tpu.yield
    }) : () -> ()
    %dma_wait3A_58 = arith.constant 0 : i32
    %dma_wait3A_59 = arith.constant 0 : i32
    %dma_wait3A_60 = tpu.memref_slice %arg6[%dma_wait3A_58, %dma_wait3A_59] : memref<2x128xi32, #tpu.memory_space<vmem>> -> memref<1x128xi32, #tpu.memory_space<vmem>>
    %dma_wait3A_61 = tpu.memref_squeeze %dma_wait3A_60 : memref<1x128xi32, #tpu.memory_space<vmem>> -> memref<128xi32, #tpu.memory_space<vmem>>
    %dma_wait3A_62 = arith.constant 0 : i32
    %dma_wait3A_63 = arith.constant 0 : i32
    %dma_wait3A_64 = tpu.memref_slice %arg3[%dma_wait3A_62, %dma_wait3A_63] : memref<10000x128xf32, #tpu.memory_space<hbm>> -> memref<10000x128xf32, #tpu.memory_space<hbm>>
    tpu.wait_indirect_dma semaphore(%arg11 : memref<!tpu.dma_semaphore, #tpu.memory_space<semaphore_mem>>) src(%dma_wait3A_64 : memref<10000x128xf32, #tpu.memory_space<hbm>>) dst(%arg8 : memref<128x128xf32, #tpu.memory_space<vmem>>)
    %run_scoped3A_65 = arith.constant 1 : i32
    "tpu.region"() ({
      %run_scoped3A_96 = tpu.sem_alloc : memref<!tpu.dma_semaphore, #tpu.memory_space<semaphore_mem>>
      %dma_start3A_97 = arith.constant 0 : i32
      %dma_start3A_98 = tpu.memref_slice %arg6[%run_scoped3A_65, %dma_start3A_97] : memref<2x128xi32, #tpu.memory_space<vmem>> -> memref<1x128xi32, #tpu.memory_space<vmem>>
      %dma_start3A_99 = tpu.memref_squeeze %dma_start3A_98 : memref<1x128xi32, #tpu.memory_space<vmem>> -> memref<128xi32, #tpu.memory_space<vmem>>
      %dma_start3A_100 = arith.constant 0 : i32
      %dma_start3A_101 = arith.constant 0 : i32
      %dma_start3A_102 = tpu.memref_slice %arg9[%dma_start3A_100, %dma_start3A_101] : memref<10000x128xf32, #tpu.memory_space<vmem_shared>> -> memref<10000x128xf32, #tpu.memory_space<vmem_shared>>
      tpu.enqueue_indirect_dma source(%arg8 : memref<128x128xf32, #tpu.memory_space<vmem>>) target(%dma_start3A_102 : memref<10000x128xf32, #tpu.memory_space<vmem_shared>>) offsets(%dma_start3A_99 : memref<128xi32, #tpu.memory_space<vmem>>) semaphore(%run_scoped3A_96 : memref<!tpu.dma_semaphore, #tpu.memory_space<semaphore_mem>>) {add = true}
      %dma_wait3A_103 = arith.constant 0 : i32
      %dma_wait3A_104 = tpu.memref_slice %arg6[%run_scoped3A_65, %dma_wait3A_103] : memref<2x128xi32, #tpu.memory_space<vmem>> -> memref<1x128xi32, #tpu.memory_space<vmem>>
      %dma_wait3A_105 = tpu.memref_squeeze %dma_wait3A_104 : memref<1x128xi32, #tpu.memory_space<vmem>> -> memref<128xi32, #tpu.memory_space<vmem>>
      %dma_wait3A_106 = arith.constant 0 : i32
      %dma_wait3A_107 = arith.constant 0 : i32
      %dma_wait3A_108 = tpu.memref_slice %arg9[%dma_wait3A_106, %dma_wait3A_107] : memref<10000x128xf32, #tpu.memory_space<vmem_shared>> -> memref<10000x128xf32, #tpu.memory_space<vmem_shared>>
      tpu.wait_indirect_dma semaphore(%run_scoped3A_96 : memref<!tpu.dma_semaphore, #tpu.memory_space<semaphore_mem>>) src(%arg8 : memref<128x128xf32, #tpu.memory_space<vmem>>) dst(%dma_wait3A_108 : memref<10000x128xf32, #tpu.memory_space<vmem_shared>>)
      tpu.yield
    }) : () -> ()
    %lt3A = arith.constant 4 : i32
    %lt3A_66 = arith.cmpi slt, %add3A, %lt3A : i32
    %convert_element_type3A_67 = arith.extui %lt3A_66 : i1 to i32
    %cond3A_68 = arith.constant 0 : i32
    %cond3A_69 = arith.cmpi ne, %convert_element_type3A_67, %cond3A_68 : i32
    scf.if %cond3A_69 {
      %add3A_96 = arith.constant 2496 : i32
      %add3A_97 = arith.addi %add3A_96, %add3A : i32
      %mul3A_98 = arith.constant 128 : i32
      %mul3A_99 = arith.muli %add3A_97, %mul3A_98 : i32
      %multiple_of3A_100 = tpu.assume_multiple %mul3A_99, 128 : i32
      "tpu.region"() ({
        %run_scoped3A_116 = tpu.sem_alloc : memref<!tpu.dma_semaphore, #tpu.memory_space<semaphore_mem>>
        %dma_start3A_117 = arith.constant 0 : i32
        %dma_start3A_118 = tpu.memref_slice %arg2[%dma_start3A_117, %multiple_of3A_100] : memref<2x320000xi32, #tpu.memory_space<hbm>> -> memref<2x128xi32, #tpu.memory_space<hbm>>
        %dma_start3A_119 = arith.constant 0 : i32
        %dma_start3A_120 = tpu.memref_slice %arg2[%dma_start3A_119, %multiple_of3A_100] : memref<2x320000xi32, #tpu.memory_space<hbm>> -> memref<2x128xi32, #tpu.memory_space<hbm>>
        tpu.enqueue_dma source(%dma_start3A_120 : memref<2x128xi32, #tpu.memory_space<hbm>>) target(%arg5 : memref<2x128xi32, #tpu.memory_space<vmem>>) target_semaphore(%run_scoped3A_116 : memref<!tpu.dma_semaphore, #tpu.memory_space<semaphore_mem>>)
        %dma_wait3A_121 = arith.constant 0 : i32
        %dma_wait3A_122 = tpu.memref_slice %arg2[%dma_wait3A_121, %multiple_of3A_100] : memref<2x320000xi32, #tpu.memory_space<hbm>> -> memref<2x128xi32, #tpu.memory_space<hbm>>
        %dma_wait3A_123 = arith.constant 0 : i32
        %dma_wait3A_124 = tpu.memref_slice %arg2[%dma_wait3A_123, %multiple_of3A_100] : memref<2x320000xi32, #tpu.memory_space<hbm>> -> memref<2x128xi32, #tpu.memory_space<hbm>>
        tpu.wait_dma2 semaphore(%run_scoped3A_116 : memref<!tpu.dma_semaphore, #tpu.memory_space<semaphore_mem>>) src(%dma_wait3A_124 : memref<2x128xi32, #tpu.memory_space<hbm>>) dst(%arg5 : memref<2x128xi32, #tpu.memory_space<vmem>>)
        tpu.yield
      }) : () -> ()
      %dma_start3A_101 = arith.constant 0 : i32
      %dma_start3A_102 = arith.constant 0 : i32
      %dma_start3A_103 = tpu.memref_slice %arg5[%dma_start3A_101, %dma_start3A_102] : memref<2x128xi32, #tpu.memory_space<vmem>> -> memref<1x128xi32, #tpu.memory_space<vmem>>
      %dma_start3A_104 = tpu.memref_squeeze %dma_start3A_103 : memref<1x128xi32, #tpu.memory_space<vmem>> -> memref<128xi32, #tpu.memory_space<vmem>>
      %dma_start3A_105 = arith.constant 0 : i32
      %dma_start3A_106 = arith.constant 0 : i32
      %dma_start3A_107 = tpu.memref_slice %arg3[%dma_start3A_105, %dma_start3A_106] : memref<10000x128xf32, #tpu.memory_space<hbm>> -> memref<10000x128xf32, #tpu.memory_space<hbm>>
      tpu.enqueue_indirect_dma source(%dma_start3A_107 : memref<10000x128xf32, #tpu.memory_space<hbm>>) target(%arg7 : memref<128x128xf32, #tpu.memory_space<vmem>>) offsets(%dma_start3A_104 : memref<128xi32, #tpu.memory_space<vmem>>) semaphore(%arg10 : memref<!tpu.dma_semaphore, #tpu.memory_space<semaphore_mem>>)
      %dma_wait3A_108 = arith.constant 0 : i32
      %dma_wait3A_109 = arith.constant 0 : i32
      %dma_wait3A_110 = tpu.memref_slice %arg5[%dma_wait3A_108, %dma_wait3A_109] : memref<2x128xi32, #tpu.memory_space<vmem>> -> memref<1x128xi32, #tpu.memory_space<vmem>>
      %dma_wait3A_111 = tpu.memref_squeeze %dma_wait3A_110 : memref<1x128xi32, #tpu.memory_space<vmem>> -> memref<128xi32, #tpu.memory_space<vmem>>
      %dma_wait3A_112 = arith.constant 0 : i32
      %dma_wait3A_113 = arith.constant 0 : i32
      %dma_wait3A_114 = tpu.memref_slice %arg3[%dma_wait3A_112, %dma_wait3A_113] : memref<10000x128xf32, #tpu.memory_space<hbm>> -> memref<10000x128xf32, #tpu.memory_space<hbm>>
      tpu.wait_indirect_dma semaphore(%arg10 : memref<!tpu.dma_semaphore, #tpu.memory_space<semaphore_mem>>) src(%dma_wait3A_114 : memref<10000x128xf32, #tpu.memory_space<hbm>>) dst(%arg7 : memref<128x128xf32, #tpu.memory_space<vmem>>)
      %run_scoped3A_115 = arith.constant 1 : i32
      "tpu.region"() ({
        %run_scoped3A_116 = tpu.sem_alloc : memref<!tpu.dma_semaphore, #tpu.memory_space<semaphore_mem>>
        %dma_start3A_117 = arith.constant 0 : i32
        %dma_start3A_118 = tpu.memref_slice %arg5[%run_scoped3A_115, %dma_start3A_117] : memref<2x128xi32, #tpu.memory_space<vmem>> -> memref<1x128xi32, #tpu.memory_space<vmem>>
        %dma_start3A_119 = tpu.memref_squeeze %dma_start3A_118 : memref<1x128xi32, #tpu.memory_space<vmem>> -> memref<128xi32, #tpu.memory_space<vmem>>
        %dma_start3A_120 = arith.constant 0 : i32
        %dma_start3A_121 = arith.constant 0 : i32
        %dma_start3A_122 = tpu.memref_slice %arg9[%dma_start3A_120, %dma_start3A_121] : memref<10000x128xf32, #tpu.memory_space<vmem_shared>> -> memref<10000x128xf32, #tpu.memory_space<vmem_shared>>
        tpu.enqueue_indirect_dma source(%arg7 : memref<128x128xf32, #tpu.memory_space<vmem>>) target(%dma_start3A_122 : memref<10000x128xf32, #tpu.memory_space<vmem_shared>>) offsets(%dma_start3A_119 : memref<128xi32, #tpu.memory_space<vmem>>) semaphore(%run_scoped3A_116 : memref<!tpu.dma_semaphore, #tpu.memory_space<semaphore_mem>>) {add = true}
        %dma_wait3A_123 = arith.constant 0 : i32
        %dma_wait3A_124 = tpu.memref_slice %arg5[%run_scoped3A_115, %dma_wait3A_123] : memref<2x128xi32, #tpu.memory_space<vmem>> -> memref<1x128xi32, #tpu.memory_space<vmem>>
        %dma_wait3A_125 = tpu.memref_squeeze %dma_wait3A_124 : memref<1x128xi32, #tpu.memory_space<vmem>> -> memref<128xi32, #tpu.memory_space<vmem>>
        %dma_wait3A_126 = arith.constant 0 : i32
        %dma_wait3A_127 = arith.constant 0 : i32
        %dma_wait3A_128 = tpu.memref_slice %arg9[%dma_wait3A_126, %dma_wait3A_127] : memref<10000x128xf32, #tpu.memory_space<vmem_shared>> -> memref<10000x128xf32, #tpu.memory_space<vmem_shared>>
        tpu.wait_indirect_dma semaphore(%run_scoped3A_116 : memref<!tpu.dma_semaphore, #tpu.memory_space<semaphore_mem>>) src(%arg7 : memref<128x128xf32, #tpu.memory_space<vmem>>) dst(%dma_wait3A_128 : memref<10000x128xf32, #tpu.memory_space<vmem_shared>>)
        tpu.yield
      }) : () -> ()
    } else {
    }
    %barrier3A_70 = arith.constant 0 : index
    tpu.barrier barrier_id(%barrier3A_70)
    %add3A_71 = arith.constant 0 : i32
    %add3A_72 = arith.addi %multiple_of3A, %add3A_71 : i32
    "tpu.region"() ({
      %run_scoped3A_96 = tpu.sem_alloc : memref<!tpu.dma_semaphore, #tpu.memory_space<semaphore_mem>>
      %dma_start3A_97 = arith.constant 0 : i32
      %dma_start3A_98 = arith.constant 0 : i32
      %dma_start3A_99 = tpu.memref_slice %arg7[%dma_start3A_97, %dma_start3A_98] : memref<128x128xf32, #tpu.memory_space<vmem>> -> memref<128x128xf32, #tpu.memory_space<vmem>>
      %dma_start3A_100 = arith.constant 0 : i32
      %dma_start3A_101 = tpu.memref_slice %arg9[%add3A_72, %dma_start3A_100] : memref<10000x128xf32, #tpu.memory_space<vmem_shared>> -> memref<128x128xf32, #tpu.memory_space<vmem_shared>>
      %dma_start3A_102 = arith.constant 0 : i32
      %dma_start3A_103 = arith.constant 0 : i32
      %dma_start3A_104 = tpu.memref_slice %arg7[%dma_start3A_102, %dma_start3A_103] : memref<128x128xf32, #tpu.memory_space<vmem>> -> memref<128x128xf32, #tpu.memory_space<vmem>>
      %dma_start3A_105 = arith.constant 0 : i32
      %dma_start3A_106 = tpu.memref_slice %arg9[%add3A_72, %dma_start3A_105] : memref<10000x128xf32, #tpu.memory_space<vmem_shared>> -> memref<128x128xf32, #tpu.memory_space<vmem_shared>>
      tpu.enqueue_dma source(%dma_start3A_106 : memref<128x128xf32, #tpu.memory_space<vmem_shared>>) target(%dma_start3A_104 : memref<128x128xf32, #tpu.memory_space<vmem>>) target_semaphore(%run_scoped3A_96 : memref<!tpu.dma_semaphore, #tpu.memory_space<semaphore_mem>>)
      %dma_wait3A_107 = arith.constant 0 : i32
      %dma_wait3A_108 = arith.constant 0 : i32
      %dma_wait3A_109 = tpu.memref_slice %arg7[%dma_wait3A_107, %dma_wait3A_108] : memref<128x128xf32, #tpu.memory_space<vmem>> -> memref<128x128xf32, #tpu.memory_space<vmem>>
      %dma_wait3A_110 = arith.constant 0 : i32
      %dma_wait3A_111 = tpu.memref_slice %arg9[%add3A_72, %dma_wait3A_110] : memref<10000x128xf32, #tpu.memory_space<vmem_shared>> -> memref<128x128xf32, #tpu.memory_space<vmem_shared>>
      %dma_wait3A_112 = arith.constant 0 : i32
      %dma_wait3A_113 = arith.constant 0 : i32
      %dma_wait3A_114 = tpu.memref_slice %arg7[%dma_wait3A_112, %dma_wait3A_113] : memref<128x128xf32, #tpu.memory_space<vmem>> -> memref<128x128xf32, #tpu.memory_space<vmem>>
      %dma_wait3A_115 = arith.constant 0 : i32
      %dma_wait3A_116 = tpu.memref_slice %arg9[%add3A_72, %dma_wait3A_115] : memref<10000x128xf32, #tpu.memory_space<vmem_shared>> -> memref<128x128xf32, #tpu.memory_space<vmem_shared>>
      tpu.wait_dma2 semaphore(%run_scoped3A_96 : memref<!tpu.dma_semaphore, #tpu.memory_space<semaphore_mem>>) src(%dma_wait3A_116 : memref<128x128xf32, #tpu.memory_space<vmem_shared>>) dst(%dma_wait3A_114 : memref<128x128xf32, #tpu.memory_space<vmem>>)
      tpu.yield
    }) : () -> ()
    %add3A_73 = arith.constant 0 : i32
    %add3A_74 = arith.addi %multiple_of3A, %add3A_73 : i32
    "tpu.region"() ({
      %run_scoped3A_96 = tpu.sem_alloc : memref<!tpu.dma_semaphore, #tpu.memory_space<semaphore_mem>>
      %dma_start3A_97 = arith.constant 0 : i32
      %dma_start3A_98 = arith.constant 0 : i32
      %dma_start3A_99 = tpu.memref_slice %arg7[%dma_start3A_97, %dma_start3A_98] : memref<128x128xf32, #tpu.memory_space<vmem>> -> memref<128x128xf32, #tpu.memory_space<vmem>>
      %dma_start3A_100 = arith.constant 0 : i32
      %dma_start3A_101 = arith.constant 0 : i32
      %dma_start3A_102 = tpu.memref_slice %arg4[%arg0, %dma_start3A_100, %dma_start3A_101] : memref<2x10000x128xf32, #tpu.memory_space<hbm>> -> memref<1x10000x128xf32, #tpu.memory_space<hbm>>
      %dma_start3A_103 = tpu.memref_squeeze %dma_start3A_102 : memref<1x10000x128xf32, #tpu.memory_space<hbm>> -> memref<10000x128xf32, #tpu.memory_space<hbm>>
      %dma_start3A_104 = arith.constant 0 : i32
      %dma_start3A_105 = tpu.memref_slice %dma_start3A_103[%add3A_74, %dma_start3A_104] : memref<10000x128xf32, #tpu.memory_space<hbm>> -> memref<128x128xf32, #tpu.memory_space<hbm>>
      %dma_start3A_106 = arith.constant 0 : i32
      %dma_start3A_107 = arith.constant 0 : i32
      %dma_start3A_108 = tpu.memref_slice %arg4[%arg0, %dma_start3A_106, %dma_start3A_107] : memref<2x10000x128xf32, #tpu.memory_space<hbm>> -> memref<1x10000x128xf32, #tpu.memory_space<hbm>>
      %dma_start3A_109 = tpu.memref_squeeze %dma_start3A_108 : memref<1x10000x128xf32, #tpu.memory_space<hbm>> -> memref<10000x128xf32, #tpu.memory_space<hbm>>
      %dma_start3A_110 = arith.constant 0 : i32
      %dma_start3A_111 = tpu.memref_slice %dma_start3A_109[%add3A_74, %dma_start3A_110] : memref<10000x128xf32, #tpu.memory_space<hbm>> -> memref<128x128xf32, #tpu.memory_space<hbm>>
      %dma_start3A_112 = arith.constant 0 : i32
      %dma_start3A_113 = arith.constant 0 : i32
      %dma_start3A_114 = tpu.memref_slice %arg7[%dma_start3A_112, %dma_start3A_113] : memref<128x128xf32, #tpu.memory_space<vmem>> -> memref<128x128xf32, #tpu.memory_space<vmem>>
      tpu.enqueue_dma source(%dma_start3A_114 : memref<128x128xf32, #tpu.memory_space<vmem>>) target(%dma_start3A_111 : memref<128x128xf32, #tpu.memory_space<hbm>>) target_semaphore(%run_scoped3A_96 : memref<!tpu.dma_semaphore, #tpu.memory_space<semaphore_mem>>)
      %dma_wait3A_115 = arith.constant 0 : i32
      %dma_wait3A_116 = arith.constant 0 : i32
      %dma_wait3A_117 = tpu.memref_slice %arg7[%dma_wait3A_115, %dma_wait3A_116] : memref<128x128xf32, #tpu.memory_space<vmem>> -> memref<128x128xf32, #tpu.memory_space<vmem>>
      %dma_wait3A_118 = arith.constant 0 : i32
      %dma_wait3A_119 = arith.constant 0 : i32
      %dma_wait3A_120 = tpu.memref_slice %arg4[%arg0, %dma_wait3A_118, %dma_wait3A_119] : memref<2x10000x128xf32, #tpu.memory_space<hbm>> -> memref<1x10000x128xf32, #tpu.memory_space<hbm>>
      %dma_wait3A_121 = tpu.memref_squeeze %dma_wait3A_120 : memref<1x10000x128xf32, #tpu.memory_space<hbm>> -> memref<10000x128xf32, #tpu.memory_space<hbm>>
      %dma_wait3A_122 = arith.constant 0 : i32
      %dma_wait3A_123 = tpu.memref_slice %dma_wait3A_121[%add3A_74, %dma_wait3A_122] : memref<10000x128xf32, #tpu.memory_space<hbm>> -> memref<128x128xf32, #tpu.memory_space<hbm>>
      %dma_wait3A_124 = arith.constant 0 : i32
      %dma_wait3A_125 = arith.constant 0 : i32
      %dma_wait3A_126 = tpu.memref_slice %arg4[%arg0, %dma_wait3A_124, %dma_wait3A_125] : memref<2x10000x128xf32, #tpu.memory_space<hbm>> -> memref<1x10000x128xf32, #tpu.memory_space<hbm>>
      %dma_wait3A_127 = tpu.memref_squeeze %dma_wait3A_126 : memref<1x10000x128xf32, #tpu.memory_space<hbm>> -> memref<10000x128xf32, #tpu.memory_space<hbm>>
      %dma_wait3A_128 = arith.constant 0 : i32
      %dma_wait3A_129 = tpu.memref_slice %dma_wait3A_127[%add3A_74, %dma_wait3A_128] : memref<10000x128xf32, #tpu.memory_space<hbm>> -> memref<128x128xf32, #tpu.memory_space<hbm>>
      %dma_wait3A_130 = arith.constant 0 : i32
      %dma_wait3A_131 = arith.constant 0 : i32
      %dma_wait3A_132 = tpu.memref_slice %arg7[%dma_wait3A_130, %dma_wait3A_131] : memref<128x128xf32, #tpu.memory_space<vmem>> -> memref<128x128xf32, #tpu.memory_space<vmem>>
      tpu.wait_dma2 semaphore(%run_scoped3A_96 : memref<!tpu.dma_semaphore, #tpu.memory_space<semaphore_mem>>) src(%dma_wait3A_132 : memref<128x128xf32, #tpu.memory_space<vmem>>) dst(%dma_wait3A_129 : memref<128x128xf32, #tpu.memory_space<hbm>>)
      tpu.yield
    }) : () -> ()
    %add3A_75 = arith.constant 128 : i32
    %add3A_76 = arith.addi %multiple_of3A, %add3A_75 : i32
    "tpu.region"() ({
      %run_scoped3A_96 = tpu.sem_alloc : memref<!tpu.dma_semaphore, #tpu.memory_space<semaphore_mem>>
      %dma_start3A_97 = arith.constant 0 : i32
      %dma_start3A_98 = arith.constant 0 : i32
      %dma_start3A_99 = tpu.memref_slice %arg7[%dma_start3A_97, %dma_start3A_98] : memref<128x128xf32, #tpu.memory_space<vmem>> -> memref<128x128xf32, #tpu.memory_space<vmem>>
      %dma_start3A_100 = arith.constant 0 : i32
      %dma_start3A_101 = tpu.memref_slice %arg9[%add3A_76, %dma_start3A_100] : memref<10000x128xf32, #tpu.memory_space<vmem_shared>> -> memref<128x128xf32, #tpu.memory_space<vmem_shared>>
      %dma_start3A_102 = arith.constant 0 : i32
      %dma_start3A_103 = arith.constant 0 : i32
      %dma_start3A_104 = tpu.memref_slice %arg7[%dma_start3A_102, %dma_start3A_103] : memref<128x128xf32, #tpu.memory_space<vmem>> -> memref<128x128xf32, #tpu.memory_space<vmem>>
      %dma_start3A_105 = arith.constant 0 : i32
      %dma_start3A_106 = tpu.memref_slice %arg9[%add3A_76, %dma_start3A_105] : memref<10000x128xf32, #tpu.memory_space<vmem_shared>> -> memref<128x128xf32, #tpu.memory_space<vmem_shared>>
      tpu.enqueue_dma source(%dma_start3A_106 : memref<128x128xf32, #tpu.memory_space<vmem_shared>>) target(%dma_start3A_104 : memref<128x128xf32, #tpu.memory_space<vmem>>) target_semaphore(%run_scoped3A_96 : memref<!tpu.dma_semaphore, #tpu.memory_space<semaphore_mem>>)
      %dma_wait3A_107 = arith.constant 0 : i32
      %dma_wait3A_108 = arith.constant 0 : i32
      %dma_wait3A_109 = tpu.memref_slice %arg7[%dma_wait3A_107, %dma_wait3A_108] : memref<128x128xf32, #tpu.memory_space<vmem>> -> memref<128x128xf32, #tpu.memory_space<vmem>>
      %dma_wait3A_110 = arith.constant 0 : i32
      %dma_wait3A_111 = tpu.memref_slice %arg9[%add3A_76, %dma_wait3A_110] : memref<10000x128xf32, #tpu.memory_space<vmem_shared>> -> memref<128x128xf32, #tpu.memory_space<vmem_shared>>
      %dma_wait3A_112 = arith.constant 0 : i32
      %dma_wait3A_113 = arith.constant 0 : i32
      %dma_wait3A_114 = tpu.memref_slice %arg7[%dma_wait3A_112, %dma_wait3A_113] : memref<128x128xf32, #tpu.memory_space<vmem>> -> memref<128x128xf32, #tpu.memory_space<vmem>>
      %dma_wait3A_115 = arith.constant 0 : i32
      %dma_wait3A_116 = tpu.memref_slice %arg9[%add3A_76, %dma_wait3A_115] : memref<10000x128xf32, #tpu.memory_space<vmem_shared>> -> memref<128x128xf32, #tpu.memory_space<vmem_shared>>
      tpu.wait_dma2 semaphore(%run_scoped3A_96 : memref<!tpu.dma_semaphore, #tpu.memory_space<semaphore_mem>>) src(%dma_wait3A_116 : memref<128x128xf32, #tpu.memory_space<vmem_shared>>) dst(%dma_wait3A_114 : memref<128x128xf32, #tpu.memory_space<vmem>>)
      tpu.yield
    }) : () -> ()
    %add3A_77 = arith.constant 128 : i32
    %add3A_78 = arith.addi %multiple_of3A, %add3A_77 : i32
    "tpu.region"() ({
      %run_scoped3A_96 = tpu.sem_alloc : memref<!tpu.dma_semaphore, #tpu.memory_space<semaphore_mem>>
      %dma_start3A_97 = arith.constant 0 : i32
      %dma_start3A_98 = arith.constant 0 : i32
      %dma_start3A_99 = tpu.memref_slice %arg7[%dma_start3A_97, %dma_start3A_98] : memref<128x128xf32, #tpu.memory_space<vmem>> -> memref<128x128xf32, #tpu.memory_space<vmem>>
      %dma_start3A_100 = arith.constant 0 : i32
      %dma_start3A_101 = arith.constant 0 : i32
      %dma_start3A_102 = tpu.memref_slice %arg4[%arg0, %dma_start3A_100, %dma_start3A_101] : memref<2x10000x128xf32, #tpu.memory_space<hbm>> -> memref<1x10000x128xf32, #tpu.memory_space<hbm>>
      %dma_start3A_103 = tpu.memref_squeeze %dma_start3A_102 : memref<1x10000x128xf32, #tpu.memory_space<hbm>> -> memref<10000x128xf32, #tpu.memory_space<hbm>>
      %dma_start3A_104 = arith.constant 0 : i32
      %dma_start3A_105 = tpu.memref_slice %dma_start3A_103[%add3A_78, %dma_start3A_104] : memref<10000x128xf32, #tpu.memory_space<hbm>> -> memref<128x128xf32, #tpu.memory_space<hbm>>
      %dma_start3A_106 = arith.constant 0 : i32
      %dma_start3A_107 = arith.constant 0 : i32
      %dma_start3A_108 = tpu.memref_slice %arg4[%arg0, %dma_start3A_106, %dma_start3A_107] : memref<2x10000x128xf32, #tpu.memory_space<hbm>> -> memref<1x10000x128xf32, #tpu.memory_space<hbm>>
      %dma_start3A_109 = tpu.memref_squeeze %dma_start3A_108 : memref<1x10000x128xf32, #tpu.memory_space<hbm>> -> memref<10000x128xf32, #tpu.memory_space<hbm>>
      %dma_start3A_110 = arith.constant 0 : i32
      %dma_start3A_111 = tpu.memref_slice %dma_start3A_109[%add3A_78, %dma_start3A_110] : memref<10000x128xf32, #tpu.memory_space<hbm>> -> memref<128x128xf32, #tpu.memory_space<hbm>>
      %dma_start3A_112 = arith.constant 0 : i32
      %dma_start3A_113 = arith.constant 0 : i32
      %dma_start3A_114 = tpu.memref_slice %arg7[%dma_start3A_112, %dma_start3A_113] : memref<128x128xf32, #tpu.memory_space<vmem>> -> memref<128x128xf32, #tpu.memory_space<vmem>>
      tpu.enqueue_dma source(%dma_start3A_114 : memref<128x128xf32, #tpu.memory_space<vmem>>) target(%dma_start3A_111 : memref<128x128xf32, #tpu.memory_space<hbm>>) target_semaphore(%run_scoped3A_96 : memref<!tpu.dma_semaphore, #tpu.memory_space<semaphore_mem>>)
      %dma_wait3A_115 = arith.constant 0 : i32
      %dma_wait3A_116 = arith.constant 0 : i32
      %dma_wait3A_117 = tpu.memref_slice %arg7[%dma_wait3A_115, %dma_wait3A_116] : memref<128x128xf32, #tpu.memory_space<vmem>> -> memref<128x128xf32, #tpu.memory_space<vmem>>
      %dma_wait3A_118 = arith.constant 0 : i32
      %dma_wait3A_119 = arith.constant 0 : i32
      %dma_wait3A_120 = tpu.memref_slice %arg4[%arg0, %dma_wait3A_118, %dma_wait3A_119] : memref<2x10000x128xf32, #tpu.memory_space<hbm>> -> memref<1x10000x128xf32, #tpu.memory_space<hbm>>
      %dma_wait3A_121 = tpu.memref_squeeze %dma_wait3A_120 : memref<1x10000x128xf32, #tpu.memory_space<hbm>> -> memref<10000x128xf32, #tpu.memory_space<hbm>>
      %dma_wait3A_122 = arith.constant 0 : i32
      %dma_wait3A_123 = tpu.memref_slice %dma_wait3A_121[%add3A_78, %dma_wait3A_122] : memref<10000x128xf32, #tpu.memory_space<hbm>> -> memref<128x128xf32, #tpu.memory_space<hbm>>
      %dma_wait3A_124 = arith.constant 0 : i32
      %dma_wait3A_125 = arith.constant 0 : i32
      %dma_wait3A_126 = tpu.memref_slice %arg4[%arg0, %dma_wait3A_124, %dma_wait3A_125] : memref<2x10000x128xf32, #tpu.memory_space<hbm>> -> memref<1x10000x128xf32, #tpu.memory_space<hbm>>
      %dma_wait3A_127 = tpu.memref_squeeze %dma_wait3A_126 : memref<1x10000x128xf32, #tpu.memory_space<hbm>> -> memref<10000x128xf32, #tpu.memory_space<hbm>>
      %dma_wait3A_128 = arith.constant 0 : i32
      %dma_wait3A_129 = tpu.memref_slice %dma_wait3A_127[%add3A_78, %dma_wait3A_128] : memref<10000x128xf32, #tpu.memory_space<hbm>> -> memref<128x128xf32, #tpu.memory_space<hbm>>
      %dma_wait3A_130 = arith.constant 0 : i32
      %dma_wait3A_131 = arith.constant 0 : i32
      %dma_wait3A_132 = tpu.memref_slice %arg7[%dma_wait3A_130, %dma_wait3A_131] : memref<128x128xf32, #tpu.memory_space<vmem>> -> memref<128x128xf32, #tpu.memory_space<vmem>>
      tpu.wait_dma2 semaphore(%run_scoped3A_96 : memref<!tpu.dma_semaphore, #tpu.memory_space<semaphore_mem>>) src(%dma_wait3A_132 : memref<128x128xf32, #tpu.memory_space<vmem>>) dst(%dma_wait3A_129 : memref<128x128xf32, #tpu.memory_space<hbm>>)
      tpu.yield
    }) : () -> ()
    %add3A_79 = arith.constant 256 : i32
    %add3A_80 = arith.addi %multiple_of3A, %add3A_79 : i32
    "tpu.region"() ({
      %run_scoped3A_96 = tpu.sem_alloc : memref<!tpu.dma_semaphore, #tpu.memory_space<semaphore_mem>>
      %dma_start3A_97 = arith.constant 0 : i32
      %dma_start3A_98 = arith.constant 0 : i32
      %dma_start3A_99 = tpu.memref_slice %arg7[%dma_start3A_97, %dma_start3A_98] : memref<128x128xf32, #tpu.memory_space<vmem>> -> memref<128x128xf32, #tpu.memory_space<vmem>>
      %dma_start3A_100 = arith.constant 0 : i32
      %dma_start3A_101 = tpu.memref_slice %arg9[%add3A_80, %dma_start3A_100] : memref<10000x128xf32, #tpu.memory_space<vmem_shared>> -> memref<128x128xf32, #tpu.memory_space<vmem_shared>>
      %dma_start3A_102 = arith.constant 0 : i32
      %dma_start3A_103 = arith.constant 0 : i32
      %dma_start3A_104 = tpu.memref_slice %arg7[%dma_start3A_102, %dma_start3A_103] : memref<128x128xf32, #tpu.memory_space<vmem>> -> memref<128x128xf32, #tpu.memory_space<vmem>>
      %dma_start3A_105 = arith.constant 0 : i32
      %dma_start3A_106 = tpu.memref_slice %arg9[%add3A_80, %dma_start3A_105] : memref<10000x128xf32, #tpu.memory_space<vmem_shared>> -> memref<128x128xf32, #tpu.memory_space<vmem_shared>>
      tpu.enqueue_dma source(%dma_start3A_106 : memref<128x128xf32, #tpu.memory_space<vmem_shared>>) target(%dma_start3A_104 : memref<128x128xf32, #tpu.memory_space<vmem>>) target_semaphore(%run_scoped3A_96 : memref<!tpu.dma_semaphore, #tpu.memory_space<semaphore_mem>>)
      %dma_wait3A_107 = arith.constant 0 : i32
      %dma_wait3A_108 = arith.constant 0 : i32
      %dma_wait3A_109 = tpu.memref_slice %arg7[%dma_wait3A_107, %dma_wait3A_108] : memref<128x128xf32, #tpu.memory_space<vmem>> -> memref<128x128xf32, #tpu.memory_space<vmem>>
      %dma_wait3A_110 = arith.constant 0 : i32
      %dma_wait3A_111 = tpu.memref_slice %arg9[%add3A_80, %dma_wait3A_110] : memref<10000x128xf32, #tpu.memory_space<vmem_shared>> -> memref<128x128xf32, #tpu.memory_space<vmem_shared>>
      %dma_wait3A_112 = arith.constant 0 : i32
      %dma_wait3A_113 = arith.constant 0 : i32
      %dma_wait3A_114 = tpu.memref_slice %arg7[%dma_wait3A_112, %dma_wait3A_113] : memref<128x128xf32, #tpu.memory_space<vmem>> -> memref<128x128xf32, #tpu.memory_space<vmem>>
      %dma_wait3A_115 = arith.constant 0 : i32
      %dma_wait3A_116 = tpu.memref_slice %arg9[%add3A_80, %dma_wait3A_115] : memref<10000x128xf32, #tpu.memory_space<vmem_shared>> -> memref<128x128xf32, #tpu.memory_space<vmem_shared>>
      tpu.wait_dma2 semaphore(%run_scoped3A_96 : memref<!tpu.dma_semaphore, #tpu.memory_space<semaphore_mem>>) src(%dma_wait3A_116 : memref<128x128xf32, #tpu.memory_space<vmem_shared>>) dst(%dma_wait3A_114 : memref<128x128xf32, #tpu.memory_space<vmem>>)
      tpu.yield
    }) : () -> ()
    %add3A_81 = arith.constant 256 : i32
    %add3A_82 = arith.addi %multiple_of3A, %add3A_81 : i32
    "tpu.region"() ({
      %run_scoped3A_96 = tpu.sem_alloc : memref<!tpu.dma_semaphore, #tpu.memory_space<semaphore_mem>>
      %dma_start3A_97 = arith.constant 0 : i32
      %dma_start3A_98 = arith.constant 0 : i32
      %dma_start3A_99 = tpu.memref_slice %arg7[%dma_start3A_97, %dma_start3A_98] : memref<128x128xf32, #tpu.memory_space<vmem>> -> memref<128x128xf32, #tpu.memory_space<vmem>>
      %dma_start3A_100 = arith.constant 0 : i32
      %dma_start3A_101 = arith.constant 0 : i32
      %dma_start3A_102 = tpu.memref_slice %arg4[%arg0, %dma_start3A_100, %dma_start3A_101] : memref<2x10000x128xf32, #tpu.memory_space<hbm>> -> memref<1x10000x128xf32, #tpu.memory_space<hbm>>
      %dma_start3A_103 = tpu.memref_squeeze %dma_start3A_102 : memref<1x10000x128xf32, #tpu.memory_space<hbm>> -> memref<10000x128xf32, #tpu.memory_space<hbm>>
      %dma_start3A_104 = arith.constant 0 : i32
      %dma_start3A_105 = tpu.memref_slice %dma_start3A_103[%add3A_82, %dma_start3A_104] : memref<10000x128xf32, #tpu.memory_space<hbm>> -> memref<128x128xf32, #tpu.memory_space<hbm>>
      %dma_start3A_106 = arith.constant 0 : i32
      %dma_start3A_107 = arith.constant 0 : i32
      %dma_start3A_108 = tpu.memref_slice %arg4[%arg0, %dma_start3A_106, %dma_start3A_107] : memref<2x10000x128xf32, #tpu.memory_space<hbm>> -> memref<1x10000x128xf32, #tpu.memory_space<hbm>>
      %dma_start3A_109 = tpu.memref_squeeze %dma_start3A_108 : memref<1x10000x128xf32, #tpu.memory_space<hbm>> -> memref<10000x128xf32, #tpu.memory_space<hbm>>
      %dma_start3A_110 = arith.constant 0 : i32
      %dma_start3A_111 = tpu.memref_slice %dma_start3A_109[%add3A_82, %dma_start3A_110] : memref<10000x128xf32, #tpu.memory_space<hbm>> -> memref<128x128xf32, #tpu.memory_space<hbm>>
      %dma_start3A_112 = arith.constant 0 : i32
      %dma_start3A_113 = arith.constant 0 : i32
      %dma_start3A_114 = tpu.memref_slice %arg7[%dma_start3A_112, %dma_start3A_113] : memref<128x128xf32, #tpu.memory_space<vmem>> -> memref<128x128xf32, #tpu.memory_space<vmem>>
      tpu.enqueue_dma source(%dma_start3A_114 : memref<128x128xf32, #tpu.memory_space<vmem>>) target(%dma_start3A_111 : memref<128x128xf32, #tpu.memory_space<hbm>>) target_semaphore(%run_scoped3A_96 : memref<!tpu.dma_semaphore, #tpu.memory_space<semaphore_mem>>)
      %dma_wait3A_115 = arith.constant 0 : i32
      %dma_wait3A_116 = arith.constant 0 : i32
      %dma_wait3A_117 = tpu.memref_slice %arg7[%dma_wait3A_115, %dma_wait3A_116] : memref<128x128xf32, #tpu.memory_space<vmem>> -> memref<128x128xf32, #tpu.memory_space<vmem>>
      %dma_wait3A_118 = arith.constant 0 : i32
      %dma_wait3A_119 = arith.constant 0 : i32
      %dma_wait3A_120 = tpu.memref_slice %arg4[%arg0, %dma_wait3A_118, %dma_wait3A_119] : memref<2x10000x128xf32, #tpu.memory_space<hbm>> -> memref<1x10000x128xf32, #tpu.memory_space<hbm>>
      %dma_wait3A_121 = tpu.memref_squeeze %dma_wait3A_120 : memref<1x10000x128xf32, #tpu.memory_space<hbm>> -> memref<10000x128xf32, #tpu.memory_space<hbm>>
      %dma_wait3A_122 = arith.constant 0 : i32
      %dma_wait3A_123 = tpu.memref_slice %dma_wait3A_121[%add3A_82, %dma_wait3A_122] : memref<10000x128xf32, #tpu.memory_space<hbm>> -> memref<128x128xf32, #tpu.memory_space<hbm>>
      %dma_wait3A_124 = arith.constant 0 : i32
      %dma_wait3A_125 = arith.constant 0 : i32
      %dma_wait3A_126 = tpu.memref_slice %arg4[%arg0, %dma_wait3A_124, %dma_wait3A_125] : memref<2x10000x128xf32, #tpu.memory_space<hbm>> -> memref<1x10000x128xf32, #tpu.memory_space<hbm>>
      %dma_wait3A_127 = tpu.memref_squeeze %dma_wait3A_126 : memref<1x10000x128xf32, #tpu.memory_space<hbm>> -> memref<10000x128xf32, #tpu.memory_space<hbm>>
      %dma_wait3A_128 = arith.constant 0 : i32
      %dma_wait3A_129 = tpu.memref_slice %dma_wait3A_127[%add3A_82, %dma_wait3A_128] : memref<10000x128xf32, #tpu.memory_space<hbm>> -> memref<128x128xf32, #tpu.memory_space<hbm>>
      %dma_wait3A_130 = arith.constant 0 : i32
      %dma_wait3A_131 = arith.constant 0 : i32
      %dma_wait3A_132 = tpu.memref_slice %arg7[%dma_wait3A_130, %dma_wait3A_131] : memref<128x128xf32, #tpu.memory_space<vmem>> -> memref<128x128xf32, #tpu.memory_space<vmem>>
      tpu.wait_dma2 semaphore(%run_scoped3A_96 : memref<!tpu.dma_semaphore, #tpu.memory_space<semaphore_mem>>) src(%dma_wait3A_132 : memref<128x128xf32, #tpu.memory_space<vmem>>) dst(%dma_wait3A_129 : memref<128x128xf32, #tpu.memory_space<hbm>>)
      tpu.yield
    }) : () -> ()
    %add3A_83 = arith.constant 384 : i32
    %add3A_84 = arith.addi %multiple_of3A, %add3A_83 : i32
    "tpu.region"() ({
      %run_scoped3A_96 = tpu.sem_alloc : memref<!tpu.dma_semaphore, #tpu.memory_space<semaphore_mem>>
      %dma_start3A_97 = arith.constant 0 : i32
      %dma_start3A_98 = arith.constant 0 : i32
      %dma_start3A_99 = tpu.memref_slice %arg7[%dma_start3A_97, %dma_start3A_98] : memref<128x128xf32, #tpu.memory_space<vmem>> -> memref<128x128xf32, #tpu.memory_space<vmem>>
      %dma_start3A_100 = arith.constant 0 : i32
      %dma_start3A_101 = tpu.memref_slice %arg9[%add3A_84, %dma_start3A_100] : memref<10000x128xf32, #tpu.memory_space<vmem_shared>> -> memref<128x128xf32, #tpu.memory_space<vmem_shared>>
      %dma_start3A_102 = arith.constant 0 : i32
      %dma_start3A_103 = arith.constant 0 : i32
      %dma_start3A_104 = tpu.memref_slice %arg7[%dma_start3A_102, %dma_start3A_103] : memref<128x128xf32, #tpu.memory_space<vmem>> -> memref<128x128xf32, #tpu.memory_space<vmem>>
      %dma_start3A_105 = arith.constant 0 : i32
      %dma_start3A_106 = tpu.memref_slice %arg9[%add3A_84, %dma_start3A_105] : memref<10000x128xf32, #tpu.memory_space<vmem_shared>> -> memref<128x128xf32, #tpu.memory_space<vmem_shared>>
      tpu.enqueue_dma source(%dma_start3A_106 : memref<128x128xf32, #tpu.memory_space<vmem_shared>>) target(%dma_start3A_104 : memref<128x128xf32, #tpu.memory_space<vmem>>) target_semaphore(%run_scoped3A_96 : memref<!tpu.dma_semaphore, #tpu.memory_space<semaphore_mem>>)
      %dma_wait3A_107 = arith.constant 0 : i32
      %dma_wait3A_108 = arith.constant 0 : i32
      %dma_wait3A_109 = tpu.memref_slice %arg7[%dma_wait3A_107, %dma_wait3A_108] : memref<128x128xf32, #tpu.memory_space<vmem>> -> memref<128x128xf32, #tpu.memory_space<vmem>>
      %dma_wait3A_110 = arith.constant 0 : i32
      %dma_wait3A_111 = tpu.memref_slice %arg9[%add3A_84, %dma_wait3A_110] : memref<10000x128xf32, #tpu.memory_space<vmem_shared>> -> memref<128x128xf32, #tpu.memory_space<vmem_shared>>
      %dma_wait3A_112 = arith.constant 0 : i32
      %dma_wait3A_113 = arith.constant 0 : i32
      %dma_wait3A_114 = tpu.memref_slice %arg7[%dma_wait3A_112, %dma_wait3A_113] : memref<128x128xf32, #tpu.memory_space<vmem>> -> memref<128x128xf32, #tpu.memory_space<vmem>>
      %dma_wait3A_115 = arith.constant 0 : i32
      %dma_wait3A_116 = tpu.memref_slice %arg9[%add3A_84, %dma_wait3A_115] : memref<10000x128xf32, #tpu.memory_space<vmem_shared>> -> memref<128x128xf32, #tpu.memory_space<vmem_shared>>
      tpu.wait_dma2 semaphore(%run_scoped3A_96 : memref<!tpu.dma_semaphore, #tpu.memory_space<semaphore_mem>>) src(%dma_wait3A_116 : memref<128x128xf32, #tpu.memory_space<vmem_shared>>) dst(%dma_wait3A_114 : memref<128x128xf32, #tpu.memory_space<vmem>>)
      tpu.yield
    }) : () -> ()
    %add3A_85 = arith.constant 384 : i32
    %add3A_86 = arith.addi %multiple_of3A, %add3A_85 : i32
    "tpu.region"() ({
      %run_scoped3A_96 = tpu.sem_alloc : memref<!tpu.dma_semaphore, #tpu.memory_space<semaphore_mem>>
      %dma_start3A_97 = arith.constant 0 : i32
      %dma_start3A_98 = arith.constant 0 : i32
      %dma_start3A_99 = tpu.memref_slice %arg7[%dma_start3A_97, %dma_start3A_98] : memref<128x128xf32, #tpu.memory_space<vmem>> -> memref<128x128xf32, #tpu.memory_space<vmem>>
      %dma_start3A_100 = arith.constant 0 : i32
      %dma_start3A_101 = arith.constant 0 : i32
      %dma_start3A_102 = tpu.memref_slice %arg4[%arg0, %dma_start3A_100, %dma_start3A_101] : memref<2x10000x128xf32, #tpu.memory_space<hbm>> -> memref<1x10000x128xf32, #tpu.memory_space<hbm>>
      %dma_start3A_103 = tpu.memref_squeeze %dma_start3A_102 : memref<1x10000x128xf32, #tpu.memory_space<hbm>> -> memref<10000x128xf32, #tpu.memory_space<hbm>>
      %dma_start3A_104 = arith.constant 0 : i32
      %dma_start3A_105 = tpu.memref_slice %dma_start3A_103[%add3A_86, %dma_start3A_104] : memref<10000x128xf32, #tpu.memory_space<hbm>> -> memref<128x128xf32, #tpu.memory_space<hbm>>
      %dma_start3A_106 = arith.constant 0 : i32
      %dma_start3A_107 = arith.constant 0 : i32
      %dma_start3A_108 = tpu.memref_slice %arg4[%arg0, %dma_start3A_106, %dma_start3A_107] : memref<2x10000x128xf32, #tpu.memory_space<hbm>> -> memref<1x10000x128xf32, #tpu.memory_space<hbm>>
      %dma_start3A_109 = tpu.memref_squeeze %dma_start3A_108 : memref<1x10000x128xf32, #tpu.memory_space<hbm>> -> memref<10000x128xf32, #tpu.memory_space<hbm>>
      %dma_start3A_110 = arith.constant 0 : i32
      %dma_start3A_111 = tpu.memref_slice %dma_start3A_109[%add3A_86, %dma_start3A_110] : memref<10000x128xf32, #tpu.memory_space<hbm>> -> memref<128x128xf32, #tpu.memory_space<hbm>>
      %dma_start3A_112 = arith.constant 0 : i32
      %dma_start3A_113 = arith.constant 0 : i32
      %dma_start3A_114 = tpu.memref_slice %arg7[%dma_start3A_112, %dma_start3A_113] : memref<128x128xf32, #tpu.memory_space<vmem>> -> memref<128x128xf32, #tpu.memory_space<vmem>>
      tpu.enqueue_dma source(%dma_start3A_114 : memref<128x128xf32, #tpu.memory_space<vmem>>) target(%dma_start3A_111 : memref<128x128xf32, #tpu.memory_space<hbm>>) target_semaphore(%run_scoped3A_96 : memref<!tpu.dma_semaphore, #tpu.memory_space<semaphore_mem>>)
      %dma_wait3A_115 = arith.constant 0 : i32
      %dma_wait3A_116 = arith.constant 0 : i32
      %dma_wait3A_117 = tpu.memref_slice %arg7[%dma_wait3A_115, %dma_wait3A_116] : memref<128x128xf32, #tpu.memory_space<vmem>> -> memref<128x128xf32, #tpu.memory_space<vmem>>
      %dma_wait3A_118 = arith.constant 0 : i32
      %dma_wait3A_119 = arith.constant 0 : i32
      %dma_wait3A_120 = tpu.memref_slice %arg4[%arg0, %dma_wait3A_118, %dma_wait3A_119] : memref<2x10000x128xf32, #tpu.memory_space<hbm>> -> memref<1x10000x128xf32, #tpu.memory_space<hbm>>
      %dma_wait3A_121 = tpu.memref_squeeze %dma_wait3A_120 : memref<1x10000x128xf32, #tpu.memory_space<hbm>> -> memref<10000x128xf32, #tpu.memory_space<hbm>>
      %dma_wait3A_122 = arith.constant 0 : i32
      %dma_wait3A_123 = tpu.memref_slice %dma_wait3A_121[%add3A_86, %dma_wait3A_122] : memref<10000x128xf32, #tpu.memory_space<hbm>> -> memref<128x128xf32, #tpu.memory_space<hbm>>
      %dma_wait3A_124 = arith.constant 0 : i32
      %dma_wait3A_125 = arith.constant 0 : i32
      %dma_wait3A_126 = tpu.memref_slice %arg4[%arg0, %dma_wait3A_124, %dma_wait3A_125] : memref<2x10000x128xf32, #tpu.memory_space<hbm>> -> memref<1x10000x128xf32, #tpu.memory_space<hbm>>
      %dma_wait3A_127 = tpu.memref_squeeze %dma_wait3A_126 : memref<1x10000x128xf32, #tpu.memory_space<hbm>> -> memref<10000x128xf32, #tpu.memory_space<hbm>>
      %dma_wait3A_128 = arith.constant 0 : i32
      %dma_wait3A_129 = tpu.memref_slice %dma_wait3A_127[%add3A_86, %dma_wait3A_128] : memref<10000x128xf32, #tpu.memory_space<hbm>> -> memref<128x128xf32, #tpu.memory_space<hbm>>
      %dma_wait3A_130 = arith.constant 0 : i32
      %dma_wait3A_131 = arith.constant 0 : i32
      %dma_wait3A_132 = tpu.memref_slice %arg7[%dma_wait3A_130, %dma_wait3A_131] : memref<128x128xf32, #tpu.memory_space<vmem>> -> memref<128x128xf32, #tpu.memory_space<vmem>>
      tpu.wait_dma2 semaphore(%run_scoped3A_96 : memref<!tpu.dma_semaphore, #tpu.memory_space<semaphore_mem>>) src(%dma_wait3A_132 : memref<128x128xf32, #tpu.memory_space<vmem>>) dst(%dma_wait3A_129 : memref<128x128xf32, #tpu.memory_space<hbm>>)
      tpu.yield
    }) : () -> ()
    %add3A_87 = arith.constant 512 : i32
    %add3A_88 = arith.addi %multiple_of3A, %add3A_87 : i32
    "tpu.region"() ({
      %run_scoped3A_96 = tpu.sem_alloc : memref<!tpu.dma_semaphore, #tpu.memory_space<semaphore_mem>>
      %dma_start3A_97 = arith.constant 0 : i32
      %dma_start3A_98 = arith.constant 0 : i32
      %dma_start3A_99 = tpu.memref_slice %arg7[%dma_start3A_97, %dma_start3A_98] : memref<128x128xf32, #tpu.memory_space<vmem>> -> memref<112x128xf32, #tpu.memory_space<vmem>>
      %dma_start3A_100 = arith.constant 0 : i32
      %dma_start3A_101 = tpu.memref_slice %arg9[%add3A_88, %dma_start3A_100] : memref<10000x128xf32, #tpu.memory_space<vmem_shared>> -> memref<112x128xf32, #tpu.memory_space<vmem_shared>>
      %dma_start3A_102 = arith.constant 0 : i32
      %dma_start3A_103 = arith.constant 0 : i32
      %dma_start3A_104 = tpu.memref_slice %arg7[%dma_start3A_102, %dma_start3A_103] : memref<128x128xf32, #tpu.memory_space<vmem>> -> memref<112x128xf32, #tpu.memory_space<vmem>>
      %dma_start3A_105 = arith.constant 0 : i32
      %dma_start3A_106 = tpu.memref_slice %arg9[%add3A_88, %dma_start3A_105] : memref<10000x128xf32, #tpu.memory_space<vmem_shared>> -> memref<112x128xf32, #tpu.memory_space<vmem_shared>>
      tpu.enqueue_dma source(%dma_start3A_106 : memref<112x128xf32, #tpu.memory_space<vmem_shared>>) target(%dma_start3A_104 : memref<112x128xf32, #tpu.memory_space<vmem>>) target_semaphore(%run_scoped3A_96 : memref<!tpu.dma_semaphore, #tpu.memory_space<semaphore_mem>>)
      %dma_wait3A_107 = arith.constant 0 : i32
      %dma_wait3A_108 = arith.constant 0 : i32
      %dma_wait3A_109 = tpu.memref_slice %arg7[%dma_wait3A_107, %dma_wait3A_108] : memref<128x128xf32, #tpu.memory_space<vmem>> -> memref<112x128xf32, #tpu.memory_space<vmem>>
      %dma_wait3A_110 = arith.constant 0 : i32
      %dma_wait3A_111 = tpu.memref_slice %arg9[%add3A_88, %dma_wait3A_110] : memref<10000x128xf32, #tpu.memory_space<vmem_shared>> -> memref<112x128xf32, #tpu.memory_space<vmem_shared>>
      %dma_wait3A_112 = arith.constant 0 : i32
      %dma_wait3A_113 = arith.constant 0 : i32
      %dma_wait3A_114 = tpu.memref_slice %arg7[%dma_wait3A_112, %dma_wait3A_113] : memref<128x128xf32, #tpu.memory_space<vmem>> -> memref<112x128xf32, #tpu.memory_space<vmem>>
      %dma_wait3A_115 = arith.constant 0 : i32
      %dma_wait3A_116 = tpu.memref_slice %arg9[%add3A_88, %dma_wait3A_115] : memref<10000x128xf32, #tpu.memory_space<vmem_shared>> -> memref<112x128xf32, #tpu.memory_space<vmem_shared>>
      tpu.wait_dma2 semaphore(%run_scoped3A_96 : memref<!tpu.dma_semaphore, #tpu.memory_space<semaphore_mem>>) src(%dma_wait3A_116 : memref<112x128xf32, #tpu.memory_space<vmem_shared>>) dst(%dma_wait3A_114 : memref<112x128xf32, #tpu.memory_space<vmem>>)
      tpu.yield
    }) : () -> ()
    %add3A_89 = arith.constant 512 : i32
    %add3A_90 = arith.addi %multiple_of3A, %add3A_89 : i32
    "tpu.region"() ({
      %run_scoped3A_96 = tpu.sem_alloc : memref<!tpu.dma_semaphore, #tpu.memory_space<semaphore_mem>>
      %dma_start3A_97 = arith.constant 0 : i32
      %dma_start3A_98 = arith.constant 0 : i32
      %dma_start3A_99 = tpu.memref_slice %arg7[%dma_start3A_97, %dma_start3A_98] : memref<128x128xf32, #tpu.memory_space<vmem>> -> memref<112x128xf32, #tpu.memory_space<vmem>>
      %dma_start3A_100 = arith.constant 0 : i32
      %dma_start3A_101 = arith.constant 0 : i32
      %dma_start3A_102 = tpu.memref_slice %arg4[%arg0, %dma_start3A_100, %dma_start3A_101] : memref<2x10000x128xf32, #tpu.memory_space<hbm>> -> memref<1x10000x128xf32, #tpu.memory_space<hbm>>
      %dma_start3A_103 = tpu.memref_squeeze %dma_start3A_102 : memref<1x10000x128xf32, #tpu.memory_space<hbm>> -> memref<10000x128xf32, #tpu.memory_space<hbm>>
      %dma_start3A_104 = arith.constant 0 : i32
      %dma_start3A_105 = tpu.memref_slice %dma_start3A_103[%add3A_90, %dma_start3A_104] : memref<10000x128xf32, #tpu.memory_space<hbm>> -> memref<112x128xf32, #tpu.memory_space<hbm>>
      %dma_start3A_106 = arith.constant 0 : i32
      %dma_start3A_107 = arith.constant 0 : i32
      %dma_start3A_108 = tpu.memref_slice %arg4[%arg0, %dma_start3A_106, %dma_start3A_107] : memref<2x10000x128xf32, #tpu.memory_space<hbm>> -> memref<1x10000x128xf32, #tpu.memory_space<hbm>>
      %dma_start3A_109 = tpu.memref_squeeze %dma_start3A_108 : memref<1x10000x128xf32, #tpu.memory_space<hbm>> -> memref<10000x128xf32, #tpu.memory_space<hbm>>
      %dma_start3A_110 = arith.constant 0 : i32
      %dma_start3A_111 = tpu.memref_slice %dma_start3A_109[%add3A_90, %dma_start3A_110] : memref<10000x128xf32, #tpu.memory_space<hbm>> -> memref<112x128xf32, #tpu.memory_space<hbm>>
      %dma_start3A_112 = arith.constant 0 : i32
      %dma_start3A_113 = arith.constant 0 : i32
      %dma_start3A_114 = tpu.memref_slice %arg7[%dma_start3A_112, %dma_start3A_113] : memref<128x128xf32, #tpu.memory_space<vmem>> -> memref<112x128xf32, #tpu.memory_space<vmem>>
      tpu.enqueue_dma source(%dma_start3A_114 : memref<112x128xf32, #tpu.memory_space<vmem>>) target(%dma_start3A_111 : memref<112x128xf32, #tpu.memory_space<hbm>>) target_semaphore(%run_scoped3A_96 : memref<!tpu.dma_semaphore, #tpu.memory_space<semaphore_mem>>)
      %dma_wait3A_115 = arith.constant 0 : i32
      %dma_wait3A_116 = arith.constant 0 : i32
      %dma_wait3A_117 = tpu.memref_slice %arg7[%dma_wait3A_115, %dma_wait3A_116] : memref<128x128xf32, #tpu.memory_space<vmem>> -> memref<112x128xf32, #tpu.memory_space<vmem>>
      %dma_wait3A_118 = arith.constant 0 : i32
      %dma_wait3A_119 = arith.constant 0 : i32
      %dma_wait3A_120 = tpu.memref_slice %arg4[%arg0, %dma_wait3A_118, %dma_wait3A_119] : memref<2x10000x128xf32, #tpu.memory_space<hbm>> -> memref<1x10000x128xf32, #tpu.memory_space<hbm>>
      %dma_wait3A_121 = tpu.memref_squeeze %dma_wait3A_120 : memref<1x10000x128xf32, #tpu.memory_space<hbm>> -> memref<10000x128xf32, #tpu.memory_space<hbm>>
      %dma_wait3A_122 = arith.constant 0 : i32
      %dma_wait3A_123 = tpu.memref_slice %dma_wait3A_121[%add3A_90, %dma_wait3A_122] : memref<10000x128xf32, #tpu.memory_space<hbm>> -> memref<112x128xf32, #tpu.memory_space<hbm>>
      %dma_wait3A_124 = arith.constant 0 : i32
      %dma_wait3A_125 = arith.constant 0 : i32
      %dma_wait3A_126 = tpu.memref_slice %arg4[%arg0, %dma_wait3A_124, %dma_wait3A_125] : memref<2x10000x128xf32, #tpu.memory_space<hbm>> -> memref<1x10000x128xf32, #tpu.memory_space<hbm>>
      %dma_wait3A_127 = tpu.memref_squeeze %dma_wait3A_126 : memref<1x10000x128xf32, #tpu.memory_space<hbm>> -> memref<10000x128xf32, #tpu.memory_space<hbm>>
      %dma_wait3A_128 = arith.constant 0 : i32
      %dma_wait3A_129 = tpu.memref_slice %dma_wait3A_127[%add3A_90, %dma_wait3A_128] : memref<10000x128xf32, #tpu.memory_space<hbm>> -> memref<112x128xf32, #tpu.memory_space<hbm>>
      %dma_wait3A_130 = arith.constant 0 : i32
      %dma_wait3A_131 = arith.constant 0 : i32
      %dma_wait3A_132 = tpu.memref_slice %arg7[%dma_wait3A_130, %dma_wait3A_131] : memref<128x128xf32, #tpu.memory_space<vmem>> -> memref<112x128xf32, #tpu.memory_space<vmem>>
      tpu.wait_dma2 semaphore(%run_scoped3A_96 : memref<!tpu.dma_semaphore, #tpu.memory_space<semaphore_mem>>) src(%dma_wait3A_132 : memref<112x128xf32, #tpu.memory_space<vmem>>) dst(%dma_wait3A_129 : memref<112x128xf32, #tpu.memory_space<hbm>>)
      tpu.yield
    }) : () -> ()
    %eq3A_91 = arith.constant 0 : i32
    %eq3A_92 = arith.cmpi eq, %arg1, %eq3A_91 : i32
    %convert_element_type3A_93 = arith.extui %eq3A_92 : i1 to i32
    %cond3A_94 = arith.constant 0 : i32
    %cond3A_95 = arith.cmpi ne, %convert_element_type3A_93, %cond3A_94 : i32
    scf.if %cond3A_95 {
      "tpu.region"() ({
        %run_scoped3A_96 = tpu.sem_alloc : memref<!tpu.dma_semaphore, #tpu.memory_space<semaphore_mem>>
        %dma_start3A_97 = arith.constant 0 : i32
        %dma_start3A_98 = arith.constant 0 : i32
        %dma_start3A_99 = tpu.memref_slice %arg7[%dma_start3A_97, %dma_start3A_98] : memref<128x128xf32, #tpu.memory_space<vmem>> -> memref<16x128xf32, #tpu.memory_space<vmem>>
        %dma_start3A_100 = arith.constant 9984 : i32
        %dma_start3A_101 = arith.constant 0 : i32
        %dma_start3A_102 = tpu.memref_slice %arg9[%dma_start3A_100, %dma_start3A_101] : memref<10000x128xf32, #tpu.memory_space<vmem_shared>> -> memref<16x128xf32, #tpu.memory_space<vmem_shared>>
        %dma_start3A_103 = arith.constant 0 : i32
        %dma_start3A_104 = arith.constant 0 : i32
        %dma_start3A_105 = tpu.memref_slice %arg7[%dma_start3A_103, %dma_start3A_104] : memref<128x128xf32, #tpu.memory_space<vmem>> -> memref<16x128xf32, #tpu.memory_space<vmem>>
        %dma_start3A_106 = arith.constant 9984 : i32
        %dma_start3A_107 = arith.constant 0 : i32
        %dma_start3A_108 = tpu.memref_slice %arg9[%dma_start3A_106, %dma_start3A_107] : memref<10000x128xf32, #tpu.memory_space<vmem_shared>> -> memref<16x128xf32, #tpu.memory_space<vmem_shared>>
        tpu.enqueue_dma source(%dma_start3A_108 : memref<16x128xf32, #tpu.memory_space<vmem_shared>>) target(%dma_start3A_105 : memref<16x128xf32, #tpu.memory_space<vmem>>) target_semaphore(%run_scoped3A_96 : memref<!tpu.dma_semaphore, #tpu.memory_space<semaphore_mem>>)
        %dma_wait3A_109 = arith.constant 0 : i32
        %dma_wait3A_110 = arith.constant 0 : i32
        %dma_wait3A_111 = tpu.memref_slice %arg7[%dma_wait3A_109, %dma_wait3A_110] : memref<128x128xf32, #tpu.memory_space<vmem>> -> memref<16x128xf32, #tpu.memory_space<vmem>>
        %dma_wait3A_112 = arith.constant 9984 : i32
        %dma_wait3A_113 = arith.constant 0 : i32
        %dma_wait3A_114 = tpu.memref_slice %arg9[%dma_wait3A_112, %dma_wait3A_113] : memref<10000x128xf32, #tpu.memory_space<vmem_shared>> -> memref<16x128xf32, #tpu.memory_space<vmem_shared>>
        %dma_wait3A_115 = arith.constant 0 : i32
        %dma_wait3A_116 = arith.constant 0 : i32
        %dma_wait3A_117 = tpu.memref_slice %arg7[%dma_wait3A_115, %dma_wait3A_116] : memref<128x128xf32, #tpu.memory_space<vmem>> -> memref<16x128xf32, #tpu.memory_space<vmem>>
        %dma_wait3A_118 = arith.constant 9984 : i32
        %dma_wait3A_119 = arith.constant 0 : i32
        %dma_wait3A_120 = tpu.memref_slice %arg9[%dma_wait3A_118, %dma_wait3A_119] : memref<10000x128xf32, #tpu.memory_space<vmem_shared>> -> memref<16x128xf32, #tpu.memory_space<vmem_shared>>
        tpu.wait_dma2 semaphore(%run_scoped3A_96 : memref<!tpu.dma_semaphore, #tpu.memory_space<semaphore_mem>>) src(%dma_wait3A_120 : memref<16x128xf32, #tpu.memory_space<vmem_shared>>) dst(%dma_wait3A_117 : memref<16x128xf32, #tpu.memory_space<vmem>>)
        tpu.yield
      }) : () -> ()
      "tpu.region"() ({
        %run_scoped3A_96 = tpu.sem_alloc : memref<!tpu.dma_semaphore, #tpu.memory_space<semaphore_mem>>
        %dma_start3A_97 = arith.constant 0 : i32
        %dma_start3A_98 = arith.constant 0 : i32
        %dma_start3A_99 = tpu.memref_slice %arg7[%dma_start3A_97, %dma_start3A_98] : memref<128x128xf32, #tpu.memory_space<vmem>> -> memref<16x128xf32, #tpu.memory_space<vmem>>
        %dma_start3A_100 = arith.constant 0 : i32
        %dma_start3A_101 = arith.constant 0 : i32
        %dma_start3A_102 = tpu.memref_slice %arg4[%arg0, %dma_start3A_100, %dma_start3A_101] : memref<2x10000x128xf32, #tpu.memory_space<hbm>> -> memref<1x10000x128xf32, #tpu.memory_space<hbm>>
        %dma_start3A_103 = tpu.memref_squeeze %dma_start3A_102 : memref<1x10000x128xf32, #tpu.memory_space<hbm>> -> memref<10000x128xf32, #tpu.memory_space<hbm>>
        %dma_start3A_104 = arith.constant 9984 : i32
        %dma_start3A_105 = arith.constant 0 : i32
        %dma_start3A_106 = tpu.memref_slice %dma_start3A_103[%dma_start3A_104, %dma_start3A_105] : memref<10000x128xf32, #tpu.memory_space<hbm>> -> memref<16x128xf32, #tpu.memory_space<hbm>>
        %dma_start3A_107 = arith.constant 0 : i32
        %dma_start3A_108 = arith.constant 0 : i32
        %dma_start3A_109 = tpu.memref_slice %arg4[%arg0, %dma_start3A_107, %dma_start3A_108] : memref<2x10000x128xf32, #tpu.memory_space<hbm>> -> memref<1x10000x128xf32, #tpu.memory_space<hbm>>
        %dma_start3A_110 = tpu.memref_squeeze %dma_start3A_109 : memref<1x10000x128xf32, #tpu.memory_space<hbm>> -> memref<10000x128xf32, #tpu.memory_space<hbm>>
        %dma_start3A_111 = arith.constant 9984 : i32
        %dma_start3A_112 = arith.constant 0 : i32
        %dma_start3A_113 = tpu.memref_slice %dma_start3A_110[%dma_start3A_111, %dma_start3A_112] : memref<10000x128xf32, #tpu.memory_space<hbm>> -> memref<16x128xf32, #tpu.memory_space<hbm>>
        %dma_start3A_114 = arith.constant 0 : i32
        %dma_start3A_115 = arith.constant 0 : i32
        %dma_start3A_116 = tpu.memref_slice %arg7[%dma_start3A_114, %dma_start3A_115] : memref<128x128xf32, #tpu.memory_space<vmem>> -> memref<16x128xf32, #tpu.memory_space<vmem>>
        tpu.enqueue_dma source(%dma_start3A_116 : memref<16x128xf32, #tpu.memory_space<vmem>>) target(%dma_start3A_113 : memref<16x128xf32, #tpu.memory_space<hbm>>) target_semaphore(%run_scoped3A_96 : memref<!tpu.dma_semaphore, #tpu.memory_space<semaphore_mem>>)
        %dma_wait3A_117 = arith.constant 0 : i32
        %dma_wait3A_118 = arith.constant 0 : i32
        %dma_wait3A_119 = tpu.memref_slice %arg7[%dma_wait3A_117, %dma_wait3A_118] : memref<128x128xf32, #tpu.memory_space<vmem>> -> memref<16x128xf32, #tpu.memory_space<vmem>>
        %dma_wait3A_120 = arith.constant 0 : i32
        %dma_wait3A_121 = arith.constant 0 : i32
        %dma_wait3A_122 = tpu.memref_slice %arg4[%arg0, %dma_wait3A_120, %dma_wait3A_121] : memref<2x10000x128xf32, #tpu.memory_space<hbm>> -> memref<1x10000x128xf32, #tpu.memory_space<hbm>>
        %dma_wait3A_123 = tpu.memref_squeeze %dma_wait3A_122 : memref<1x10000x128xf32, #tpu.memory_space<hbm>> -> memref<10000x128xf32, #tpu.memory_space<hbm>>
        %dma_wait3A_124 = arith.constant 9984 : i32
        %dma_wait3A_125 = arith.constant 0 : i32
        %dma_wait3A_126 = tpu.memref_slice %dma_wait3A_123[%dma_wait3A_124, %dma_wait3A_125] : memref<10000x128xf32, #tpu.memory_space<hbm>> -> memref<16x128xf32, #tpu.memory_space<hbm>>
        %dma_wait3A_127 = arith.constant 0 : i32
        %dma_wait3A_128 = arith.constant 0 : i32
        %dma_wait3A_129 = tpu.memref_slice %arg4[%arg0, %dma_wait3A_127, %dma_wait3A_128] : memref<2x10000x128xf32, #tpu.memory_space<hbm>> -> memref<1x10000x128xf32, #tpu.memory_space<hbm>>
        %dma_wait3A_130 = tpu.memref_squeeze %dma_wait3A_129 : memref<1x10000x128xf32, #tpu.memory_space<hbm>> -> memref<10000x128xf32, #tpu.memory_space<hbm>>
        %dma_wait3A_131 = arith.constant 9984 : i32
        %dma_wait3A_132 = arith.constant 0 : i32
        %dma_wait3A_133 = tpu.memref_slice %dma_wait3A_130[%dma_wait3A_131, %dma_wait3A_132] : memref<10000x128xf32, #tpu.memory_space<hbm>> -> memref<16x128xf32, #tpu.memory_space<hbm>>
        %dma_wait3A_134 = arith.constant 0 : i32
        %dma_wait3A_135 = arith.constant 0 : i32
        %dma_wait3A_136 = tpu.memref_slice %arg7[%dma_wait3A_134, %dma_wait3A_135] : memref<128x128xf32, #tpu.memory_space<vmem>> -> memref<16x128xf32, #tpu.memory_space<vmem>>
        tpu.wait_dma2 semaphore(%run_scoped3A_96 : memref<!tpu.dma_semaphore, #tpu.memory_space<semaphore_mem>>) src(%dma_wait3A_136 : memref<16x128xf32, #tpu.memory_space<vmem>>) dst(%dma_wait3A_133 : memref<16x128xf32, #tpu.memory_space<hbm>>)
        tpu.yield
      }) : () -> ()
    } else {
    }
    return
  }
}

module attributes {stable_mosaic.version = 14 : i64} {
  func.func @body(%arg0: i32, %arg1: memref<1000x128xf32, #tpu.memory_space<vmem>>, %arg2: memref<1000x128xf32, #tpu.memory_space<vmem>>, %arg3: memref<1000x1xf32, #tpu.memory_space<vmem>>, %arg4: memref<1000x1xf32, #tpu.memory_space<vmem>>, %arg5: memref<1000x128xf32, #tpu.memory_space<vmem>>, %arg6: memref<1000x1xf32, #tpu.memory_space<vmem>>, %arg7: memref<128x128xf32, #tpu.memory_space<vmem>>, %arg8: memref<1x128xf32, #tpu.memory_space<vmem>>, %arg9: memref<128x128xf32, #tpu.memory_space<vmem>>, %arg10: memref<1000x128xf32, #tpu.memory_space<vmem>>) attributes {dimension_semantics = [#tpu.dimension_semantics<arbitrary>], iteration_bounds = array<i64: 10>, scalar_prefetch = 0 : i64, scratch_operands = 0 : i64, tpu.core_type = #tpu.core_type<tc>, window_params = [{transform_indices = @transform_0, window_bounds = array<i64: 1000, 128>}, {transform_indices = @transform_1, window_bounds = array<i64: 1000, 128>}, {transform_indices = @transform_2, window_bounds = array<i64: 1000, 1>}, {transform_indices = @transform_3, window_bounds = array<i64: 1000, 1>}, {transform_indices = @transform_4, window_bounds = array<i64: 1000, 128>}, {transform_indices = @transform_5, window_bounds = array<i64: 1000, 1>}, {pipeline_mode = #tpu.pipeline_mode<synchronous>, transform_indices = @transform_6, window_bounds = array<i64: 128, 128>}, {pipeline_mode = #tpu.pipeline_mode<synchronous>, transform_indices = @transform_7, window_bounds = array<i64: 1, 128>}, {pipeline_mode = #tpu.pipeline_mode<synchronous>, transform_indices = @transform_8, window_bounds = array<i64: 128, 128>}, {transform_indices = @transform_9, window_bounds = array<i64: 1000, 128>}]} {
    %get3A = arith.constant 0 : index
    %get3A_0 = arith.constant 0 : index
    %get3A_1 = vector.load %arg3[%get3A, %get3A_0] : memref<1000x1xf32, #tpu.memory_space<vmem>>, vector<1000x1xf32>
    %get3A_2 = arith.constant 0 : index
    %get3A_3 = arith.constant 0 : index
    %get3A_4 = vector.load %arg4[%get3A_2, %get3A_3] : memref<1000x1xf32, #tpu.memory_space<vmem>>, vector<1000x1xf32>
    %add3A = arith.addf %get3A_1, %get3A_4 : vector<1000x1xf32>
    %max3A = arith.constant 1.000000e+00 : f32
    %max3A_5 = vector.broadcast %max3A : f32 to vector<1000x1xf32>
    %max3A_6 = arith.maximumf %add3A, %max3A_5 : vector<1000x1xf32>
    %get3A_7 = arith.constant 0 : index
    %get3A_8 = arith.constant 0 : index
    %get3A_9 = vector.load %arg1[%get3A_7, %get3A_8] : memref<1000x128xf32, #tpu.memory_space<vmem>>, vector<1000x128xf32>
    %get3A_10 = arith.constant 0 : index
    %get3A_11 = arith.constant 0 : index
    %get3A_12 = vector.load %arg2[%get3A_10, %get3A_11] : memref<1000x128xf32, #tpu.memory_space<vmem>>, vector<1000x128xf32>
    %add3A_13 = arith.addf %get3A_9, %get3A_12 : vector<1000x128xf32>
    %div3A = vector.broadcast %max3A_6 : vector<1000x1xf32> to vector<1000x128xf32>
    %div3A_14 = arith.divf %add3A_13, %div3A : vector<1000x128xf32>
    %get3A_15 = arith.constant 0 : index
    %get3A_16 = arith.constant 0 : index
    %get3A_17 = vector.load %arg7[%get3A_15, %get3A_16] : memref<128x128xf32, #tpu.memory_space<vmem>>, vector<128x128xf32>
    %dot_general3A = arith.constant dense<0.000000e+00> : vector<1000x128xf32>
    %dot_general3A_18 = tpu.matmul %div3A_14, %get3A_17, %dot_general3A {dimension_numbers = #tpu.dot_dimension_numbers<[1], [1], [0], [0], [0, 0, 1, 0], [], []>, transpose_lhs_hint = false} : vector<1000x128xf32>, vector<128x128xf32>, vector<1000x128xf32> -> vector<1000x128xf32>
    %get3A_19 = arith.constant 0 : index
    %get3A_20 = arith.constant 0 : index
    %get3A_21 = vector.load %arg8[%get3A_19, %get3A_20] : memref<1x128xf32, #tpu.memory_space<vmem>>, vector<1x128xf32>
    %add3A_22 = vector.broadcast %get3A_21 : vector<1x128xf32> to vector<1000x128xf32>
    %add3A_23 = arith.addf %dot_general3A_18, %add3A_22 : vector<1000x128xf32>
    %get3A_24 = arith.constant 0 : index
    %get3A_25 = arith.constant 0 : index
    %get3A_26 = vector.load %arg5[%get3A_24, %get3A_25] : memref<1000x128xf32, #tpu.memory_space<vmem>>, vector<1000x128xf32>
    %get3A_27 = arith.constant 0 : index
    %get3A_28 = arith.constant 0 : index
    %get3A_29 = vector.load %arg9[%get3A_27, %get3A_28] : memref<128x128xf32, #tpu.memory_space<vmem>>, vector<128x128xf32>
    %dot_general3A_30 = arith.constant dense<0.000000e+00> : vector<1000x128xf32>
    %dot_general3A_31 = tpu.matmul %get3A_26, %get3A_29, %dot_general3A_30 {dimension_numbers = #tpu.dot_dimension_numbers<[1], [1], [0], [0], [0, 0, 1, 0], [], []>, transpose_lhs_hint = false} : vector<1000x128xf32>, vector<128x128xf32>, vector<1000x128xf32> -> vector<1000x128xf32>
    %add3A_32 = arith.addf %add3A_23, %dot_general3A_31 : vector<1000x128xf32>
    %max3A_33 = arith.constant 0.000000e+00 : f32
    %max3A_34 = vector.broadcast %max3A_33 : f32 to vector<1000x128xf32>
    %max3A_35 = arith.maximumf %add3A_32, %max3A_34 : vector<1000x128xf32>
    %get3A_36 = arith.constant 0 : index
    %get3A_37 = arith.constant 0 : index
    %get3A_38 = vector.load %arg6[%get3A_36, %get3A_37] : memref<1000x1xf32, #tpu.memory_space<vmem>>, vector<1000x1xf32>
    %mul3A = vector.broadcast %get3A_38 : vector<1000x1xf32> to vector<1000x128xf32>
    %mul3A_39 = arith.mulf %max3A_35, %mul3A : vector<1000x128xf32>
    %swap3A = arith.constant 0 : index
    %swap3A_40 = arith.constant 0 : index
    %swap3A_41 = vector.load %arg10[%swap3A, %swap3A_40] : memref<1000x128xf32, #tpu.memory_space<vmem>>, vector<1000x128xf32>
    tpu.vector_store %arg10[%swap3A, %swap3A_40], %mul3A_39 {strides = array<i32>} : memref<1000x128xf32, #tpu.memory_space<vmem>>, vector<1000x128xf32>,
    return
  }
  func.func @transform_0(%arg0: i32) -> (i32, i32) {
    %c0_i32 = arith.constant 0 : i32
    %c0_i32_0 = arith.constant 0 : i32
    return %arg0, %c0_i32 : i32, i32
  }
  func.func @transform_1(%arg0: i32) -> (i32, i32) {
    %c0_i32 = arith.constant 0 : i32
    %c0_i32_0 = arith.constant 0 : i32
    return %arg0, %c0_i32 : i32, i32
  }
  func.func @transform_2(%arg0: i32) -> (i32, i32) {
    %c0_i32 = arith.constant 0 : i32
    %c0_i32_0 = arith.constant 0 : i32
    return %arg0, %c0_i32 : i32, i32
  }
  func.func @transform_3(%arg0: i32) -> (i32, i32) {
    %c0_i32 = arith.constant 0 : i32
    %c0_i32_0 = arith.constant 0 : i32
    return %arg0, %c0_i32 : i32, i32
  }
  func.func @transform_4(%arg0: i32) -> (i32, i32) {
    %c0_i32 = arith.constant 0 : i32
    %c0_i32_0 = arith.constant 0 : i32
    return %arg0, %c0_i32 : i32, i32
  }
  func.func @transform_5(%arg0: i32) -> (i32, i32) {
    %c0_i32 = arith.constant 0 : i32
    %c0_i32_0 = arith.constant 0 : i32
    return %arg0, %c0_i32 : i32, i32
  }
  func.func @transform_6(%arg0: i32) -> (i32, i32) {
    %c0_i32 = arith.constant 0 : i32
    %c0_i32_0 = arith.constant 0 : i32
    %c0_i32_1 = arith.constant 0 : i32
    return %c0_i32, %c0_i32_0 : i32, i32
  }
  func.func @transform_7(%arg0: i32) -> (i32, i32) {
    %c0_i32 = arith.constant 0 : i32
    %c0_i32_0 = arith.constant 0 : i32
    %c0_i32_1 = arith.constant 0 : i32
    return %c0_i32, %c0_i32_0 : i32, i32
  }
  func.func @transform_8(%arg0: i32) -> (i32, i32) {
    %c0_i32 = arith.constant 0 : i32
    %c0_i32_0 = arith.constant 0 : i32
    %c0_i32_1 = arith.constant 0 : i32
    return %c0_i32, %c0_i32_0 : i32, i32
  }
  func.func @transform_9(%arg0: i32) -> (i32, i32) {
    %c0_i32 = arith.constant 0 : i32
    %c0_i32_0 = arith.constant 0 : i32
    return %arg0, %c0_i32 : i32, i32
  }
}

module attributes {stable_mosaic.version = 14 : i64} {
  func.func @body(%arg0: i32, %arg1: memref<1000x128xf32, #tpu.memory_space<vmem>>, %arg2: memref<1000x128xf32, #tpu.memory_space<vmem>>, %arg3: memref<1000x1xf32, #tpu.memory_space<vmem>>, %arg4: memref<1000x1xf32, #tpu.memory_space<vmem>>, %arg5: memref<1000x128xf32, #tpu.memory_space<vmem>>, %arg6: memref<1000x1xf32, #tpu.memory_space<vmem>>, %arg7: memref<1000x1xi32, #tpu.memory_space<vmem>>, %arg8: memref<1x256xi32, #tpu.memory_space<vmem>>, %arg9: memref<128x128xf32, #tpu.memory_space<vmem>>, %arg10: memref<1x128xf32, #tpu.memory_space<vmem>>, %arg11: memref<128x128xf32, #tpu.memory_space<vmem>>, %arg12: memref<128x128xf32, #tpu.memory_space<vmem>>, %arg13: memref<128x128xf32, #tpu.memory_space<vmem>>, %arg14: memref<1x128xf32, #tpu.memory_space<vmem>>, %arg15: memref<256x128xf32, #tpu.memory_space<vmem>>, %arg16: memref<256x128xf32, #tpu.memory_space<vmem>>, %arg17: memref<256x128xf32, #tpu.memory_space<vmem>>, %arg18: memref<256x1xf32, #tpu.memory_space<vmem>>) attributes {dimension_semantics = [#tpu.dimension_semantics<arbitrary>], iteration_bounds = array<i64: 10>, scalar_prefetch = 0 : i64, scratch_operands = 3 : i64, tpu.core_type = #tpu.core_type<tc>, window_params = [{transform_indices = @transform_0, window_bounds = array<i64: 1000, 128>}, {transform_indices = @transform_1, window_bounds = array<i64: 1000, 128>}, {transform_indices = @transform_2, window_bounds = array<i64: 1000, 1>}, {transform_indices = @transform_3, window_bounds = array<i64: 1000, 1>}, {transform_indices = @transform_4, window_bounds = array<i64: 1000, 128>}, {transform_indices = @transform_5, window_bounds = array<i64: 1000, 1>}, {transform_indices = @transform_6, window_bounds = array<i64: 1000, 1>}, {pipeline_mode = #tpu.pipeline_mode<synchronous>, transform_indices = @transform_7, window_bounds = array<i64: 1, 256>}, {pipeline_mode = #tpu.pipeline_mode<synchronous>, transform_indices = @transform_8, window_bounds = array<i64: 128, 128>}, {pipeline_mode = #tpu.pipeline_mode<synchronous>, transform_indices = @transform_9, window_bounds = array<i64: 1, 128>}, {pipeline_mode = #tpu.pipeline_mode<synchronous>, transform_indices = @transform_10, window_bounds = array<i64: 128, 128>}, {pipeline_mode = #tpu.pipeline_mode<synchronous>, transform_indices = @transform_11, window_bounds = array<i64: 128, 128>}, {pipeline_mode = #tpu.pipeline_mode<synchronous>, transform_indices = @transform_12, window_bounds = array<i64: 128, 128>}, {pipeline_mode = #tpu.pipeline_mode<synchronous>, transform_indices = @transform_13, window_bounds = array<i64: 1, 128>}, {pipeline_mode = #tpu.pipeline_mode<synchronous>, transform_indices = @transform_14, window_bounds = array<i64: 256, 128>}]} {
    %eq3A = arith.constant 0 : i32
    %eq3A_0 = arith.cmpi eq, %arg0, %eq3A : i32
    %convert_element_type3A = arith.extui %eq3A_0 : i1 to i32
    %cond3A = arith.constant 0 : i32
    %cond3A_1 = arith.cmpi ne, %convert_element_type3A, %cond3A : i32
    scf.if %cond3A_1 {
      %broadcast_in_dim3A_95 = arith.constant 0.000000e+00 : f32
      %broadcast_in_dim3A_96 = vector.broadcast %broadcast_in_dim3A_95 : f32 to vector<256x128xf32>
      %swap3A_97 = arith.constant 0 : index
      %swap3A_98 = arith.constant 0 : index
      %swap3A_99 = vector.load %arg16[%swap3A_97, %swap3A_98] : memref<256x128xf32, #tpu.memory_space<vmem>>, vector<256x128xf32>
      tpu.vector_store %arg16[%swap3A_97, %swap3A_98], %broadcast_in_dim3A_96 {strides = array<i32>} : memref<256x128xf32, #tpu.memory_space<vmem>>, vector<256x128xf32>,
      %broadcast_in_dim3A_100 = arith.constant 0.000000e+00 : f32
      %broadcast_in_dim3A_101 = vector.broadcast %broadcast_in_dim3A_100 : f32 to vector<256x128xf32>
      %swap3A_102 = arith.constant 0 : index
      %swap3A_103 = arith.constant 0 : index
      %swap3A_104 = vector.load %arg17[%swap3A_102, %swap3A_103] : memref<256x128xf32, #tpu.memory_space<vmem>>, vector<256x128xf32>
      tpu.vector_store %arg17[%swap3A_102, %swap3A_103], %broadcast_in_dim3A_101 {strides = array<i32>} : memref<256x128xf32, #tpu.memory_space<vmem>>, vector<256x128xf32>,
      %broadcast_in_dim3A_105 = arith.constant 0.000000e+00 : f32
      %broadcast_in_dim3A_106 = vector.broadcast %broadcast_in_dim3A_105 : f32 to vector<256x1xf32>
      %swap3A_107 = arith.constant 0 : index
      %swap3A_108 = arith.constant 0 : index
      %swap3A_109 = vector.load %arg18[%swap3A_107, %swap3A_108] : memref<256x1xf32, #tpu.memory_space<vmem>>, vector<256x1xf32>
      tpu.vector_store %arg18[%swap3A_107, %swap3A_108], %broadcast_in_dim3A_106 {strides = array<i32>} : memref<256x1xf32, #tpu.memory_space<vmem>>, vector<256x1xf32>,
    } else {
    }
    %get3A = arith.constant 0 : index
    %get3A_2 = arith.constant 0 : index
    %get3A_3 = vector.load %arg3[%get3A, %get3A_2] : memref<1000x1xf32, #tpu.memory_space<vmem>>, vector<1000x1xf32>
    %get3A_4 = arith.constant 0 : index
    %get3A_5 = arith.constant 0 : index
    %get3A_6 = vector.load %arg4[%get3A_4, %get3A_5] : memref<1000x1xf32, #tpu.memory_space<vmem>>, vector<1000x1xf32>
    %add3A = arith.addf %get3A_3, %get3A_6 : vector<1000x1xf32>
    %max3A = arith.constant 1.000000e+00 : f32
    %max3A_7 = vector.broadcast %max3A : f32 to vector<1000x1xf32>
    %max3A_8 = arith.maximumf %add3A, %max3A_7 : vector<1000x1xf32>
    %get3A_9 = arith.constant 0 : index
    %get3A_10 = arith.constant 0 : index
    %get3A_11 = vector.load %arg1[%get3A_9, %get3A_10] : memref<1000x128xf32, #tpu.memory_space<vmem>>, vector<1000x128xf32>
    %get3A_12 = arith.constant 0 : index
    %get3A_13 = arith.constant 0 : index
    %get3A_14 = vector.load %arg2[%get3A_12, %get3A_13] : memref<1000x128xf32, #tpu.memory_space<vmem>>, vector<1000x128xf32>
    %add3A_15 = arith.addf %get3A_11, %get3A_14 : vector<1000x128xf32>
    %div3A = vector.broadcast %max3A_8 : vector<1000x1xf32> to vector<1000x128xf32>
    %div3A_16 = arith.divf %add3A_15, %div3A : vector<1000x128xf32>
    %get3A_17 = arith.constant 0 : index
    %get3A_18 = arith.constant 0 : index
    %get3A_19 = vector.load %arg9[%get3A_17, %get3A_18] : memref<128x128xf32, #tpu.memory_space<vmem>>, vector<128x128xf32>
    %dot_general3A = arith.constant dense<0.000000e+00> : vector<1000x128xf32>
    %dot_general3A_20 = tpu.matmul %div3A_16, %get3A_19, %dot_general3A {dimension_numbers = #tpu.dot_dimension_numbers<[1], [1], [0], [0], [0, 0, 1, 0], [], []>, transpose_lhs_hint = false} : vector<1000x128xf32>, vector<128x128xf32>, vector<1000x128xf32> -> vector<1000x128xf32>
    %get3A_21 = arith.constant 0 : index
    %get3A_22 = arith.constant 0 : index
    %get3A_23 = vector.load %arg10[%get3A_21, %get3A_22] : memref<1x128xf32, #tpu.memory_space<vmem>>, vector<1x128xf32>
    %add3A_24 = vector.broadcast %get3A_23 : vector<1x128xf32> to vector<1000x128xf32>
    %add3A_25 = arith.addf %dot_general3A_20, %add3A_24 : vector<1000x128xf32>
    %get3A_26 = arith.constant 0 : index
    %get3A_27 = arith.constant 0 : index
    %get3A_28 = vector.load %arg5[%get3A_26, %get3A_27] : memref<1000x128xf32, #tpu.memory_space<vmem>>, vector<1000x128xf32>
    %get3A_29 = arith.constant 0 : index
    %get3A_30 = arith.constant 0 : index
    %get3A_31 = vector.load %arg11[%get3A_29, %get3A_30] : memref<128x128xf32, #tpu.memory_space<vmem>>, vector<128x128xf32>
    %dot_general3A_32 = arith.constant dense<0.000000e+00> : vector<1000x128xf32>
    %dot_general3A_33 = tpu.matmul %get3A_28, %get3A_31, %dot_general3A_32 {dimension_numbers = #tpu.dot_dimension_numbers<[1], [1], [0], [0], [0, 0, 1, 0], [], []>, transpose_lhs_hint = false} : vector<1000x128xf32>, vector<128x128xf32>, vector<1000x128xf32> -> vector<1000x128xf32>
    %add3A_34 = arith.addf %add3A_25, %dot_general3A_33 : vector<1000x128xf32>
    %max3A_35 = arith.constant 0.000000e+00 : f32
    %max3A_36 = vector.broadcast %max3A_35 : f32 to vector<1000x128xf32>
    %max3A_37 = arith.maximumf %add3A_34, %max3A_36 : vector<1000x128xf32>
    %get3A_38 = arith.constant 0 : index
    %get3A_39 = arith.constant 0 : index
    %get3A_40 = vector.load %arg6[%get3A_38, %get3A_39] : memref<1000x1xf32, #tpu.memory_space<vmem>>, vector<1000x1xf32>
    %mul3A = vector.broadcast %get3A_40 : vector<1000x1xf32> to vector<1000x128xf32>
    %mul3A_41 = arith.mulf %max3A_37, %mul3A : vector<1000x128xf32>
    %iota3A = tpu.iota {dimensions = array<i32: 1>} : vector<1x256xi32>
    %get3A_42 = arith.constant 0 : index
    %get3A_43 = arith.constant 0 : index
    %get3A_44 = vector.load %arg7[%get3A_42, %get3A_43] : memref<1000x1xi32, #tpu.memory_space<vmem>>, vector<1000x1xi32>
    %eq3A_45 = vector.broadcast %get3A_44 : vector<1000x1xi32> to vector<1000x256xi32>
    %eq3A_46 = vector.broadcast %iota3A : vector<1x256xi32> to vector<1000x256xi32>
    %eq3A_47 = arith.cmpi eq, %eq3A_45, %eq3A_46 : vector<1000x256xi32>
    %convert_element_type3A_48 = arith.extui %eq3A_47 : vector<1000x256xi1> to vector<1000x256xi32>
    %convert_element_type3A_49 = arith.sitofp %convert_element_type3A_48 : vector<1000x256xi32> to vector<1000x256xf32>
    %get3A_50 = arith.constant 0 : index
    %get3A_51 = arith.constant 0 : index
    %get3A_52 = vector.load %arg16[%get3A_50, %get3A_51] : memref<256x128xf32, #tpu.memory_space<vmem>>, vector<256x128xf32>
    %dot_general3A_53 = arith.constant dense<0.000000e+00> : vector<256x128xf32>
    %dot_general3A_54 = tpu.matmul %convert_element_type3A_49, %mul3A_41, %dot_general3A_53 {dimension_numbers = #tpu.dot_dimension_numbers<[0], [0], [1], [1], [0, 1, 1, 1], [], []>, transpose_lhs_hint = false} : vector<1000x256xf32>, vector<1000x128xf32>, vector<256x128xf32> -> vector<256x128xf32>
    %add3A_55 = arith.addf %get3A_52, %dot_general3A_54 : vector<256x128xf32>
    %swap3A = arith.constant 0 : index
    %swap3A_56 = arith.constant 0 : index
    %swap3A_57 = vector.load %arg16[%swap3A, %swap3A_56] : memref<256x128xf32, #tpu.memory_space<vmem>>, vector<256x128xf32>
    tpu.vector_store %arg16[%swap3A, %swap3A_56], %add3A_55 {strides = array<i32>} : memref<256x128xf32, #tpu.memory_space<vmem>>, vector<256x128xf32>,
    %get3A_58 = arith.constant 0 : index
    %get3A_59 = arith.constant 0 : index
    %get3A_60 = vector.load %arg18[%get3A_58, %get3A_59] : memref<256x1xf32, #tpu.memory_space<vmem>>, vector<256x1xf32>
    %broadcast_in_dim3A = arith.constant 1.000000e+00 : f32
    %broadcast_in_dim3A_61 = vector.broadcast %broadcast_in_dim3A : f32 to vector<1000x1xf32>
    %dot_general3A_62 = arith.constant dense<0.000000e+00> : vector<256x1xf32>
    %dot_general3A_63 = tpu.matmul %convert_element_type3A_49, %broadcast_in_dim3A_61, %dot_general3A_62 {dimension_numbers = #tpu.dot_dimension_numbers<[0], [0], [1], [1], [0, 1, 1, 1], [], []>, transpose_lhs_hint = false} : vector<1000x256xf32>, vector<1000x1xf32>, vector<256x1xf32> -> vector<256x1xf32>
    %add3A_64 = arith.addf %get3A_60, %dot_general3A_63 : vector<256x1xf32>
    %swap3A_65 = arith.constant 0 : index
    %swap3A_66 = arith.constant 0 : index
    %swap3A_67 = vector.load %arg18[%swap3A_65, %swap3A_66] : memref<256x1xf32, #tpu.memory_space<vmem>>, vector<256x1xf32>
    tpu.vector_store %arg18[%swap3A_65, %swap3A_66], %add3A_64 {strides = array<i32>} : memref<256x1xf32, #tpu.memory_space<vmem>>, vector<256x1xf32>,
    %mul3A_68 = arith.constant 1000 : i32
    %mul3A_69 = arith.muli %arg0, %mul3A_68 : i32
    %iota3A_70 = tpu.iota {dimensions = array<i32: 0>} : vector<1000x1xi32>
    %add3A_71 = vector.broadcast %mul3A_69 : i32 to vector<1000x1xi32>
    %add3A_72 = arith.addi %add3A_71, %iota3A_70 : vector<1000x1xi32>
    %get3A_73 = arith.constant 0 : index
    %get3A_74 = arith.constant 0 : index
    %get3A_75 = vector.load %arg8[%get3A_73, %get3A_74] : memref<1x256xi32, #tpu.memory_space<vmem>>, vector<1x256xi32>
    %eq3A_76 = vector.broadcast %add3A_72 : vector<1000x1xi32> to vector<1000x256xi32>
    %eq3A_77 = vector.broadcast %get3A_75 : vector<1x256xi32> to vector<1000x256xi32>
    %eq3A_78 = arith.cmpi eq, %eq3A_76, %eq3A_77 : vector<1000x256xi32>
    %convert_element_type3A_79 = arith.extui %eq3A_78 : vector<1000x256xi1> to vector<1000x256xi32>
    %convert_element_type3A_80 = arith.sitofp %convert_element_type3A_79 : vector<1000x256xi32> to vector<1000x256xf32>
    %get3A_81 = arith.constant 0 : index
    %get3A_82 = arith.constant 0 : index
    %get3A_83 = vector.load %arg17[%get3A_81, %get3A_82] : memref<256x128xf32, #tpu.memory_space<vmem>>, vector<256x128xf32>
    %dot_general3A_84 = arith.constant dense<0.000000e+00> : vector<256x128xf32>
    %dot_general3A_85 = tpu.matmul %convert_element_type3A_80, %max3A_37, %dot_general3A_84 {dimension_numbers = #tpu.dot_dimension_numbers<[0], [0], [1], [1], [0, 1, 1, 1], [], []>, transpose_lhs_hint = false} : vector<1000x256xf32>, vector<1000x128xf32>, vector<256x128xf32> -> vector<256x128xf32>
    %add3A_86 = arith.addf %get3A_83, %dot_general3A_85 : vector<256x128xf32>
    %swap3A_87 = arith.constant 0 : index
    %swap3A_88 = arith.constant 0 : index
    %swap3A_89 = vector.load %arg17[%swap3A_87, %swap3A_88] : memref<256x128xf32, #tpu.memory_space<vmem>>, vector<256x128xf32>
    tpu.vector_store %arg17[%swap3A_87, %swap3A_88], %add3A_86 {strides = array<i32>} : memref<256x128xf32, #tpu.memory_space<vmem>>, vector<256x128xf32>,
    %eq3A_90 = arith.constant 9 : i32
    %eq3A_91 = arith.cmpi eq, %arg0, %eq3A_90 : i32
    %convert_element_type3A_92 = arith.extui %eq3A_91 : i1 to i32
    %cond3A_93 = arith.constant 0 : i32
    %cond3A_94 = arith.cmpi ne, %convert_element_type3A_92, %cond3A_93 : i32
    scf.if %cond3A_94 {
      %get3A_95 = arith.constant 0 : index
      %get3A_96 = arith.constant 0 : index
      %get3A_97 = vector.load %arg16[%get3A_95, %get3A_96] : memref<256x128xf32, #tpu.memory_space<vmem>>, vector<256x128xf32>
      %get3A_98 = arith.constant 0 : index
      %get3A_99 = arith.constant 0 : index
      %get3A_100 = vector.load %arg18[%get3A_98, %get3A_99] : memref<256x1xf32, #tpu.memory_space<vmem>>, vector<256x1xf32>
      %max3A_101 = arith.constant 1.000000e+00 : f32
      %max3A_102 = vector.broadcast %max3A_101 : f32 to vector<256x1xf32>
      %max3A_103 = arith.maximumf %get3A_100, %max3A_102 : vector<256x1xf32>
      %div3A_104 = vector.broadcast %max3A_103 : vector<256x1xf32> to vector<256x128xf32>
      %div3A_105 = arith.divf %get3A_97, %div3A_104 : vector<256x128xf32>
      %get3A_106 = arith.constant 0 : index
      %get3A_107 = arith.constant 0 : index
      %get3A_108 = vector.load %arg17[%get3A_106, %get3A_107] : memref<256x128xf32, #tpu.memory_space<vmem>>, vector<256x128xf32>
      %get3A_109 = arith.constant 0 : index
      %get3A_110 = arith.constant 0 : index
      %get3A_111 = vector.load %arg12[%get3A_109, %get3A_110] : memref<128x128xf32, #tpu.memory_space<vmem>>, vector<128x128xf32>
      %dot_general3A_112 = arith.constant dense<0.000000e+00> : vector<256x128xf32>
      %dot_general3A_113 = tpu.matmul %get3A_108, %get3A_111, %dot_general3A_112 {dimension_numbers = #tpu.dot_dimension_numbers<[1], [1], [0], [0], [0, 0, 1, 0], [], []>, transpose_lhs_hint = false} : vector<256x128xf32>, vector<128x128xf32>, vector<256x128xf32> -> vector<256x128xf32>
      %get3A_114 = arith.constant 0 : index
      %get3A_115 = arith.constant 0 : index
      %get3A_116 = vector.load %arg13[%get3A_114, %get3A_115] : memref<128x128xf32, #tpu.memory_space<vmem>>, vector<128x128xf32>
      %dot_general3A_117 = arith.constant dense<0.000000e+00> : vector<256x128xf32>
      %dot_general3A_118 = tpu.matmul %div3A_105, %get3A_116, %dot_general3A_117 {dimension_numbers = #tpu.dot_dimension_numbers<[1], [1], [0], [0], [0, 0, 1, 0], [], []>, transpose_lhs_hint = false} : vector<256x128xf32>, vector<128x128xf32>, vector<256x128xf32> -> vector<256x128xf32>
      %add3A_119 = arith.addf %dot_general3A_113, %dot_general3A_118 : vector<256x128xf32>
      %get3A_120 = arith.constant 0 : index
      %get3A_121 = arith.constant 0 : index
      %get3A_122 = vector.load %arg14[%get3A_120, %get3A_121] : memref<1x128xf32, #tpu.memory_space<vmem>>, vector<1x128xf32>
      %add3A_123 = vector.broadcast %get3A_122 : vector<1x128xf32> to vector<256x128xf32>
      %add3A_124 = arith.addf %add3A_119, %add3A_123 : vector<256x128xf32>
      %swap3A_125 = arith.constant 0 : index
      %swap3A_126 = arith.constant 0 : index
      %swap3A_127 = vector.load %arg15[%swap3A_125, %swap3A_126] : memref<256x128xf32, #tpu.memory_space<vmem>>, vector<256x128xf32>
      tpu.vector_store %arg15[%swap3A_125, %swap3A_126], %add3A_124 {strides = array<i32>} : memref<256x128xf32, #tpu.memory_space<vmem>>, vector<256x128xf32>,
    } else {
    }
    return
  }
  func.func @transform_0(%arg0: i32) -> (i32, i32) {
    %c0_i32 = arith.constant 0 : i32
    %c0_i32_0 = arith.constant 0 : i32
    return %arg0, %c0_i32 : i32, i32
  }
  func.func @transform_1(%arg0: i32) -> (i32, i32) {
    %c0_i32 = arith.constant 0 : i32
    %c0_i32_0 = arith.constant 0 : i32
    return %arg0, %c0_i32 : i32, i32
  }
  func.func @transform_2(%arg0: i32) -> (i32, i32) {
    %c0_i32 = arith.constant 0 : i32
    %c0_i32_0 = arith.constant 0 : i32
    return %arg0, %c0_i32 : i32, i32
  }
  func.func @transform_3(%arg0: i32) -> (i32, i32) {
    %c0_i32 = arith.constant 0 : i32
    %c0_i32_0 = arith.constant 0 : i32
    return %arg0, %c0_i32 : i32, i32
  }
  func.func @transform_4(%arg0: i32) -> (i32, i32) {
    %c0_i32 = arith.constant 0 : i32
    %c0_i32_0 = arith.constant 0 : i32
    return %arg0, %c0_i32 : i32, i32
  }
  func.func @transform_5(%arg0: i32) -> (i32, i32) {
    %c0_i32 = arith.constant 0 : i32
    %c0_i32_0 = arith.constant 0 : i32
    return %arg0, %c0_i32 : i32, i32
  }
  func.func @transform_6(%arg0: i32) -> (i32, i32) {
    %c0_i32 = arith.constant 0 : i32
    %c0_i32_0 = arith.constant 0 : i32
    return %arg0, %c0_i32 : i32, i32
  }
  func.func @transform_7(%arg0: i32) -> (i32, i32) {
    %c0_i32 = arith.constant 0 : i32
    %c0_i32_0 = arith.constant 0 : i32
    %c0_i32_1 = arith.constant 0 : i32
    return %c0_i32, %c0_i32_0 : i32, i32
  }
  func.func @transform_8(%arg0: i32) -> (i32, i32) {
    %c0_i32 = arith.constant 0 : i32
    %c0_i32_0 = arith.constant 0 : i32
    %c0_i32_1 = arith.constant 0 : i32
    return %c0_i32, %c0_i32_0 : i32, i32
  }
  func.func @transform_9(%arg0: i32) -> (i32, i32) {
    %c0_i32 = arith.constant 0 : i32
    %c0_i32_0 = arith.constant 0 : i32
    %c0_i32_1 = arith.constant 0 : i32
    return %c0_i32, %c0_i32_0 : i32, i32
  }
  func.func @transform_10(%arg0: i32) -> (i32, i32) {
    %c0_i32 = arith.constant 0 : i32
    %c0_i32_0 = arith.constant 0 : i32
    %c0_i32_1 = arith.constant 0 : i32
    return %c0_i32, %c0_i32_0 : i32, i32
  }
  func.func @transform_11(%arg0: i32) -> (i32, i32) {
    %c0_i32 = arith.constant 0 : i32
    %c0_i32_0 = arith.constant 0 : i32
    %c0_i32_1 = arith.constant 0 : i32
    return %c0_i32, %c0_i32_0 : i32, i32
  }
  func.func @transform_12(%arg0: i32) -> (i32, i32) {
    %c0_i32 = arith.constant 0 : i32
    %c0_i32_0 = arith.constant 0 : i32
    %c0_i32_1 = arith.constant 0 : i32
    return %c0_i32, %c0_i32_0 : i32, i32
  }
  func.func @transform_13(%arg0: i32) -> (i32, i32) {
    %c0_i32 = arith.constant 0 : i32
    %c0_i32_0 = arith.constant 0 : i32
    %c0_i32_1 = arith.constant 0 : i32
    return %c0_i32, %c0_i32_0 : i32, i32
  }
  func.func @transform_14(%arg0: i32) -> (i32, i32) {
    %c0_i32 = arith.constant 0 : i32
    %c0_i32_0 = arith.constant 0 : i32
    %c0_i32_1 = arith.constant 0 : i32
    return %c0_i32, %c0_i32_0 : i32, i32
  }
}

</mosaic_0001>

<sc_bundles>
// kernel: kernel.6.cloned.1.call-start
scs
__scs_entry_jumppad:
0x0: {  	(pc) =	sbr.rel $0x88, $3  }
0x1: {  	(tag) =	ssettag $0x0;
	lr =	simm.s32 $0x1  }
0x2: {  	[smem:$0x3F94] =	sst lr;
	_ =	strace $0xD0000000  }
0x3: {  	_ = 	snop  }
0x4: {  	_ = 	snop  }
0x5: {  	_ = 	snop  }
0x6: {  	_ = 	snop  }
0x7: {  	_ = 	snop  }
__scs_overlays_trampoline_lowered:
0x8: {  	[smem:$0x3FA3] =	sst s0  }
0x9: {  	[smem:$0x3FA4] =	sst s1  }
0xa: {  	[smem:$0x3FA5] =	sst s2  }
0xb: {  	[smem:$0x3FA6] =	sst s3  }
0xc: {  	[smem:$0x3FA7] =	sst s4  }
0xd: {  	[smem:$0x3FA8] =	sst s5  }
0xe: {  	[smem:$0x3FA9] =	sst s6  }
0xf: {  	[smem:$0x3FAA] =	sst s7  }
0x10: {  	[smem:$0x3FAB] =	sst s8  }
0x11: {  	[smem:$0x3FAC] =	sst s9;
	s0 =	simm.s32 @!p0 $0x0  }
0x12: {  	s1 =	sld [smem:$0x3F92];
	s0 =	simm.s32 @p0 $0x1  }
0x13: {  	[smem:$0x3FAD] =	sst s0;
	s0 =	simm.s32 @!p1 $0x0  }
0x14: {  	s2 =	sld [smem:$0x3F91];
	s0 =	simm.s32 @p1 $0x1  }
0x15: {  	[smem:$0x3FAE] =	sst s0;
	s0 =	simm.s32 @!p2 $0x0  }
0x16: {  	s3 =	sld [smem:$0x3FDB];
	s0 =	simm.s32 @p2 $0x1  }
0x17: {  	s4 =	simm.s32 $0x1BF5;
	[smem:$0x3FB0] =	sst s0  }
0x18: {  	s0 =	sld [smem:$0x3F93];
	_ =	swait.ge [sflag:s4], $0x0  }
0x19: {  	s7 =	sld [smem:$0x3F94]  }
0x1a: {  	s8 =	sadd.s32 $0xFFFFE003, lr  }
0x1b: {  	s9 =	sadd.s32 $0xFFFFFEF7, lr;
	s5 =	simm.s32 $0xFFFFFFFF;
	p2 =	slt.u32 s8, $0xFFFFF086  }
0x1c: {  	p1 =	slt.u32 s9, $0xF7A;
	s5 =	simm.s32 @!p2 $0x0  }
0x1d: {  	s5 =	simm.s32 @p1 $0x1;
	p0 =	seq.s32 s7, s2  }
0x1e: {  	s7 =	smul.u32 @!p0 $0xF7A, s2;
	p2 =	seq.s32 @!p0 s5, $0x0  }
0x1f: {  	s9 =	smul.u32 $0xF7A, s1;
	s8 =	simm.s32 @!p0 $0x1BF5;
	p2 =	por !p2, p0  }
0x20: {  	[sflag:s8] =	ssyncset.s32 @!p0 $0xFFFFF086;
	s6 =	sadd.s32 @!p0 s3, s7;
	s7 =	simm.s32 @!p0 $0x108  }
0x21: {  	s3 =	sadd.s32 s3, s9;
	s6 =	sadd.s32 @!p0 $0x88, s6;
	s7 =	simm.s32 @p2 $0x1082  }
0x22: {  	[simem:s7], [sflag:s8] =	dma.local @!p0 [hbm:s6], $0xF7A  }
0x23: {  	s9 =	sor.u32 $0xD0000000, s2;
	s6 =	simm.s32 $0x108;
	_ =	swait.ge @!p0 [sflag:s8], $0x0  }
0x24: {  	s3 =	sadd.s32 $0x88, s3;
	s6 =	simm.s32 @!p1 $0x1082;
	[sflag:s4] =	ssyncset.s32 $0xFFFFF086  }
0x25: {  	[simem:s6], [sflag:s4] =	dma.local [hbm:s3], $0xF7A  }
0x26: {  	[smem:$0x3F94] =	sst s1;
	(tag) =	ssettag s2;
	_ =	strace s9  }
0x27: {  	s1 =	sld [smem:$0x3FA4]  }
0x28: {  	s2 =	sld [smem:$0x3FA5]  }
0x29: {  	s4 =	sld [smem:$0x3FA7]  }
0x2a: {  	p0 =	seq.s32 s5, $0x0;
	s5 =	sld [smem:$0x3FA8]  }
0x2b: {  	s6 =	sld [smem:$0x3FA9]  }
0x2c: {  	s7 =	sld [smem:$0x3FAA]  }
0x2d: {  	s3 =	simm.s32 $0x108;
	s8 =	sld [smem:$0x3FAB]  }
0x2e: {  	s3 =	simm.s32 @!p0 $0x1082;
	s9 =	sld [smem:$0x3FAC]  }
0x2f: {  	lr =	sadd.s32 s0, s3;
	s0 =	sld [smem:$0x3FA3]  }
0x30: {  	s3 =	sld [smem:$0x3FA6]  }
0x31: {  	[smem:$0x3FAF] =	sst s10  }
0x32: {  	s10 =	sld [smem:$0x3FAD];
	_ =	sdelay $0x3  }
0x33: {  	p0 =	seq.s32 s10, $0x1;
	s10 =	sld [smem:$0x3FAF];
	_ =	sdelay $0x3  }
0x34: {  	[smem:$0x3FAF] =	sst s10  }
0x35: {  	s10 =	sld [smem:$0x3FAE];
	_ =	sdelay $0x3  }
0x36: {  	p1 =	seq.s32 s10, $0x1;
	s10 =	sld [smem:$0x3FAF];
	_ =	sdelay $0x3  }
0x37: {  	[smem:$0x3FAF] =	sst s10  }
0x38: {  	s10 =	sld [smem:$0x3FB0]  }
0x39: {  	_ = 	snop;
	(pc) =	sbr.ind lr, $3  }
0x3a: {  	_ = 	snop  }
0x3b: {  	_ = 	snop  }
0x3c: {  	p2 =	seq.s32 s10, $0x1;
	s10 =	sld [smem:$0x3FAF]  }
0x3d: {  	_ =	shalt  }
0x3e: {  	_ =	shalt  }
0x3f: {  	_ =	shalt  }
0x40: {  	_ =	shalt  }
0x41: {  	_ =	shalt  }
0x42: {  	_ =	shalt  }
0x43: {  	_ =	shalt  }
0x44: {  	_ =	shalt  }
0x45: {  	_ =	shalt  }
0x46: {  	_ =	shalt  }
0x47: {  	_ =	shalt  }
0x48: {  	_ =	shalt  }
0x49: {  	_ =	shalt  }
0x4a: {  	_ =	shalt  }
0x4b: {  	_ =	shalt  }
0x4c: {  	_ =	shalt  }
0x4d: {  	_ =	shalt  }
0x4e: {  	_ =	shalt  }
0x4f: {  	_ =	shalt  }
0x50: {  	_ =	shalt  }
0x51: {  	_ =	shalt  }
0x52: {  	_ =	shalt  }
0x53: {  	_ =	shalt  }
0x54: {  	_ =	shalt  }
0x55: {  	_ =	shalt  }
0x56: {  	_ =	shalt  }
0x57: {  	_ =	shalt  }
0x58: {  	_ =	shalt  }
0x59: {  	_ =	shalt  }
0x5a: {  	_ =	shalt  }
0x5b: {  	_ =	shalt  }
0x5c: {  	_ =	shalt  }
0x5d: {  	_ =	shalt  }
0x5e: {  	_ =	shalt  }
0x5f: {  	_ =	shalt  }
0x60: {  	_ =	shalt  }
0x61: {  	_ =	shalt  }
0x62: {  	_ =	shalt  }
0x63: {  	_ =	shalt  }
0x64: {  	_ =	shalt  }
0x65: {  	_ =	shalt  }
0x66: {  	_ =	shalt  }
0x67: {  	_ =	shalt  }
0x68: {  	_ =	shalt  }
0x69: {  	_ =	shalt  }
0x6a: {  	_ =	shalt  }
0x6b: {  	_ =	shalt  }
0x6c: {  	_ =	shalt  }
0x6d: {  	_ =	shalt  }
0x6e: {  	_ =	shalt  }
0x6f: {  	_ =	shalt  }
0x70: {  	_ =	shalt  }
0x71: {  	_ =	shalt  }
0x72: {  	_ =	shalt  }
0x73: {  	_ =	shalt  }
0x74: {  	_ =	shalt  }
0x75: {  	_ =	shalt  }
0x76: {  	_ =	shalt  }
0x77: {  	_ =	shalt  }
0x78: {  	_ =	shalt  }
0x79: {  	_ =	shalt  }
0x7a: {  	_ =	shalt  }
0x7b: {  	_ =	shalt  }
0x7c: {  	_ =	shalt  }
0x7d: {  	_ =	shalt  }
0x7e: {  	_ =	shalt  }
0x7f: {  	_ =	shalt  }
0x80: {  	_ =	shalt  }
0x81: {  	_ =	shalt  }
0x82: {  	_ =	shalt  }
0x83: {  	_ =	shalt  }
0x84: {  	_ =	shalt  }
0x85: {  	_ =	shalt  }
0x86: {  	_ =	shalt  }
0x87: {  	_ =	shalt  }
.Lfunc_end0:
.L_simem_size_0:
called_computation_lowered:
.L_overlay_start_0:
0x88: {  	s2 =	sld [smem:$0x3FD9]  }
0x89: {  	s3 =	sld [smem:$0x3FFE];
	_ =	sdelay $0x1  }
0x8a: {  	s1 =	srdreg.scid  }
0x8b: {  	s0 =	sand.u32 $0x1, s1  }
0x8c: {  	s17 =	sshll.u32 s0, $0xA;
	s2 =	sadd.s32 s3, s2  }
0x8d: {  	s2 =	sadd.s32 s2, s17  }
0x8e: {  	[smem:$0x3FBB] =	sst s2  }
0x8f: {  	_ = 	snop  }
0x90: {  	s2 =	sld [smem:$0x3FC9]  }
0x91: {  	s18 =	sld [smem:$0x3FC8]  }
0x92: {  	s4 =	sld [smem:$0x3FD0];
	(tm) =	ssettm $0x1  }
0x93: {  	s5 =	sld [smem:$0x3FFB];
	_ =	sdelay $0x3  }
0x94: {  	_ =	strace s5  }
0x95: {  	s5 =	sld [smem:$0x3FFC];
	_ =	sdelay $0x3  }
0x96: {  	_ =	strace s5  }
0x97: {  	s5 =	sld [smem:$0x3FFD];
	_ =	sdelay $0x3  }
0x98: {  	_ =	strace s5  }
0x99: {  	_ =	strace $0x8FFFFFFF  }
0x9a: {  	s19 =	sld [smem:$0x3FDB];
	_ =	sdelay $0x1  }
0x9b: {  	s6 =	simm.s32 $_scs_section_size  }
0x9c: {  	s7 =	simm.s32 $_size__tile_overlayer_lowered;
	s8 =	simm.s32 $_tile_overlayer_lowered  }
0x9d: {  	s22 =	simm.s32 $0x1BFF;
	s21 =	sshll.u32 s8, $0x1;
	s5 =	sadd.s32 s6, s19  }
0x9e: {  	s9 =	simm.s32 $0x0;
	s20 =	sshll.u32 s7, $0x1;
	s7 =	sadd.s32 s21, s5  }
0x9f: {  	[timem:s9], [sflag:s22] =	dma.local [hbm:s7], s20  }
0xa0: {  	_ =	swait.ge [sflag:s22], s20  }
0xa1: {  	s6 =	ssub.s32 $0x0, s20;
	[sflag:s22] =	ssyncset.done $0x0  }
0xa2: {  	[sflag:s22] =	ssyncadd.s32 s6;
	_ =	sdelay $0x1  }
0xa3: {  	s23 =	simm.s32 $0x1B8B  }
0xa4: {  	_ =	swait.ge [sflag:s23], $0x1  }
0xa5: {  	[sflag:s23] =	ssyncset.done $0x0  }
0xa6: {  	s25 =	simm.s32 $0x1B8E;
	s24 =	sld [smem:$0x3FFE];
	[sflag:s23] =	ssyncadd.s32 $0xFFFFFFFF  }
0xa7: {  	s26 =	simm.s32 $execute0_lowered;
	[smem:$0x3FD2] =	sst s25  }
0xa8: {  	s7 =	sshll.u32 s26, $0x1;
	_ =	strace $0x80000046;
	[dreg:$0x1] =	wrdreg $0xFFFFFFFF  }
0xa9: {  	s28 =	simm.s32 $_size_execute0_lowered;
	s5 =	sadd.s32 s5, s7;
	[dreg:$0x0] =	wrdreg $0x0  }
0xaa: {  	s7 =	sshll.u32 s28, $0x1;
	[dreg:$0x2] =	wrdreg s5  }
0xab: {  	[dreg:$0x3] =	wrdreg s7  }
0xac: {  	[dreg:$0x4] =	wrdreg $0xC0  }
0xad: {  	_ =	task [dreg:s9], $0x5FFFF  }
0xae: {  	[dreg:$0x1] =	wrdreg $0xFFFFFFFF  }
0xaf: {  	[dreg:$0x0] =	wrdreg $0x60  }
0xb0: {  	[dreg:$0x2] =	wrdreg s18  }
0xb1: {  	[dreg:$0x3] =	wrdreg s2  }
0xb2: {  	[dreg:$0x4] =	wrdreg s24  }
0xb3: {  	[dreg:$0x5] =	wrdreg s4  }
0xb4: {  	[dreg:$0x6] =	wrdreg $0x82000  }
0xb5: {  	[dreg:$0x7] =	wrdreg $0x9  }
0xb6: {  	_ =	task.clear_ibuf [dreg:s9], $0x8FFFF;
	_ =	strace $0x90000046  }
0xb7: {  	s29 =	simm.s32 $0x9;
	_ =	strace $0x80000048  }
0xb8: {  	_ =	swait.ge [sflag:s29], $0x1  }
0xb9: {  	[sflag:s29] =	ssyncadd.s32 $0xFFFFFFFF  }
0xba: {  	_ =	strace $0x90000048  }
0xbb: {  	_ =	sfence  }
0xbc: {  	s30 =	sld [smem:$0x0];
	_ =	sdelay $0x2  }
0xbd: {  	s31 =	sshll.u32 s1, $0xD;
	s1 =	sshrl.u32 s1, $0x2  }
0xbe: {  	s3 =	sand.u32 $0x4000, s31;
	s1 =	sadd.s32 s1, s30  }
0xbf: {  	s0 =	sor.u32 s3, s0;
	s1 =	sshll.u32 s1, $0x11  }
0xc0: {  	s0 =	sor.u32 s1, s0  }
0xc1: {  	s0 =	sadd.s32 $0x8F2B, s0  }
0xc2: {  	[sflag:s0] =	ssyncadd.remote.s32 $0x1  }
0xc3: {  	_ =	sfence.sel $0xFFFF  }
0xc4: {  	[dreg:$0x0] =	wrdreg $0xFFFFFFFF;
	(pc) =	sbr.abs _section_cstart, $3  }
0xc5: {  	[dreg:$0x1] =	wrdreg $0xFFFFFFFF  }
0xc6: {  	_ =	task.clear_ibuf [dreg:s9], $0x2FFFF;
	_ =	strace $0x9FFFFFFF  }
0xc7: {  	(tm) =	ssettm $0x7FFFFFFF  }
tec
execute0_lowered:
.L_overlay_start_1:
0x0: {  	(tag) =	ssettag $0x1  }
0x1: {  	s0 =	rddreg [dreg:$0x0]  }
0x2: {  	s1 =	rddreg [dreg:$0x1];
	s10 =	stileid.u32  }
0x3: {  	s4 =	rddreg [dreg:$0x2];
	p0 =	sne.s32 s10, $0x0  }
0x4: {  	s11 =	rddreg [dreg:$0x3];
	s3 =	simm.s32 $0x0;
	v2 =	vimm.s32 $0x0;
	vm15 =	vmmov @!p0 $0x1  }
0x5: {  	[smem:$0x7FF] =	sst s3;
	v2 =	vsel vm15, $0xFFFFFFFF, v2  }
0x6: {  	s2 =	rddreg [dreg:$0x4];
	_ =	strace $0x80000047;
	vm15 =	vmmov @!p0 $0x3;
	[tilespmem:$0x1FF10] =	vst v2;
	v2 =	vimm.s32 $0x0  }
0x7: {  	v2 =	vsel vm15, $0xFFFFFFFF, v2  }
0x8: {  	vm15 =	vmmov @!p0 $0x7;
	[tilespmem:$0x1FF20] =	vst v2;
	v2 =	vimm.s32 $0x0  }
0x9: {  	v2 =	vsel vm15, $0xFFFFFFFF, v2  }
0xa: {  	s5 =	srdreg.scid;
	vm15 =	vmmov @!p0 $0xf;
	[tilespmem:$0x1FF30] =	vst v2;
	v2 =	vimm.s32 $0x0  }
0xb: {  	s28 =	simm.s32 $0x4200;
	s29 =	simm.s32 $0x1;
	s15 =	smul.u32 $0x270, s10;
	v2 =	vsel vm15, $0xFFFFFFFF, v2  }
0xc: {  	s30 =	simm.s32 $0x2;
	s14 =	sand.u32 $0x1, s5;
	s20 =	smul.u32 $0x4E000, s10;
	vm15 =	vmmov @!p0 $0x1f;
	[tilespmem:$0x1FF40] =	vst v2;
	v2 =	vimm.s32 $0x0  }
0xd: {  	s31 =	simm.s32 $0x180;
	s19 =	sshll.u32 s10, $0x1;
	s5 =	smul.u32 $0x27100, s14;
	v2 =	vsel vm15, $0xFFFFFFFF, v2  }
0xe: {  	s9 =	sadd.s32 $0x138000, s2;
	p1 =	sgt.u32 s10, $0x1;
	s25 =	smul.u32 $0x2710, s14;
	vm15 =	vmmov @!p0 $0x3f;
	[tilespmem:$0x1FF50] =	vst v2;
	v2 =	vimm.s32 $0x0  }
0xf: {  	s6 =	ssub.s32 $0x2, s14;
	s12 =	sor.u32 s14, s19;
	s14 =	smul.u32 $0x9C0, s14;
	v2 =	vsel vm15, $0xFFFFFFFF, v2  }
0x10: {  	s18 =	sshrl.u32 s6, $0x1;
	s17 =	sadd.s32 $0x80, s15;
	s21 =	sshrl.u32 s20, $0x2;
	vm15 =	vmmov @!p0 $0x7f;
	[tilespmem:$0x1FF60] =	vst v2;
	v2 =	vimm.s32 $0x0  }
0x11: {  	s19 =	sadd.s32 $0x180, s15;
	s20 =	sadd.s32 $0x200, s15;
	s13 =	sadd.s32 s5, s4;
	v2 =	vsel vm15, $0xFFFFFFFF, v2  }
0x12: {  	s16 =	ssub.s32 s6, s18;
	s18 =	sadd.s32 $0x100, s15;
	s22 =	sshll.u32 s17, $0x7;
	vm15 =	vmmov @!p0 $0xff;
	[tilespmem:$0x1FF70] =	vst v2;
	v2 =	vimm.s32 $0x0  }
0x13: {  	s4 =	sadd.s32 s21, s2;
	s21 =	smul.u32 $0x9C0, s12;
	s7 =	sshll.u32 s19, $0x7;
	v2 =	vsel vm15, $0xFFFFFFFF, v2  }
0x14: {  	s8 =	sshll.u32 s20, $0x7;
	s15 =	sadd.s32 s15, s25;
	s26 =	sshrl.u32 s25, $0x3;
	vm15 =	vmmov @!p0 $0x1ff;
	[tilespmem:$0x1FF80] =	vst v2;
	v2 =	vimm.s32 $0x0  }
0x15: {  	s25 =	sshll.u32 s19, $0x4;
	s19 =	simm.s32 $0x3;
	s23 =	sshll.u32 s18, $0x7;
	v2 =	vsel vm15, $0xFFFFFFFF, v2  }
0x16: {  	s5 =	sadd.s32 s22, s2;
	s22 =	smul.u32 $0x4E00, s12;
	s7 =	sadd.s32 s7, s2;
	vm15 =	vmmov @!p0 $0x3ff;
	[tilespmem:$0x1FF90] =	vst v2;
	v2 =	vimm.s32 $0x0  }
0x17: {  	s8 =	sadd.s32 s8, s2;
	s12 =	sshll.u32 s12, $0x5;
	s13 =	sadd.s32 $0x3600, s13;
	v2 =	vsel vm15, $0xFFFFFFFF, v2  }
0x18: {  	s15 =	sshrl.u32 s15, $0x3;
	s6 =	sadd.s32 s23, s2;
	s21 =	sadd.s32 s0, s21;
	vm15 =	vmmov @!p0 $0x7ff;
	[tilespmem:$0x1FFA0] =	vst v2;
	v2 =	vimm.s32 $0x0  }
0x19: {  	v0 =	vimm.f32 $0.0e+00;
	v1 =	vimm.f32 $1.000000000e+00;
	s12 =	sadd.s32 s12, s0;
	s23 =	sshll.u32 s17, $0x4;
	s15 =	sadd.s32 s11, s15;
	v2 =	vsel vm15, $0xFFFFFFFF, v2  }
0x1a: {  	vm0 =	vmmov $0x1;
	s11 =	sadd.s32 s11, s26;
	s26 =	sshll.u32 s20, $0x4;
	s20 =	simm.s32 $0x80;
	vm15 =	vmmov @!p0 $0xfff;
	[tilespmem:$0x1FFB0] =	vst v2;
	v2 =	vimm.s32 $0x0  }
0x1b: {  	vm1 =	vmmov $0x3;
	vm2 =	vmmov $0x7;
	[dreg:$0x6] =	wrdreg s21;
	s24 =	sshrl.u32 s22, $0x3;
	s12 =	sadd.s32 $0x13800, s12;
	v2 =	vsel vm15, $0xFFFFFFFF, v2  }
0x1c: {  	vm3 =	vmmov $0xf;
	[dreg:$0x8] =	wrdreg s15;
	s11 =	sadd.s32 $0x4E0, s11;
	s22 =	smax.u32 s16, $0x1;
	vm15 =	vmmov @!p0 $0x1fff;
	[tilespmem:$0x1FFC0] =	vst v2;
	v2 =	vimm.s32 $0x0  }
0x1d: {  	vm4 =	vmmov $0x1f;
	vm5 =	vmmov $0x3f;
	s21 =	sadd.s32 s0, s24;
	s24 =	sshll.u32 s18, $0x4;
	[dreg:$0x9] =	wrdreg s11;
	v2 =	vsel vm15, $0xFFFFFFFF, v2  }
0x1e: {  	vm6 =	vmmov $0x7f;
	s18 =	smul.u32 $0x1380, s10;
	[dreg:$0xa] =	wrdreg s22;
	s22 =	sadd.s32 s23, s13;
	vm15 =	vmmov @!p0 $0x3fff;
	[tilespmem:$0x1FFD0] =	vst v2;
	v2 =	vimm.s32 $0x0  }
0x1f: {  	vm7 =	vmmov $0xff;
	vm8 =	vmmov $0x1ff;
	s21 =	sadd.s32 $0x9A0, s21;
	s23 =	sadd.s32 s24, s13;
	s24 =	sadd.s32 s25, s13;
	v2 =	vsel vm15, $0xFFFFFFFF, v2  }
0x20: {  	vm9 =	vmmov $0x3ff;
	s25 =	sadd.s32 s26, s13;
	[dreg:$0x7] =	wrdreg s21;
	s21 =	smul.u32 $0x2700, s10;
	vm15 =	vmmov @!p0 $0x7fff;
	[tilespmem:$0x1FFE0] =	vst v2;
	v2 =	vimm.s32 $0x0  }
0x21: {  	vm10 =	vmmov $0x7ff;
	vm11 =	vmmov $0xfff;
	s26 =	simm.s32 $0x100;
	s0 =	sadd.s32 s18, s0;
	s18 =	simm.s32 $0x200;
	v2 =	vsel vm15, $0xFFFFFFFF, v2  }
0x22: {  	vm12 =	vmmov $0x1fff;
	vm13 =	vmmov $0x3fff;
	vm14 =	vmmov $0x7fff;
	s17 =	sadd.s32 s14, s0;
	s0 =	simm.s32 $0x0;
	s21 =	sadd.s32 s21, s13;
	[tilespmem:$0x1FFF0] =	vst v2  }
.LBB2_1:
0x23: {  	s10 =	simm.s32 $0x0;
	s11 =	simm.s32 $0x200  }
.LBB2_2:
0x24: {  	p2 =	sne.s32 s11, $0xFE00;
	[tilespmem:s10+$0x270] =	vst v0  }
0x25: {  	[tilespmem:s10+$0x200] =	vst v0  }
0x26: {  	[tilespmem:s10+$0x210] =	vst v0  }
.Ltmp0:
0x27: {  	[tilespmem:s10+$0x220] =	vst v0;
	(pc) =	sbr.rel @p2 .LBB2_2-.Ltmp0, $4  }
0x28: {  	[tilespmem:s10+$0x230] =	vst v0  }
0x29: {  	[tilespmem:s10+$0x240] =	vst v0  }
0x2a: {  	[tilespmem:s10+$0x250] =	vst v0  }
0x2b: {  	[tilespmem:s10+$0x260] =	vst v0;
	s10 =	sshra.s32 s11, $0x2;
	s11 =	sadd.s32 $0x200, s11  }
0x2c: {  	[tilespmem:s10+$0x270] =	vst v0  }
0x2d: {  	[tilespmem:s10+$0x200] =	vst v0  }
0x2e: {  	[tilespmem:s10+$0x210] =	vst v0  }
0x2f: {  	[tilespmem:s10+$0x220] =	vst v0  }
0x30: {  	[tilespmem:s10+$0x230] =	vst v0  }
0x31: {  	[tilespmem:s10+$0x240] =	vst v0  }
0x32: {  	[tilespmem:s10+$0x250] =	vst v0  }
0x33: {  	[tilespmem:s10+$0x260] =	vst v0  }
0x34: {  	[spmem:s4] =	stream.linear.scatter [tilespmem:s18], [sflag:$0x3], $0x4000, $0x38;
	[tilespmem:$0x1BD00] =	vst v63  }
0x35: {  	_ =	swait.ge [sflag:s19], $0x4000  }
0x36: {  	[sflag:s19] =	ssyncset.done $0x0  }
0x37: {  	[sflag:s19] =	ssyncadd.s32 $0xFFFFC000  }
0x38: {  	[spmem:s5] =	stream.linear.scatter [tilespmem:s18], [sflag:$0x3], $0x4000, $0x38;
	[tilespmem:$0x1BD00] =	vst v63  }
0x39: {  	_ =	swait.ge [sflag:s19], $0x4000  }
0x3a: {  	[sflag:s19] =	ssyncset.done $0x0  }
0x3b: {  	[sflag:s19] =	ssyncadd.s32 $0xFFFFC000  }
0x3c: {  	[spmem:s6] =	stream.linear.scatter [tilespmem:s18], [sflag:$0x3], $0x4000, $0x38;
	[tilespmem:$0x1BD00] =	vst v63  }
0x3d: {  	_ =	swait.ge [sflag:s19], $0x4000  }
0x3e: {  	[sflag:s19] =	ssyncset.done $0x0  }
0x3f: {  	[sflag:s19] =	ssyncadd.s32 $0xFFFFC000  }
0x40: {  	[spmem:s7] =	stream.linear.scatter [tilespmem:s18], [sflag:$0x3], $0x4000, $0x38;
	[tilespmem:$0x1BD00] =	vst v63  }
0x41: {  	_ =	swait.ge [sflag:s19], $0x4000  }
0x42: {  	[sflag:s19] =	ssyncset.done $0x0  }
0x43: {  	[sflag:s19] =	ssyncadd.s32 $0xFFFFC000  }
0x44: {  	[spmem:s8] =	stream.linear.scatter [tilespmem:s18], [sflag:$0x3], $0x3800, $0x38;
	[tilespmem:$0x1BD00] =	vst v63  }
0x45: {  	_ =	swait.ge [sflag:s19], $0x3800  }
0x46: {  	[sflag:s19] =	ssyncset.done $0x0  }
0x47: {  	s10 =	simm.s32 @!p0 $0x200;
	[sflag:s19] =	ssyncadd.s32 $0xFFFFC800  }
0x48: {  	[spmem:s9] =	stream.linear.scatter @!p0 [tilespmem:s10], [sflag:$0x3], $0x800, $0x38;
	[tilespmem:$0x1BD00] =	vst v63  }
0x49: {  	s10 =	simm.s32 @!p0 $0x3  }
0x4a: {  	_ =	swait.ge @!p0 [sflag:s10], $0x800  }
0x4b: {  	[sflag:s10] =	ssyncset.done @!p0 $0x0  }
0x4c: {  	[sflag:s10] =	ssyncadd.s32 @!p0 $0xFFFFF800  }
0x4d: {  	[bflag:$0x0] =	sbarrier.arrive $0xFFFF  }
0x4e: {  	s15 =	rddreg [dreg:$0x6]  }
0x4f: {  	[tilespmem:s3], [sflag:$0x3] =	stream.linear.gather [hbm4b:s15+s3], $0x100, $0x38;
	[tilespmem:$0x1BD00] =	vst v63  }
0x50: {  	_ =	swait.ge [sflag:s19], $0x100  }
0x51: {  	[sflag:s19] =	ssyncset.done $0x0  }
0x52: {  	s16 =	sadd.s32 $0xFFFFF680, s17;
	[sflag:s19] =	ssyncadd.s32 $0xFFFFFF00  }
0x53: {  	[tilespmem:s18], [sflag:$0x1] =	stream.indirect.gather [hbm4b:s1+s20], $0x80, s3, s20, $0xb8;
	[tilespmem:$0x1BD00] =	vst v63  }
0x54: {  	s11 =	sadd.s32 $0x9A0, s16  }
0x55: {  	[tilespmem:s26], [sflag:$0x3] =	stream.linear.gather [hbm4b:s11+s3], $0x100, $0x38;
	[tilespmem:$0x1BD00] =	vst v63  }
0x56: {  	_ =	swait.ge [sflag:s19], $0x100  }
0x57: {  	[sflag:s19] =	ssyncset.done $0x0  }
0x58: {  	[sflag:s19] =	ssyncadd.s32 $0xFFFFFF00  }
0x59: {  	[tilespmem:s28], [sflag:$0x2] =	stream.indirect.gather [hbm4b:s1+s20], $0x80, s26, s20, $0xb8;
	[tilespmem:$0x1BD00] =	vst v63  }
0x5a: {  	_ =	swait.ge [sflag:s29], $0x4000  }
0x5b: {  	[sflag:s29] =	ssyncset.done $0x0  }
0x5c: {  	[sflag:s29] =	ssyncadd.s32 $0xFFFFC000  }
0x5d: {  	[spmem:s2] =	stream.indirect.scatter.add.f32 [tilespmem:s18], [sflag:$0x3], $0x80, s20, s20, $0xb8;
	[tilespmem:$0x1BD00] =	vst v63  }
0x5e: {  	_ =	swait.ge [sflag:s19], $0x4000  }
0x5f: {  	[sflag:s19] =	ssyncset.done $0x0  }
0x60: {  	s10 =	sadd.s32 $0x9C0, s16;
	[sflag:s19] =	ssyncadd.s32 $0xFFFFC000  }
0x61: {  	[tilespmem:s3], [sflag:$0x3] =	stream.linear.gather [hbm4b:s10+s3], $0x100, $0x38;
	[tilespmem:$0x1BD00] =	vst v63  }
0x62: {  	_ =	swait.ge [sflag:s19], $0x100  }
0x63: {  	[sflag:s19] =	ssyncset.done $0x0  }
0x64: {  	[sflag:s19] =	ssyncadd.s32 $0xFFFFFF00  }
0x65: {  	[tilespmem:s18], [sflag:$0x1] =	stream.indirect.gather [hbm4b:s1+s20], $0x80, s3, s20, $0xb8;
	[tilespmem:$0x1BD00] =	vst v63  }
0x66: {  	_ =	swait.ge [sflag:s30], $0x4000  }
0x67: {  	[sflag:s30] =	ssyncset.done $0x0  }
0x68: {  	[sflag:s30] =	ssyncadd.s32 $0xFFFFC000  }
0x69: {  	[spmem:s2] =	stream.indirect.scatter.add.f32 [tilespmem:s28], [sflag:$0x3], $0x80, s31, s20, $0xb8;
	[tilespmem:$0x1BD00] =	vst v63  }
0x6a: {  	_ =	swait.ge [sflag:s19], $0x4000  }
0x6b: {  	s11 =	simm.s32 $0xFFFFF700;
	s10 =	sadd.s32 $0xFFFFF6C0, s17;
	[sflag:s19] =	ssyncset.done $0x0  }
.LBB2_4:
0x6c: {  	s14 =	sadd.s32 $0x9A0, s10  }
0x6d: {  	[sflag:s19] =	ssyncadd.s32 $0xFFFFC000;
	s15 =	smov.u32 s11;
	s16 =	sadd.s32 $0x40, s11  }
0x6e: {  	[tilespmem:s26], [sflag:$0x3] =	stream.linear.gather [hbm4b:s14+s3], $0x100, $0x38;
	[tilespmem:$0x1BD00] =	vst v63  }
0x6f: {  	p2 =	sne.s32 s11, $0xFFFFFFC0;
	_ =	swait.ge [sflag:s19], $0x100  }
0x70: {  	[sflag:s19] =	ssyncset.done $0x0  }
0x71: {  	[sflag:s19] =	ssyncadd.s32 $0xFFFFFF00  }
0x72: {  	[tilespmem:s28], [sflag:$0x2] =	stream.indirect.gather [hbm4b:s1+s20], $0x80, s26, s20, $0xb8;
	[tilespmem:$0x1BD00] =	vst v63  }
0x73: {  	_ =	swait.ge [sflag:s29], $0x4000  }
0x74: {  	[sflag:s29] =	ssyncset.done $0x0  }
0x75: {  	[sflag:s29] =	ssyncadd.s32 $0xFFFFC000  }
0x76: {  	[spmem:s2] =	stream.indirect.scatter.add.f32 [tilespmem:s18], [sflag:$0x3], $0x80, s20, s20, $0xb8;
	[tilespmem:$0x1BD00] =	vst v63  }
0x77: {  	_ =	swait.ge [sflag:s19], $0x4000  }
0x78: {  	[sflag:s19] =	ssyncset.done $0x0  }
0x79: {  	s10 =	sadd.s32 $0x9C0, s10;
	[sflag:s19] =	ssyncadd.s32 $0xFFFFC000  }
0x7a: {  	[tilespmem:s3], [sflag:$0x3] =	stream.linear.gather [hbm4b:s10+s3], $0x100, $0x38;
	[tilespmem:$0x1BD00] =	vst v63  }
0x7b: {  	_ =	swait.ge [sflag:s19], $0x100  }
0x7c: {  	[sflag:s19] =	ssyncset.done $0x0  }
0x7d: {  	[sflag:s19] =	ssyncadd.s32 $0xFFFFFF00  }
0x7e: {  	[tilespmem:s18], [sflag:$0x1] =	stream.indirect.gather [hbm4b:s1+s20], $0x80, s3, s20, $0xb8;
	[tilespmem:$0x1BD00] =	vst v63  }
0x7f: {  	_ =	swait.ge [sflag:s30], $0x4000  }
.Ltmp1:
0x80: {  	[sflag:s30] =	ssyncset.done $0x0;
	(pc) =	sbr.rel @p2 .LBB2_4-.Ltmp1, $4  }
0x81: {  	[sflag:s30] =	ssyncadd.s32 $0xFFFFC000  }
0x82: {  	[spmem:s2] =	stream.indirect.scatter.add.f32 [tilespmem:s28], [sflag:$0x3], $0x80, s31, s20, $0xb8;
	[tilespmem:$0x1BD00] =	vst v63  }
0x83: {  	_ =	swait.ge [sflag:s19], $0x4000  }
0x84: {  	s11 =	smov.u32 s16;
	s10 =	sadd.s32 s15, s17;
	[sflag:s19] =	ssyncset.done $0x0  }
0x85: {  	s11 =	sadd.s32 $0x9A0, s10;
	[sflag:s19] =	ssyncadd.s32 $0xFFFFC000  }
0x86: {  	[tilespmem:s26], [sflag:$0x3] =	stream.linear.gather [hbm4b:s11+s3], $0x100, $0x38;
	[tilespmem:$0x1BD00] =	vst v63  }
0x87: {  	_ =	swait.ge [sflag:s19], $0x100  }
0x88: {  	[sflag:s19] =	ssyncset.done $0x0  }
0x89: {  	[sflag:s19] =	ssyncadd.s32 $0xFFFFFF00  }
0x8a: {  	[tilespmem:s28], [sflag:$0x2] =	stream.indirect.gather [hbm4b:s1+s20], $0x80, s26, s20, $0xb8;
	[tilespmem:$0x1BD00] =	vst v63  }
0x8b: {  	_ =	swait.ge [sflag:s29], $0x4000  }
0x8c: {  	[sflag:s29] =	ssyncset.done $0x0  }
0x8d: {  	[sflag:s29] =	ssyncadd.s32 $0xFFFFC000  }
0x8e: {  	[spmem:s2] =	stream.indirect.scatter.add.f32 [tilespmem:s18], [sflag:$0x3], $0x80, s20, s20, $0xb8;
	[tilespmem:$0x1BD00] =	vst v63  }
0x8f: {  	_ =	swait.ge [sflag:s19], $0x4000  }
0x90: {  	[sflag:s19] =	ssyncset.done $0x0  }
0x91: {  	s15 =	sadd.s32 $0x9C0, s10;
	[sflag:s19] =	ssyncadd.s32 $0xFFFFC000  }
0x92: {  	[tilespmem:s3], [sflag:$0x3] =	stream.linear.gather [hbm4b:s15+s3], $0x100, $0x38;
	[tilespmem:$0x1BD00] =	vst v63  }
0x93: {  	_ =	swait.ge [sflag:s19], $0x100  }
0x94: {  	[sflag:s19] =	ssyncset.done $0x0  }
0x95: {  	[sflag:s19] =	ssyncadd.s32 $0xFFFFFF00  }
0x96: {  	[tilespmem:s18], [sflag:$0x1] =	stream.indirect.gather [hbm4b:s1+s20], $0x80, s3, s20, $0xb8;
	[tilespmem:$0x1BD00] =	vst v63  }
0x97: {  	_ =	swait.ge [sflag:s30], $0x4000  }
0x98: {  	[sflag:s30] =	ssyncset.done $0x0  }
0x99: {  	[sflag:s30] =	ssyncadd.s32 $0xFFFFC000  }
0x9a: {  	[spmem:s2] =	stream.indirect.scatter.add.f32 [tilespmem:s28], [sflag:$0x3], $0x80, s31, s20, $0xb8;
	[tilespmem:$0x1BD00] =	vst v63  }
0x9b: {  	_ =	swait.ge [sflag:s19], $0x4000  }
0x9c: {  	[sflag:s19] =	ssyncset.done $0x0  }
0x9d: {  	s16 =	rddreg [dreg:$0x7];
	[sflag:s19] =	ssyncadd.s32 $0xFFFFC000  }
0x9e: {  	[tilespmem:s26], [sflag:$0x3] =	stream.linear.gather [hbm4b:s16+s3], $0x100, $0x38;
	[tilespmem:$0x1BD00] =	vst v63  }
0x9f: {  	_ =	swait.ge [sflag:s19], $0x100  }
0xa0: {  	[sflag:s19] =	ssyncset.done $0x0  }
0xa1: {  	[sflag:s19] =	ssyncadd.s32 $0xFFFFFF00  }
0xa2: {  	[tilespmem:s28], [sflag:$0x2] =	stream.indirect.gather [hbm4b:s1+s20], $0x80, s26, s20, $0xb8;
	[tilespmem:$0x1BD00] =	vst v63  }
0xa3: {  	_ =	swait.ge [sflag:s29], $0x4000  }
0xa4: {  	[sflag:s29] =	ssyncset.done $0x0  }
0xa5: {  	[sflag:s29] =	ssyncadd.s32 $0xFFFFC000  }
0xa6: {  	[spmem:s2] =	stream.indirect.scatter.add.f32 [tilespmem:s18], [sflag:$0x3], $0x80, s20, s20, $0xb8;
	[tilespmem:$0x1BD00] =	vst v63  }
0xa7: {  	_ =	swait.ge [sflag:s19], $0x4000  }
0xa8: {  	[sflag:s19] =	ssyncset.done $0x0  }
0xa9: {  	[sflag:s19] =	ssyncadd.s32 $0xFFFFC000  }
0xaa: {  	_ =	swait.ge [sflag:s30], $0x4000  }
0xab: {  	[sflag:s30] =	ssyncset.done $0x0  }
0xac: {  	[sflag:s30] =	ssyncadd.s32 $0xFFFFC000  }
0xad: {  	[spmem:s2] =	stream.indirect.scatter.add.f32 [tilespmem:s28], [sflag:$0x3], $0x80, s31, s20, $0xb8;
	[tilespmem:$0x1BD00] =	vst v63  }
0xae: {  	_ =	swait.ge [sflag:s19], $0x4000  }
0xaf: {  	[sflag:s19] =	ssyncset.done $0x0  }
0xb0: {  	s10 =	simm.s32 @!p1 $0x0;
	s11 =	simm.s32 @!p1 $0x3;
	[sflag:s19] =	ssyncadd.s32 $0xFFFFC000  }
0xb1: {  	[tilespmem:s10], [sflag:$0x3] =	stream.linear.gather @!p1 [hbm4b:s12+s10], $0x100, $0x38;
	[tilespmem:$0x1BD00] =	vst v63  }
0xb2: {  	_ =	swait.ge @!p1 [sflag:s11], $0x100  }
0xb3: {  	[sflag:s11] =	ssyncset.done @!p1 $0x0  }
0xb4: {  	s14 =	simm.s32 @!p1 $0x80;
	s15 =	simm.s32 @!p1 $0x200;
	[sflag:s11] =	ssyncadd.s32 @!p1 $0xFFFFFF00  }
0xb5: {  	[tilespmem:s15], [sflag:$0x1] =	stream.indirect.gather @!p1 [hbm4b:s1+s14], $0x80, s10, s14, $0xb8;
	[tilespmem:$0x1BD00] =	vst v63  }
0xb6: {  	s10 =	simm.s32 @!p1 $0x1  }
0xb7: {  	_ =	swait.ge @!p1 [sflag:s10], $0x4000  }
0xb8: {  	[sflag:s10] =	ssyncset.done @!p1 $0x0  }
0xb9: {  	[sflag:s10] =	ssyncadd.s32 @!p1 $0xFFFFC000  }
0xba: {  	[spmem:s2] =	stream.indirect.scatter.add.f32 @!p1 [tilespmem:s15], [sflag:$0x3], $0x80, s14, s14, $0xb8;
	[tilespmem:$0x1BD00] =	vst v63  }
0xbb: {  	_ =	swait.ge @!p1 [sflag:s11], $0x4000  }
0xbc: {  	[sflag:s11] =	ssyncset.done @!p1 $0x0  }
0xbd: {  	[sflag:s11] =	ssyncadd.s32 @!p1 $0xFFFFC000  }
0xbe: {  	[bflag:$0x0] =	sbarrier.arrive $0xFFFF  }
0xbf: {  	[tilespmem:s18], [sflag:$0x3] =	stream.linear.gather [spmem:s4], $0x4000, $0x38;
	[tilespmem:$0x1BD00] =	vst v63  }
0xc0: {  	_ =	swait.ge [sflag:s19], $0x4000  }
0xc1: {  	[sflag:s19] =	ssyncset.done $0x0  }
0xc2: {  	[sflag:s19] =	ssyncadd.s32 $0xFFFFC000  }
0xc3: {  	[hbm4b:s21+s3] =	stream.linear.scatter [tilespmem:s18], [sflag:$0x3], $0x4000, $0x38;
	[tilespmem:$0x1BD00] =	vst v63  }
0xc4: {  	_ =	swait.ge [sflag:s19], $0x4000  }
0xc5: {  	[sflag:s19] =	ssyncset.done $0x0  }
0xc6: {  	[sflag:s19] =	ssyncadd.s32 $0xFFFFC000  }
0xc7: {  	[tilespmem:s18], [sflag:$0x3] =	stream.linear.gather [spmem:s5], $0x4000, $0x38;
	[tilespmem:$0x1BD00] =	vst v63  }
0xc8: {  	_ =	swait.ge [sflag:s19], $0x4000  }
0xc9: {  	[sflag:s19] =	ssyncset.done $0x0  }
0xca: {  	[sflag:s19] =	ssyncadd.s32 $0xFFFFC000  }
0xcb: {  	[hbm4b:s22+s3] =	stream.linear.scatter [tilespmem:s18], [sflag:$0x3], $0x4000, $0x38;
	[tilespmem:$0x1BD00] =	vst v63  }
0xcc: {  	_ =	swait.ge [sflag:s19], $0x4000  }
0xcd: {  	[sflag:s19] =	ssyncset.done $0x0  }
0xce: {  	[sflag:s19] =	ssyncadd.s32 $0xFFFFC000  }
0xcf: {  	[tilespmem:s18], [sflag:$0x3] =	stream.linear.gather [spmem:s6], $0x4000, $0x38;
	[tilespmem:$0x1BD00] =	vst v63  }
0xd0: {  	_ =	swait.ge [sflag:s19], $0x4000  }
0xd1: {  	[sflag:s19] =	ssyncset.done $0x0  }
0xd2: {  	[sflag:s19] =	ssyncadd.s32 $0xFFFFC000  }
0xd3: {  	[hbm4b:s23+s3] =	stream.linear.scatter [tilespmem:s18], [sflag:$0x3], $0x4000, $0x38;
	[tilespmem:$0x1BD00] =	vst v63  }
0xd4: {  	_ =	swait.ge [sflag:s19], $0x4000  }
0xd5: {  	[sflag:s19] =	ssyncset.done $0x0  }
0xd6: {  	[sflag:s19] =	ssyncadd.s32 $0xFFFFC000  }
0xd7: {  	[tilespmem:s18], [sflag:$0x3] =	stream.linear.gather [spmem:s7], $0x4000, $0x38;
	[tilespmem:$0x1BD00] =	vst v63  }
0xd8: {  	_ =	swait.ge [sflag:s19], $0x4000  }
0xd9: {  	[sflag:s19] =	ssyncset.done $0x0  }
0xda: {  	[sflag:s19] =	ssyncadd.s32 $0xFFFFC000  }
0xdb: {  	[hbm4b:s24+s3] =	stream.linear.scatter [tilespmem:s18], [sflag:$0x3], $0x4000, $0x38;
	[tilespmem:$0x1BD00] =	vst v63  }
0xdc: {  	_ =	swait.ge [sflag:s19], $0x4000  }
0xdd: {  	[sflag:s19] =	ssyncset.done $0x0  }
0xde: {  	[sflag:s19] =	ssyncadd.s32 $0xFFFFC000  }
0xdf: {  	[tilespmem:s18], [sflag:$0x3] =	stream.linear.gather [spmem:s8], $0x3800, $0x38;
	[tilespmem:$0x1BD00] =	vst v63  }
0xe0: {  	_ =	swait.ge [sflag:s19], $0x3800  }
0xe1: {  	[sflag:s19] =	ssyncset.done $0x0  }
0xe2: {  	[sflag:s19] =	ssyncadd.s32 $0xFFFFC800  }
0xe3: {  	[hbm4b:s25+s3] =	stream.linear.scatter [tilespmem:s18], [sflag:$0x3], $0x3800, $0x38;
	[tilespmem:$0x1BD00] =	vst v63  }
0xe4: {  	_ =	swait.ge [sflag:s19], $0x3800  }
0xe5: {  	[sflag:s19] =	ssyncset.done $0x0  }
0xe6: {  	s10 =	simm.s32 @!p0 $0x200;
	s11 =	simm.s32 @!p0 $0x3;
	[sflag:s19] =	ssyncadd.s32 $0xFFFFC800  }
0xe7: {  	[tilespmem:s10], [sflag:$0x3] =	stream.linear.gather @!p0 [spmem:s9], $0x800, $0x38;
	[tilespmem:$0x1BD00] =	vst v63  }
0xe8: {  	_ =	swait.ge @!p0 [sflag:s11], $0x800  }
0xe9: {  	[sflag:s11] =	ssyncset.done @!p0 $0x0  }
0xea: {  	s14 =	sadd.s32 @!p0 $0x27000, s13;
	s15 =	simm.s32 @!p0 $0x0;
	[sflag:s11] =	ssyncadd.s32 @!p0 $0xFFFFF800  }
0xeb: {  	[hbm4b:s14+s15] =	stream.linear.scatter @!p0 [tilespmem:s10], [sflag:$0x3], $0x800, $0x38;
	[tilespmem:$0x1BD00] =	vst v63  }
0xec: {  	_ =	swait.ge @!p0 [sflag:s11], $0x800  }
0xed: {  	[sflag:s11] =	ssyncset.done @!p0 $0x0  }
0xee: {  	[sflag:s11] =	ssyncadd.s32 @!p0 $0xFFFFF800  }
0xef: {  	s10 =	simm.s32 $0x0;
	s11 =	simm.s32 $0x200;
	[bflag:$0x0] =	sbarrier.arrive $0xFFFF  }
.LBB2_6:
0xf0: {  	p2 =	sne.s32 s11, $0xFE00;
	[tilespmem:s10+$0x270] =	vst v0  }
0xf1: {  	[tilespmem:s10+$0x200] =	vst v0  }
0xf2: {  	[tilespmem:s10+$0x210] =	vst v0  }
.Ltmp2:
0xf3: {  	[tilespmem:s10+$0x220] =	vst v0;
	(pc) =	sbr.rel @p2 .LBB2_6-.Ltmp2, $4  }
0xf4: {  	[tilespmem:s10+$0x230] =	vst v0  }
0xf5: {  	[tilespmem:s10+$0x240] =	vst v0  }
0xf6: {  	[tilespmem:s10+$0x250] =	vst v0  }
0xf7: {  	[tilespmem:s10+$0x260] =	vst v0;
	s10 =	sshra.s32 s11, $0x2;
	s11 =	sadd.s32 $0x200, s11  }
0xf8: {  	[tilespmem:s10+$0x270] =	vst v0  }
0xf9: {  	[tilespmem:s10+$0x200] =	vst v0  }
0xfa: {  	[tilespmem:s10+$0x210] =	vst v0  }
0xfb: {  	[tilespmem:s10+$0x220] =	vst v0  }
0xfc: {  	[tilespmem:s10+$0x230] =	vst v0  }
0xfd: {  	[tilespmem:s10+$0x240] =	vst v0  }
0xfe: {  	[tilespmem:s10+$0x250] =	vst v0  }
0xff: {  	[tilespmem:s10+$0x260] =	vst v0  }
0x100: {  	[spmem:s4] =	stream.linear.scatter [tilespmem:s18], [sflag:$0x3], $0x4000, $0x38;
	[tilespmem:$0x1BD00] =	vst v63  }
0x101: {  	_ =	swait.ge [sflag:s19], $0x4000  }
0x102: {  	[sflag:s19] =	ssyncset.done $0x0  }
0x103: {  	[sflag:s19] =	ssyncadd.s32 $0xFFFFC000  }
0x104: {  	[spmem:s5] =	stream.linear.scatter [tilespmem:s18], [sflag:$0x3], $0x4000, $0x38;
	[tilespmem:$0x1BD00] =	vst v63  }
0x105: {  	_ =	swait.ge [sflag:s19], $0x4000  }
0x106: {  	[sflag:s19] =	ssyncset.done $0x0  }
0x107: {  	[sflag:s19] =	ssyncadd.s32 $0xFFFFC000  }
0x108: {  	[spmem:s6] =	stream.linear.scatter [tilespmem:s18], [sflag:$0x3], $0x4000, $0x38;
	[tilespmem:$0x1BD00] =	vst v63  }
0x109: {  	_ =	swait.ge [sflag:s19], $0x4000  }
0x10a: {  	[sflag:s19] =	ssyncset.done $0x0  }
0x10b: {  	[sflag:s19] =	ssyncadd.s32 $0xFFFFC000  }
0x10c: {  	[spmem:s7] =	stream.linear.scatter [tilespmem:s18], [sflag:$0x3], $0x4000, $0x38;
	[tilespmem:$0x1BD00] =	vst v63  }
0x10d: {  	_ =	swait.ge [sflag:s19], $0x4000  }
0x10e: {  	[sflag:s19] =	ssyncset.done $0x0  }
0x10f: {  	[sflag:s19] =	ssyncadd.s32 $0xFFFFC000  }
0x110: {  	[spmem:s8] =	stream.linear.scatter [tilespmem:s18], [sflag:$0x3], $0x3800, $0x38;
	[tilespmem:$0x1BD00] =	vst v63  }
0x111: {  	_ =	swait.ge [sflag:s19], $0x3800  }
0x112: {  	[sflag:s19] =	ssyncset.done $0x0  }
0x113: {  	s10 =	simm.s32 @!p0 $0x200;
	[sflag:s19] =	ssyncadd.s32 $0xFFFFC800  }
0x114: {  	[spmem:s9] =	stream.linear.scatter @!p0 [tilespmem:s10], [sflag:$0x3], $0x800, $0x38;
	[tilespmem:$0x1BD00] =	vst v63  }
0x115: {  	s10 =	simm.s32 @!p0 $0x3  }
0x116: {  	_ =	swait.ge @!p0 [sflag:s10], $0x800  }
0x117: {  	[sflag:s10] =	ssyncset.done @!p0 $0x0  }
0x118: {  	s11 =	simm.s32 $0x200;
	[sflag:s10] =	ssyncadd.s32 @!p0 $0xFFFFF800;
	s10 =	simm.s32 $0x0  }
.LBB2_8:
0x119: {  	p2 =	sne.s32 s11, $0xFE00;
	[tilespmem:s10+$0x270] =	vst v1  }
0x11a: {  	[tilespmem:s10+$0x200] =	vst v1  }
0x11b: {  	[tilespmem:s10+$0x210] =	vst v1  }
.Ltmp3:
0x11c: {  	[tilespmem:s10+$0x220] =	vst v1;
	(pc) =	sbr.rel @p2 .LBB2_8-.Ltmp3, $4  }
0x11d: {  	[tilespmem:s10+$0x230] =	vst v1  }
0x11e: {  	[tilespmem:s10+$0x240] =	vst v1  }
0x11f: {  	[tilespmem:s10+$0x250] =	vst v1  }
0x120: {  	[tilespmem:s10+$0x260] =	vst v1;
	s10 =	sshra.s32 s11, $0x2;
	s11 =	sadd.s32 $0x200, s11  }
0x121: {  	[tilespmem:s10+$0x270] =	vst v1  }
0x122: {  	[tilespmem:s10+$0x200] =	vst v1  }
0x123: {  	[tilespmem:s10+$0x210] =	vst v1  }
0x124: {  	[tilespmem:s10+$0x220] =	vst v1  }
0x125: {  	[tilespmem:s10+$0x230] =	vst v1  }
0x126: {  	[tilespmem:s10+$0x240] =	vst v1  }
0x127: {  	[tilespmem:s10+$0x250] =	vst v1  }
0x128: {  	[tilespmem:s10+$0x260] =	vst v1  }
0x129: {  	s16 =	sadd.s32 $0x0, s17;
	[bflag:$0x0] =	sbarrier.arrive $0xFFFF  }
0x12a: {  	[tilespmem:s3], [sflag:$0x3] =	stream.linear.gather [hbm4b:s16+s3], $0x100, $0x38;
	[tilespmem:$0x1BD00] =	vst v63  }
0x12b: {  	_ =	swait.ge [sflag:s19], $0x100  }
0x12c: {  	[sflag:s19] =	ssyncset.done $0x0  }
0x12d: {  	[sflag:s19] =	ssyncadd.s32 $0xFFFFFF00  }
0x12e: {  	[spmem:s2] =	stream.indirect.scatter.add.f32 [tilespmem:s18], [sflag:$0x1], $0x80, s20, s20, $0xb8;
	[tilespmem:$0x1BD00] =	vst v63  }
0x12f: {  	s10 =	sadd.s32 $0x20, s16  }
0x130: {  	[tilespmem:s26], [sflag:$0x3] =	stream.linear.gather [hbm4b:s10+s3], $0x100, $0x38;
	[tilespmem:$0x1BD00] =	vst v63  }
0x131: {  	_ =	swait.ge [sflag:s19], $0x100  }
0x132: {  	[sflag:s19] =	ssyncset.done $0x0  }
0x133: {  	[sflag:s19] =	ssyncadd.s32 $0xFFFFFF00  }
0x134: {  	[spmem:s2] =	stream.indirect.scatter.add.f32 [tilespmem:s18], [sflag:$0x2], $0x80, s31, s20, $0xb8;
	[tilespmem:$0x1BD00] =	vst v63  }
0x135: {  	_ =	swait.ge [sflag:s29], $0x4000  }
0x136: {  	[sflag:s29] =	ssyncset.done $0x0  }
0x137: {  	[sflag:s29] =	ssyncadd.s32 $0xFFFFC000  }
0x138: {  	_ =	swait.ge [sflag:s30], $0x4000  }
0x139: {  	s11 =	simm.s32 $0x80;
	s10 =	simm.s32 $0x40;
	[sflag:s30] =	ssyncset.done $0x0  }
.LBB2_10:
0x13a: {  	s14 =	sadd.s32 s10, s17  }
0x13b: {  	[sflag:s30] =	ssyncadd.s32 $0xFFFFC000;
	s10 =	smov.u32 s11;
	s15 =	sadd.s32 $0x40, s11  }
0x13c: {  	[tilespmem:s3], [sflag:$0x3] =	stream.linear.gather [hbm4b:s14+s3], $0x100, $0x38;
	[tilespmem:$0x1BD00] =	vst v63  }
0x13d: {  	p2 =	sne.s32 s11, $0x980;
	_ =	swait.ge [sflag:s19], $0x100  }
0x13e: {  	[sflag:s19] =	ssyncset.done $0x0  }
0x13f: {  	[sflag:s19] =	ssyncadd.s32 $0xFFFFFF00  }
0x140: {  	[spmem:s2] =	stream.indirect.scatter.add.f32 [tilespmem:s18], [sflag:$0x1], $0x80, s20, s20, $0xb8;
	[tilespmem:$0x1BD00] =	vst v63  }
0x141: {  	s11 =	sadd.s32 $0x20, s14  }
0x142: {  	[tilespmem:s26], [sflag:$0x3] =	stream.linear.gather [hbm4b:s11+s3], $0x100, $0x38;
	[tilespmem:$0x1BD00] =	vst v63  }
0x143: {  	_ =	swait.ge [sflag:s19], $0x100  }
0x144: {  	[sflag:s19] =	ssyncset.done $0x0  }
0x145: {  	[sflag:s19] =	ssyncadd.s32 $0xFFFFFF00  }
0x146: {  	[spmem:s2] =	stream.indirect.scatter.add.f32 [tilespmem:s18], [sflag:$0x2], $0x80, s31, s20, $0xb8;
	[tilespmem:$0x1BD00] =	vst v63  }
.Ltmp4:
0x147: {  	_ =	swait.ge [sflag:s29], $0x4000;
	(pc) =	sbr.rel @p2 .LBB2_10-.Ltmp4, $4  }
0x148: {  	[sflag:s29] =	ssyncset.done $0x0  }
0x149: {  	[sflag:s29] =	ssyncadd.s32 $0xFFFFC000  }
0x14a: {  	_ =	swait.ge [sflag:s30], $0x4000  }
0x14b: {  	s11 =	smov.u32 s15;
	[sflag:s30] =	ssyncset.done $0x0  }
0x14c: {  	s10 =	sadd.s32 s10, s17;
	[sflag:s30] =	ssyncadd.s32 $0xFFFFC000  }
0x14d: {  	[tilespmem:s3], [sflag:$0x3] =	stream.linear.gather [hbm4b:s10+s3], $0x100, $0x38;
	[tilespmem:$0x1BD00] =	vst v63  }
0x14e: {  	_ =	swait.ge [sflag:s19], $0x100  }
0x14f: {  	[sflag:s19] =	ssyncset.done $0x0  }
0x150: {  	[sflag:s19] =	ssyncadd.s32 $0xFFFFFF00  }
0x151: {  	[spmem:s2] =	stream.indirect.scatter.add.f32 [tilespmem:s18], [sflag:$0x1], $0x80, s20, s20, $0xb8;
	[tilespmem:$0x1BD00] =	vst v63  }
0x152: {  	s10 =	sadd.s32 $0x20, s10  }
0x153: {  	[tilespmem:s26], [sflag:$0x3] =	stream.linear.gather [hbm4b:s10+s3], $0x100, $0x38;
	[tilespmem:$0x1BD00] =	vst v63  }
0x154: {  	_ =	swait.ge [sflag:s19], $0x100  }
0x155: {  	[sflag:s19] =	ssyncset.done $0x0  }
0x156: {  	[sflag:s19] =	ssyncadd.s32 $0xFFFFFF00  }
0x157: {  	[spmem:s2] =	stream.indirect.scatter.add.f32 [tilespmem:s18], [sflag:$0x2], $0x80, s31, s20, $0xb8;
	[tilespmem:$0x1BD00] =	vst v63  }
0x158: {  	_ =	swait.ge [sflag:s29], $0x4000  }
0x159: {  	[sflag:s29] =	ssyncset.done $0x0  }
0x15a: {  	[sflag:s29] =	ssyncadd.s32 $0xFFFFC000  }
0x15b: {  	_ =	swait.ge [sflag:s30], $0x4000  }
0x15c: {  	[sflag:s30] =	ssyncset.done $0x0  }
0x15d: {  	s10 =	simm.s32 @!p1 $0x0;
	[sflag:s30] =	ssyncadd.s32 $0xFFFFC000  }
0x15e: {  	[tilespmem:s10], [sflag:$0x3] =	stream.linear.gather @!p1 [hbm4b:s12+s10], $0x100, $0x38;
	[tilespmem:$0x1BD00] =	vst v63  }
0x15f: {  	s10 =	simm.s32 @!p1 $0x3  }
0x160: {  	_ =	swait.ge @!p1 [sflag:s10], $0x100  }
0x161: {  	[sflag:s10] =	ssyncset.done @!p1 $0x0  }
0x162: {  	s11 =	simm.s32 @!p1 $0x200;
	[sflag:s10] =	ssyncadd.s32 @!p1 $0xFFFFFF00;
	s10 =	simm.s32 @!p1 $0x80  }
0x163: {  	[spmem:s2] =	stream.indirect.scatter.add.f32 @!p1 [tilespmem:s11], [sflag:$0x1], $0x80, s10, s10, $0xb8;
	[tilespmem:$0x1BD00] =	vst v63  }
0x164: {  	s10 =	simm.s32 @!p1 $0x1  }
0x165: {  	_ =	swait.ge @!p1 [sflag:s10], $0x4000  }
0x166: {  	[sflag:s10] =	ssyncset.done @!p1 $0x0  }
0x167: {  	[sflag:s10] =	ssyncadd.s32 @!p1 $0xFFFFC000  }
0x168: {  	[bflag:$0x0] =	sbarrier.arrive $0xFFFF  }
0x169: {  	[tilespmem:s18], [sflag:$0x3] =	stream.linear.gather [spmem:s4], $0x4000, $0x38;
	[tilespmem:$0x1BD00] =	vst v63  }
0x16a: {  	_ =	swait.ge [sflag:s19], $0x4000  }
0x16b: {  	[sflag:s19] =	ssyncset.done $0x0  }
0x16c: {  	s11 =	simm.s32 $0x600;
	[sflag:s19] =	ssyncadd.s32 $0xFFFFC000  }
0x16d: {  	v2 =	vld [tilespmem:s11+$0xFFFFFC80]  }
0x16e: {  	s14 =	simm.s32 $0x40;
	s10 =	simm.s32 $0x0;
	v3 =	vld [tilespmem:s11+$0xFFFFFC00]  }
.LBB2_12:
0x16f: {  	p2 =	sne.s32 s14, $0x1C0;
	v4 =	vld [tilespmem:s11+$0xFFFFFD00]  }
0x170: {  	v5 =	vld [tilespmem:s11+$0xFFFFFD80]  }
0x171: {  	v6 =	vld [tilespmem:s11+$0xFFFFFE00]  }
0x172: {  	v7 =	vld [tilespmem:s11+$0xFFFFFE80]  }
0x173: {  	v2 =	vsel vm0, v3, v2;
	v3 =	vld [tilespmem:s11+$0xFFFFFF00]  }
0x174: {  	v2 =	vsel vm1, v2, v4;
	v4 =	vld [tilespmem:s11+$0xFFFFFF80]  }
0x175: {  	v2 =	vsel vm2, v2, v5;
	v5 =	vld [tilespmem:s11+$0x0]  }
0x176: {  	v2 =	vsel vm3, v2, v6;
	v6 =	vld [tilespmem:s11+$0x80]  }
0x177: {  	v2 =	vsel vm4, v2, v7;
	v7 =	vld [tilespmem:s11+$0x100]  }
0x178: {  	v2 =	vsel vm5, v2, v3;
	v3 =	vld [tilespmem:s11+$0x180]  }
0x179: {  	v2 =	vsel vm6, v2, v4;
	v4 =	vld [tilespmem:s11+$0x200]  }
0x17a: {  	v2 =	vsel vm7, v2, v5;
	v5 =	vld [tilespmem:s11+$0x280]  }
0x17b: {  	v2 =	vsel vm8, v2, v6;
	v6 =	vld [tilespmem:s11+$0x300]  }
0x17c: {  	v2 =	vsel vm9, v2, v7;
	v7 =	vld [tilespmem:s11+$0x380]  }
0x17d: {  	v2 =	vsel vm10, v2, v3  }
0x17e: {  	v2 =	vsel vm11, v2, v4  }
0x17f: {  	v2 =	vsel vm12, v2, v5  }
.Ltmp5:
0x180: {  	v2 =	vsel vm13, v2, v6;
	(pc) =	sbr.rel @p2 .LBB2_12-.Ltmp5, $4  }
0x181: {  	s15 =	sshra.s32 s10, $0x2;
	s10 =	smov.u32 s14;
	v2 =	vsel vm14, v2, v7  }
0x182: {  	s11 =	sadd.s32 $0x800, s11;
	[tilespmem:s15+$0x1BA80] =	vst v2  }
0x183: {  	v2 =	vld [tilespmem:s11+$0xFFFFFC80]  }
0x184: {  	s14 =	sadd.s32 $0x40, s14;
	v3 =	vld [tilespmem:s11+$0xFFFFFC00]  }
0x185: {  	v4 =	vld [tilespmem:s11+$0xFFFFFD00]  }
0x186: {  	v5 =	vld [tilespmem:s11+$0xFFFFFD80]  }
0x187: {  	v6 =	vld [tilespmem:s11+$0xFFFFFE00]  }
0x188: {  	v7 =	vld [tilespmem:s11+$0xFFFFFE80]  }
0x189: {  	v2 =	vsel vm0, v3, v2;
	v3 =	vld [tilespmem:s11+$0xFFFFFF00]  }
0x18a: {  	v2 =	vsel vm1, v2, v4;
	v4 =	vld [tilespmem:s11+$0xFFFFFF80]  }
0x18b: {  	v2 =	vsel vm2, v2, v5;
	v5 =	vld [tilespmem:s11+$0x0]  }
0x18c: {  	v60 =	vld [tilespmem:s11+$0x80];
	v2 =	vsel vm3, v2, v6  }
0x18d: {  	v61 =	vld [tilespmem:s11+$0x100];
	v2 =	vsel vm4, v2, v7  }
0x18e: {  	v2 =	vsel vm5, v2, v3;
	v3 =	vld [tilespmem:s11+$0x180]  }
0x18f: {  	v2 =	vsel vm6, v2, v4;
	v4 =	vld [tilespmem:s11+$0x200]  }
0x190: {  	v2 =	vsel vm7, v2, v5;
	v5 =	vld [tilespmem:s11+$0x280]  }
0x191: {  	v62 =	vld [tilespmem:s11+$0x300];
	v2 =	vsel vm8, v2, v60  }
0x192: {  	v63 =	vld [tilespmem:s11+$0x380];
	v2 =	vsel vm9, v2, v61  }
0x193: {  	v2 =	vsel vm10, v2, v3  }
0x194: {  	v2 =	vsel vm11, v2, v4  }
0x195: {  	v2 =	vsel vm12, v2, v5  }
0x196: {  	v2 =	vsel vm13, v2, v62  }
0x197: {  	s10 =	sshra.s32 s10, $0x2;
	v2 =	vsel vm14, v2, v63  }
0x198: {  	[tilespmem:s10+$0x1BA80] =	vst v2  }
0x199: {  	[tilespmem:s18], [sflag:$0x3] =	stream.linear.gather [spmem:s5], $0x4000, $0x38;
	[tilespmem:$0x1BD00] =	vst v63  }
0x19a: {  	_ =	swait.ge [sflag:s19], $0x4000  }
0x19b: {  	[sflag:s19] =	ssyncset.done $0x0  }
0x19c: {  	s11 =	simm.s32 $0x600;
	[sflag:s19] =	ssyncadd.s32 $0xFFFFC000  }
0x19d: {  	v2 =	vld [tilespmem:s11+$0xFFFFFC80]  }
0x19e: {  	s14 =	simm.s32 $0x40;
	s10 =	simm.s32 $0x0;
	v3 =	vld [tilespmem:s11+$0xFFFFFC00]  }
.LBB2_14:
0x19f: {  	p2 =	sne.s32 s14, $0x1C0;
	v4 =	vld [tilespmem:s11+$0xFFFFFD00]  }
0x1a0: {  	v5 =	vld [tilespmem:s11+$0xFFFFFD80]  }
0x1a1: {  	v6 =	vld [tilespmem:s11+$0xFFFFFE00]  }
0x1a2: {  	v7 =	vld [tilespmem:s11+$0xFFFFFE80]  }
0x1a3: {  	v2 =	vsel vm0, v3, v2;
	v3 =	vld [tilespmem:s11+$0xFFFFFF00]  }
0x1a4: {  	v2 =	vsel vm1, v2, v4;
	v4 =	vld [tilespmem:s11+$0xFFFFFF80]  }
0x1a5: {  	v2 =	vsel vm2, v2, v5;
	v5 =	vld [tilespmem:s11+$0x0]  }
0x1a6: {  	v2 =	vsel vm3, v2, v6;
	v6 =	vld [tilespmem:s11+$0x80]  }
0x1a7: {  	v2 =	vsel vm4, v2, v7;
	v7 =	vld [tilespmem:s11+$0x100]  }
0x1a8: {  	v2 =	vsel vm5, v2, v3;
	v3 =	vld [tilespmem:s11+$0x180]  }
0x1a9: {  	v2 =	vsel vm6, v2, v4;
	v4 =	vld [tilespmem:s11+$0x200]  }
0x1aa: {  	v2 =	vsel vm7, v2, v5;
	v5 =	vld [tilespmem:s11+$0x280]  }
0x1ab: {  	v2 =	vsel vm8, v2, v6;
	v6 =	vld [tilespmem:s11+$0x300]  }
0x1ac: {  	v2 =	vsel vm9, v2, v7;
	v7 =	vld [tilespmem:s11+$0x380]  }
0x1ad: {  	v2 =	vsel vm10, v2, v3  }
0x1ae: {  	v2 =	vsel vm11, v2, v4  }
0x1af: {  	v2 =	vsel vm12, v2, v5  }
.Ltmp6:
0x1b0: {  	v2 =	vsel vm13, v2, v6;
	(pc) =	sbr.rel @p2 .LBB2_14-.Ltmp6, $4  }
0x1b1: {  	s15 =	sshra.s32 s10, $0x2;
	s10 =	smov.u32 s14;
	v2 =	vsel vm14, v2, v7  }
0x1b2: {  	s11 =	sadd.s32 $0x800, s11;
	[tilespmem:s15+$0x1BB00] =	vst v2  }
0x1b3: {  	v2 =	vld [tilespmem:s11+$0xFFFFFC80]  }
0x1b4: {  	s14 =	sadd.s32 $0x40, s14;
	v3 =	vld [tilespmem:s11+$0xFFFFFC00]  }
0x1b5: {  	v4 =	vld [tilespmem:s11+$0xFFFFFD00]  }
0x1b6: {  	v5 =	vld [tilespmem:s11+$0xFFFFFD80]  }
0x1b7: {  	v6 =	vld [tilespmem:s11+$0xFFFFFE00]  }
0x1b8: {  	v7 =	vld [tilespmem:s11+$0xFFFFFE80]  }
0x1b9: {  	v2 =	vsel vm0, v3, v2;
	v3 =	vld [tilespmem:s11+$0xFFFFFF00]  }
0x1ba: {  	v2 =	vsel vm1, v2, v4;
	v4 =	vld [tilespmem:s11+$0xFFFFFF80]  }
0x1bb: {  	v2 =	vsel vm2, v2, v5;
	v5 =	vld [tilespmem:s11+$0x0]  }
0x1bc: {  	v60 =	vld [tilespmem:s11+$0x80];
	v2 =	vsel vm3, v2, v6  }
0x1bd: {  	v61 =	vld [tilespmem:s11+$0x100];
	v2 =	vsel vm4, v2, v7  }
0x1be: {  	v2 =	vsel vm5, v2, v3;
	v3 =	vld [tilespmem:s11+$0x180]  }
0x1bf: {  	v2 =	vsel vm6, v2, v4;
	v4 =	vld [tilespmem:s11+$0x200]  }
0x1c0: {  	v2 =	vsel vm7, v2, v5;
	v5 =	vld [tilespmem:s11+$0x280]  }
0x1c1: {  	v62 =	vld [tilespmem:s11+$0x300];
	v2 =	vsel vm8, v2, v60  }
0x1c2: {  	v63 =	vld [tilespmem:s11+$0x380];
	v2 =	vsel vm9, v2, v61  }
0x1c3: {  	v2 =	vsel vm10, v2, v3  }
0x1c4: {  	v2 =	vsel vm11, v2, v4  }
0x1c5: {  	v2 =	vsel vm12, v2, v5  }
0x1c6: {  	v2 =	vsel vm13, v2, v62  }
0x1c7: {  	s10 =	sshra.s32 s10, $0x2;
	v2 =	vsel vm14, v2, v63  }
0x1c8: {  	[tilespmem:s10+$0x1BB00] =	vst v2  }
0x1c9: {  	[tilespmem:s18], [sflag:$0x3] =	stream.linear.gather [spmem:s6], $0x4000, $0x38;
	[tilespmem:$0x1BD00] =	vst v63  }
0x1ca: {  	_ =	swait.ge [sflag:s19], $0x4000  }
0x1cb: {  	[sflag:s19] =	ssyncset.done $0x0  }
0x1cc: {  	s11 =	simm.s32 $0x600;
	[sflag:s19] =	ssyncadd.s32 $0xFFFFC000  }
0x1cd: {  	v2 =	vld [tilespmem:s11+$0xFFFFFC80]  }
0x1ce: {  	s14 =	simm.s32 $0x40;
	s10 =	simm.s32 $0x0;
	v3 =	vld [tilespmem:s11+$0xFFFFFC00]  }
.LBB2_16:
0x1cf: {  	p2 =	sne.s32 s14, $0x1C0;
	v4 =	vld [tilespmem:s11+$0xFFFFFD00]  }
0x1d0: {  	v5 =	vld [tilespmem:s11+$0xFFFFFD80]  }
0x1d1: {  	v6 =	vld [tilespmem:s11+$0xFFFFFE00]  }
0x1d2: {  	v7 =	vld [tilespmem:s11+$0xFFFFFE80]  }
0x1d3: {  	v2 =	vsel vm0, v3, v2;
	v3 =	vld [tilespmem:s11+$0xFFFFFF00]  }
0x1d4: {  	v2 =	vsel vm1, v2, v4;
	v4 =	vld [tilespmem:s11+$0xFFFFFF80]  }
0x1d5: {  	v2 =	vsel vm2, v2, v5;
	v5 =	vld [tilespmem:s11+$0x0]  }
0x1d6: {  	v2 =	vsel vm3, v2, v6;
	v6 =	vld [tilespmem:s11+$0x80]  }
0x1d7: {  	v2 =	vsel vm4, v2, v7;
	v7 =	vld [tilespmem:s11+$0x100]  }
0x1d8: {  	v2 =	vsel vm5, v2, v3;
	v3 =	vld [tilespmem:s11+$0x180]  }
0x1d9: {  	v2 =	vsel vm6, v2, v4;
	v4 =	vld [tilespmem:s11+$0x200]  }
0x1da: {  	v2 =	vsel vm7, v2, v5;
	v5 =	vld [tilespmem:s11+$0x280]  }
0x1db: {  	v2 =	vsel vm8, v2, v6;
	v6 =	vld [tilespmem:s11+$0x300]  }
0x1dc: {  	v2 =	vsel vm9, v2, v7;
	v7 =	vld [tilespmem:s11+$0x380]  }
0x1dd: {  	v2 =	vsel vm10, v2, v3  }
0x1de: {  	v2 =	vsel vm11, v2, v4  }
0x1df: {  	v2 =	vsel vm12, v2, v5  }
.Ltmp7:
0x1e0: {  	v2 =	vsel vm13, v2, v6;
	(pc) =	sbr.rel @p2 .LBB2_16-.Ltmp7, $4  }
0x1e1: {  	s15 =	sshra.s32 s10, $0x2;
	s10 =	smov.u32 s14;
	v2 =	vsel vm14, v2, v7  }
0x1e2: {  	s11 =	sadd.s32 $0x800, s11;
	[tilespmem:s15+$0x1BB80] =	vst v2  }
0x1e3: {  	v2 =	vld [tilespmem:s11+$0xFFFFFC80]  }
0x1e4: {  	s14 =	sadd.s32 $0x40, s14;
	v3 =	vld [tilespmem:s11+$0xFFFFFC00]  }
0x1e5: {  	v4 =	vld [tilespmem:s11+$0xFFFFFD00]  }
0x1e6: {  	v5 =	vld [tilespmem:s11+$0xFFFFFD80]  }
0x1e7: {  	v6 =	vld [tilespmem:s11+$0xFFFFFE00]  }
0x1e8: {  	v7 =	vld [tilespmem:s11+$0xFFFFFE80]  }
0x1e9: {  	v2 =	vsel vm0, v3, v2;
	v3 =	vld [tilespmem:s11+$0xFFFFFF00]  }
0x1ea: {  	v2 =	vsel vm1, v2, v4;
	v4 =	vld [tilespmem:s11+$0xFFFFFF80]  }
0x1eb: {  	v2 =	vsel vm2, v2, v5;
	v5 =	vld [tilespmem:s11+$0x0]  }
0x1ec: {  	v60 =	vld [tilespmem:s11+$0x80];
	v2 =	vsel vm3, v2, v6  }
0x1ed: {  	v61 =	vld [tilespmem:s11+$0x100];
	v2 =	vsel vm4, v2, v7  }
0x1ee: {  	v2 =	vsel vm5, v2, v3;
	v3 =	vld [tilespmem:s11+$0x180]  }
0x1ef: {  	v2 =	vsel vm6, v2, v4;
	v4 =	vld [tilespmem:s11+$0x200]  }
0x1f0: {  	v2 =	vsel vm7, v2, v5;
	v5 =	vld [tilespmem:s11+$0x280]  }
0x1f1: {  	v62 =	vld [tilespmem:s11+$0x300];
	v2 =	vsel vm8, v2, v60  }
0x1f2: {  	v63 =	vld [tilespmem:s11+$0x380];
	v2 =	vsel vm9, v2, v61  }
0x1f3: {  	v2 =	vsel vm10, v2, v3  }
0x1f4: {  	v2 =	vsel vm11, v2, v4  }
0x1f5: {  	v2 =	vsel vm12, v2, v5  }
0x1f6: {  	v2 =	vsel vm13, v2, v62  }
0x1f7: {  	s10 =	sshra.s32 s10, $0x2;
	v2 =	vsel vm14, v2, v63  }
0x1f8: {  	[tilespmem:s10+$0x1BB80] =	vst v2  }
0x1f9: {  	[tilespmem:s18], [sflag:$0x3] =	stream.linear.gather [spmem:s7], $0x4000, $0x38;
	[tilespmem:$0x1BD00] =	vst v63  }
0x1fa: {  	_ =	swait.ge [sflag:s19], $0x4000  }
0x1fb: {  	[sflag:s19] =	ssyncset.done $0x0  }
0x1fc: {  	s11 =	simm.s32 $0x600;
	[sflag:s19] =	ssyncadd.s32 $0xFFFFC000  }
0x1fd: {  	v2 =	vld [tilespmem:s11+$0xFFFFFC80]  }
0x1fe: {  	s14 =	simm.s32 $0x40;
	s10 =	simm.s32 $0x0;
	v3 =	vld [tilespmem:s11+$0xFFFFFC00]  }
.LBB2_18:
0x1ff: {  	p2 =	sne.s32 s14, $0x1C0;
	v4 =	vld [tilespmem:s11+$0xFFFFFD00]  }
0x200: {  	v5 =	vld [tilespmem:s11+$0xFFFFFD80]  }
0x201: {  	v6 =	vld [tilespmem:s11+$0xFFFFFE00]  }
0x202: {  	v7 =	vld [tilespmem:s11+$0xFFFFFE80]  }
0x203: {  	v2 =	vsel vm0, v3, v2;
	v3 =	vld [tilespmem:s11+$0xFFFFFF00]  }
0x204: {  	v2 =	vsel vm1, v2, v4;
	v4 =	vld [tilespmem:s11+$0xFFFFFF80]  }
0x205: {  	v2 =	vsel vm2, v2, v5;
	v5 =	vld [tilespmem:s11+$0x0]  }
0x206: {  	v2 =	vsel vm3, v2, v6;
	v6 =	vld [tilespmem:s11+$0x80]  }
0x207: {  	v2 =	vsel vm4, v2, v7;
	v7 =	vld [tilespmem:s11+$0x100]  }
0x208: {  	v2 =	vsel vm5, v2, v3;
	v3 =	vld [tilespmem:s11+$0x180]  }
0x209: {  	v2 =	vsel vm6, v2, v4;
	v4 =	vld [tilespmem:s11+$0x200]  }
0x20a: {  	v2 =	vsel vm7, v2, v5;
	v5 =	vld [tilespmem:s11+$0x280]  }
0x20b: {  	v2 =	vsel vm8, v2, v6;
	v6 =	vld [tilespmem:s11+$0x300]  }
0x20c: {  	v2 =	vsel vm9, v2, v7;
	v7 =	vld [tilespmem:s11+$0x380]  }
0x20d: {  	v2 =	vsel vm10, v2, v3  }
0x20e: {  	v2 =	vsel vm11, v2, v4  }
0x20f: {  	v2 =	vsel vm12, v2, v5  }
.Ltmp8:
0x210: {  	v2 =	vsel vm13, v2, v6;
	(pc) =	sbr.rel @p2 .LBB2_18-.Ltmp8, $4  }
0x211: {  	s15 =	sshra.s32 s10, $0x2;
	s10 =	smov.u32 s14;
	v2 =	vsel vm14, v2, v7  }
0x212: {  	s11 =	sadd.s32 $0x800, s11;
	[tilespmem:s15+$0x1BC00] =	vst v2  }
0x213: {  	v2 =	vld [tilespmem:s11+$0xFFFFFC80]  }
0x214: {  	s14 =	sadd.s32 $0x40, s14;
	v3 =	vld [tilespmem:s11+$0xFFFFFC00]  }
0x215: {  	v4 =	vld [tilespmem:s11+$0xFFFFFD00]  }
0x216: {  	v5 =	vld [tilespmem:s11+$0xFFFFFD80]  }
0x217: {  	v6 =	vld [tilespmem:s11+$0xFFFFFE00]  }
0x218: {  	v7 =	vld [tilespmem:s11+$0xFFFFFE80]  }
0x219: {  	v2 =	vsel vm0, v3, v2;
	v3 =	vld [tilespmem:s11+$0xFFFFFF00]  }
0x21a: {  	v2 =	vsel vm1, v2, v4;
	v4 =	vld [tilespmem:s11+$0xFFFFFF80]  }
0x21b: {  	v2 =	vsel vm2, v2, v5;
	v5 =	vld [tilespmem:s11+$0x0]  }
0x21c: {  	v60 =	vld [tilespmem:s11+$0x80];
	v2 =	vsel vm3, v2, v6  }
0x21d: {  	v61 =	vld [tilespmem:s11+$0x100];
	v2 =	vsel vm4, v2, v7  }
0x21e: {  	v2 =	vsel vm5, v2, v3;
	v3 =	vld [tilespmem:s11+$0x180]  }
0x21f: {  	v2 =	vsel vm6, v2, v4;
	v4 =	vld [tilespmem:s11+$0x200]  }
0x220: {  	v2 =	vsel vm7, v2, v5;
	v5 =	vld [tilespmem:s11+$0x280]  }
0x221: {  	v62 =	vld [tilespmem:s11+$0x300];
	v2 =	vsel vm8, v2, v60  }
0x222: {  	v63 =	vld [tilespmem:s11+$0x380];
	v2 =	vsel vm9, v2, v61  }
0x223: {  	v2 =	vsel vm10, v2, v3  }
0x224: {  	v2 =	vsel vm11, v2, v4  }
0x225: {  	v2 =	vsel vm12, v2, v5  }
0x226: {  	v2 =	vsel vm13, v2, v62  }
0x227: {  	s10 =	sshra.s32 s10, $0x2;
	v2 =	vsel vm14, v2, v63  }
0x228: {  	[tilespmem:s10+$0x1BC00] =	vst v2  }
0x229: {  	[tilespmem:s18], [sflag:$0x3] =	stream.linear.gather [spmem:s8], $0x3800, $0x38;
	[tilespmem:$0x1BD00] =	vst v63  }
0x22a: {  	_ =	swait.ge [sflag:s19], $0x3800  }
0x22b: {  	[sflag:s19] =	ssyncset.done $0x0  }
0x22c: {  	s11 =	simm.s32 $0x600;
	[sflag:s19] =	ssyncadd.s32 $0xFFFFC800  }
0x22d: {  	v2 =	vld [tilespmem:s11+$0xFFFFFC80]  }
0x22e: {  	s14 =	simm.s32 $0x40;
	s10 =	simm.s32 $0x0;
	v3 =	vld [tilespmem:s11+$0xFFFFFC00]  }
.LBB2_20:
0x22f: {  	p2 =	sne.s32 s14, $0x180;
	v4 =	vld [tilespmem:s11+$0xFFFFFD00]  }
0x230: {  	v5 =	vld [tilespmem:s11+$0xFFFFFD80]  }
0x231: {  	v6 =	vld [tilespmem:s11+$0xFFFFFE00]  }
0x232: {  	v7 =	vld [tilespmem:s11+$0xFFFFFE80]  }
0x233: {  	v2 =	vsel vm0, v3, v2;
	v3 =	vld [tilespmem:s11+$0xFFFFFF00]  }
0x234: {  	v2 =	vsel vm1, v2, v4;
	v4 =	vld [tilespmem:s11+$0xFFFFFF80]  }
0x235: {  	v2 =	vsel vm2, v2, v5;
	v5 =	vld [tilespmem:s11+$0x0]  }
0x236: {  	v2 =	vsel vm3, v2, v6;
	v6 =	vld [tilespmem:s11+$0x80]  }
0x237: {  	v2 =	vsel vm4, v2, v7;
	v7 =	vld [tilespmem:s11+$0x100]  }
0x238: {  	v2 =	vsel vm5, v2, v3;
	v3 =	vld [tilespmem:s11+$0x180]  }
0x239: {  	v2 =	vsel vm6, v2, v4;
	v4 =	vld [tilespmem:s11+$0x200]  }
0x23a: {  	v2 =	vsel vm7, v2, v5;
	v5 =	vld [tilespmem:s11+$0x280]  }
0x23b: {  	v2 =	vsel vm8, v2, v6;
	v6 =	vld [tilespmem:s11+$0x300]  }
0x23c: {  	v2 =	vsel vm9, v2, v7;
	v7 =	vld [tilespmem:s11+$0x380]  }
0x23d: {  	v2 =	vsel vm10, v2, v3  }
0x23e: {  	v2 =	vsel vm11, v2, v4  }
0x23f: {  	v2 =	vsel vm12, v2, v5  }
.Ltmp9:
0x240: {  	v2 =	vsel vm13, v2, v6;
	(pc) =	sbr.rel @p2 .LBB2_20-.Ltmp9, $4  }
0x241: {  	s15 =	sshra.s32 s10, $0x2;
	s10 =	smov.u32 s14;
	v2 =	vsel vm14, v2, v7  }
0x242: {  	s11 =	sadd.s32 $0x800, s11;
	[tilespmem:s15+$0x1BC80] =	vst v2  }
0x243: {  	v2 =	vld [tilespmem:s11+$0xFFFFFC80]  }
0x244: {  	s14 =	sadd.s32 $0x40, s14;
	v3 =	vld [tilespmem:s11+$0xFFFFFC00]  }
0x245: {  	v4 =	vld [tilespmem:s11+$0xFFFFFD00]  }
0x246: {  	v5 =	vld [tilespmem:s11+$0xFFFFFD80]  }
0x247: {  	v6 =	vld [tilespmem:s11+$0xFFFFFE00]  }
0x248: {  	v7 =	vld [tilespmem:s11+$0xFFFFFE80]  }
0x249: {  	v2 =	vsel vm0, v3, v2;
	v3 =	vld [tilespmem:s11+$0xFFFFFF00]  }
0x24a: {  	v46 =	vld [tilespmem:s11+$0xFFFFFF80];
	v2 =	vsel vm1, v2, v4  }
0x24b: {  	v47 =	vld [tilespmem:s11+$0x0];
	v2 =	vsel vm2, v2, v5  }
0x24c: {  	v48 =	vld [tilespmem:s11+$0x80];
	v2 =	vsel vm3, v2, v6  }
0x24d: {  	v49 =	vld [tilespmem:s11+$0x100];
	v2 =	vsel vm4, v2, v7  }
0x24e: {  	v2 =	vsel vm5, v2, v3;
	v3 =	vld [tilespmem:s11+$0x180]  }
0x24f: {  	v50 =	vld [tilespmem:s11+$0x200];
	v2 =	vsel vm6, v2, v46  }
0x250: {  	v51 =	vld [tilespmem:s11+$0x280];
	v2 =	vsel vm7, v2, v47  }
0x251: {  	v52 =	vld [tilespmem:s11+$0x300];
	v2 =	vsel vm8, v2, v48  }
0x252: {  	v53 =	vld [tilespmem:s11+$0x380];
	v2 =	vsel vm9, v2, v49  }
0x253: {  	v2 =	vsel vm10, v2, v3  }
0x254: {  	v2 =	vsel vm11, v2, v50  }
0x255: {  	v2 =	vsel vm12, v2, v51  }
0x256: {  	v2 =	vsel vm13, v2, v52  }
0x257: {  	s10 =	sshra.s32 s10, $0x2;
	v2 =	vsel vm14, v2, v53  }
0x258: {  	s14 =	rddreg [dreg:$0x8];
	s15 =	simm.s32 $0x1BA80;
	[tilespmem:s10+$0x1BC80] =	vst v2  }
0x259: {  	[hbm4b:s14+s3] =	stream.linear.scatter [tilespmem:s15], [sflag:$0x3], $0x270, $0x38;
	[tilespmem:$0x1BD00] =	vst v63  }
0x25a: {  	_ =	swait.ge [sflag:s19], $0x270  }
0x25b: {  	[sflag:s19] =	ssyncset.done $0x0  }
0x25c: {  	s10 =	simm.s32 @!p0 $0x200;
	[sflag:s19] =	ssyncadd.s32 $0xFFFFFD90  }
0x25d: {  	[tilespmem:s10], [sflag:$0x3] =	stream.linear.gather @!p0 [spmem:s9], $0x800, $0x38;
	[tilespmem:$0x1BD00] =	vst v63  }
0x25e: {  	s10 =	simm.s32 @!p0 $0x3  }
0x25f: {  	_ =	swait.ge @!p0 [sflag:s10], $0x800  }
0x260: {  	v8 =	vld [tilespmem:$0x1FF10]  }
0x261: {  	v54 =	vld [tilespmem:$0x1FF20]  }
0x262: {  	v55 =	vld [tilespmem:$0x1FF30]  }
0x263: {  	v56 =	vld [tilespmem:$0x1FF40]  }
0x264: {  	v57 =	vld [tilespmem:$0x1FF50]  }
0x265: {  	v58 =	vld [tilespmem:$0x1FF60]  }
0x266: {  	v59 =	vld [tilespmem:$0x1FF70]  }
0x267: {  	v60 =	vld [tilespmem:$0x1FF80]  }
0x268: {  	v61 =	vld [tilespmem:$0x1FF90]  }
0x269: {  	[sflag:s10] =	ssyncset.done @!p0 $0x0;
	v62 =	vld [tilespmem:$0x1FFA0]  }
0x26a: {  	v63 =	vld [tilespmem:$0x1FFB0];
	[sflag:s10] =	ssyncadd.s32 @!p0 $0xFFFFF800  }
0x26b: {  	v2 =	vld @!p0 [tilespmem:$0x200]  }
0x26c: {  	v3 =	vld @!p0 [tilespmem:$0x280]  }
0x26d: {  	v4 =	vld @!p0 [tilespmem:$0x300]  }
0x26e: {  	v5 =	vld @!p0 [tilespmem:$0x380]  }
0x26f: {  	v6 =	vld @!p0 [tilespmem:$0x400]  }
0x270: {  	v7 =	vld @!p0 [tilespmem:$0x480];
	vm15 =	vnez.u8 v8  }
0x271: {  	v2 =	vsel @!p0 vm15, v2, v3;
	v3 =	vld @!p0 [tilespmem:$0x500];
	vm15 =	vnez.u8 v54  }
0x272: {  	v2 =	vsel @!p0 vm15, v2, v4;
	v4 =	vld @!p0 [tilespmem:$0x580];
	vm15 =	vnez.u8 v55  }
0x273: {  	v2 =	vsel @!p0 vm15, v2, v5;
	v5 =	vld @!p0 [tilespmem:$0x600];
	vm15 =	vnez.u8 v56  }
0x274: {  	v2 =	vsel @!p0 vm15, v2, v6;
	v6 =	vld @!p0 [tilespmem:$0x680];
	vm15 =	vnez.u8 v57  }
0x275: {  	v2 =	vsel @!p0 vm15, v2, v7;
	v7 =	vld @!p0 [tilespmem:$0x700];
	vm15 =	vnez.u8 v58  }
0x276: {  	v2 =	vsel @!p0 vm15, v2, v3;
	v3 =	vld @!p0 [tilespmem:$0x780];
	vm15 =	vnez.u8 v59  }
0x277: {  	v2 =	vsel @!p0 vm15, v2, v4;
	vm15 =	vnez.u8 v60  }
0x278: {  	v2 =	vsel @!p0 vm15, v2, v5;
	vm15 =	vnez.u8 v61  }
0x279: {  	v2 =	vsel @!p0 vm15, v2, v6;
	vm15 =	vnez.u8 v62  }
0x27a: {  	v2 =	vsel @!p0 vm15, v2, v7;
	vm15 =	vnez.u8 v63  }
0x27b: {  	v2 =	vsel @!p0 vm15, v2, v3;
	v3 =	vld [tilespmem:$0x1FFC0];
	_ =	sdelay $0x3  }
0x27c: {  	v4 =	vld @!p0 [tilespmem:$0x800]  }
0x27d: {  	vm15 =	vnez.u8 v3;
	v3 =	vld [tilespmem:$0x1FFD0];
	_ =	sdelay $0x3  }
0x27e: {  	v5 =	vld @!p0 [tilespmem:$0x880]  }
0x27f: {  	v2 =	vsel @!p0 vm15, v2, v4;
	vm15 =	vnez.u8 v3;
	v3 =	vld [tilespmem:$0x1FFE0];
	_ =	sdelay $0x3  }
0x280: {  	v6 =	vld @!p0 [tilespmem:$0x900]  }
0x281: {  	v2 =	vsel @!p0 vm15, v2, v5;
	vm15 =	vnez.u8 v3;
	v3 =	vld [tilespmem:$0x1FFF0]  }
0x282: {  	v7 =	vld @!p0 [tilespmem:$0x980];
	_ =	sdelay $0x3  }
0x283: {  	v2 =	vsel @!p0 vm15, v2, v6;
	vm15 =	vnez.u8 v3  }
0x284: {  	v2 =	vsel @!p0 vm15, v2, v7  }
0x285: {  	s11 =	simm.s32 @!p0 $0x0;
	s14 =	simm.s32 @!p0 $0x1BA80;
	s15 =	rddreg [dreg:$0x9];
	[tilespmem:$0x1BA80] =	vst @!p0 v2  }
0x286: {  	[hbm4b:s15+s11] =	stream.linear.scatter @!p0 [tilespmem:s14], [sflag:$0x3], $0x10, $0x38;
	[tilespmem:$0x1BD00] =	vst v63  }
0x287: {  	_ =	swait.ge @!p0 [sflag:s10], $0x10  }
0x288: {  	s0 =	sadd.s32 $0x1, s0;
	s16 =	rddreg [dreg:$0xa]  }
0x289: {  	p2 =	sne.s32 s0, s16  }
.Ltmp10:
0x28a: {  	_ = 	snop;
	(pc) =	sbr.rel @p2 .LBB2_1-.Ltmp10, $3  }
0x28b: {  	_ =	sdelay $0x1  }
0x28c: {  	[sflag:s10] =	ssyncset.done @!p0 $0x0  }
0x28d: {  	[sflag:s10] =	ssyncadd.s32 @!p0 $0xFFFFFFF0  }
0x28e: {  	_ =	sfence.sel $0x180000  }
0x28f: {  	[bflag:$0x0] =	sbarrier.arrive $0xFFFF  }
0x290: {  	_ =	strace $0x90000047  }
0x291: {  	[bflag:$0x2] =	sbarrier.arrive $0xFFFF  }
0x292: {  	s0 =	rddreg [dreg:$0x5]  }
0x293: {  	s0 =	sadd.s32 @!p0 $0x100000, s0  }
0x294: {  	[sflag:s0] =	ssyncadd.tile.s32 @!p0 $0x1;
	_ =	shalt  }
.Lfunc_end2:
_tile_overlayer_lowered:
.L_overlay_start_2:
0x295: {  	(tag) =	ssettag $0x2  }
0x296: {  	s0 =	rddreg [dreg:$0x0];
	s2 =	stileid.u32  }
0x297: {  	s1 =	rddreg [dreg:$0x1];
	p0 =	sne.s32 s2, $0x0  }
0x298: {  	s3 =	rddreg [dreg:$0x2];
	[bflag:$0x3] =	sbarrier.arrive $0xFFFF;
	s2 =	simm.s32 @!p0 $0x1C03  }
0x299: {  	[timem:s3], [sflag:s2] =	dma.local @!p0 [hbm:s0], s1  }
0x29a: {  	s0 =	simm.s32 @!p0 $0x3  }
0x29b: {  	_ =	swait.ge @!p0 [sflag:s0], s1  }
0x29c: {  	s1 =	ssub.s32 @!p0 $0x0, s1;
	[sflag:s0] =	ssyncset.done @!p0 $0x0  }
0x29d: {  	[sflag:s0] =	ssyncadd.s32 @!p0 s1  }
0x29e: {  	[bflag:$0x3] =	sbarrier.arrive $0xFFFF  }
0x29f: {  	_ =	shalt  }

// kernel: kernel.9.cloned.1.call-start
scs
__scs_entry_jumppad:
0x0: {  	(pc) =	sbr.rel $0x88, $3  }
0x1: {  	(tag) =	ssettag $0x0;
	lr =	simm.s32 $0x1  }
0x2: {  	[smem:$0x3F94] =	sst lr;
	_ =	strace $0xD0000000  }
0x3: {  	_ = 	snop  }
0x4: {  	_ = 	snop  }
0x5: {  	_ = 	snop  }
0x6: {  	_ = 	snop  }
0x7: {  	_ = 	snop  }
__scs_overlays_trampoline_lowered:
0x8: {  	[smem:$0x3FA3] =	sst s0  }
0x9: {  	[smem:$0x3FA4] =	sst s1  }
0xa: {  	[smem:$0x3FA5] =	sst s2  }
0xb: {  	[smem:$0x3FA6] =	sst s3  }
0xc: {  	[smem:$0x3FA7] =	sst s4  }
0xd: {  	[smem:$0x3FA8] =	sst s5  }
0xe: {  	[smem:$0x3FA9] =	sst s6  }
0xf: {  	[smem:$0x3FAA] =	sst s7  }
0x10: {  	[smem:$0x3FAB] =	sst s8  }
0x11: {  	[smem:$0x3FAC] =	sst s9;
	s0 =	simm.s32 @!p0 $0x0  }
0x12: {  	s1 =	sld [smem:$0x3F92];
	s0 =	simm.s32 @p0 $0x1  }
0x13: {  	[smem:$0x3FAD] =	sst s0;
	s0 =	simm.s32 @!p1 $0x0  }
0x14: {  	s2 =	sld [smem:$0x3F91];
	s0 =	simm.s32 @p1 $0x1  }
0x15: {  	[smem:$0x3FAE] =	sst s0;
	s0 =	simm.s32 @!p2 $0x0  }
0x16: {  	s3 =	sld [smem:$0x3FDB];
	s0 =	simm.s32 @p2 $0x1  }
0x17: {  	s4 =	simm.s32 $0x1BF5;
	[smem:$0x3FB0] =	sst s0  }
0x18: {  	s0 =	sld [smem:$0x3F93];
	_ =	swait.ge [sflag:s4], $0x0  }
0x19: {  	s7 =	sld [smem:$0x3F94]  }
0x1a: {  	s8 =	sadd.s32 $0xFFFFE003, lr  }
0x1b: {  	s9 =	sadd.s32 $0xFFFFFEF7, lr;
	s5 =	simm.s32 $0xFFFFFFFF;
	p2 =	slt.u32 s8, $0xFFFFF086  }
0x1c: {  	p1 =	slt.u32 s9, $0xF7A;
	s5 =	simm.s32 @!p2 $0x0  }
0x1d: {  	s5 =	simm.s32 @p1 $0x1;
	p0 =	seq.s32 s7, s2  }
0x1e: {  	s7 =	smul.u32 @!p0 $0xF7A, s2;
	p2 =	seq.s32 @!p0 s5, $0x0  }
0x1f: {  	s9 =	smul.u32 $0xF7A, s1;
	s8 =	simm.s32 @!p0 $0x1BF5;
	p2 =	por !p2, p0  }
0x20: {  	[sflag:s8] =	ssyncset.s32 @!p0 $0xFFFFF086;
	s6 =	sadd.s32 @!p0 s3, s7;
	s7 =	simm.s32 @!p0 $0x108  }
0x21: {  	s3 =	sadd.s32 s3, s9;
	s6 =	sadd.s32 @!p0 $0x88, s6;
	s7 =	simm.s32 @p2 $0x1082  }
0x22: {  	[simem:s7], [sflag:s8] =	dma.local @!p0 [hbm:s6], $0xF7A  }
0x23: {  	s9 =	sor.u32 $0xD0000000, s2;
	s6 =	simm.s32 $0x108;
	_ =	swait.ge @!p0 [sflag:s8], $0x0  }
0x24: {  	s3 =	sadd.s32 $0x88, s3;
	s6 =	simm.s32 @!p1 $0x1082;
	[sflag:s4] =	ssyncset.s32 $0xFFFFF086  }
0x25: {  	[simem:s6], [sflag:s4] =	dma.local [hbm:s3], $0xF7A  }
0x26: {  	[smem:$0x3F94] =	sst s1;
	(tag) =	ssettag s2;
	_ =	strace s9  }
0x27: {  	s1 =	sld [smem:$0x3FA4]  }
0x28: {  	s2 =	sld [smem:$0x3FA5]  }
0x29: {  	s4 =	sld [smem:$0x3FA7]  }
0x2a: {  	p0 =	seq.s32 s5, $0x0;
	s5 =	sld [smem:$0x3FA8]  }
0x2b: {  	s6 =	sld [smem:$0x3FA9]  }
0x2c: {  	s7 =	sld [smem:$0x3FAA]  }
0x2d: {  	s3 =	simm.s32 $0x108;
	s8 =	sld [smem:$0x3FAB]  }
0x2e: {  	s3 =	simm.s32 @!p0 $0x1082;
	s9 =	sld [smem:$0x3FAC]  }
0x2f: {  	lr =	sadd.s32 s0, s3;
	s0 =	sld [smem:$0x3FA3]  }
0x30: {  	s3 =	sld [smem:$0x3FA6]  }
0x31: {  	[smem:$0x3FAF] =	sst s10  }
0x32: {  	s10 =	sld [smem:$0x3FAD];
	_ =	sdelay $0x3  }
0x33: {  	p0 =	seq.s32 s10, $0x1;
	s10 =	sld [smem:$0x3FAF];
	_ =	sdelay $0x3  }
0x34: {  	[smem:$0x3FAF] =	sst s10  }
0x35: {  	s10 =	sld [smem:$0x3FAE];
	_ =	sdelay $0x3  }
0x36: {  	p1 =	seq.s32 s10, $0x1;
	s10 =	sld [smem:$0x3FAF];
	_ =	sdelay $0x3  }
0x37: {  	[smem:$0x3FAF] =	sst s10  }
0x38: {  	s10 =	sld [smem:$0x3FB0]  }
0x39: {  	_ = 	snop;
	(pc) =	sbr.ind lr, $3  }
0x3a: {  	_ = 	snop  }
0x3b: {  	_ = 	snop  }
0x3c: {  	p2 =	seq.s32 s10, $0x1;
	s10 =	sld [smem:$0x3FAF]  }
0x3d: {  	_ =	shalt  }
0x3e: {  	_ =	shalt  }
0x3f: {  	_ =	shalt  }
0x40: {  	_ =	shalt  }
0x41: {  	_ =	shalt  }
0x42: {  	_ =	shalt  }
0x43: {  	_ =	shalt  }
0x44: {  	_ =	shalt  }
0x45: {  	_ =	shalt  }
0x46: {  	_ =	shalt  }
0x47: {  	_ =	shalt  }
0x48: {  	_ =	shalt  }
0x49: {  	_ =	shalt  }
0x4a: {  	_ =	shalt  }
0x4b: {  	_ =	shalt  }
0x4c: {  	_ =	shalt  }
0x4d: {  	_ =	shalt  }
0x4e: {  	_ =	shalt  }
0x4f: {  	_ =	shalt  }
0x50: {  	_ =	shalt  }
0x51: {  	_ =	shalt  }
0x52: {  	_ =	shalt  }
0x53: {  	_ =	shalt  }
0x54: {  	_ =	shalt  }
0x55: {  	_ =	shalt  }
0x56: {  	_ =	shalt  }
0x57: {  	_ =	shalt  }
0x58: {  	_ =	shalt  }
0x59: {  	_ =	shalt  }
0x5a: {  	_ =	shalt  }
0x5b: {  	_ =	shalt  }
0x5c: {  	_ =	shalt  }
0x5d: {  	_ =	shalt  }
0x5e: {  	_ =	shalt  }
0x5f: {  	_ =	shalt  }
0x60: {  	_ =	shalt  }
0x61: {  	_ =	shalt  }
0x62: {  	_ =	shalt  }
0x63: {  	_ =	shalt  }
0x64: {  	_ =	shalt  }
0x65: {  	_ =	shalt  }
0x66: {  	_ =	shalt  }
0x67: {  	_ =	shalt  }
0x68: {  	_ =	shalt  }
0x69: {  	_ =	shalt  }
0x6a: {  	_ =	shalt  }
0x6b: {  	_ =	shalt  }
0x6c: {  	_ =	shalt  }
0x6d: {  	_ =	shalt  }
0x6e: {  	_ =	shalt  }
0x6f: {  	_ =	shalt  }
0x70: {  	_ =	shalt  }
0x71: {  	_ =	shalt  }
0x72: {  	_ =	shalt  }
0x73: {  	_ =	shalt  }
0x74: {  	_ =	shalt  }
0x75: {  	_ =	shalt  }
0x76: {  	_ =	shalt  }
0x77: {  	_ =	shalt  }
0x78: {  	_ =	shalt  }
0x79: {  	_ =	shalt  }
0x7a: {  	_ =	shalt  }
0x7b: {  	_ =	shalt  }
0x7c: {  	_ =	shalt  }
0x7d: {  	_ =	shalt  }
0x7e: {  	_ =	shalt  }
0x7f: {  	_ =	shalt  }
0x80: {  	_ =	shalt  }
0x81: {  	_ =	shalt  }
0x82: {  	_ =	shalt  }
0x83: {  	_ =	shalt  }
0x84: {  	_ =	shalt  }
0x85: {  	_ =	shalt  }
0x86: {  	_ =	shalt  }
0x87: {  	_ =	shalt  }
.Lfunc_end0:
.L_simem_size_0:
called_computation.1_lowered:
.L_overlay_start_0:
0x88: {  	s2 =	sld [smem:$0x3FD9]  }
0x89: {  	s3 =	sld [smem:$0x3FFE];
	_ =	sdelay $0x1  }
0x8a: {  	s1 =	srdreg.scid  }
0x8b: {  	s0 =	sand.u32 $0x1, s1  }
0x8c: {  	s17 =	sshll.u32 s0, $0xA;
	s2 =	sadd.s32 s3, s2  }
0x8d: {  	s2 =	sadd.s32 s2, s17  }
0x8e: {  	[smem:$0x3FBB] =	sst s2  }
0x8f: {  	_ = 	snop  }
0x90: {  	s2 =	sld [smem:$0x3FC8];
	(tm) =	ssettm $0x1  }
0x91: {  	s18 =	sld [smem:$0x3FFB];
	_ =	sdelay $0x3  }
0x92: {  	_ =	strace s18  }
0x93: {  	s3 =	sld [smem:$0x3FFC];
	_ =	sdelay $0x3  }
0x94: {  	_ =	strace s3  }
0x95: {  	s3 =	sld [smem:$0x3FFD];
	_ =	sdelay $0x3  }
0x96: {  	_ =	strace s3  }
0x97: {  	_ =	strace $0x8FFFFFFF  }
0x98: {  	s19 =	sld [smem:$0x3FDB];
	_ =	sdelay $0x1  }
0x99: {  	s4 =	simm.s32 $_scs_section_size  }
0x9a: {  	s5 =	simm.s32 $_size__tile_overlayer_lowered;
	s6 =	simm.s32 $_tile_overlayer_lowered  }
0x9b: {  	s22 =	simm.s32 $0x1BFF;
	s21 =	sshll.u32 s6, $0x1;
	s3 =	sadd.s32 s4, s19  }
0x9c: {  	s7 =	simm.s32 $0x0;
	s20 =	sshll.u32 s5, $0x1;
	s5 =	sadd.s32 s21, s3  }
0x9d: {  	[timem:s7], [sflag:s22] =	dma.local [hbm:s5], s20  }
0x9e: {  	_ =	swait.ge [sflag:s22], s20  }
0x9f: {  	s4 =	ssub.s32 $0x0, s20;
	[sflag:s22] =	ssyncset.done $0x0  }
0xa0: {  	[sflag:s22] =	ssyncadd.s32 s4;
	_ =	sdelay $0x1  }
0xa1: {  	s23 =	simm.s32 $0x1B8B  }
0xa2: {  	_ =	swait.ge [sflag:s23], $0x1  }
0xa3: {  	[sflag:s23] =	ssyncset.done $0x0  }
0xa4: {  	s25 =	simm.s32 $0x1B8E;
	s24 =	sld [smem:$0x3FFE];
	[sflag:s23] =	ssyncadd.s32 $0xFFFFFFFF  }
0xa5: {  	s26 =	simm.s32 $execute0_lowered;
	[smem:$0x3FD2] =	sst s25  }
0xa6: {  	s5 =	sshll.u32 s26, $0x1;
	_ =	strace $0x80000049;
	[dreg:$0x1] =	wrdreg $0xFFFFFFFF  }
0xa7: {  	s28 =	simm.s32 $_size_execute0_lowered;
	s3 =	sadd.s32 s3, s5;
	[dreg:$0x0] =	wrdreg $0x0  }
0xa8: {  	s5 =	sshll.u32 s28, $0x1;
	[dreg:$0x2] =	wrdreg s3  }
0xa9: {  	[dreg:$0x3] =	wrdreg s5  }
0xaa: {  	[dreg:$0x4] =	wrdreg $0xC0  }
0xab: {  	_ =	task [dreg:s7], $0x5FFFF  }
0xac: {  	[dreg:$0x1] =	wrdreg $0xFFFFFFFF  }
0xad: {  	[dreg:$0x0] =	wrdreg $0x60  }
0xae: {  	[dreg:$0x2] =	wrdreg s2  }
0xaf: {  	[dreg:$0x3] =	wrdreg s24  }
0xb0: {  	[dreg:$0x4] =	wrdreg $0x82000  }
0xb1: {  	[dreg:$0x5] =	wrdreg $0x9  }
0xb2: {  	_ =	task.clear_ibuf [dreg:s7], $0x6FFFF;
	_ =	strace $0x90000049  }
0xb3: {  	s29 =	simm.s32 $0x9;
	_ =	strace $0x8000004B  }
0xb4: {  	_ =	swait.ge [sflag:s29], $0x1  }
0xb5: {  	[sflag:s29] =	ssyncadd.s32 $0xFFFFFFFF  }
0xb6: {  	_ =	strace $0x9000004B  }
0xb7: {  	_ =	sfence  }
0xb8: {  	s30 =	sld [smem:$0x0];
	_ =	sdelay $0x2  }
0xb9: {  	s31 =	sshll.u32 s1, $0xD;
	s1 =	sshrl.u32 s1, $0x2  }
0xba: {  	s3 =	sand.u32 $0x4000, s31;
	s1 =	sadd.s32 s1, s30  }
0xbb: {  	s0 =	sor.u32 s3, s0;
	s1 =	sshll.u32 s1, $0x11  }
0xbc: {  	s0 =	sor.u32 s1, s0  }
0xbd: {  	s0 =	sadd.s32 $0x8F2B, s0  }
0xbe: {  	[sflag:s0] =	ssyncadd.remote.s32 $0x1  }
0xbf: {  	_ =	sfence.sel $0xFFFF  }
0xc0: {  	[dreg:$0x0] =	wrdreg $0xFFFFFFFF;
	(pc) =	sbr.abs _section_cstart, $3  }
0xc1: {  	[dreg:$0x1] =	wrdreg $0xFFFFFFFF  }
0xc2: {  	_ =	task.clear_ibuf [dreg:s7], $0x2FFFF;
	_ =	strace $0x9FFFFFFF  }
0xc3: {  	(tm) =	ssettm $0x7FFFFFFF  }
tec
execute0_lowered:
.L_overlay_start_1:
0x0: {  	(tag) =	ssettag $0x1  }
0x1: {  	s0 =	rddreg [dreg:$0x0]  }
0x2: {  	s4 =	rddreg [dreg:$0x1]  }
0x3: {  	s1 =	rddreg [dreg:$0x2];
	s2 =	simm.s32 $0x0  }
0x4: {  	s3 =	srdreg.scid;
	s20 =	stileid.u32;
	s28 =	simm.s32 $0x2  }
0x5: {  	s29 =	simm.s32 $0x180;
	s30 =	simm.s32 $0x0;
	[smem:$0x7FF] =	sst s2  }
0x6: {  	s14 =	sand.u32 $0x1, s3;
	s3 =	sadd.s32 $0x3600, s4;
	s7 =	smul.u32 $0x270, s20  }
0x7: {  	s9 =	sshll.u32 s20, $0x1;
	s10 =	smul.u32 $0x4E000, s20;
	p0 =	sne.s32 s20, $0x0  }
0x8: {  	p1 =	sgt.u32 s20, $0x1;
	_ =	strace $0x8000004A;
	s5 =	smul.u32 $0x27100, s14  }
0x9: {  	s6 =	ssub.s32 $0x2, s14;
	s11 =	sor.u32 s14, s9;
	s9 =	sadd.s32 $0x138000, s1  }
0xa: {  	s8 =	sshrl.u32 s6, $0x1;
	s12 =	sshrl.u32 s10, $0x2;
	s16 =	sadd.s32 $0x80, s7  }
0xb: {  	s17 =	sadd.s32 $0x100, s7;
	s22 =	smul.u32 $0x4E00, s11;
	s26 =	sshll.u32 s11, $0x5  }
0xc: {  	s13 =	sadd.s32 s5, s4;
	s15 =	ssub.s32 s6, s8;
	s4 =	sadd.s32 s12, s1  }
0xd: {  	s18 =	sshll.u32 s16, $0x7;
	s19 =	sshll.u32 s17, $0x7;
	s12 =	smul.u32 $0x9C0, s11  }
0xe: {  	s10 =	sadd.s32 s26, s0;
	s11 =	smul.u32 $0x2700, s20;
	s5 =	sadd.s32 s18, s1  }
0xf: {  	s6 =	sadd.s32 s19, s1;
	s18 =	sadd.s32 $0x180, s7;
	s19 =	sadd.s32 $0x200, s7  }
0x10: {  	s26 =	sadd.s32 $0x13800, s10;
	s13 =	sadd.s32 $0x9FC00, s13;
	s21 =	sshll.u32 s18, $0x7  }
0x11: {  	s23 =	sshll.u32 s19, $0x7;
	s24 =	sadd.s32 s0, s12;
	[dreg:$0x6] =	wrdreg s26  }
0x12: {  	s26 =	sshll.u32 s19, $0x4;
	s19 =	simm.s32 $0x100;
	s7 =	sadd.s32 s21, s1  }
0x13: {  	s8 =	sadd.s32 s23, s1;
	s21 =	sshrl.u32 s22, $0x3;
	[dreg:$0x4] =	wrdreg s24  }
0x14: {  	s22 =	smul.u32 $0x1380, s20;
	s23 =	sshll.u32 s16, $0x4;
	s24 =	sshll.u32 s17, $0x4  }
0x15: {  	s16 =	simm.s32 $0x200;
	s17 =	simm.s32 $0x3;
	s25 =	sadd.s32 s0, s21  }
0x16: {  	s20 =	simm.s32 $0x4200;
	s21 =	sadd.s32 s11, s13;
	s31 =	sadd.s32 $0x9A0, s25  }
0x17: {  	s25 =	sshll.u32 s18, $0x4;
	s0 =	sadd.s32 s22, s0;
	s18 =	simm.s32 $0x80  }
0x18: {  	s22 =	sadd.s32 s23, s13;
	[dreg:$0x5] =	wrdreg s31;
	s31 =	smul.u32 $0x9C0, s14  }
0x19: {  	s23 =	sadd.s32 s24, s13;
	s14 =	smax.u32 s15, $0x1;
	s24 =	sadd.s32 s25, s13  }
0x1a: {  	v0 =	vimm.f32 $0.0e+00;
	s25 =	sadd.s32 s26, s13;
	s26 =	simm.s32 $0x1;
	s15 =	sadd.s32 s31, s0  }
.LBB2_1:
0x1b: {  	s31 =	simm.s32 $0x0;
	s0 =	simm.s32 $0x200  }
.LBB2_2:
0x1c: {  	p2 =	sne.s32 s0, $0xFE00;
	[tilespmem:s31+$0x270] =	vst v0  }
0x1d: {  	[tilespmem:s31+$0x200] =	vst v0  }
0x1e: {  	[tilespmem:s31+$0x210] =	vst v0  }
.Ltmp0:
0x1f: {  	[tilespmem:s31+$0x220] =	vst v0;
	(pc) =	sbr.rel @p2 .LBB2_2-.Ltmp0, $4  }
0x20: {  	[tilespmem:s31+$0x230] =	vst v0  }
0x21: {  	[tilespmem:s31+$0x240] =	vst v0  }
0x22: {  	[tilespmem:s31+$0x250] =	vst v0  }
0x23: {  	[tilespmem:s31+$0x260] =	vst v0;
	s31 =	sshra.s32 s0, $0x2;
	s0 =	sadd.s32 $0x200, s0  }
0x24: {  	[tilespmem:s31+$0x270] =	vst v0  }
0x25: {  	[tilespmem:s31+$0x200] =	vst v0  }
0x26: {  	[tilespmem:s31+$0x210] =	vst v0  }
0x27: {  	[tilespmem:s31+$0x220] =	vst v0  }
0x28: {  	[tilespmem:s31+$0x230] =	vst v0  }
0x29: {  	[tilespmem:s31+$0x240] =	vst v0  }
0x2a: {  	[tilespmem:s31+$0x250] =	vst v0  }
0x2b: {  	[tilespmem:s31+$0x260] =	vst v0  }
0x2c: {  	[spmem:s4] =	stream.linear.scatter [tilespmem:s16], [sflag:$0x3], $0x4000, $0x38;
	[tilespmem:$0x1BA80] =	vst v63  }
0x2d: {  	_ =	swait.ge [sflag:s17], $0x4000  }
0x2e: {  	[sflag:s17] =	ssyncset.done $0x0  }
0x2f: {  	[sflag:s17] =	ssyncadd.s32 $0xFFFFC000  }
0x30: {  	[spmem:s5] =	stream.linear.scatter [tilespmem:s16], [sflag:$0x3], $0x4000, $0x38;
	[tilespmem:$0x1BA80] =	vst v63  }
0x31: {  	_ =	swait.ge [sflag:s17], $0x4000  }
0x32: {  	[sflag:s17] =	ssyncset.done $0x0  }
0x33: {  	[sflag:s17] =	ssyncadd.s32 $0xFFFFC000  }
0x34: {  	[spmem:s6] =	stream.linear.scatter [tilespmem:s16], [sflag:$0x3], $0x4000, $0x38;
	[tilespmem:$0x1BA80] =	vst v63  }
0x35: {  	_ =	swait.ge [sflag:s17], $0x4000  }
0x36: {  	[sflag:s17] =	ssyncset.done $0x0  }
0x37: {  	[sflag:s17] =	ssyncadd.s32 $0xFFFFC000  }
0x38: {  	[spmem:s7] =	stream.linear.scatter [tilespmem:s16], [sflag:$0x3], $0x4000, $0x38;
	[tilespmem:$0x1BA80] =	vst v63  }
0x39: {  	_ =	swait.ge [sflag:s17], $0x4000  }
0x3a: {  	[sflag:s17] =	ssyncset.done $0x0  }
0x3b: {  	[sflag:s17] =	ssyncadd.s32 $0xFFFFC000  }
0x3c: {  	[spmem:s8] =	stream.linear.scatter [tilespmem:s16], [sflag:$0x3], $0x3800, $0x38;
	[tilespmem:$0x1BA80] =	vst v63  }
0x3d: {  	_ =	swait.ge [sflag:s17], $0x3800  }
0x3e: {  	[sflag:s17] =	ssyncset.done $0x0  }
0x3f: {  	s0 =	simm.s32 @!p0 $0x200;
	[sflag:s17] =	ssyncadd.s32 $0xFFFFC800  }
0x40: {  	[spmem:s9] =	stream.linear.scatter @!p0 [tilespmem:s0], [sflag:$0x3], $0x800, $0x38;
	[tilespmem:$0x1BA80] =	vst v63  }
0x41: {  	s0 =	simm.s32 @!p0 $0x3  }
0x42: {  	_ =	swait.ge @!p0 [sflag:s0], $0x800  }
0x43: {  	[sflag:s0] =	ssyncset.done @!p0 $0x0  }
0x44: {  	[sflag:s0] =	ssyncadd.s32 @!p0 $0xFFFFF800  }
0x45: {  	[bflag:$0x0] =	sbarrier.arrive $0xFFFF  }
0x46: {  	s11 =	rddreg [dreg:$0x4]  }
0x47: {  	[tilespmem:s2], [sflag:$0x3] =	stream.linear.gather [hbm4b:s11+s2], $0x100, $0x38;
	[tilespmem:$0x1BA80] =	vst v63  }
0x48: {  	_ =	swait.ge [sflag:s17], $0x100  }
0x49: {  	[sflag:s17] =	ssyncset.done $0x0  }
0x4a: {  	s12 =	sadd.s32 $0xFFFFF680, s15;
	[sflag:s17] =	ssyncadd.s32 $0xFFFFFF00  }
0x4b: {  	[tilespmem:s16], [sflag:$0x1] =	stream.indirect.gather [hbm4b:s3+s18], $0x80, s2, s18, $0xb8;
	[tilespmem:$0x1BA80] =	vst v63  }
0x4c: {  	s31 =	sadd.s32 $0x9A0, s12  }
0x4d: {  	[tilespmem:s19], [sflag:$0x3] =	stream.linear.gather [hbm4b:s31+s2], $0x100, $0x38;
	[tilespmem:$0x1BA80] =	vst v63  }
0x4e: {  	_ =	swait.ge [sflag:s17], $0x100  }
0x4f: {  	[sflag:s17] =	ssyncset.done $0x0  }
0x50: {  	[sflag:s17] =	ssyncadd.s32 $0xFFFFFF00  }
0x51: {  	[tilespmem:s20], [sflag:$0x2] =	stream.indirect.gather [hbm4b:s3+s18], $0x80, s19, s18, $0xb8;
	[tilespmem:$0x1BA80] =	vst v63  }
0x52: {  	_ =	swait.ge [sflag:s26], $0x4000  }
0x53: {  	[sflag:s26] =	ssyncset.done $0x0  }
0x54: {  	[sflag:s26] =	ssyncadd.s32 $0xFFFFC000  }
0x55: {  	[spmem:s1] =	stream.indirect.scatter.add.f32 [tilespmem:s16], [sflag:$0x3], $0x80, s18, s18, $0xb8;
	[tilespmem:$0x1BA80] =	vst v63  }
0x56: {  	_ =	swait.ge [sflag:s17], $0x4000  }
0x57: {  	[sflag:s17] =	ssyncset.done $0x0  }
0x58: {  	s0 =	sadd.s32 $0x9C0, s12;
	[sflag:s17] =	ssyncadd.s32 $0xFFFFC000  }
0x59: {  	[tilespmem:s2], [sflag:$0x3] =	stream.linear.gather [hbm4b:s0+s2], $0x100, $0x38;
	[tilespmem:$0x1BA80] =	vst v63  }
0x5a: {  	_ =	swait.ge [sflag:s17], $0x100  }
0x5b: {  	[sflag:s17] =	ssyncset.done $0x0  }
0x5c: {  	[sflag:s17] =	ssyncadd.s32 $0xFFFFFF00  }
0x5d: {  	[tilespmem:s16], [sflag:$0x1] =	stream.indirect.gather [hbm4b:s3+s18], $0x80, s2, s18, $0xb8;
	[tilespmem:$0x1BA80] =	vst v63  }
0x5e: {  	_ =	swait.ge [sflag:s28], $0x4000  }
0x5f: {  	[sflag:s28] =	ssyncset.done $0x0  }
0x60: {  	[sflag:s28] =	ssyncadd.s32 $0xFFFFC000  }
0x61: {  	[spmem:s1] =	stream.indirect.scatter.add.f32 [tilespmem:s20], [sflag:$0x3], $0x80, s29, s18, $0xb8;
	[tilespmem:$0x1BA80] =	vst v63  }
0x62: {  	_ =	swait.ge [sflag:s17], $0x4000  }
0x63: {  	s31 =	sadd.s32 $0xFFFFF6C0, s15;
	s0 =	simm.s32 $0xFFFFF700;
	[sflag:s17] =	ssyncset.done $0x0  }
.LBB2_4:
0x64: {  	s10 =	sadd.s32 $0x9A0, s31  }
0x65: {  	[sflag:s17] =	ssyncadd.s32 $0xFFFFC000;
	s11 =	smov.u32 s0;
	s12 =	sadd.s32 $0x40, s0  }
0x66: {  	[tilespmem:s19], [sflag:$0x3] =	stream.linear.gather [hbm4b:s10+s2], $0x100, $0x38;
	[tilespmem:$0x1BA80] =	vst v63  }
0x67: {  	p2 =	sne.s32 s0, $0xFFFFFFC0;
	_ =	swait.ge [sflag:s17], $0x100  }
0x68: {  	[sflag:s17] =	ssyncset.done $0x0  }
0x69: {  	[sflag:s17] =	ssyncadd.s32 $0xFFFFFF00  }
0x6a: {  	[tilespmem:s20], [sflag:$0x2] =	stream.indirect.gather [hbm4b:s3+s18], $0x80, s19, s18, $0xb8;
	[tilespmem:$0x1BA80] =	vst v63  }
0x6b: {  	_ =	swait.ge [sflag:s26], $0x4000  }
0x6c: {  	[sflag:s26] =	ssyncset.done $0x0  }
0x6d: {  	[sflag:s26] =	ssyncadd.s32 $0xFFFFC000  }
0x6e: {  	[spmem:s1] =	stream.indirect.scatter.add.f32 [tilespmem:s16], [sflag:$0x3], $0x80, s18, s18, $0xb8;
	[tilespmem:$0x1BA80] =	vst v63  }
0x6f: {  	_ =	swait.ge [sflag:s17], $0x4000  }
0x70: {  	[sflag:s17] =	ssyncset.done $0x0  }
0x71: {  	s0 =	sadd.s32 $0x9C0, s31;
	[sflag:s17] =	ssyncadd.s32 $0xFFFFC000  }
0x72: {  	[tilespmem:s2], [sflag:$0x3] =	stream.linear.gather [hbm4b:s0+s2], $0x100, $0x38;
	[tilespmem:$0x1BA80] =	vst v63  }
0x73: {  	_ =	swait.ge [sflag:s17], $0x100  }
0x74: {  	[sflag:s17] =	ssyncset.done $0x0  }
0x75: {  	[sflag:s17] =	ssyncadd.s32 $0xFFFFFF00  }
0x76: {  	[tilespmem:s16], [sflag:$0x1] =	stream.indirect.gather [hbm4b:s3+s18], $0x80, s2, s18, $0xb8;
	[tilespmem:$0x1BA80] =	vst v63  }
0x77: {  	_ =	swait.ge [sflag:s28], $0x4000  }
.Ltmp1:
0x78: {  	[sflag:s28] =	ssyncset.done $0x0;
	(pc) =	sbr.rel @p2 .LBB2_4-.Ltmp1, $4  }
0x79: {  	[sflag:s28] =	ssyncadd.s32 $0xFFFFC000  }
0x7a: {  	[spmem:s1] =	stream.indirect.scatter.add.f32 [tilespmem:s20], [sflag:$0x3], $0x80, s29, s18, $0xb8;
	[tilespmem:$0x1BA80] =	vst v63  }
0x7b: {  	_ =	swait.ge [sflag:s17], $0x4000  }
0x7c: {  	s31 =	sadd.s32 s11, s15;
	s0 =	smov.u32 s12;
	[sflag:s17] =	ssyncset.done $0x0  }
0x7d: {  	s0 =	sadd.s32 $0x9A0, s31;
	[sflag:s17] =	ssyncadd.s32 $0xFFFFC000  }
0x7e: {  	[tilespmem:s19], [sflag:$0x3] =	stream.linear.gather [hbm4b:s0+s2], $0x100, $0x38;
	[tilespmem:$0x1BA80] =	vst v63  }
0x7f: {  	_ =	swait.ge [sflag:s17], $0x100  }
0x80: {  	[sflag:s17] =	ssyncset.done $0x0  }
0x81: {  	[sflag:s17] =	ssyncadd.s32 $0xFFFFFF00  }
0x82: {  	[tilespmem:s20], [sflag:$0x2] =	stream.indirect.gather [hbm4b:s3+s18], $0x80, s19, s18, $0xb8;
	[tilespmem:$0x1BA80] =	vst v63  }
0x83: {  	_ =	swait.ge [sflag:s26], $0x4000  }
0x84: {  	[sflag:s26] =	ssyncset.done $0x0  }
0x85: {  	[sflag:s26] =	ssyncadd.s32 $0xFFFFC000  }
0x86: {  	[spmem:s1] =	stream.indirect.scatter.add.f32 [tilespmem:s16], [sflag:$0x3], $0x80, s18, s18, $0xb8;
	[tilespmem:$0x1BA80] =	vst v63  }
0x87: {  	_ =	swait.ge [sflag:s17], $0x4000  }
0x88: {  	[sflag:s17] =	ssyncset.done $0x0  }
0x89: {  	s12 =	sadd.s32 $0x9C0, s31;
	[sflag:s17] =	ssyncadd.s32 $0xFFFFC000  }
0x8a: {  	[tilespmem:s2], [sflag:$0x3] =	stream.linear.gather [hbm4b:s12+s2], $0x100, $0x38;
	[tilespmem:$0x1BA80] =	vst v63  }
0x8b: {  	_ =	swait.ge [sflag:s17], $0x100  }
0x8c: {  	[sflag:s17] =	ssyncset.done $0x0  }
0x8d: {  	[sflag:s17] =	ssyncadd.s32 $0xFFFFFF00  }
0x8e: {  	[tilespmem:s16], [sflag:$0x1] =	stream.indirect.gather [hbm4b:s3+s18], $0x80, s2, s18, $0xb8;
	[tilespmem:$0x1BA80] =	vst v63  }
0x8f: {  	_ =	swait.ge [sflag:s28], $0x4000  }
0x90: {  	[sflag:s28] =	ssyncset.done $0x0  }
0x91: {  	[sflag:s28] =	ssyncadd.s32 $0xFFFFC000  }
0x92: {  	[spmem:s1] =	stream.indirect.scatter.add.f32 [tilespmem:s20], [sflag:$0x3], $0x80, s29, s18, $0xb8;
	[tilespmem:$0x1BA80] =	vst v63  }
0x93: {  	_ =	swait.ge [sflag:s17], $0x4000  }
0x94: {  	[sflag:s17] =	ssyncset.done $0x0  }
0x95: {  	s31 =	rddreg [dreg:$0x5];
	[sflag:s17] =	ssyncadd.s32 $0xFFFFC000  }
0x96: {  	[tilespmem:s19], [sflag:$0x3] =	stream.linear.gather [hbm4b:s31+s2], $0x100, $0x38;
	[tilespmem:$0x1BA80] =	vst v63  }
0x97: {  	_ =	swait.ge [sflag:s17], $0x100  }
0x98: {  	[sflag:s17] =	ssyncset.done $0x0  }
0x99: {  	[sflag:s17] =	ssyncadd.s32 $0xFFFFFF00  }
0x9a: {  	[tilespmem:s20], [sflag:$0x2] =	stream.indirect.gather [hbm4b:s3+s18], $0x80, s19, s18, $0xb8;
	[tilespmem:$0x1BA80] =	vst v63  }
0x9b: {  	_ =	swait.ge [sflag:s26], $0x4000  }
0x9c: {  	[sflag:s26] =	ssyncset.done $0x0  }
0x9d: {  	[sflag:s26] =	ssyncadd.s32 $0xFFFFC000  }
0x9e: {  	[spmem:s1] =	stream.indirect.scatter.add.f32 [tilespmem:s16], [sflag:$0x3], $0x80, s18, s18, $0xb8;
	[tilespmem:$0x1BA80] =	vst v63  }
0x9f: {  	_ =	swait.ge [sflag:s17], $0x4000  }
0xa0: {  	[sflag:s17] =	ssyncset.done $0x0  }
0xa1: {  	[sflag:s17] =	ssyncadd.s32 $0xFFFFC000  }
0xa2: {  	_ =	swait.ge [sflag:s28], $0x4000  }
0xa3: {  	[sflag:s28] =	ssyncset.done $0x0  }
0xa4: {  	[sflag:s28] =	ssyncadd.s32 $0xFFFFC000  }
0xa5: {  	[spmem:s1] =	stream.indirect.scatter.add.f32 [tilespmem:s20], [sflag:$0x3], $0x80, s29, s18, $0xb8;
	[tilespmem:$0x1BA80] =	vst v63  }
0xa6: {  	_ =	swait.ge [sflag:s17], $0x4000  }
0xa7: {  	[sflag:s17] =	ssyncset.done $0x0  }
0xa8: {  	s0 =	simm.s32 @!p1 $0x0;
	s10 =	rddreg [dreg:$0x6];
	[sflag:s17] =	ssyncadd.s32 $0xFFFFC000  }
0xa9: {  	[tilespmem:s0], [sflag:$0x3] =	stream.linear.gather @!p1 [hbm4b:s10+s0], $0x100, $0x38;
	[tilespmem:$0x1BA80] =	vst v63  }
0xaa: {  	s10 =	simm.s32 @!p1 $0x3  }
0xab: {  	_ =	swait.ge @!p1 [sflag:s10], $0x100  }
0xac: {  	[sflag:s10] =	ssyncset.done @!p1 $0x0  }
0xad: {  	s11 =	simm.s32 @!p1 $0x80;
	s12 =	simm.s32 @!p1 $0x200;
	[sflag:s10] =	ssyncadd.s32 @!p1 $0xFFFFFF00  }
0xae: {  	[tilespmem:s12], [sflag:$0x1] =	stream.indirect.gather @!p1 [hbm4b:s3+s11], $0x80, s0, s11, $0xb8;
	[tilespmem:$0x1BA80] =	vst v63  }
0xaf: {  	s0 =	simm.s32 @!p1 $0x1  }
0xb0: {  	_ =	swait.ge @!p1 [sflag:s0], $0x4000  }
0xb1: {  	[sflag:s0] =	ssyncset.done @!p1 $0x0  }
0xb2: {  	[sflag:s0] =	ssyncadd.s32 @!p1 $0xFFFFC000  }
0xb3: {  	[spmem:s1] =	stream.indirect.scatter.add.f32 @!p1 [tilespmem:s12], [sflag:$0x3], $0x80, s11, s11, $0xb8;
	[tilespmem:$0x1BA80] =	vst v63  }
0xb4: {  	_ =	swait.ge @!p1 [sflag:s10], $0x4000  }
0xb5: {  	[sflag:s10] =	ssyncset.done @!p1 $0x0  }
0xb6: {  	[sflag:s10] =	ssyncadd.s32 @!p1 $0xFFFFC000  }
0xb7: {  	[bflag:$0x0] =	sbarrier.arrive $0xFFFF  }
0xb8: {  	[tilespmem:s16], [sflag:$0x3] =	stream.linear.gather [spmem:s4], $0x4000, $0x38;
	[tilespmem:$0x1BA80] =	vst v63  }
0xb9: {  	_ =	swait.ge [sflag:s17], $0x4000  }
0xba: {  	[sflag:s17] =	ssyncset.done $0x0  }
0xbb: {  	[sflag:s17] =	ssyncadd.s32 $0xFFFFC000  }
0xbc: {  	[hbm4b:s21+s2] =	stream.linear.scatter [tilespmem:s16], [sflag:$0x3], $0x4000, $0x38;
	[tilespmem:$0x1BA80] =	vst v63  }
0xbd: {  	_ =	swait.ge [sflag:s17], $0x4000  }
0xbe: {  	[sflag:s17] =	ssyncset.done $0x0  }
0xbf: {  	[sflag:s17] =	ssyncadd.s32 $0xFFFFC000  }
0xc0: {  	[tilespmem:s16], [sflag:$0x3] =	stream.linear.gather [spmem:s5], $0x4000, $0x38;
	[tilespmem:$0x1BA80] =	vst v63  }
0xc1: {  	_ =	swait.ge [sflag:s17], $0x4000  }
0xc2: {  	[sflag:s17] =	ssyncset.done $0x0  }
0xc3: {  	[sflag:s17] =	ssyncadd.s32 $0xFFFFC000  }
0xc4: {  	[hbm4b:s22+s2] =	stream.linear.scatter [tilespmem:s16], [sflag:$0x3], $0x4000, $0x38;
	[tilespmem:$0x1BA80] =	vst v63  }
0xc5: {  	_ =	swait.ge [sflag:s17], $0x4000  }
0xc6: {  	[sflag:s17] =	ssyncset.done $0x0  }
0xc7: {  	[sflag:s17] =	ssyncadd.s32 $0xFFFFC000  }
0xc8: {  	[tilespmem:s16], [sflag:$0x3] =	stream.linear.gather [spmem:s6], $0x4000, $0x38;
	[tilespmem:$0x1BA80] =	vst v63  }
0xc9: {  	_ =	swait.ge [sflag:s17], $0x4000  }
0xca: {  	[sflag:s17] =	ssyncset.done $0x0  }
0xcb: {  	[sflag:s17] =	ssyncadd.s32 $0xFFFFC000  }
0xcc: {  	[hbm4b:s23+s2] =	stream.linear.scatter [tilespmem:s16], [sflag:$0x3], $0x4000, $0x38;
	[tilespmem:$0x1BA80] =	vst v63  }
0xcd: {  	_ =	swait.ge [sflag:s17], $0x4000  }
0xce: {  	[sflag:s17] =	ssyncset.done $0x0  }
0xcf: {  	[sflag:s17] =	ssyncadd.s32 $0xFFFFC000  }
0xd0: {  	[tilespmem:s16], [sflag:$0x3] =	stream.linear.gather [spmem:s7], $0x4000, $0x38;
	[tilespmem:$0x1BA80] =	vst v63  }
0xd1: {  	_ =	swait.ge [sflag:s17], $0x4000  }
0xd2: {  	[sflag:s17] =	ssyncset.done $0x0  }
0xd3: {  	[sflag:s17] =	ssyncadd.s32 $0xFFFFC000  }
0xd4: {  	[hbm4b:s24+s2] =	stream.linear.scatter [tilespmem:s16], [sflag:$0x3], $0x4000, $0x38;
	[tilespmem:$0x1BA80] =	vst v63  }
0xd5: {  	_ =	swait.ge [sflag:s17], $0x4000  }
0xd6: {  	[sflag:s17] =	ssyncset.done $0x0  }
0xd7: {  	[sflag:s17] =	ssyncadd.s32 $0xFFFFC000  }
0xd8: {  	[tilespmem:s16], [sflag:$0x3] =	stream.linear.gather [spmem:s8], $0x3800, $0x38;
	[tilespmem:$0x1BA80] =	vst v63  }
0xd9: {  	_ =	swait.ge [sflag:s17], $0x3800  }
0xda: {  	[sflag:s17] =	ssyncset.done $0x0  }
0xdb: {  	[sflag:s17] =	ssyncadd.s32 $0xFFFFC800  }
0xdc: {  	[hbm4b:s25+s2] =	stream.linear.scatter [tilespmem:s16], [sflag:$0x3], $0x3800, $0x38;
	[tilespmem:$0x1BA80] =	vst v63  }
0xdd: {  	_ =	swait.ge [sflag:s17], $0x3800  }
0xde: {  	[sflag:s17] =	ssyncset.done $0x0  }
0xdf: {  	s0 =	simm.s32 @!p0 $0x200;
	s10 =	simm.s32 @!p0 $0x3;
	[sflag:s17] =	ssyncadd.s32 $0xFFFFC800  }
0xe0: {  	[tilespmem:s0], [sflag:$0x3] =	stream.linear.gather @!p0 [spmem:s9], $0x800, $0x38;
	[tilespmem:$0x1BA80] =	vst v63  }
0xe1: {  	s30 =	sadd.s32 $0x1, s30;
	_ =	swait.ge @!p0 [sflag:s10], $0x800  }
0xe2: {  	p2 =	sne.s32 s30, s14;
	s11 =	sadd.s32 @!p0 $0x27000, s13;
	[sflag:s10] =	ssyncset.done @!p0 $0x0  }
.Ltmp2:
0xe3: {  	s12 =	simm.s32 @!p0 $0x0;
	[sflag:s10] =	ssyncadd.s32 @!p0 $0xFFFFF800;
	(pc) =	sbr.rel @p2 .LBB2_1-.Ltmp2, $4  }
0xe4: {  	[hbm4b:s11+s12] =	stream.linear.scatter @!p0 [tilespmem:s0], [sflag:$0x3], $0x800, $0x38;
	[tilespmem:$0x1BA80] =	vst v63  }
0xe5: {  	_ =	swait.ge @!p0 [sflag:s10], $0x800  }
0xe6: {  	[sflag:s10] =	ssyncset.done @!p0 $0x0  }
0xe7: {  	[sflag:s10] =	ssyncadd.s32 @!p0 $0xFFFFF800  }
0xe8: {  	_ =	sfence.sel $0x180000  }
0xe9: {  	[bflag:$0x0] =	sbarrier.arrive $0xFFFF  }
0xea: {  	_ =	strace $0x9000004A  }
0xeb: {  	[bflag:$0x2] =	sbarrier.arrive $0xFFFF  }
0xec: {  	s0 =	rddreg [dreg:$0x3]  }
0xed: {  	s0 =	sadd.s32 @!p0 $0x100000, s0  }
0xee: {  	[sflag:s0] =	ssyncadd.tile.s32 @!p0 $0x1;
	_ =	shalt  }
.Lfunc_end2:
_tile_overlayer_lowered:
.L_overlay_start_2:
0xef: {  	(tag) =	ssettag $0x2  }
0xf0: {  	s0 =	rddreg [dreg:$0x0];
	s2 =	stileid.u32  }
0xf1: {  	s1 =	rddreg [dreg:$0x1];
	p0 =	sne.s32 s2, $0x0  }
0xf2: {  	s3 =	rddreg [dreg:$0x2];
	[bflag:$0x3] =	sbarrier.arrive $0xFFFF;
	s2 =	simm.s32 @!p0 $0x1C03  }
0xf3: {  	[timem:s3], [sflag:s2] =	dma.local @!p0 [hbm:s0], s1  }
0xf4: {  	s0 =	simm.s32 @!p0 $0x3  }
0xf5: {  	_ =	swait.ge @!p0 [sflag:s0], s1  }
0xf6: {  	s1 =	ssub.s32 @!p0 $0x0, s1;
	[sflag:s0] =	ssyncset.done @!p0 $0x0  }
0xf7: {  	[sflag:s0] =	ssyncadd.s32 @!p0 s1  }
0xf8: {  	[bflag:$0x3] =	sbarrier.arrive $0xFFFF  }
0xf9: {  	_ =	shalt  }

</sc_bundles>
